<compile_context>
chip_gen: v7x
topology: tpu7x:2x2x1
jax: 0.10.2.dev20260603
libtpu: 0.0.44.dev20260713+nightly
codegen_flags: <defaults>
</compile_context>

<pallas_src>
import functools

import jax
import jax.numpy as jnp
from jax import lax
from jax.experimental import pallas as pl
from jax.experimental.pallas import tpu as pltpu
from jax.experimental.pallas import tpu_sc as plsc

N_NODES = 10000
N_EDGES = 320000
IN_FEATS = 128
OUT_FEATS = 32
NUM_HEADS = 4
NEG_SLOPE = 0.2

AW = 144
NC = 2
NS = 16
L = 16
NW = NC * NS
CHUNK = 80
NCH = N_EDGES // (CHUNK * NW)
NPAD = 10112
ROWS_PER_TILE = NPAD // NS
NBUF = 3


ERW = 16


def _proj_body(x_ref, wcat_ref, wr_ref, a_ref, er_ref):
    xb = x_ref[...]
    a_ref[...] = jnp.dot(xb, wcat_ref[...], preferred_element_type=jnp.float32)
    er_ref[...] = jnp.dot(xb, wr_ref[...], preferred_element_type=jnp.float32)


def _project(x, wcat, wr):
    mb = 2000
    grid = (N_NODES // mb,)
    return pl.pallas_call(
        _proj_body,
        grid=grid,
        in_specs=[
            pl.BlockSpec((mb, IN_FEATS), lambda i: (i, 0)),
            pl.BlockSpec((IN_FEATS, AW), lambda i: (0, 0)),
            pl.BlockSpec((IN_FEATS, ERW), lambda i: (0, 0)),
        ],
        out_specs=[
            pl.BlockSpec((mb, AW), lambda i: (i, 0)),
            pl.BlockSpec((mb, ERW), lambda i: (i, 0)),
        ],
        out_shape=[
            jax.ShapeDtypeStruct((N_NODES, AW), jnp.float32),
            jax.ShapeDtypeStruct((N_NODES, ERW), jnp.float32),
        ],
    )(x, wcat, wr)


def _edge_body(a_hbm, edge_hbm, er_hbm, out_hbm,
               idx0, rows0, erb0, si0, sr0, se0, sw0,
               idx1, rows1, erb1, si1, sr1, se1, sw1,
               idx2, rows2, erb2, si2, sr2, se2, sw2,
               gbuf, acc):
    cid = lax.axis_index("c")
    sid = lax.axis_index("s")
    wid = sid * NC + cid
    iota16 = lax.iota(jnp.int32, L)
    bufs = ((idx0, rows0, erb0, si0, sr0, se0, sw0),
            (idx1, rows1, erb1, si1, sr1, se1, sw1),
            (idx2, rows2, erb2, si2, sr2, se2, sw2))

    zero16 = jnp.zeros((L,), jnp.float32)

    def _zrow(r, carry):
        for c9 in range(AW // L):
            rows0[r, pl.ds(c9 * L, L)] = zero16
        return carry

    lax.fori_loop(0, CHUNK, _zrow, 0)
    base = sid * ROWS_PER_TILE
    for i in range(ROWS_PER_TILE // CHUNK):
        pltpu.sync_copy(rows0, acc.at[pl.ds(base + i * CHUNK, CHUNK)])
    rem = ROWS_PER_TILE - (ROWS_PER_TILE // CHUNK) * CHUNK
    if rem:
        pltpu.sync_copy(
            rows0.at[pl.ds(0, rem)],
            acc.at[pl.ds(base + ROWS_PER_TILE - rem, rem)])
    plsc.subcore_barrier()

    def _issue(p, g):
        idxb, rows, erbuf, semi, semr, seme, _ = bufs[p]
        off = (g * NW + wid) * CHUNK
        pltpu.make_async_copy(
            edge_hbm.at[:, pl.ds(off, CHUNK)], idxb, semi).start()
        pltpu.make_async_copy(
            edge_hbm.at[:, pl.ds(off, CHUNK)], idxb, semi).wait()
        pltpu.make_async_copy(a_hbm.at[idxb.at[0]], rows, semr).start()
        pltpu.make_async_copy(er_hbm.at[idxb.at[1]], erbuf, seme).start()

    def _process(p, g):
        idxb, rows, erbuf, semi, semr, seme, semw = bufs[p]
        pltpu.make_async_copy(a_hbm.at[idxb.at[0]], rows, semr).wait()
        pltpu.make_async_copy(er_hbm.at[idxb.at[1]], erbuf, seme).wait()

        for t in range(CHUNK // L):
            e16 = t * L + iota16
            for h in range(NUM_HEADS):
                elh = plsc.load_gather(
                    rows, [e16, jnp.full((L,), IN_FEATS + h, jnp.int32)])
                erh = plsc.load_gather(
                    erbuf, [e16, jnp.full((L,), h, jnp.int32)])
                v = elh + erh
                ge = jnp.exp(jnp.maximum(v, NEG_SLOPE * v))
                plsc.store_scatter(
                    gbuf, [e16 * NUM_HEADS + h], ge)

        @plsc.parallel_loop(0, CHUNK, unroll=8)
        def _edge(j):
            jbase = jnp.full((L,), j * NUM_HEADS, jnp.int32)
            for h in range(NUM_HEADS):
                gh = plsc.load_gather(gbuf, [jbase + h])
                for c in (2 * h, 2 * h + 1):
                    rows[j, pl.ds(c * L, L)] = rows[j, pl.ds(c * L, L)] * gh
            gtail = plsc.load_gather(gbuf, [jbase + jnp.minimum(iota16, 3)])
            gtail = jnp.where(iota16 < NUM_HEADS, gtail, 0.0)
            rows[j, pl.ds(8 * L, L)] = gtail

        pltpu.make_async_copy(rows, acc.at[idxb.at[1]], semw).start(add=True)

        @pl.when(g + 2 < NCH)
        def _():
            pn = (g + 2) % NBUF
            for pi in range(NBUF):
                @pl.when(pn == pi)
                def _():
                    @pl.when(g >= 1)
                    def _():
                        bw = bufs[pi]
                        pltpu.make_async_copy(
                            bw[1], acc.at[bw[0].at[1]], bw[6]).wait()
                    _issue(pi, g + 2)

    _issue(0, 0)
    _issue(1, 1)

    def _step(g, carry):
        for pi in range(NBUF):
            @pl.when(g % NBUF == pi)
            def _():
                _process(pi, g)
        return carry

    lax.fori_loop(0, NCH, _step, 0)

    for pi in range(NBUF):
        bw = bufs[pi]
        pltpu.make_async_copy(bw[1], acc.at[bw[0].at[1]], bw[6]).wait()
    plsc.subcore_barrier()

    for i in range(ROWS_PER_TILE // CHUNK):
        pltpu.sync_copy(acc.at[pl.ds(base + i * CHUNK, CHUNK)], rows0)
        pltpu.sync_copy(rows0, out_hbm.at[cid, pl.ds(base + i * CHUNK, CHUNK)])
    if rem:
        pltpu.sync_copy(
            acc.at[pl.ds(base + ROWS_PER_TILE - rem, rem)],
            rows0.at[pl.ds(0, rem)])
        pltpu.sync_copy(
            rows0.at[pl.ds(0, rem)],
            out_hbm.at[cid, pl.ds(base + ROWS_PER_TILE - rem, rem)])


def _edge_pass(a, edge_index, er):
    mesh = plsc.VectorSubcoreMesh(core_axis_name="c", subcore_axis_name="s")
    f = functools.partial(
        pl.kernel,
        out_type=jax.ShapeDtypeStruct((NC, NPAD, AW), jnp.float32),
        mesh=mesh,
        compiler_params=pltpu.CompilerParams(
            use_tc_tiling_on_sc=False, needs_layout_passes=False),
        scratch_types=(
            NBUF * [
                pltpu.VMEM((2, CHUNK), jnp.int32),
                pltpu.VMEM((CHUNK, AW), jnp.float32),
                pltpu.VMEM((CHUNK, ERW), jnp.float32),
                pltpu.SemaphoreType.DMA,
                pltpu.SemaphoreType.DMA,
                pltpu.SemaphoreType.DMA,
                pltpu.SemaphoreType.DMA,
            ]
            + [
                pltpu.VMEM((CHUNK * NUM_HEADS,), jnp.float32),
                pltpu.VMEM_SHARED((NPAD, AW), jnp.float32),
            ]
        ),
    )(_edge_body)
    return f(a, edge_index, er)


def _combine_body(a0_ref, a1_ref, msel_ref, o_ref):
    blk = a0_ref[0] + a1_ref[0]
    den = jnp.dot(blk, msel_ref[...], preferred_element_type=jnp.float32)
    num = blk[:, :IN_FEATS]
    o_ref[...] = jnp.where(den > 0.0, num / den, 0.0)


def _combine(acc, msel):
    mb = 2000
    grid = (N_NODES // mb,)
    return pl.pallas_call(
        _combine_body,
        grid=grid,
        in_specs=[
            pl.BlockSpec((1, mb, AW), lambda i: (0, i, 0)),
            pl.BlockSpec((1, mb, AW), lambda i: (1, i, 0)),
            pl.BlockSpec((AW, IN_FEATS), lambda i: (0, 0)),
        ],
        out_specs=pl.BlockSpec((mb, IN_FEATS), lambda i: (i, 0)),
        out_shape=jax.ShapeDtypeStruct((N_NODES, IN_FEATS), jnp.float32),
    )(acc, acc, msel)


def kernel(x, edge_index, W, attn_l, attn_r):
    wh = W.reshape(NUM_HEADS, OUT_FEATS, IN_FEATS)
    wl = jnp.einsum("hdi,hd->ih", wh, attn_l[0])
    wr = jnp.einsum("hdi,hd->ih", wh, attn_r[0])
    wcat = jnp.concatenate(
        [W.T, wl, jnp.zeros((IN_FEATS, AW - IN_FEATS - NUM_HEADS),
                            jnp.float32)], axis=1)
    wr16 = jnp.concatenate(
        [wr, jnp.zeros((IN_FEATS, ERW - NUM_HEADS), jnp.float32)], axis=1)

    col = jnp.arange(IN_FEATS) // OUT_FEATS
    msel = (jnp.arange(AW)[:, None] == (IN_FEATS + col)[None, :]
            ).astype(jnp.float32)

    a, er = _project(x, wcat, wr16)
    acc = _edge_pass(a, edge_index, er)
    out = _combine(acc, msel)
    return out.reshape(N_NODES, NUM_HEADS, OUT_FEATS)

# --- scband reference (transcript-rebuilt; emitter-appended) ---
"""Pipeline reference for scband-centroid-gatconv-83330955477531 (READ-ONLY COPY).

The authoritative reference and input builder live on the scoring server;
editing this copy changes nothing except your own understanding.
"""

import jax, jax.numpy as jnp
import numpy as np

N_NODES = 10000
N_EDGES = 320000
IN_FEATS = 128
OUT_FEATS = 32
NUM_HEADS = 4
NEG_SLOPE = 0.2


def setup_inputs(seed: int = 0) -> dict:
    key = jax.random.key(seed)
    k1, k2, k3, k4, k5 = jax.random.split(key, 5)
    x = jax.random.normal(k1, (N_NODES, IN_FEATS), dtype=jnp.float32)
    edge_index = jax.random.randint(k2, (2, N_EDGES), 0, N_NODES, dtype=jnp.int32)
    # fc: nn.Linear(in_feats, out_feats*num_heads, bias=False) -> weight [H*D, IN]
    W = jax.random.normal(k3, (NUM_HEADS * OUT_FEATS, IN_FEATS), dtype=jnp.float32) * (1.0 / np.sqrt(IN_FEATS))
    attn_l = jax.random.normal(k4, (1, NUM_HEADS, OUT_FEATS), dtype=jnp.float32) * 0.1
    attn_r = jax.random.normal(k5, (1, NUM_HEADS, OUT_FEATS), dtype=jnp.float32) * 0.1
    return {"x": x, "edge_index": edge_index, "W": W, "attn_l": attn_l, "attn_r": attn_r}


def reference(x, edge_index, W, attn_l, attn_r):
    N = x.shape[0]
    # feat_drop is identity (p=0). fc projection then reshape to heads.
    feat = (x @ W.T).reshape(N, NUM_HEADS, OUT_FEATS)
    el = (feat * attn_l).sum(axis=-1)  # [N, H]
    er = (feat * attn_r).sum(axis=-1)  # [N, H]
    src = edge_index[0]
    dst = edge_index[1]
    # fn.u_add_v('el','er','e'): e_ij = el[src] + er[dst]
    e = el[src] + er[dst]  # [E, H]
    e = jax.nn.leaky_relu(e, NEG_SLOPE)
    # edge_softmax: normalize over incoming edges of each destination node
    emax = jax.ops.segment_max(e, dst, num_segments=N)  # [N, H]
    e_exp = jnp.exp(e - emax[dst])
    denom = jax.ops.segment_sum(e_exp, dst, num_segments=N)  # [N, H]
    a = e_exp / denom[dst]  # [E, H]; attn_drop is identity (p=0)
    # u_mul_e('ft','a','m') then sum aggregation to dst
    m = feat[src] * a[:, :, None]  # [E, H, D]
    out = jax.ops.segment_sum(m, dst, num_segments=N)  # [N, H, D]
    # residual=False, activation=None, stat=None -> return embedding
    return out

if __name__ == "__main__":
    import jax
    _d = setup_inputs()
    print(jax.jit(kernel)(*tuple(_d.values())))

</pallas_src>

<mosaic_0001>
#map = affine_map<(d0, d1) -> (0, 0)>
#map1 = affine_map<(d0, d1) -> (0, 0, 0)>
module attributes {stable_mosaic.version = 14 : i64} {
  func.func @_edge_body(%arg0: i32, %arg1: i32, %arg2: memref<10000x144xf32, #tpu.memory_space<hbm>>, %arg3: memref<2x320000xi32, #tpu.memory_space<hbm>>, %arg4: memref<10000x16xf32, #tpu.memory_space<hbm>>, %arg5: memref<2x10112x144xf32, #tpu.memory_space<hbm>>, %arg6: memref<2x80xi32, #tpu.memory_space<vmem>>, %arg7: memref<80x144xf32, #tpu.memory_space<vmem>>, %arg8: memref<80x16xf32, #tpu.memory_space<vmem>>, %arg9: memref<!tpu.dma_semaphore, #tpu.memory_space<semaphore_mem>>, %arg10: memref<!tpu.dma_semaphore, #tpu.memory_space<semaphore_mem>>, %arg11: memref<!tpu.dma_semaphore, #tpu.memory_space<semaphore_mem>>, %arg12: memref<!tpu.dma_semaphore, #tpu.memory_space<semaphore_mem>>, %arg13: memref<2x80xi32, #tpu.memory_space<vmem>>, %arg14: memref<80x144xf32, #tpu.memory_space<vmem>>, %arg15: memref<80x16xf32, #tpu.memory_space<vmem>>, %arg16: memref<!tpu.dma_semaphore, #tpu.memory_space<semaphore_mem>>, %arg17: memref<!tpu.dma_semaphore, #tpu.memory_space<semaphore_mem>>, %arg18: memref<!tpu.dma_semaphore, #tpu.memory_space<semaphore_mem>>, %arg19: memref<!tpu.dma_semaphore, #tpu.memory_space<semaphore_mem>>, %arg20: memref<2x80xi32, #tpu.memory_space<vmem>>, %arg21: memref<80x144xf32, #tpu.memory_space<vmem>>, %arg22: memref<80x16xf32, #tpu.memory_space<vmem>>, %arg23: memref<!tpu.dma_semaphore, #tpu.memory_space<semaphore_mem>>, %arg24: memref<!tpu.dma_semaphore, #tpu.memory_space<semaphore_mem>>, %arg25: memref<!tpu.dma_semaphore, #tpu.memory_space<semaphore_mem>>, %arg26: memref<!tpu.dma_semaphore, #tpu.memory_space<semaphore_mem>>, %arg27: memref<320xf32, #tpu.memory_space<vmem>>, %arg28: memref<10112x144xf32, #tpu.memory_space<vmem_shared>>) attributes {dimension_semantics = [#tpu.dimension_semantics<core_parallel>, #tpu.dimension_semantics<subcore_parallel>], iteration_bounds = array<i64: 2, 16>, scalar_prefetch = 0 : i64, scratch_operands = 23 : i64, tpu.core_type = #tpu.core_type<sc_vector_subcore>, window_params = [{transform_indices = #map}, {transform_indices = #map}, {transform_indices = #map}, {transform_indices = #map1}]} {
    %mul3A = arith.constant 2 : i32
    %mul3A_0 = arith.muli %arg1, %mul3A : i32
    %add3A = arith.addi %mul3A_0, %arg0 : i32
    %iota3A = tpu.iota {dimensions = array<i32: 0>} : vector<16xi32>
    %broadcast_in_dim3A = arith.constant 0.000000e+00 : f32
    %broadcast_in_dim3A_1 = vector.broadcast %broadcast_in_dim3A : f32 to vector<16xf32>
    %scan3A = arith.constant 0 : i32
    %scan3A_2 = arith.constant 0 : i32
    %scan3A_3 = arith.constant 80 : i32
    %scan3A_4 = arith.addi %scan3A_2, %scan3A_3 : i32
    %scan3A_5 = arith.constant 1 : i32
    scf.for %scan3A_140 = %scan3A_2 to %scan3A_4 step %scan3A_5  : i32 {
      %swap3A = arith.index_cast %scan3A_140 : i32 to index
      %swap3A_141 = arith.constant 0 : index
      %swap3A_142 = tpu.vector_load %arg7[%swap3A, %swap3A_141] {strides = array<i32>} : memref<80x144xf32, #tpu.memory_space<vmem>>, vector<16xf32>,
      tpu.vector_store %arg7[%swap3A, %swap3A_141], %broadcast_in_dim3A_1 {strides = array<i32>} : memref<80x144xf32, #tpu.memory_space<vmem>>, vector<16xf32>,
      %swap3A_143 = arith.index_cast %scan3A_140 : i32 to index
      %swap3A_144 = arith.constant 16 : index
      %swap3A_145 = tpu.vector_load %arg7[%swap3A_143, %swap3A_144] {strides = array<i32>} : memref<80x144xf32, #tpu.memory_space<vmem>>, vector<16xf32>,
      tpu.vector_store %arg7[%swap3A_143, %swap3A_144], %broadcast_in_dim3A_1 {strides = array<i32>} : memref<80x144xf32, #tpu.memory_space<vmem>>, vector<16xf32>,
      %swap3A_146 = arith.index_cast %scan3A_140 : i32 to index
      %swap3A_147 = arith.constant 32 : index
      %swap3A_148 = tpu.vector_load %arg7[%swap3A_146, %swap3A_147] {strides = array<i32>} : memref<80x144xf32, #tpu.memory_space<vmem>>, vector<16xf32>,
      tpu.vector_store %arg7[%swap3A_146, %swap3A_147], %broadcast_in_dim3A_1 {strides = array<i32>} : memref<80x144xf32, #tpu.memory_space<vmem>>, vector<16xf32>,
      %swap3A_149 = arith.index_cast %scan3A_140 : i32 to index
      %swap3A_150 = arith.constant 48 : index
      %swap3A_151 = tpu.vector_load %arg7[%swap3A_149, %swap3A_150] {strides = array<i32>} : memref<80x144xf32, #tpu.memory_space<vmem>>, vector<16xf32>,
      tpu.vector_store %arg7[%swap3A_149, %swap3A_150], %broadcast_in_dim3A_1 {strides = array<i32>} : memref<80x144xf32, #tpu.memory_space<vmem>>, vector<16xf32>,
      %swap3A_152 = arith.index_cast %scan3A_140 : i32 to index
      %swap3A_153 = arith.constant 64 : index
      %swap3A_154 = tpu.vector_load %arg7[%swap3A_152, %swap3A_153] {strides = array<i32>} : memref<80x144xf32, #tpu.memory_space<vmem>>, vector<16xf32>,
      tpu.vector_store %arg7[%swap3A_152, %swap3A_153], %broadcast_in_dim3A_1 {strides = array<i32>} : memref<80x144xf32, #tpu.memory_space<vmem>>, vector<16xf32>,
      %swap3A_155 = arith.index_cast %scan3A_140 : i32 to index
      %swap3A_156 = arith.constant 80 : index
      %swap3A_157 = tpu.vector_load %arg7[%swap3A_155, %swap3A_156] {strides = array<i32>} : memref<80x144xf32, #tpu.memory_space<vmem>>, vector<16xf32>,
      tpu.vector_store %arg7[%swap3A_155, %swap3A_156], %broadcast_in_dim3A_1 {strides = array<i32>} : memref<80x144xf32, #tpu.memory_space<vmem>>, vector<16xf32>,
      %swap3A_158 = arith.index_cast %scan3A_140 : i32 to index
      %swap3A_159 = arith.constant 96 : index
      %swap3A_160 = tpu.vector_load %arg7[%swap3A_158, %swap3A_159] {strides = array<i32>} : memref<80x144xf32, #tpu.memory_space<vmem>>, vector<16xf32>,
      tpu.vector_store %arg7[%swap3A_158, %swap3A_159], %broadcast_in_dim3A_1 {strides = array<i32>} : memref<80x144xf32, #tpu.memory_space<vmem>>, vector<16xf32>,
      %swap3A_161 = arith.index_cast %scan3A_140 : i32 to index
      %swap3A_162 = arith.constant 112 : index
      %swap3A_163 = tpu.vector_load %arg7[%swap3A_161, %swap3A_162] {strides = array<i32>} : memref<80x144xf32, #tpu.memory_space<vmem>>, vector<16xf32>,
      tpu.vector_store %arg7[%swap3A_161, %swap3A_162], %broadcast_in_dim3A_1 {strides = array<i32>} : memref<80x144xf32, #tpu.memory_space<vmem>>, vector<16xf32>,
      %swap3A_164 = arith.index_cast %scan3A_140 : i32 to index
      %swap3A_165 = arith.constant 128 : index
      %swap3A_166 = tpu.vector_load %arg7[%swap3A_164, %swap3A_165] {strides = array<i32>} : memref<80x144xf32, #tpu.memory_space<vmem>>, vector<16xf32>,
      tpu.vector_store %arg7[%swap3A_164, %swap3A_165], %broadcast_in_dim3A_1 {strides = array<i32>} : memref<80x144xf32, #tpu.memory_space<vmem>>, vector<16xf32>,
    }
    %scan3A_6 = arith.constant 80 : i32
    %mul3A_7 = arith.constant 632 : i32
    %mul3A_8 = arith.muli %arg1, %mul3A_7 : i32
    %add3A_9 = arith.constant 0 : i32
    %add3A_10 = arith.addi %mul3A_8, %add3A_9 : i32
    "tpu.region"() ({
      %run_scoped3A = tpu.sem_alloc : memref<!tpu.dma_semaphore, #tpu.memory_space<semaphore_mem>>
      %dma_start3A_140 = arith.constant 0 : i32
      %dma_start3A_141 = tpu.memref_slice %arg28[%add3A_10, %dma_start3A_140] : memref<10112x144xf32, #tpu.memory_space<vmem_shared>> -> memref<80x144xf32, #tpu.memory_space<vmem_shared>>
      %dma_start3A_142 = arith.constant 0 : i32
      %dma_start3A_143 = tpu.memref_slice %arg28[%add3A_10, %dma_start3A_142] : memref<10112x144xf32, #tpu.memory_space<vmem_shared>> -> memref<80x144xf32, #tpu.memory_space<vmem_shared>>
      tpu.enqueue_dma source(%arg7 : memref<80x144xf32, #tpu.memory_space<vmem>>) target(%dma_start3A_143 : memref<80x144xf32, #tpu.memory_space<vmem_shared>>) target_semaphore(%run_scoped3A : memref<!tpu.dma_semaphore, #tpu.memory_space<semaphore_mem>>)
      %dma_wait3A_144 = arith.constant 0 : i32
      %dma_wait3A_145 = tpu.memref_slice %arg28[%add3A_10, %dma_wait3A_144] : memref<10112x144xf32, #tpu.memory_space<vmem_shared>> -> memref<80x144xf32, #tpu.memory_space<vmem_shared>>
      %dma_wait3A_146 = arith.constant 0 : i32
      %dma_wait3A_147 = tpu.memref_slice %arg28[%add3A_10, %dma_wait3A_146] : memref<10112x144xf32, #tpu.memory_space<vmem_shared>> -> memref<80x144xf32, #tpu.memory_space<vmem_shared>>
      tpu.wait_dma2 semaphore(%run_scoped3A : memref<!tpu.dma_semaphore, #tpu.memory_space<semaphore_mem>>) src(%arg7 : memref<80x144xf32, #tpu.memory_space<vmem>>) dst(%dma_wait3A_147 : memref<80x144xf32, #tpu.memory_space<vmem_shared>>)
      tpu.yield
    }) : () -> ()
    %add3A_11 = arith.constant 80 : i32
    %add3A_12 = arith.addi %mul3A_8, %add3A_11 : i32
    "tpu.region"() ({
      %run_scoped3A = tpu.sem_alloc : memref<!tpu.dma_semaphore, #tpu.memory_space<semaphore_mem>>
      %dma_start3A_140 = arith.constant 0 : i32
      %dma_start3A_141 = tpu.memref_slice %arg28[%add3A_12, %dma_start3A_140] : memref<10112x144xf32, #tpu.memory_space<vmem_shared>> -> memref<80x144xf32, #tpu.memory_space<vmem_shared>>
      %dma_start3A_142 = arith.constant 0 : i32
      %dma_start3A_143 = tpu.memref_slice %arg28[%add3A_12, %dma_start3A_142] : memref<10112x144xf32, #tpu.memory_space<vmem_shared>> -> memref<80x144xf32, #tpu.memory_space<vmem_shared>>
      tpu.enqueue_dma source(%arg7 : memref<80x144xf32, #tpu.memory_space<vmem>>) target(%dma_start3A_143 : memref<80x144xf32, #tpu.memory_space<vmem_shared>>) target_semaphore(%run_scoped3A : memref<!tpu.dma_semaphore, #tpu.memory_space<semaphore_mem>>)
      %dma_wait3A_144 = arith.constant 0 : i32
      %dma_wait3A_145 = tpu.memref_slice %arg28[%add3A_12, %dma_wait3A_144] : memref<10112x144xf32, #tpu.memory_space<vmem_shared>> -> memref<80x144xf32, #tpu.memory_space<vmem_shared>>
      %dma_wait3A_146 = arith.constant 0 : i32
      %dma_wait3A_147 = tpu.memref_slice %arg28[%add3A_12, %dma_wait3A_146] : memref<10112x144xf32, #tpu.memory_space<vmem_shared>> -> memref<80x144xf32, #tpu.memory_space<vmem_shared>>
      tpu.wait_dma2 semaphore(%run_scoped3A : memref<!tpu.dma_semaphore, #tpu.memory_space<semaphore_mem>>) src(%arg7 : memref<80x144xf32, #tpu.memory_space<vmem>>) dst(%dma_wait3A_147 : memref<80x144xf32, #tpu.memory_space<vmem_shared>>)
      tpu.yield
    }) : () -> ()
    %add3A_13 = arith.constant 160 : i32
    %add3A_14 = arith.addi %mul3A_8, %add3A_13 : i32
    "tpu.region"() ({
      %run_scoped3A = tpu.sem_alloc : memref<!tpu.dma_semaphore, #tpu.memory_space<semaphore_mem>>
      %dma_start3A_140 = arith.constant 0 : i32
      %dma_start3A_141 = tpu.memref_slice %arg28[%add3A_14, %dma_start3A_140] : memref<10112x144xf32, #tpu.memory_space<vmem_shared>> -> memref<80x144xf32, #tpu.memory_space<vmem_shared>>
      %dma_start3A_142 = arith.constant 0 : i32
      %dma_start3A_143 = tpu.memref_slice %arg28[%add3A_14, %dma_start3A_142] : memref<10112x144xf32, #tpu.memory_space<vmem_shared>> -> memref<80x144xf32, #tpu.memory_space<vmem_shared>>
      tpu.enqueue_dma source(%arg7 : memref<80x144xf32, #tpu.memory_space<vmem>>) target(%dma_start3A_143 : memref<80x144xf32, #tpu.memory_space<vmem_shared>>) target_semaphore(%run_scoped3A : memref<!tpu.dma_semaphore, #tpu.memory_space<semaphore_mem>>)
      %dma_wait3A_144 = arith.constant 0 : i32
      %dma_wait3A_145 = tpu.memref_slice %arg28[%add3A_14, %dma_wait3A_144] : memref<10112x144xf32, #tpu.memory_space<vmem_shared>> -> memref<80x144xf32, #tpu.memory_space<vmem_shared>>
      %dma_wait3A_146 = arith.constant 0 : i32
      %dma_wait3A_147 = tpu.memref_slice %arg28[%add3A_14, %dma_wait3A_146] : memref<10112x144xf32, #tpu.memory_space<vmem_shared>> -> memref<80x144xf32, #tpu.memory_space<vmem_shared>>
      tpu.wait_dma2 semaphore(%run_scoped3A : memref<!tpu.dma_semaphore, #tpu.memory_space<semaphore_mem>>) src(%arg7 : memref<80x144xf32, #tpu.memory_space<vmem>>) dst(%dma_wait3A_147 : memref<80x144xf32, #tpu.memory_space<vmem_shared>>)
      tpu.yield
    }) : () -> ()
    %add3A_15 = arith.constant 240 : i32
    %add3A_16 = arith.addi %mul3A_8, %add3A_15 : i32
    "tpu.region"() ({
      %run_scoped3A = tpu.sem_alloc : memref<!tpu.dma_semaphore, #tpu.memory_space<semaphore_mem>>
      %dma_start3A_140 = arith.constant 0 : i32
      %dma_start3A_141 = tpu.memref_slice %arg28[%add3A_16, %dma_start3A_140] : memref<10112x144xf32, #tpu.memory_space<vmem_shared>> -> memref<80x144xf32, #tpu.memory_space<vmem_shared>>
      %dma_start3A_142 = arith.constant 0 : i32
      %dma_start3A_143 = tpu.memref_slice %arg28[%add3A_16, %dma_start3A_142] : memref<10112x144xf32, #tpu.memory_space<vmem_shared>> -> memref<80x144xf32, #tpu.memory_space<vmem_shared>>
      tpu.enqueue_dma source(%arg7 : memref<80x144xf32, #tpu.memory_space<vmem>>) target(%dma_start3A_143 : memref<80x144xf32, #tpu.memory_space<vmem_shared>>) target_semaphore(%run_scoped3A : memref<!tpu.dma_semaphore, #tpu.memory_space<semaphore_mem>>)
      %dma_wait3A_144 = arith.constant 0 : i32
      %dma_wait3A_145 = tpu.memref_slice %arg28[%add3A_16, %dma_wait3A_144] : memref<10112x144xf32, #tpu.memory_space<vmem_shared>> -> memref<80x144xf32, #tpu.memory_space<vmem_shared>>
      %dma_wait3A_146 = arith.constant 0 : i32
      %dma_wait3A_147 = tpu.memref_slice %arg28[%add3A_16, %dma_wait3A_146] : memref<10112x144xf32, #tpu.memory_space<vmem_shared>> -> memref<80x144xf32, #tpu.memory_space<vmem_shared>>
      tpu.wait_dma2 semaphore(%run_scoped3A : memref<!tpu.dma_semaphore, #tpu.memory_space<semaphore_mem>>) src(%arg7 : memref<80x144xf32, #tpu.memory_space<vmem>>) dst(%dma_wait3A_147 : memref<80x144xf32, #tpu.memory_space<vmem_shared>>)
      tpu.yield
    }) : () -> ()
    %add3A_17 = arith.constant 320 : i32
    %add3A_18 = arith.addi %mul3A_8, %add3A_17 : i32
    "tpu.region"() ({
      %run_scoped3A = tpu.sem_alloc : memref<!tpu.dma_semaphore, #tpu.memory_space<semaphore_mem>>
      %dma_start3A_140 = arith.constant 0 : i32
      %dma_start3A_141 = tpu.memref_slice %arg28[%add3A_18, %dma_start3A_140] : memref<10112x144xf32, #tpu.memory_space<vmem_shared>> -> memref<80x144xf32, #tpu.memory_space<vmem_shared>>
      %dma_start3A_142 = arith.constant 0 : i32
      %dma_start3A_143 = tpu.memref_slice %arg28[%add3A_18, %dma_start3A_142] : memref<10112x144xf32, #tpu.memory_space<vmem_shared>> -> memref<80x144xf32, #tpu.memory_space<vmem_shared>>
      tpu.enqueue_dma source(%arg7 : memref<80x144xf32, #tpu.memory_space<vmem>>) target(%dma_start3A_143 : memref<80x144xf32, #tpu.memory_space<vmem_shared>>) target_semaphore(%run_scoped3A : memref<!tpu.dma_semaphore, #tpu.memory_space<semaphore_mem>>)
      %dma_wait3A_144 = arith.constant 0 : i32
      %dma_wait3A_145 = tpu.memref_slice %arg28[%add3A_18, %dma_wait3A_144] : memref<10112x144xf32, #tpu.memory_space<vmem_shared>> -> memref<80x144xf32, #tpu.memory_space<vmem_shared>>
      %dma_wait3A_146 = arith.constant 0 : i32
      %dma_wait3A_147 = tpu.memref_slice %arg28[%add3A_18, %dma_wait3A_146] : memref<10112x144xf32, #tpu.memory_space<vmem_shared>> -> memref<80x144xf32, #tpu.memory_space<vmem_shared>>
      tpu.wait_dma2 semaphore(%run_scoped3A : memref<!tpu.dma_semaphore, #tpu.memory_space<semaphore_mem>>) src(%arg7 : memref<80x144xf32, #tpu.memory_space<vmem>>) dst(%dma_wait3A_147 : memref<80x144xf32, #tpu.memory_space<vmem_shared>>)
      tpu.yield
    }) : () -> ()
    %add3A_19 = arith.constant 400 : i32
    %add3A_20 = arith.addi %mul3A_8, %add3A_19 : i32
    "tpu.region"() ({
      %run_scoped3A = tpu.sem_alloc : memref<!tpu.dma_semaphore, #tpu.memory_space<semaphore_mem>>
      %dma_start3A_140 = arith.constant 0 : i32
      %dma_start3A_141 = tpu.memref_slice %arg28[%add3A_20, %dma_start3A_140] : memref<10112x144xf32, #tpu.memory_space<vmem_shared>> -> memref<80x144xf32, #tpu.memory_space<vmem_shared>>
      %dma_start3A_142 = arith.constant 0 : i32
      %dma_start3A_143 = tpu.memref_slice %arg28[%add3A_20, %dma_start3A_142] : memref<10112x144xf32, #tpu.memory_space<vmem_shared>> -> memref<80x144xf32, #tpu.memory_space<vmem_shared>>
      tpu.enqueue_dma source(%arg7 : memref<80x144xf32, #tpu.memory_space<vmem>>) target(%dma_start3A_143 : memref<80x144xf32, #tpu.memory_space<vmem_shared>>) target_semaphore(%run_scoped3A : memref<!tpu.dma_semaphore, #tpu.memory_space<semaphore_mem>>)
      %dma_wait3A_144 = arith.constant 0 : i32
      %dma_wait3A_145 = tpu.memref_slice %arg28[%add3A_20, %dma_wait3A_144] : memref<10112x144xf32, #tpu.memory_space<vmem_shared>> -> memref<80x144xf32, #tpu.memory_space<vmem_shared>>
      %dma_wait3A_146 = arith.constant 0 : i32
      %dma_wait3A_147 = tpu.memref_slice %arg28[%add3A_20, %dma_wait3A_146] : memref<10112x144xf32, #tpu.memory_space<vmem_shared>> -> memref<80x144xf32, #tpu.memory_space<vmem_shared>>
      tpu.wait_dma2 semaphore(%run_scoped3A : memref<!tpu.dma_semaphore, #tpu.memory_space<semaphore_mem>>) src(%arg7 : memref<80x144xf32, #tpu.memory_space<vmem>>) dst(%dma_wait3A_147 : memref<80x144xf32, #tpu.memory_space<vmem_shared>>)
      tpu.yield
    }) : () -> ()
    %add3A_21 = arith.constant 480 : i32
    %add3A_22 = arith.addi %mul3A_8, %add3A_21 : i32
    "tpu.region"() ({
      %run_scoped3A = tpu.sem_alloc : memref<!tpu.dma_semaphore, #tpu.memory_space<semaphore_mem>>
      %dma_start3A_140 = arith.constant 0 : i32
      %dma_start3A_141 = tpu.memref_slice %arg28[%add3A_22, %dma_start3A_140] : memref<10112x144xf32, #tpu.memory_space<vmem_shared>> -> memref<80x144xf32, #tpu.memory_space<vmem_shared>>
      %dma_start3A_142 = arith.constant 0 : i32
      %dma_start3A_143 = tpu.memref_slice %arg28[%add3A_22, %dma_start3A_142] : memref<10112x144xf32, #tpu.memory_space<vmem_shared>> -> memref<80x144xf32, #tpu.memory_space<vmem_shared>>
      tpu.enqueue_dma source(%arg7 : memref<80x144xf32, #tpu.memory_space<vmem>>) target(%dma_start3A_143 : memref<80x144xf32, #tpu.memory_space<vmem_shared>>) target_semaphore(%run_scoped3A : memref<!tpu.dma_semaphore, #tpu.memory_space<semaphore_mem>>)
      %dma_wait3A_144 = arith.constant 0 : i32
      %dma_wait3A_145 = tpu.memref_slice %arg28[%add3A_22, %dma_wait3A_144] : memref<10112x144xf32, #tpu.memory_space<vmem_shared>> -> memref<80x144xf32, #tpu.memory_space<vmem_shared>>
      %dma_wait3A_146 = arith.constant 0 : i32
      %dma_wait3A_147 = tpu.memref_slice %arg28[%add3A_22, %dma_wait3A_146] : memref<10112x144xf32, #tpu.memory_space<vmem_shared>> -> memref<80x144xf32, #tpu.memory_space<vmem_shared>>
      tpu.wait_dma2 semaphore(%run_scoped3A : memref<!tpu.dma_semaphore, #tpu.memory_space<semaphore_mem>>) src(%arg7 : memref<80x144xf32, #tpu.memory_space<vmem>>) dst(%dma_wait3A_147 : memref<80x144xf32, #tpu.memory_space<vmem_shared>>)
      tpu.yield
    }) : () -> ()
    %add3A_23 = arith.constant 632 : i32
    %add3A_24 = arith.addi %mul3A_8, %add3A_23 : i32
    %sub3A = arith.constant 72 : i32
    %sub3A_25 = arith.subi %add3A_24, %sub3A : i32
    "tpu.region"() ({
      %run_scoped3A = tpu.sem_alloc : memref<!tpu.dma_semaphore, #tpu.memory_space<semaphore_mem>>
      %dma_start3A_140 = arith.constant 0 : i32
      %dma_start3A_141 = arith.constant 0 : i32
      %dma_start3A_142 = tpu.memref_slice %arg7[%dma_start3A_140, %dma_start3A_141] : memref<80x144xf32, #tpu.memory_space<vmem>> -> memref<72x144xf32, #tpu.memory_space<vmem>>
      %dma_start3A_143 = arith.constant 0 : i32
      %dma_start3A_144 = tpu.memref_slice %arg28[%sub3A_25, %dma_start3A_143] : memref<10112x144xf32, #tpu.memory_space<vmem_shared>> -> memref<72x144xf32, #tpu.memory_space<vmem_shared>>
      %dma_start3A_145 = arith.constant 0 : i32
      %dma_start3A_146 = tpu.memref_slice %arg28[%sub3A_25, %dma_start3A_145] : memref<10112x144xf32, #tpu.memory_space<vmem_shared>> -> memref<72x144xf32, #tpu.memory_space<vmem_shared>>
      %dma_start3A_147 = arith.constant 0 : i32
      %dma_start3A_148 = arith.constant 0 : i32
      %dma_start3A_149 = tpu.memref_slice %arg7[%dma_start3A_147, %dma_start3A_148] : memref<80x144xf32, #tpu.memory_space<vmem>> -> memref<72x144xf32, #tpu.memory_space<vmem>>
      tpu.enqueue_dma source(%dma_start3A_149 : memref<72x144xf32, #tpu.memory_space<vmem>>) target(%dma_start3A_146 : memref<72x144xf32, #tpu.memory_space<vmem_shared>>) target_semaphore(%run_scoped3A : memref<!tpu.dma_semaphore, #tpu.memory_space<semaphore_mem>>)
      %dma_wait3A_150 = arith.constant 0 : i32
      %dma_wait3A_151 = arith.constant 0 : i32
      %dma_wait3A_152 = tpu.memref_slice %arg7[%dma_wait3A_150, %dma_wait3A_151] : memref<80x144xf32, #tpu.memory_space<vmem>> -> memref<72x144xf32, #tpu.memory_space<vmem>>
      %dma_wait3A_153 = arith.constant 0 : i32
      %dma_wait3A_154 = tpu.memref_slice %arg28[%sub3A_25, %dma_wait3A_153] : memref<10112x144xf32, #tpu.memory_space<vmem_shared>> -> memref<72x144xf32, #tpu.memory_space<vmem_shared>>
      %dma_wait3A_155 = arith.constant 0 : i32
      %dma_wait3A_156 = tpu.memref_slice %arg28[%sub3A_25, %dma_wait3A_155] : memref<10112x144xf32, #tpu.memory_space<vmem_shared>> -> memref<72x144xf32, #tpu.memory_space<vmem_shared>>
      %dma_wait3A_157 = arith.constant 0 : i32
      %dma_wait3A_158 = arith.constant 0 : i32
      %dma_wait3A_159 = tpu.memref_slice %arg7[%dma_wait3A_157, %dma_wait3A_158] : memref<80x144xf32, #tpu.memory_space<vmem>> -> memref<72x144xf32, #tpu.memory_space<vmem>>
      tpu.wait_dma2 semaphore(%run_scoped3A : memref<!tpu.dma_semaphore, #tpu.memory_space<semaphore_mem>>) src(%dma_wait3A_159 : memref<72x144xf32, #tpu.memory_space<vmem>>) dst(%dma_wait3A_156 : memref<72x144xf32, #tpu.memory_space<vmem_shared>>)
      tpu.yield
    }) : () -> ()
    %barrier3A = arith.constant 0 : index
    tpu.barrier barrier_id(%barrier3A)
    %add3A_26 = arith.constant 0 : i32
    %add3A_27 = arith.addi %add3A_26, %add3A : i32
    %mul3A_28 = arith.constant 80 : i32
    %mul3A_29 = arith.muli %add3A_27, %mul3A_28 : i32
    %dma_start3A = arith.constant 0 : i32
    %dma_start3A_30 = tpu.memref_slice %arg3[%dma_start3A, %mul3A_29] : memref<2x320000xi32, #tpu.memory_space<hbm>> -> memref<2x80xi32, #tpu.memory_space<hbm>>
    %dma_start3A_31 = arith.constant 0 : i32
    %dma_start3A_32 = tpu.memref_slice %arg3[%dma_start3A_31, %mul3A_29] : memref<2x320000xi32, #tpu.memory_space<hbm>> -> memref<2x80xi32, #tpu.memory_space<hbm>>
    tpu.enqueue_dma source(%dma_start3A_32 : memref<2x80xi32, #tpu.memory_space<hbm>>) target(%arg6 : memref<2x80xi32, #tpu.memory_space<vmem>>) target_semaphore(%arg9 : memref<!tpu.dma_semaphore, #tpu.memory_space<semaphore_mem>>)
    %dma_wait3A = arith.constant 0 : i32
    %dma_wait3A_33 = tpu.memref_slice %arg3[%dma_wait3A, %mul3A_29] : memref<2x320000xi32, #tpu.memory_space<hbm>> -> memref<2x80xi32, #tpu.memory_space<hbm>>
    %dma_wait3A_34 = arith.constant 0 : i32
    %dma_wait3A_35 = tpu.memref_slice %arg3[%dma_wait3A_34, %mul3A_29] : memref<2x320000xi32, #tpu.memory_space<hbm>> -> memref<2x80xi32, #tpu.memory_space<hbm>>
    tpu.wait_dma2 semaphore(%arg9 : memref<!tpu.dma_semaphore, #tpu.memory_space<semaphore_mem>>) src(%dma_wait3A_35 : memref<2x80xi32, #tpu.memory_space<hbm>>) dst(%arg6 : memref<2x80xi32, #tpu.memory_space<vmem>>)
    %dma_start3A_36 = arith.constant 0 : i32
    %dma_start3A_37 = arith.constant 0 : i32
    %dma_start3A_38 = tpu.memref_slice %arg6[%dma_start3A_36, %dma_start3A_37] : memref<2x80xi32, #tpu.memory_space<vmem>> -> memref<1x80xi32, #tpu.memory_space<vmem>>
    %dma_start3A_39 = tpu.memref_squeeze %dma_start3A_38 : memref<1x80xi32, #tpu.memory_space<vmem>> -> memref<80xi32, #tpu.memory_space<vmem>>
    %dma_start3A_40 = arith.constant 0 : i32
    %dma_start3A_41 = arith.constant 0 : i32
    %dma_start3A_42 = tpu.memref_slice %arg2[%dma_start3A_40, %dma_start3A_41] : memref<10000x144xf32, #tpu.memory_space<hbm>> -> memref<10000x144xf32, #tpu.memory_space<hbm>>
    tpu.enqueue_indirect_dma source(%dma_start3A_42 : memref<10000x144xf32, #tpu.memory_space<hbm>>) target(%arg7 : memref<80x144xf32, #tpu.memory_space<vmem>>) offsets(%dma_start3A_39 : memref<80xi32, #tpu.memory_space<vmem>>) semaphore(%arg10 : memref<!tpu.dma_semaphore, #tpu.memory_space<semaphore_mem>>)
    %dma_start3A_43 = arith.constant 1 : i32
    %dma_start3A_44 = arith.constant 0 : i32
    %dma_start3A_45 = tpu.memref_slice %arg6[%dma_start3A_43, %dma_start3A_44] : memref<2x80xi32, #tpu.memory_space<vmem>> -> memref<1x80xi32, #tpu.memory_space<vmem>>
    %dma_start3A_46 = tpu.memref_squeeze %dma_start3A_45 : memref<1x80xi32, #tpu.memory_space<vmem>> -> memref<80xi32, #tpu.memory_space<vmem>>
    %dma_start3A_47 = arith.constant 0 : i32
    %dma_start3A_48 = arith.constant 0 : i32
    %dma_start3A_49 = tpu.memref_slice %arg4[%dma_start3A_47, %dma_start3A_48] : memref<10000x16xf32, #tpu.memory_space<hbm>> -> memref<10000x16xf32, #tpu.memory_space<hbm>>
    tpu.enqueue_indirect_dma source(%dma_start3A_49 : memref<10000x16xf32, #tpu.memory_space<hbm>>) target(%arg8 : memref<80x16xf32, #tpu.memory_space<vmem>>) offsets(%dma_start3A_46 : memref<80xi32, #tpu.memory_space<vmem>>) semaphore(%arg11 : memref<!tpu.dma_semaphore, #tpu.memory_space<semaphore_mem>>)
    %add3A_50 = arith.constant 32 : i32
    %add3A_51 = arith.addi %add3A_50, %add3A : i32
    %mul3A_52 = arith.constant 80 : i32
    %mul3A_53 = arith.muli %add3A_51, %mul3A_52 : i32
    %dma_start3A_54 = arith.constant 0 : i32
    %dma_start3A_55 = tpu.memref_slice %arg3[%dma_start3A_54, %mul3A_53] : memref<2x320000xi32, #tpu.memory_space<hbm>> -> memref<2x80xi32, #tpu.memory_space<hbm>>
    %dma_start3A_56 = arith.constant 0 : i32
    %dma_start3A_57 = tpu.memref_slice %arg3[%dma_start3A_56, %mul3A_53] : memref<2x320000xi32, #tpu.memory_space<hbm>> -> memref<2x80xi32, #tpu.memory_space<hbm>>
    tpu.enqueue_dma source(%dma_start3A_57 : memref<2x80xi32, #tpu.memory_space<hbm>>) target(%arg13 : memref<2x80xi32, #tpu.memory_space<vmem>>) target_semaphore(%arg16 : memref<!tpu.dma_semaphore, #tpu.memory_space<semaphore_mem>>)
    %dma_wait3A_58 = arith.constant 0 : i32
    %dma_wait3A_59 = tpu.memref_slice %arg3[%dma_wait3A_58, %mul3A_53] : memref<2x320000xi32, #tpu.memory_space<hbm>> -> memref<2x80xi32, #tpu.memory_space<hbm>>
    %dma_wait3A_60 = arith.constant 0 : i32
    %dma_wait3A_61 = tpu.memref_slice %arg3[%dma_wait3A_60, %mul3A_53] : memref<2x320000xi32, #tpu.memory_space<hbm>> -> memref<2x80xi32, #tpu.memory_space<hbm>>
    tpu.wait_dma2 semaphore(%arg16 : memref<!tpu.dma_semaphore, #tpu.memory_space<semaphore_mem>>) src(%dma_wait3A_61 : memref<2x80xi32, #tpu.memory_space<hbm>>) dst(%arg13 : memref<2x80xi32, #tpu.memory_space<vmem>>)
    %dma_start3A_62 = arith.constant 0 : i32
    %dma_start3A_63 = arith.constant 0 : i32
    %dma_start3A_64 = tpu.memref_slice %arg13[%dma_start3A_62, %dma_start3A_63] : memref<2x80xi32, #tpu.memory_space<vmem>> -> memref<1x80xi32, #tpu.memory_space<vmem>>
    %dma_start3A_65 = tpu.memref_squeeze %dma_start3A_64 : memref<1x80xi32, #tpu.memory_space<vmem>> -> memref<80xi32, #tpu.memory_space<vmem>>
    %dma_start3A_66 = arith.constant 0 : i32
    %dma_start3A_67 = arith.constant 0 : i32
    %dma_start3A_68 = tpu.memref_slice %arg2[%dma_start3A_66, %dma_start3A_67] : memref<10000x144xf32, #tpu.memory_space<hbm>> -> memref<10000x144xf32, #tpu.memory_space<hbm>>
    tpu.enqueue_indirect_dma source(%dma_start3A_68 : memref<10000x144xf32, #tpu.memory_space<hbm>>) target(%arg14 : memref<80x144xf32, #tpu.memory_space<vmem>>) offsets(%dma_start3A_65 : memref<80xi32, #tpu.memory_space<vmem>>) semaphore(%arg17 : memref<!tpu.dma_semaphore, #tpu.memory_space<semaphore_mem>>)
    %dma_start3A_69 = arith.constant 1 : i32
    %dma_start3A_70 = arith.constant 0 : i32
    %dma_start3A_71 = tpu.memref_slice %arg13[%dma_start3A_69, %dma_start3A_70] : memref<2x80xi32, #tpu.memory_space<vmem>> -> memref<1x80xi32, #tpu.memory_space<vmem>>
    %dma_start3A_72 = tpu.memref_squeeze %dma_start3A_71 : memref<1x80xi32, #tpu.memory_space<vmem>> -> memref<80xi32, #tpu.memory_space<vmem>>
    %dma_start3A_73 = arith.constant 0 : i32
    %dma_start3A_74 = arith.constant 0 : i32
    %dma_start3A_75 = tpu.memref_slice %arg4[%dma_start3A_73, %dma_start3A_74] : memref<10000x16xf32, #tpu.memory_space<hbm>> -> memref<10000x16xf32, #tpu.memory_space<hbm>>
    tpu.enqueue_indirect_dma source(%dma_start3A_75 : memref<10000x16xf32, #tpu.memory_space<hbm>>) target(%arg15 : memref<80x16xf32, #tpu.memory_space<vmem>>) offsets(%dma_start3A_72 : memref<80xi32, #tpu.memory_space<vmem>>) semaphore(%arg18 : memref<!tpu.dma_semaphore, #tpu.memory_space<semaphore_mem>>)
    %scan3A_76 = arith.constant 0 : i32
    %scan3A_77 = arith.constant 0 : i32
    %scan3A_78 = arith.constant 125 : i32
    %scan3A_79 = arith.addi %scan3A_77, %scan3A_78 : i32
    %scan3A_80 = arith.constant 1 : i32
    scf.for %scan3A_140 = %scan3A_77 to %scan3A_79 step %scan3A_80  : i32 {
      %jit3A = arith.constant 3 : i32
      %eq3A = arith.constant 0 : i32
      %eq3A_141 = arith.cmpi eq, %jit3A, %eq3A : i32
      %jit3A_142 = arith.constant 1 : i32
      %select_n3A = arith.select %eq3A_141, %jit3A_142, %jit3A : i32
      %rem3A = arith.remsi %scan3A_140, %select_n3A : i32
      %ne3A = arith.constant 0 : i32
      %ne3A_143 = arith.cmpi ne, %rem3A, %ne3A : i32
      %lt3A = arith.constant 0 : i32
      %lt3A_144 = arith.cmpi slt, %rem3A, %lt3A : i32
      %lt3A_145 = arith.constant 0 : i32
      %lt3A_146 = arith.cmpi slt, %select_n3A, %lt3A_145 : i32
      %ne3A_147 = arith.xori %lt3A_144, %lt3A_146 : i1
      %and3A = arith.andi %ne3A_147, %ne3A_143 : i1
      %add3A_148 = arith.addi %rem3A, %select_n3A : i32
      %select_n3A_149 = arith.select %and3A, %add3A_148, %rem3A : i32
      %eq3A_150 = arith.constant 0 : i32
      %eq3A_151 = arith.cmpi eq, %select_n3A_149, %eq3A_150 : i32
      %convert_element_type3A = arith.extui %eq3A_151 : i1 to i32
      %cond3A = arith.constant 0 : i32
      %cond3A_152 = arith.cmpi ne, %convert_element_type3A, %cond3A : i32
      scf.if %cond3A_152 {
        %dma_wait3A_195 = arith.constant 0 : i32
        %dma_wait3A_196 = arith.constant 0 : i32
        %dma_wait3A_197 = tpu.memref_slice %arg6[%dma_wait3A_195, %dma_wait3A_196] : memref<2x80xi32, #tpu.memory_space<vmem>> -> memref<1x80xi32, #tpu.memory_space<vmem>>
        %dma_wait3A_198 = tpu.memref_squeeze %dma_wait3A_197 : memref<1x80xi32, #tpu.memory_space<vmem>> -> memref<80xi32, #tpu.memory_space<vmem>>
        %dma_wait3A_199 = arith.constant 0 : i32
        %dma_wait3A_200 = arith.constant 0 : i32
        %dma_wait3A_201 = tpu.memref_slice %arg2[%dma_wait3A_199, %dma_wait3A_200] : memref<10000x144xf32, #tpu.memory_space<hbm>> -> memref<10000x144xf32, #tpu.memory_space<hbm>>
        tpu.wait_indirect_dma semaphore(%arg10 : memref<!tpu.dma_semaphore, #tpu.memory_space<semaphore_mem>>) src(%dma_wait3A_201 : memref<10000x144xf32, #tpu.memory_space<hbm>>) dst(%arg7 : memref<80x144xf32, #tpu.memory_space<vmem>>)
        %dma_wait3A_202 = arith.constant 1 : i32
        %dma_wait3A_203 = arith.constant 0 : i32
        %dma_wait3A_204 = tpu.memref_slice %arg6[%dma_wait3A_202, %dma_wait3A_203] : memref<2x80xi32, #tpu.memory_space<vmem>> -> memref<1x80xi32, #tpu.memory_space<vmem>>
        %dma_wait3A_205 = tpu.memref_squeeze %dma_wait3A_204 : memref<1x80xi32, #tpu.memory_space<vmem>> -> memref<80xi32, #tpu.memory_space<vmem>>
        %dma_wait3A_206 = arith.constant 0 : i32
        %dma_wait3A_207 = arith.constant 0 : i32
        %dma_wait3A_208 = tpu.memref_slice %arg4[%dma_wait3A_206, %dma_wait3A_207] : memref<10000x16xf32, #tpu.memory_space<hbm>> -> memref<10000x16xf32, #tpu.memory_space<hbm>>
        tpu.wait_indirect_dma semaphore(%arg11 : memref<!tpu.dma_semaphore, #tpu.memory_space<semaphore_mem>>) src(%dma_wait3A_208 : memref<10000x16xf32, #tpu.memory_space<hbm>>) dst(%arg8 : memref<80x16xf32, #tpu.memory_space<vmem>>)
        %add3A_209 = arith.constant 0 : i32
        %add3A_210 = vector.broadcast %add3A_209 : i32 to vector<16xi32>
        %add3A_211 = arith.addi %add3A_210, %iota3A : vector<16xi32>
        %broadcast_in_dim3A_212 = arith.constant 128 : i32
        %broadcast_in_dim3A_213 = vector.broadcast %broadcast_in_dim3A_212 : i32 to vector<16xi32>
        %gather3A = tpu.vector_load_idx %arg7[%add3A_211, %broadcast_in_dim3A_213] : memref<80x144xf32, #tpu.memory_space<vmem>>[vector<16xi32>, vector<16xi32>], vector<16xf32>,
        %broadcast_in_dim3A_214 = arith.constant 0 : i32
        %broadcast_in_dim3A_215 = vector.broadcast %broadcast_in_dim3A_214 : i32 to vector<16xi32>
        %gather3A_216 = tpu.vector_load_idx %arg8[%add3A_211, %broadcast_in_dim3A_215] : memref<80x16xf32, #tpu.memory_space<vmem>>[vector<16xi32>, vector<16xi32>], vector<16xf32>,
        %add3A_217 = arith.addf %gather3A, %gather3A_216 : vector<16xf32>
        %mul3A_218 = arith.constant 2.000000e-01 : f32
        %mul3A_219 = vector.broadcast %mul3A_218 : f32 to vector<16xf32>
        %mul3A_220 = arith.mulf %mul3A_219, %add3A_217 : vector<16xf32>
        %max3A = arith.maximumf %add3A_217, %mul3A_220 : vector<16xf32>
        %exp3A = math.exp %max3A : vector<16xf32>
        %mul3A_221 = arith.constant 4 : i32
        %mul3A_222 = vector.broadcast %mul3A_221 : i32 to vector<16xi32>
        %mul3A_223 = arith.muli %add3A_211, %mul3A_222 : vector<16xi32>
        %add3A_224 = arith.constant 0 : i32
        %add3A_225 = vector.broadcast %add3A_224 : i32 to vector<16xi32>
        %add3A_226 = arith.addi %mul3A_223, %add3A_225 : vector<16xi32>
        tpu.vector_store_idx %arg27[%add3A_226], %exp3A : memref<320xf32, #tpu.memory_space<vmem>>[vector<16xi32>], vector<16xf32>,
        %broadcast_in_dim3A_227 = arith.constant 129 : i32
        %broadcast_in_dim3A_228 = vector.broadcast %broadcast_in_dim3A_227 : i32 to vector<16xi32>
        %gather3A_229 = tpu.vector_load_idx %arg7[%add3A_211, %broadcast_in_dim3A_228] : memref<80x144xf32, #tpu.memory_space<vmem>>[vector<16xi32>, vector<16xi32>], vector<16xf32>,
        %broadcast_in_dim3A_230 = arith.constant 1 : i32
        %broadcast_in_dim3A_231 = vector.broadcast %broadcast_in_dim3A_230 : i32 to vector<16xi32>
        %gather3A_232 = tpu.vector_load_idx %arg8[%add3A_211, %broadcast_in_dim3A_231] : memref<80x16xf32, #tpu.memory_space<vmem>>[vector<16xi32>, vector<16xi32>], vector<16xf32>,
        %add3A_233 = arith.addf %gather3A_229, %gather3A_232 : vector<16xf32>
        %mul3A_234 = arith.constant 2.000000e-01 : f32
        %mul3A_235 = vector.broadcast %mul3A_234 : f32 to vector<16xf32>
        %mul3A_236 = arith.mulf %mul3A_235, %add3A_233 : vector<16xf32>
        %max3A_237 = arith.maximumf %add3A_233, %mul3A_236 : vector<16xf32>
        %exp3A_238 = math.exp %max3A_237 : vector<16xf32>
        %mul3A_239 = arith.constant 4 : i32
        %mul3A_240 = vector.broadcast %mul3A_239 : i32 to vector<16xi32>
        %mul3A_241 = arith.muli %add3A_211, %mul3A_240 : vector<16xi32>
        %add3A_242 = arith.constant 1 : i32
        %add3A_243 = vector.broadcast %add3A_242 : i32 to vector<16xi32>
        %add3A_244 = arith.addi %mul3A_241, %add3A_243 : vector<16xi32>
        tpu.vector_store_idx %arg27[%add3A_244], %exp3A_238 : memref<320xf32, #tpu.memory_space<vmem>>[vector<16xi32>], vector<16xf32>,
        %broadcast_in_dim3A_245 = arith.constant 130 : i32
        %broadcast_in_dim3A_246 = vector.broadcast %broadcast_in_dim3A_245 : i32 to vector<16xi32>
        %gather3A_247 = tpu.vector_load_idx %arg7[%add3A_211, %broadcast_in_dim3A_246] : memref<80x144xf32, #tpu.memory_space<vmem>>[vector<16xi32>, vector<16xi32>], vector<16xf32>,
        %broadcast_in_dim3A_248 = arith.constant 2 : i32
        %broadcast_in_dim3A_249 = vector.broadcast %broadcast_in_dim3A_248 : i32 to vector<16xi32>
        %gather3A_250 = tpu.vector_load_idx %arg8[%add3A_211, %broadcast_in_dim3A_249] : memref<80x16xf32, #tpu.memory_space<vmem>>[vector<16xi32>, vector<16xi32>], vector<16xf32>,
        %add3A_251 = arith.addf %gather3A_247, %gather3A_250 : vector<16xf32>
        %mul3A_252 = arith.constant 2.000000e-01 : f32
        %mul3A_253 = vector.broadcast %mul3A_252 : f32 to vector<16xf32>
        %mul3A_254 = arith.mulf %mul3A_253, %add3A_251 : vector<16xf32>
        %max3A_255 = arith.maximumf %add3A_251, %mul3A_254 : vector<16xf32>
        %exp3A_256 = math.exp %max3A_255 : vector<16xf32>
        %mul3A_257 = arith.constant 4 : i32
        %mul3A_258 = vector.broadcast %mul3A_257 : i32 to vector<16xi32>
        %mul3A_259 = arith.muli %add3A_211, %mul3A_258 : vector<16xi32>
        %add3A_260 = arith.constant 2 : i32
        %add3A_261 = vector.broadcast %add3A_260 : i32 to vector<16xi32>
        %add3A_262 = arith.addi %mul3A_259, %add3A_261 : vector<16xi32>
        tpu.vector_store_idx %arg27[%add3A_262], %exp3A_256 : memref<320xf32, #tpu.memory_space<vmem>>[vector<16xi32>], vector<16xf32>,
        %broadcast_in_dim3A_263 = arith.constant 131 : i32
        %broadcast_in_dim3A_264 = vector.broadcast %broadcast_in_dim3A_263 : i32 to vector<16xi32>
        %gather3A_265 = tpu.vector_load_idx %arg7[%add3A_211, %broadcast_in_dim3A_264] : memref<80x144xf32, #tpu.memory_space<vmem>>[vector<16xi32>, vector<16xi32>], vector<16xf32>,
        %broadcast_in_dim3A_266 = arith.constant 3 : i32
        %broadcast_in_dim3A_267 = vector.broadcast %broadcast_in_dim3A_266 : i32 to vector<16xi32>
        %gather3A_268 = tpu.vector_load_idx %arg8[%add3A_211, %broadcast_in_dim3A_267] : memref<80x16xf32, #tpu.memory_space<vmem>>[vector<16xi32>, vector<16xi32>], vector<16xf32>,
        %add3A_269 = arith.addf %gather3A_265, %gather3A_268 : vector<16xf32>
        %mul3A_270 = arith.constant 2.000000e-01 : f32
        %mul3A_271 = vector.broadcast %mul3A_270 : f32 to vector<16xf32>
        %mul3A_272 = arith.mulf %mul3A_271, %add3A_269 : vector<16xf32>
        %max3A_273 = arith.maximumf %add3A_269, %mul3A_272 : vector<16xf32>
        %exp3A_274 = math.exp %max3A_273 : vector<16xf32>
        %mul3A_275 = arith.constant 4 : i32
        %mul3A_276 = vector.broadcast %mul3A_275 : i32 to vector<16xi32>
        %mul3A_277 = arith.muli %add3A_211, %mul3A_276 : vector<16xi32>
        %add3A_278 = arith.constant 3 : i32
        %add3A_279 = vector.broadcast %add3A_278 : i32 to vector<16xi32>
        %add3A_280 = arith.addi %mul3A_277, %add3A_279 : vector<16xi32>
        tpu.vector_store_idx %arg27[%add3A_280], %exp3A_274 : memref<320xf32, #tpu.memory_space<vmem>>[vector<16xi32>], vector<16xf32>,
        %add3A_281 = arith.constant 16 : i32
        %add3A_282 = vector.broadcast %add3A_281 : i32 to vector<16xi32>
        %add3A_283 = arith.addi %add3A_282, %iota3A : vector<16xi32>
        %broadcast_in_dim3A_284 = arith.constant 128 : i32
        %broadcast_in_dim3A_285 = vector.broadcast %broadcast_in_dim3A_284 : i32 to vector<16xi32>
        %gather3A_286 = tpu.vector_load_idx %arg7[%add3A_283, %broadcast_in_dim3A_285] : memref<80x144xf32, #tpu.memory_space<vmem>>[vector<16xi32>, vector<16xi32>], vector<16xf32>,
        %broadcast_in_dim3A_287 = arith.constant 0 : i32
        %broadcast_in_dim3A_288 = vector.broadcast %broadcast_in_dim3A_287 : i32 to vector<16xi32>
        %gather3A_289 = tpu.vector_load_idx %arg8[%add3A_283, %broadcast_in_dim3A_288] : memref<80x16xf32, #tpu.memory_space<vmem>>[vector<16xi32>, vector<16xi32>], vector<16xf32>,
        %add3A_290 = arith.addf %gather3A_286, %gather3A_289 : vector<16xf32>
        %mul3A_291 = arith.constant 2.000000e-01 : f32
        %mul3A_292 = vector.broadcast %mul3A_291 : f32 to vector<16xf32>
        %mul3A_293 = arith.mulf %mul3A_292, %add3A_290 : vector<16xf32>
        %max3A_294 = arith.maximumf %add3A_290, %mul3A_293 : vector<16xf32>
        %exp3A_295 = math.exp %max3A_294 : vector<16xf32>
        %mul3A_296 = arith.constant 4 : i32
        %mul3A_297 = vector.broadcast %mul3A_296 : i32 to vector<16xi32>
        %mul3A_298 = arith.muli %add3A_283, %mul3A_297 : vector<16xi32>
        %add3A_299 = arith.constant 0 : i32
        %add3A_300 = vector.broadcast %add3A_299 : i32 to vector<16xi32>
        %add3A_301 = arith.addi %mul3A_298, %add3A_300 : vector<16xi32>
        tpu.vector_store_idx %arg27[%add3A_301], %exp3A_295 : memref<320xf32, #tpu.memory_space<vmem>>[vector<16xi32>], vector<16xf32>,
        %broadcast_in_dim3A_302 = arith.constant 129 : i32
        %broadcast_in_dim3A_303 = vector.broadcast %broadcast_in_dim3A_302 : i32 to vector<16xi32>
        %gather3A_304 = tpu.vector_load_idx %arg7[%add3A_283, %broadcast_in_dim3A_303] : memref<80x144xf32, #tpu.memory_space<vmem>>[vector<16xi32>, vector<16xi32>], vector<16xf32>,
        %broadcast_in_dim3A_305 = arith.constant 1 : i32
        %broadcast_in_dim3A_306 = vector.broadcast %broadcast_in_dim3A_305 : i32 to vector<16xi32>
        %gather3A_307 = tpu.vector_load_idx %arg8[%add3A_283, %broadcast_in_dim3A_306] : memref<80x16xf32, #tpu.memory_space<vmem>>[vector<16xi32>, vector<16xi32>], vector<16xf32>,
        %add3A_308 = arith.addf %gather3A_304, %gather3A_307 : vector<16xf32>
        %mul3A_309 = arith.constant 2.000000e-01 : f32
        %mul3A_310 = vector.broadcast %mul3A_309 : f32 to vector<16xf32>
        %mul3A_311 = arith.mulf %mul3A_310, %add3A_308 : vector<16xf32>
        %max3A_312 = arith.maximumf %add3A_308, %mul3A_311 : vector<16xf32>
        %exp3A_313 = math.exp %max3A_312 : vector<16xf32>
        %mul3A_314 = arith.constant 4 : i32
        %mul3A_315 = vector.broadcast %mul3A_314 : i32 to vector<16xi32>
        %mul3A_316 = arith.muli %add3A_283, %mul3A_315 : vector<16xi32>
        %add3A_317 = arith.constant 1 : i32
        %add3A_318 = vector.broadcast %add3A_317 : i32 to vector<16xi32>
        %add3A_319 = arith.addi %mul3A_316, %add3A_318 : vector<16xi32>
        tpu.vector_store_idx %arg27[%add3A_319], %exp3A_313 : memref<320xf32, #tpu.memory_space<vmem>>[vector<16xi32>], vector<16xf32>,
        %broadcast_in_dim3A_320 = arith.constant 130 : i32
        %broadcast_in_dim3A_321 = vector.broadcast %broadcast_in_dim3A_320 : i32 to vector<16xi32>
        %gather3A_322 = tpu.vector_load_idx %arg7[%add3A_283, %broadcast_in_dim3A_321] : memref<80x144xf32, #tpu.memory_space<vmem>>[vector<16xi32>, vector<16xi32>], vector<16xf32>,
        %broadcast_in_dim3A_323 = arith.constant 2 : i32
        %broadcast_in_dim3A_324 = vector.broadcast %broadcast_in_dim3A_323 : i32 to vector<16xi32>
        %gather3A_325 = tpu.vector_load_idx %arg8[%add3A_283, %broadcast_in_dim3A_324] : memref<80x16xf32, #tpu.memory_space<vmem>>[vector<16xi32>, vector<16xi32>], vector<16xf32>,
        %add3A_326 = arith.addf %gather3A_322, %gather3A_325 : vector<16xf32>
        %mul3A_327 = arith.constant 2.000000e-01 : f32
        %mul3A_328 = vector.broadcast %mul3A_327 : f32 to vector<16xf32>
        %mul3A_329 = arith.mulf %mul3A_328, %add3A_326 : vector<16xf32>
        %max3A_330 = arith.maximumf %add3A_326, %mul3A_329 : vector<16xf32>
        %exp3A_331 = math.exp %max3A_330 : vector<16xf32>
        %mul3A_332 = arith.constant 4 : i32
        %mul3A_333 = vector.broadcast %mul3A_332 : i32 to vector<16xi32>
        %mul3A_334 = arith.muli %add3A_283, %mul3A_333 : vector<16xi32>
        %add3A_335 = arith.constant 2 : i32
        %add3A_336 = vector.broadcast %add3A_335 : i32 to vector<16xi32>
        %add3A_337 = arith.addi %mul3A_334, %add3A_336 : vector<16xi32>
        tpu.vector_store_idx %arg27[%add3A_337], %exp3A_331 : memref<320xf32, #tpu.memory_space<vmem>>[vector<16xi32>], vector<16xf32>,
        %broadcast_in_dim3A_338 = arith.constant 131 : i32
        %broadcast_in_dim3A_339 = vector.broadcast %broadcast_in_dim3A_338 : i32 to vector<16xi32>
        %gather3A_340 = tpu.vector_load_idx %arg7[%add3A_283, %broadcast_in_dim3A_339] : memref<80x144xf32, #tpu.memory_space<vmem>>[vector<16xi32>, vector<16xi32>], vector<16xf32>,
        %broadcast_in_dim3A_341 = arith.constant 3 : i32
        %broadcast_in_dim3A_342 = vector.broadcast %broadcast_in_dim3A_341 : i32 to vector<16xi32>
        %gather3A_343 = tpu.vector_load_idx %arg8[%add3A_283, %broadcast_in_dim3A_342] : memref<80x16xf32, #tpu.memory_space<vmem>>[vector<16xi32>, vector<16xi32>], vector<16xf32>,
        %add3A_344 = arith.addf %gather3A_340, %gather3A_343 : vector<16xf32>
        %mul3A_345 = arith.constant 2.000000e-01 : f32
        %mul3A_346 = vector.broadcast %mul3A_345 : f32 to vector<16xf32>
        %mul3A_347 = arith.mulf %mul3A_346, %add3A_344 : vector<16xf32>
        %max3A_348 = arith.maximumf %add3A_344, %mul3A_347 : vector<16xf32>
        %exp3A_349 = math.exp %max3A_348 : vector<16xf32>
        %mul3A_350 = arith.constant 4 : i32
        %mul3A_351 = vector.broadcast %mul3A_350 : i32 to vector<16xi32>
        %mul3A_352 = arith.muli %add3A_283, %mul3A_351 : vector<16xi32>
        %add3A_353 = arith.constant 3 : i32
        %add3A_354 = vector.broadcast %add3A_353 : i32 to vector<16xi32>
        %add3A_355 = arith.addi %mul3A_352, %add3A_354 : vector<16xi32>
        tpu.vector_store_idx %arg27[%add3A_355], %exp3A_349 : memref<320xf32, #tpu.memory_space<vmem>>[vector<16xi32>], vector<16xf32>,
        %add3A_356 = arith.constant 32 : i32
        %add3A_357 = vector.broadcast %add3A_356 : i32 to vector<16xi32>
        %add3A_358 = arith.addi %add3A_357, %iota3A : vector<16xi32>
        %broadcast_in_dim3A_359 = arith.constant 128 : i32
        %broadcast_in_dim3A_360 = vector.broadcast %broadcast_in_dim3A_359 : i32 to vector<16xi32>
        %gather3A_361 = tpu.vector_load_idx %arg7[%add3A_358, %broadcast_in_dim3A_360] : memref<80x144xf32, #tpu.memory_space<vmem>>[vector<16xi32>, vector<16xi32>], vector<16xf32>,
        %broadcast_in_dim3A_362 = arith.constant 0 : i32
        %broadcast_in_dim3A_363 = vector.broadcast %broadcast_in_dim3A_362 : i32 to vector<16xi32>
        %gather3A_364 = tpu.vector_load_idx %arg8[%add3A_358, %broadcast_in_dim3A_363] : memref<80x16xf32, #tpu.memory_space<vmem>>[vector<16xi32>, vector<16xi32>], vector<16xf32>,
        %add3A_365 = arith.addf %gather3A_361, %gather3A_364 : vector<16xf32>
        %mul3A_366 = arith.constant 2.000000e-01 : f32
        %mul3A_367 = vector.broadcast %mul3A_366 : f32 to vector<16xf32>
        %mul3A_368 = arith.mulf %mul3A_367, %add3A_365 : vector<16xf32>
        %max3A_369 = arith.maximumf %add3A_365, %mul3A_368 : vector<16xf32>
        %exp3A_370 = math.exp %max3A_369 : vector<16xf32>
        %mul3A_371 = arith.constant 4 : i32
        %mul3A_372 = vector.broadcast %mul3A_371 : i32 to vector<16xi32>
        %mul3A_373 = arith.muli %add3A_358, %mul3A_372 : vector<16xi32>
        %add3A_374 = arith.constant 0 : i32
        %add3A_375 = vector.broadcast %add3A_374 : i32 to vector<16xi32>
        %add3A_376 = arith.addi %mul3A_373, %add3A_375 : vector<16xi32>
        tpu.vector_store_idx %arg27[%add3A_376], %exp3A_370 : memref<320xf32, #tpu.memory_space<vmem>>[vector<16xi32>], vector<16xf32>,
        %broadcast_in_dim3A_377 = arith.constant 129 : i32
        %broadcast_in_dim3A_378 = vector.broadcast %broadcast_in_dim3A_377 : i32 to vector<16xi32>
        %gather3A_379 = tpu.vector_load_idx %arg7[%add3A_358, %broadcast_in_dim3A_378] : memref<80x144xf32, #tpu.memory_space<vmem>>[vector<16xi32>, vector<16xi32>], vector<16xf32>,
        %broadcast_in_dim3A_380 = arith.constant 1 : i32
        %broadcast_in_dim3A_381 = vector.broadcast %broadcast_in_dim3A_380 : i32 to vector<16xi32>
        %gather3A_382 = tpu.vector_load_idx %arg8[%add3A_358, %broadcast_in_dim3A_381] : memref<80x16xf32, #tpu.memory_space<vmem>>[vector<16xi32>, vector<16xi32>], vector<16xf32>,
        %add3A_383 = arith.addf %gather3A_379, %gather3A_382 : vector<16xf32>
        %mul3A_384 = arith.constant 2.000000e-01 : f32
        %mul3A_385 = vector.broadcast %mul3A_384 : f32 to vector<16xf32>
        %mul3A_386 = arith.mulf %mul3A_385, %add3A_383 : vector<16xf32>
        %max3A_387 = arith.maximumf %add3A_383, %mul3A_386 : vector<16xf32>
        %exp3A_388 = math.exp %max3A_387 : vector<16xf32>
        %mul3A_389 = arith.constant 4 : i32
        %mul3A_390 = vector.broadcast %mul3A_389 : i32 to vector<16xi32>
        %mul3A_391 = arith.muli %add3A_358, %mul3A_390 : vector<16xi32>
        %add3A_392 = arith.constant 1 : i32
        %add3A_393 = vector.broadcast %add3A_392 : i32 to vector<16xi32>
        %add3A_394 = arith.addi %mul3A_391, %add3A_393 : vector<16xi32>
        tpu.vector_store_idx %arg27[%add3A_394], %exp3A_388 : memref<320xf32, #tpu.memory_space<vmem>>[vector<16xi32>], vector<16xf32>,
        %broadcast_in_dim3A_395 = arith.constant 130 : i32
        %broadcast_in_dim3A_396 = vector.broadcast %broadcast_in_dim3A_395 : i32 to vector<16xi32>
        %gather3A_397 = tpu.vector_load_idx %arg7[%add3A_358, %broadcast_in_dim3A_396] : memref<80x144xf32, #tpu.memory_space<vmem>>[vector<16xi32>, vector<16xi32>], vector<16xf32>,
        %broadcast_in_dim3A_398 = arith.constant 2 : i32
        %broadcast_in_dim3A_399 = vector.broadcast %broadcast_in_dim3A_398 : i32 to vector<16xi32>
        %gather3A_400 = tpu.vector_load_idx %arg8[%add3A_358, %broadcast_in_dim3A_399] : memref<80x16xf32, #tpu.memory_space<vmem>>[vector<16xi32>, vector<16xi32>], vector<16xf32>,
        %add3A_401 = arith.addf %gather3A_397, %gather3A_400 : vector<16xf32>
        %mul3A_402 = arith.constant 2.000000e-01 : f32
        %mul3A_403 = vector.broadcast %mul3A_402 : f32 to vector<16xf32>
        %mul3A_404 = arith.mulf %mul3A_403, %add3A_401 : vector<16xf32>
        %max3A_405 = arith.maximumf %add3A_401, %mul3A_404 : vector<16xf32>
        %exp3A_406 = math.exp %max3A_405 : vector<16xf32>
        %mul3A_407 = arith.constant 4 : i32
        %mul3A_408 = vector.broadcast %mul3A_407 : i32 to vector<16xi32>
        %mul3A_409 = arith.muli %add3A_358, %mul3A_408 : vector<16xi32>
        %add3A_410 = arith.constant 2 : i32
        %add3A_411 = vector.broadcast %add3A_410 : i32 to vector<16xi32>
        %add3A_412 = arith.addi %mul3A_409, %add3A_411 : vector<16xi32>
        tpu.vector_store_idx %arg27[%add3A_412], %exp3A_406 : memref<320xf32, #tpu.memory_space<vmem>>[vector<16xi32>], vector<16xf32>,
        %broadcast_in_dim3A_413 = arith.constant 131 : i32
        %broadcast_in_dim3A_414 = vector.broadcast %broadcast_in_dim3A_413 : i32 to vector<16xi32>
        %gather3A_415 = tpu.vector_load_idx %arg7[%add3A_358, %broadcast_in_dim3A_414] : memref<80x144xf32, #tpu.memory_space<vmem>>[vector<16xi32>, vector<16xi32>], vector<16xf32>,
        %broadcast_in_dim3A_416 = arith.constant 3 : i32
        %broadcast_in_dim3A_417 = vector.broadcast %broadcast_in_dim3A_416 : i32 to vector<16xi32>
        %gather3A_418 = tpu.vector_load_idx %arg8[%add3A_358, %broadcast_in_dim3A_417] : memref<80x16xf32, #tpu.memory_space<vmem>>[vector<16xi32>, vector<16xi32>], vector<16xf32>,
        %add3A_419 = arith.addf %gather3A_415, %gather3A_418 : vector<16xf32>
        %mul3A_420 = arith.constant 2.000000e-01 : f32
        %mul3A_421 = vector.broadcast %mul3A_420 : f32 to vector<16xf32>
        %mul3A_422 = arith.mulf %mul3A_421, %add3A_419 : vector<16xf32>
        %max3A_423 = arith.maximumf %add3A_419, %mul3A_422 : vector<16xf32>
        %exp3A_424 = math.exp %max3A_423 : vector<16xf32>
        %mul3A_425 = arith.constant 4 : i32
        %mul3A_426 = vector.broadcast %mul3A_425 : i32 to vector<16xi32>
        %mul3A_427 = arith.muli %add3A_358, %mul3A_426 : vector<16xi32>
        %add3A_428 = arith.constant 3 : i32
        %add3A_429 = vector.broadcast %add3A_428 : i32 to vector<16xi32>
        %add3A_430 = arith.addi %mul3A_427, %add3A_429 : vector<16xi32>
        tpu.vector_store_idx %arg27[%add3A_430], %exp3A_424 : memref<320xf32, #tpu.memory_space<vmem>>[vector<16xi32>], vector<16xf32>,
        %add3A_431 = arith.constant 48 : i32
        %add3A_432 = vector.broadcast %add3A_431 : i32 to vector<16xi32>
        %add3A_433 = arith.addi %add3A_432, %iota3A : vector<16xi32>
        %broadcast_in_dim3A_434 = arith.constant 128 : i32
        %broadcast_in_dim3A_435 = vector.broadcast %broadcast_in_dim3A_434 : i32 to vector<16xi32>
        %gather3A_436 = tpu.vector_load_idx %arg7[%add3A_433, %broadcast_in_dim3A_435] : memref<80x144xf32, #tpu.memory_space<vmem>>[vector<16xi32>, vector<16xi32>], vector<16xf32>,
        %broadcast_in_dim3A_437 = arith.constant 0 : i32
        %broadcast_in_dim3A_438 = vector.broadcast %broadcast_in_dim3A_437 : i32 to vector<16xi32>
        %gather3A_439 = tpu.vector_load_idx %arg8[%add3A_433, %broadcast_in_dim3A_438] : memref<80x16xf32, #tpu.memory_space<vmem>>[vector<16xi32>, vector<16xi32>], vector<16xf32>,
        %add3A_440 = arith.addf %gather3A_436, %gather3A_439 : vector<16xf32>
        %mul3A_441 = arith.constant 2.000000e-01 : f32
        %mul3A_442 = vector.broadcast %mul3A_441 : f32 to vector<16xf32>
        %mul3A_443 = arith.mulf %mul3A_442, %add3A_440 : vector<16xf32>
        %max3A_444 = arith.maximumf %add3A_440, %mul3A_443 : vector<16xf32>
        %exp3A_445 = math.exp %max3A_444 : vector<16xf32>
        %mul3A_446 = arith.constant 4 : i32
        %mul3A_447 = vector.broadcast %mul3A_446 : i32 to vector<16xi32>
        %mul3A_448 = arith.muli %add3A_433, %mul3A_447 : vector<16xi32>
        %add3A_449 = arith.constant 0 : i32
        %add3A_450 = vector.broadcast %add3A_449 : i32 to vector<16xi32>
        %add3A_451 = arith.addi %mul3A_448, %add3A_450 : vector<16xi32>
        tpu.vector_store_idx %arg27[%add3A_451], %exp3A_445 : memref<320xf32, #tpu.memory_space<vmem>>[vector<16xi32>], vector<16xf32>,
        %broadcast_in_dim3A_452 = arith.constant 129 : i32
        %broadcast_in_dim3A_453 = vector.broadcast %broadcast_in_dim3A_452 : i32 to vector<16xi32>
        %gather3A_454 = tpu.vector_load_idx %arg7[%add3A_433, %broadcast_in_dim3A_453] : memref<80x144xf32, #tpu.memory_space<vmem>>[vector<16xi32>, vector<16xi32>], vector<16xf32>,
        %broadcast_in_dim3A_455 = arith.constant 1 : i32
        %broadcast_in_dim3A_456 = vector.broadcast %broadcast_in_dim3A_455 : i32 to vector<16xi32>
        %gather3A_457 = tpu.vector_load_idx %arg8[%add3A_433, %broadcast_in_dim3A_456] : memref<80x16xf32, #tpu.memory_space<vmem>>[vector<16xi32>, vector<16xi32>], vector<16xf32>,
        %add3A_458 = arith.addf %gather3A_454, %gather3A_457 : vector<16xf32>
        %mul3A_459 = arith.constant 2.000000e-01 : f32
        %mul3A_460 = vector.broadcast %mul3A_459 : f32 to vector<16xf32>
        %mul3A_461 = arith.mulf %mul3A_460, %add3A_458 : vector<16xf32>
        %max3A_462 = arith.maximumf %add3A_458, %mul3A_461 : vector<16xf32>
        %exp3A_463 = math.exp %max3A_462 : vector<16xf32>
        %mul3A_464 = arith.constant 4 : i32
        %mul3A_465 = vector.broadcast %mul3A_464 : i32 to vector<16xi32>
        %mul3A_466 = arith.muli %add3A_433, %mul3A_465 : vector<16xi32>
        %add3A_467 = arith.constant 1 : i32
        %add3A_468 = vector.broadcast %add3A_467 : i32 to vector<16xi32>
        %add3A_469 = arith.addi %mul3A_466, %add3A_468 : vector<16xi32>
        tpu.vector_store_idx %arg27[%add3A_469], %exp3A_463 : memref<320xf32, #tpu.memory_space<vmem>>[vector<16xi32>], vector<16xf32>,
        %broadcast_in_dim3A_470 = arith.constant 130 : i32
        %broadcast_in_dim3A_471 = vector.broadcast %broadcast_in_dim3A_470 : i32 to vector<16xi32>
        %gather3A_472 = tpu.vector_load_idx %arg7[%add3A_433, %broadcast_in_dim3A_471] : memref<80x144xf32, #tpu.memory_space<vmem>>[vector<16xi32>, vector<16xi32>], vector<16xf32>,
        %broadcast_in_dim3A_473 = arith.constant 2 : i32
        %broadcast_in_dim3A_474 = vector.broadcast %broadcast_in_dim3A_473 : i32 to vector<16xi32>
        %gather3A_475 = tpu.vector_load_idx %arg8[%add3A_433, %broadcast_in_dim3A_474] : memref<80x16xf32, #tpu.memory_space<vmem>>[vector<16xi32>, vector<16xi32>], vector<16xf32>,
        %add3A_476 = arith.addf %gather3A_472, %gather3A_475 : vector<16xf32>
        %mul3A_477 = arith.constant 2.000000e-01 : f32
        %mul3A_478 = vector.broadcast %mul3A_477 : f32 to vector<16xf32>
        %mul3A_479 = arith.mulf %mul3A_478, %add3A_476 : vector<16xf32>
        %max3A_480 = arith.maximumf %add3A_476, %mul3A_479 : vector<16xf32>
        %exp3A_481 = math.exp %max3A_480 : vector<16xf32>
        %mul3A_482 = arith.constant 4 : i32
        %mul3A_483 = vector.broadcast %mul3A_482 : i32 to vector<16xi32>
        %mul3A_484 = arith.muli %add3A_433, %mul3A_483 : vector<16xi32>
        %add3A_485 = arith.constant 2 : i32
        %add3A_486 = vector.broadcast %add3A_485 : i32 to vector<16xi32>
        %add3A_487 = arith.addi %mul3A_484, %add3A_486 : vector<16xi32>
        tpu.vector_store_idx %arg27[%add3A_487], %exp3A_481 : memref<320xf32, #tpu.memory_space<vmem>>[vector<16xi32>], vector<16xf32>,
        %broadcast_in_dim3A_488 = arith.constant 131 : i32
        %broadcast_in_dim3A_489 = vector.broadcast %broadcast_in_dim3A_488 : i32 to vector<16xi32>
        %gather3A_490 = tpu.vector_load_idx %arg7[%add3A_433, %broadcast_in_dim3A_489] : memref<80x144xf32, #tpu.memory_space<vmem>>[vector<16xi32>, vector<16xi32>], vector<16xf32>,
        %broadcast_in_dim3A_491 = arith.constant 3 : i32
        %broadcast_in_dim3A_492 = vector.broadcast %broadcast_in_dim3A_491 : i32 to vector<16xi32>
        %gather3A_493 = tpu.vector_load_idx %arg8[%add3A_433, %broadcast_in_dim3A_492] : memref<80x16xf32, #tpu.memory_space<vmem>>[vector<16xi32>, vector<16xi32>], vector<16xf32>,
        %add3A_494 = arith.addf %gather3A_490, %gather3A_493 : vector<16xf32>
        %mul3A_495 = arith.constant 2.000000e-01 : f32
        %mul3A_496 = vector.broadcast %mul3A_495 : f32 to vector<16xf32>
        %mul3A_497 = arith.mulf %mul3A_496, %add3A_494 : vector<16xf32>
        %max3A_498 = arith.maximumf %add3A_494, %mul3A_497 : vector<16xf32>
        %exp3A_499 = math.exp %max3A_498 : vector<16xf32>
        %mul3A_500 = arith.constant 4 : i32
        %mul3A_501 = vector.broadcast %mul3A_500 : i32 to vector<16xi32>
        %mul3A_502 = arith.muli %add3A_433, %mul3A_501 : vector<16xi32>
        %add3A_503 = arith.constant 3 : i32
        %add3A_504 = vector.broadcast %add3A_503 : i32 to vector<16xi32>
        %add3A_505 = arith.addi %mul3A_502, %add3A_504 : vector<16xi32>
        tpu.vector_store_idx %arg27[%add3A_505], %exp3A_499 : memref<320xf32, #tpu.memory_space<vmem>>[vector<16xi32>], vector<16xf32>,
        %add3A_506 = arith.constant 64 : i32
        %add3A_507 = vector.broadcast %add3A_506 : i32 to vector<16xi32>
        %add3A_508 = arith.addi %add3A_507, %iota3A : vector<16xi32>
        %broadcast_in_dim3A_509 = arith.constant 128 : i32
        %broadcast_in_dim3A_510 = vector.broadcast %broadcast_in_dim3A_509 : i32 to vector<16xi32>
        %gather3A_511 = tpu.vector_load_idx %arg7[%add3A_508, %broadcast_in_dim3A_510] : memref<80x144xf32, #tpu.memory_space<vmem>>[vector<16xi32>, vector<16xi32>], vector<16xf32>,
        %broadcast_in_dim3A_512 = arith.constant 0 : i32
        %broadcast_in_dim3A_513 = vector.broadcast %broadcast_in_dim3A_512 : i32 to vector<16xi32>
        %gather3A_514 = tpu.vector_load_idx %arg8[%add3A_508, %broadcast_in_dim3A_513] : memref<80x16xf32, #tpu.memory_space<vmem>>[vector<16xi32>, vector<16xi32>], vector<16xf32>,
        %add3A_515 = arith.addf %gather3A_511, %gather3A_514 : vector<16xf32>
        %mul3A_516 = arith.constant 2.000000e-01 : f32
        %mul3A_517 = vector.broadcast %mul3A_516 : f32 to vector<16xf32>
        %mul3A_518 = arith.mulf %mul3A_517, %add3A_515 : vector<16xf32>
        %max3A_519 = arith.maximumf %add3A_515, %mul3A_518 : vector<16xf32>
        %exp3A_520 = math.exp %max3A_519 : vector<16xf32>
        %mul3A_521 = arith.constant 4 : i32
        %mul3A_522 = vector.broadcast %mul3A_521 : i32 to vector<16xi32>
        %mul3A_523 = arith.muli %add3A_508, %mul3A_522 : vector<16xi32>
        %add3A_524 = arith.constant 0 : i32
        %add3A_525 = vector.broadcast %add3A_524 : i32 to vector<16xi32>
        %add3A_526 = arith.addi %mul3A_523, %add3A_525 : vector<16xi32>
        tpu.vector_store_idx %arg27[%add3A_526], %exp3A_520 : memref<320xf32, #tpu.memory_space<vmem>>[vector<16xi32>], vector<16xf32>,
        %broadcast_in_dim3A_527 = arith.constant 129 : i32
        %broadcast_in_dim3A_528 = vector.broadcast %broadcast_in_dim3A_527 : i32 to vector<16xi32>
        %gather3A_529 = tpu.vector_load_idx %arg7[%add3A_508, %broadcast_in_dim3A_528] : memref<80x144xf32, #tpu.memory_space<vmem>>[vector<16xi32>, vector<16xi32>], vector<16xf32>,
        %broadcast_in_dim3A_530 = arith.constant 1 : i32
        %broadcast_in_dim3A_531 = vector.broadcast %broadcast_in_dim3A_530 : i32 to vector<16xi32>
        %gather3A_532 = tpu.vector_load_idx %arg8[%add3A_508, %broadcast_in_dim3A_531] : memref<80x16xf32, #tpu.memory_space<vmem>>[vector<16xi32>, vector<16xi32>], vector<16xf32>,
        %add3A_533 = arith.addf %gather3A_529, %gather3A_532 : vector<16xf32>
        %mul3A_534 = arith.constant 2.000000e-01 : f32
        %mul3A_535 = vector.broadcast %mul3A_534 : f32 to vector<16xf32>
        %mul3A_536 = arith.mulf %mul3A_535, %add3A_533 : vector<16xf32>
        %max3A_537 = arith.maximumf %add3A_533, %mul3A_536 : vector<16xf32>
        %exp3A_538 = math.exp %max3A_537 : vector<16xf32>
        %mul3A_539 = arith.constant 4 : i32
        %mul3A_540 = vector.broadcast %mul3A_539 : i32 to vector<16xi32>
        %mul3A_541 = arith.muli %add3A_508, %mul3A_540 : vector<16xi32>
        %add3A_542 = arith.constant 1 : i32
        %add3A_543 = vector.broadcast %add3A_542 : i32 to vector<16xi32>
        %add3A_544 = arith.addi %mul3A_541, %add3A_543 : vector<16xi32>
        tpu.vector_store_idx %arg27[%add3A_544], %exp3A_538 : memref<320xf32, #tpu.memory_space<vmem>>[vector<16xi32>], vector<16xf32>,
        %broadcast_in_dim3A_545 = arith.constant 130 : i32
        %broadcast_in_dim3A_546 = vector.broadcast %broadcast_in_dim3A_545 : i32 to vector<16xi32>
        %gather3A_547 = tpu.vector_load_idx %arg7[%add3A_508, %broadcast_in_dim3A_546] : memref<80x144xf32, #tpu.memory_space<vmem>>[vector<16xi32>, vector<16xi32>], vector<16xf32>,
        %broadcast_in_dim3A_548 = arith.constant 2 : i32
        %broadcast_in_dim3A_549 = vector.broadcast %broadcast_in_dim3A_548 : i32 to vector<16xi32>
        %gather3A_550 = tpu.vector_load_idx %arg8[%add3A_508, %broadcast_in_dim3A_549] : memref<80x16xf32, #tpu.memory_space<vmem>>[vector<16xi32>, vector<16xi32>], vector<16xf32>,
        %add3A_551 = arith.addf %gather3A_547, %gather3A_550 : vector<16xf32>
        %mul3A_552 = arith.constant 2.000000e-01 : f32
        %mul3A_553 = vector.broadcast %mul3A_552 : f32 to vector<16xf32>
        %mul3A_554 = arith.mulf %mul3A_553, %add3A_551 : vector<16xf32>
        %max3A_555 = arith.maximumf %add3A_551, %mul3A_554 : vector<16xf32>
        %exp3A_556 = math.exp %max3A_555 : vector<16xf32>
        %mul3A_557 = arith.constant 4 : i32
        %mul3A_558 = vector.broadcast %mul3A_557 : i32 to vector<16xi32>
        %mul3A_559 = arith.muli %add3A_508, %mul3A_558 : vector<16xi32>
        %add3A_560 = arith.constant 2 : i32
        %add3A_561 = vector.broadcast %add3A_560 : i32 to vector<16xi32>
        %add3A_562 = arith.addi %mul3A_559, %add3A_561 : vector<16xi32>
        tpu.vector_store_idx %arg27[%add3A_562], %exp3A_556 : memref<320xf32, #tpu.memory_space<vmem>>[vector<16xi32>], vector<16xf32>,
        %broadcast_in_dim3A_563 = arith.constant 131 : i32
        %broadcast_in_dim3A_564 = vector.broadcast %broadcast_in_dim3A_563 : i32 to vector<16xi32>
        %gather3A_565 = tpu.vector_load_idx %arg7[%add3A_508, %broadcast_in_dim3A_564] : memref<80x144xf32, #tpu.memory_space<vmem>>[vector<16xi32>, vector<16xi32>], vector<16xf32>,
        %broadcast_in_dim3A_566 = arith.constant 3 : i32
        %broadcast_in_dim3A_567 = vector.broadcast %broadcast_in_dim3A_566 : i32 to vector<16xi32>
        %gather3A_568 = tpu.vector_load_idx %arg8[%add3A_508, %broadcast_in_dim3A_567] : memref<80x16xf32, #tpu.memory_space<vmem>>[vector<16xi32>, vector<16xi32>], vector<16xf32>,
        %add3A_569 = arith.addf %gather3A_565, %gather3A_568 : vector<16xf32>
        %mul3A_570 = arith.constant 2.000000e-01 : f32
        %mul3A_571 = vector.broadcast %mul3A_570 : f32 to vector<16xf32>
        %mul3A_572 = arith.mulf %mul3A_571, %add3A_569 : vector<16xf32>
        %max3A_573 = arith.maximumf %add3A_569, %mul3A_572 : vector<16xf32>
        %exp3A_574 = math.exp %max3A_573 : vector<16xf32>
        %mul3A_575 = arith.constant 4 : i32
        %mul3A_576 = vector.broadcast %mul3A_575 : i32 to vector<16xi32>
        %mul3A_577 = arith.muli %add3A_508, %mul3A_576 : vector<16xi32>
        %add3A_578 = arith.constant 3 : i32
        %add3A_579 = vector.broadcast %add3A_578 : i32 to vector<16xi32>
        %add3A_580 = arith.addi %mul3A_577, %add3A_579 : vector<16xi32>
        tpu.vector_store_idx %arg27[%add3A_580], %exp3A_574 : memref<320xf32, #tpu.memory_space<vmem>>[vector<16xi32>], vector<16xf32>,
        %parallel_loop3A = arith.constant 0 : i32
        %parallel_loop3A_581 = arith.constant 80 : i32
        %parallel_loop3A_582 = arith.constant 1 : i32
        scf.for %parallel_loop3A_597 = %parallel_loop3A to %parallel_loop3A_581 step %parallel_loop3A_582  : i32 {
          %parallel_loop3A_598 = arith.constant 4 : i32
          %parallel_loop3A_599 = arith.muli %parallel_loop3A_597, %parallel_loop3A_598 : i32
          %parallel_loop3A_600 = vector.broadcast %parallel_loop3A_599 : i32 to vector<16xi32>
          %parallel_loop3A_601 = arith.constant 0 : i32
          %parallel_loop3A_602 = vector.broadcast %parallel_loop3A_601 : i32 to vector<16xi32>
          %parallel_loop3A_603 = arith.addi %parallel_loop3A_600, %parallel_loop3A_602 : vector<16xi32>
          %parallel_loop3A_604 = tpu.vector_load_idx %arg27[%parallel_loop3A_603] : memref<320xf32, #tpu.memory_space<vmem>>[vector<16xi32>], vector<16xf32>,
          %parallel_loop3A_605 = arith.index_cast %parallel_loop3A_597 : i32 to index
          %parallel_loop3A_606 = arith.constant 0 : index
          %parallel_loop3A_607 = tpu.vector_load %arg7[%parallel_loop3A_605, %parallel_loop3A_606] {strides = array<i32>} : memref<80x144xf32, #tpu.memory_space<vmem>>, vector<16xf32>,
          %parallel_loop3A_608 = arith.mulf %parallel_loop3A_607, %parallel_loop3A_604 : vector<16xf32>
          %parallel_loop3A_609 = arith.index_cast %parallel_loop3A_597 : i32 to index
          %parallel_loop3A_610 = arith.constant 0 : index
          %parallel_loop3A_611 = tpu.vector_load %arg7[%parallel_loop3A_609, %parallel_loop3A_610] {strides = array<i32>} : memref<80x144xf32, #tpu.memory_space<vmem>>, vector<16xf32>,
          tpu.vector_store %arg7[%parallel_loop3A_609, %parallel_loop3A_610], %parallel_loop3A_608 {strides = array<i32>} : memref<80x144xf32, #tpu.memory_space<vmem>>, vector<16xf32>,
          %parallel_loop3A_612 = arith.index_cast %parallel_loop3A_597 : i32 to index
          %parallel_loop3A_613 = arith.constant 16 : index
          %parallel_loop3A_614 = tpu.vector_load %arg7[%parallel_loop3A_612, %parallel_loop3A_613] {strides = array<i32>} : memref<80x144xf32, #tpu.memory_space<vmem>>, vector<16xf32>,
          %parallel_loop3A_615 = arith.mulf %parallel_loop3A_614, %parallel_loop3A_604 : vector<16xf32>
          %parallel_loop3A_616 = arith.index_cast %parallel_loop3A_597 : i32 to index
          %parallel_loop3A_617 = arith.constant 16 : index
          %parallel_loop3A_618 = tpu.vector_load %arg7[%parallel_loop3A_616, %parallel_loop3A_617] {strides = array<i32>} : memref<80x144xf32, #tpu.memory_space<vmem>>, vector<16xf32>,
          tpu.vector_store %arg7[%parallel_loop3A_616, %parallel_loop3A_617], %parallel_loop3A_615 {strides = array<i32>} : memref<80x144xf32, #tpu.memory_space<vmem>>, vector<16xf32>,
          %parallel_loop3A_619 = arith.constant 1 : i32
          %parallel_loop3A_620 = vector.broadcast %parallel_loop3A_619 : i32 to vector<16xi32>
          %parallel_loop3A_621 = arith.addi %parallel_loop3A_600, %parallel_loop3A_620 : vector<16xi32>
          %parallel_loop3A_622 = tpu.vector_load_idx %arg27[%parallel_loop3A_621] : memref<320xf32, #tpu.memory_space<vmem>>[vector<16xi32>], vector<16xf32>,
          %parallel_loop3A_623 = arith.index_cast %parallel_loop3A_597 : i32 to index
          %parallel_loop3A_624 = arith.constant 32 : index
          %parallel_loop3A_625 = tpu.vector_load %arg7[%parallel_loop3A_623, %parallel_loop3A_624] {strides = array<i32>} : memref<80x144xf32, #tpu.memory_space<vmem>>, vector<16xf32>,
          %parallel_loop3A_626 = arith.mulf %parallel_loop3A_625, %parallel_loop3A_622 : vector<16xf32>
          %parallel_loop3A_627 = arith.index_cast %parallel_loop3A_597 : i32 to index
          %parallel_loop3A_628 = arith.constant 32 : index
          %parallel_loop3A_629 = tpu.vector_load %arg7[%parallel_loop3A_627, %parallel_loop3A_628] {strides = array<i32>} : memref<80x144xf32, #tpu.memory_space<vmem>>, vector<16xf32>,
          tpu.vector_store %arg7[%parallel_loop3A_627, %parallel_loop3A_628], %parallel_loop3A_626 {strides = array<i32>} : memref<80x144xf32, #tpu.memory_space<vmem>>, vector<16xf32>,
          %parallel_loop3A_630 = arith.index_cast %parallel_loop3A_597 : i32 to index
          %parallel_loop3A_631 = arith.constant 48 : index
          %parallel_loop3A_632 = tpu.vector_load %arg7[%parallel_loop3A_630, %parallel_loop3A_631] {strides = array<i32>} : memref<80x144xf32, #tpu.memory_space<vmem>>, vector<16xf32>,
          %parallel_loop3A_633 = arith.mulf %parallel_loop3A_632, %parallel_loop3A_622 : vector<16xf32>
          %parallel_loop3A_634 = arith.index_cast %parallel_loop3A_597 : i32 to index
          %parallel_loop3A_635 = arith.constant 48 : index
          %parallel_loop3A_636 = tpu.vector_load %arg7[%parallel_loop3A_634, %parallel_loop3A_635] {strides = array<i32>} : memref<80x144xf32, #tpu.memory_space<vmem>>, vector<16xf32>,
          tpu.vector_store %arg7[%parallel_loop3A_634, %parallel_loop3A_635], %parallel_loop3A_633 {strides = array<i32>} : memref<80x144xf32, #tpu.memory_space<vmem>>, vector<16xf32>,
          %parallel_loop3A_637 = arith.constant 2 : i32
          %parallel_loop3A_638 = vector.broadcast %parallel_loop3A_637 : i32 to vector<16xi32>
          %parallel_loop3A_639 = arith.addi %parallel_loop3A_600, %parallel_loop3A_638 : vector<16xi32>
          %parallel_loop3A_640 = tpu.vector_load_idx %arg27[%parallel_loop3A_639] : memref<320xf32, #tpu.memory_space<vmem>>[vector<16xi32>], vector<16xf32>,
          %parallel_loop3A_641 = arith.index_cast %parallel_loop3A_597 : i32 to index
          %parallel_loop3A_642 = arith.constant 64 : index
          %parallel_loop3A_643 = tpu.vector_load %arg7[%parallel_loop3A_641, %parallel_loop3A_642] {strides = array<i32>} : memref<80x144xf32, #tpu.memory_space<vmem>>, vector<16xf32>,
          %parallel_loop3A_644 = arith.mulf %parallel_loop3A_643, %parallel_loop3A_640 : vector<16xf32>
          %parallel_loop3A_645 = arith.index_cast %parallel_loop3A_597 : i32 to index
          %parallel_loop3A_646 = arith.constant 64 : index
          %parallel_loop3A_647 = tpu.vector_load %arg7[%parallel_loop3A_645, %parallel_loop3A_646] {strides = array<i32>} : memref<80x144xf32, #tpu.memory_space<vmem>>, vector<16xf32>,
          tpu.vector_store %arg7[%parallel_loop3A_645, %parallel_loop3A_646], %parallel_loop3A_644 {strides = array<i32>} : memref<80x144xf32, #tpu.memory_space<vmem>>, vector<16xf32>,
          %parallel_loop3A_648 = arith.index_cast %parallel_loop3A_597 : i32 to index
          %parallel_loop3A_649 = arith.constant 80 : index
          %parallel_loop3A_650 = tpu.vector_load %arg7[%parallel_loop3A_648, %parallel_loop3A_649] {strides = array<i32>} : memref<80x144xf32, #tpu.memory_space<vmem>>, vector<16xf32>,
          %parallel_loop3A_651 = arith.mulf %parallel_loop3A_650, %parallel_loop3A_640 : vector<16xf32>
          %parallel_loop3A_652 = arith.index_cast %parallel_loop3A_597 : i32 to index
          %parallel_loop3A_653 = arith.constant 80 : index
          %parallel_loop3A_654 = tpu.vector_load %arg7[%parallel_loop3A_652, %parallel_loop3A_653] {strides = array<i32>} : memref<80x144xf32, #tpu.memory_space<vmem>>, vector<16xf32>,
          tpu.vector_store %arg7[%parallel_loop3A_652, %parallel_loop3A_653], %parallel_loop3A_651 {strides = array<i32>} : memref<80x144xf32, #tpu.memory_space<vmem>>, vector<16xf32>,
          %parallel_loop3A_655 = arith.constant 3 : i32
          %parallel_loop3A_656 = vector.broadcast %parallel_loop3A_655 : i32 to vector<16xi32>
          %parallel_loop3A_657 = arith.addi %parallel_loop3A_600, %parallel_loop3A_656 : vector<16xi32>
          %parallel_loop3A_658 = tpu.vector_load_idx %arg27[%parallel_loop3A_657] : memref<320xf32, #tpu.memory_space<vmem>>[vector<16xi32>], vector<16xf32>,
          %parallel_loop3A_659 = arith.index_cast %parallel_loop3A_597 : i32 to index
          %parallel_loop3A_660 = arith.constant 96 : index
          %parallel_loop3A_661 = tpu.vector_load %arg7[%parallel_loop3A_659, %parallel_loop3A_660] {strides = array<i32>} : memref<80x144xf32, #tpu.memory_space<vmem>>, vector<16xf32>,
          %parallel_loop3A_662 = arith.mulf %parallel_loop3A_661, %parallel_loop3A_658 : vector<16xf32>
          %parallel_loop3A_663 = arith.index_cast %parallel_loop3A_597 : i32 to index
          %parallel_loop3A_664 = arith.constant 96 : index
          %parallel_loop3A_665 = tpu.vector_load %arg7[%parallel_loop3A_663, %parallel_loop3A_664] {strides = array<i32>} : memref<80x144xf32, #tpu.memory_space<vmem>>, vector<16xf32>,
          tpu.vector_store %arg7[%parallel_loop3A_663, %parallel_loop3A_664], %parallel_loop3A_662 {strides = array<i32>} : memref<80x144xf32, #tpu.memory_space<vmem>>, vector<16xf32>,
          %parallel_loop3A_666 = arith.index_cast %parallel_loop3A_597 : i32 to index
          %parallel_loop3A_667 = arith.constant 112 : index
          %parallel_loop3A_668 = tpu.vector_load %arg7[%parallel_loop3A_666, %parallel_loop3A_667] {strides = array<i32>} : memref<80x144xf32, #tpu.memory_space<vmem>>, vector<16xf32>,
          %parallel_loop3A_669 = arith.mulf %parallel_loop3A_668, %parallel_loop3A_658 : vector<16xf32>
          %parallel_loop3A_670 = arith.index_cast %parallel_loop3A_597 : i32 to index
          %parallel_loop3A_671 = arith.constant 112 : index
          %parallel_loop3A_672 = tpu.vector_load %arg7[%parallel_loop3A_670, %parallel_loop3A_671] {strides = array<i32>} : memref<80x144xf32, #tpu.memory_space<vmem>>, vector<16xf32>,
          tpu.vector_store %arg7[%parallel_loop3A_670, %parallel_loop3A_671], %parallel_loop3A_669 {strides = array<i32>} : memref<80x144xf32, #tpu.memory_space<vmem>>, vector<16xf32>,
          %parallel_loop3A_673 = arith.constant 3 : i32
          %parallel_loop3A_674 = vector.broadcast %parallel_loop3A_673 : i32 to vector<16xi32>
          %parallel_loop3A_675 = arith.minsi %iota3A, %parallel_loop3A_674 : vector<16xi32>
          %parallel_loop3A_676 = arith.addi %parallel_loop3A_600, %parallel_loop3A_675 : vector<16xi32>
          %parallel_loop3A_677 = tpu.vector_load_idx %arg27[%parallel_loop3A_676] : memref<320xf32, #tpu.memory_space<vmem>>[vector<16xi32>], vector<16xf32>,
          %parallel_loop3A_678 = arith.constant 4 : i32
          %parallel_loop3A_679 = vector.broadcast %parallel_loop3A_678 : i32 to vector<16xi32>
          %parallel_loop3A_680 = arith.cmpi slt, %iota3A, %parallel_loop3A_679 : vector<16xi32>
          %parallel_loop3A_681 = arith.constant 0.000000e+00 : f32
          %parallel_loop3A_682 = vector.broadcast %parallel_loop3A_681 : f32 to vector<16xf32>
          %parallel_loop3A_683 = arith.select %parallel_loop3A_680, %parallel_loop3A_677, %parallel_loop3A_682 : vector<16xi1>, vector<16xf32>
          %parallel_loop3A_684 = arith.index_cast %parallel_loop3A_597 : i32 to index
          %parallel_loop3A_685 = arith.constant 128 : index
          %parallel_loop3A_686 = tpu.vector_load %arg7[%parallel_loop3A_684, %parallel_loop3A_685] {strides = array<i32>} : memref<80x144xf32, #tpu.memory_space<vmem>>, vector<16xf32>,
          tpu.vector_store %arg7[%parallel_loop3A_684, %parallel_loop3A_685], %parallel_loop3A_683 {strides = array<i32>} : memref<80x144xf32, #tpu.memory_space<vmem>>, vector<16xf32>,
        } {sc.loop_unroll_factor = 8 : i64, sc.parallel_access}
        %dma_start3A_583 = arith.constant 1 : i32
        %dma_start3A_584 = arith.constant 0 : i32
        %dma_start3A_585 = tpu.memref_slice %arg6[%dma_start3A_583, %dma_start3A_584] : memref<2x80xi32, #tpu.memory_space<vmem>> -> memref<1x80xi32, #tpu.memory_space<vmem>>
        %dma_start3A_586 = tpu.memref_squeeze %dma_start3A_585 : memref<1x80xi32, #tpu.memory_space<vmem>> -> memref<80xi32, #tpu.memory_space<vmem>>
        %dma_start3A_587 = arith.constant 0 : i32
        %dma_start3A_588 = arith.constant 0 : i32
        %dma_start3A_589 = tpu.memref_slice %arg28[%dma_start3A_587, %dma_start3A_588] : memref<10112x144xf32, #tpu.memory_space<vmem_shared>> -> memref<10112x144xf32, #tpu.memory_space<vmem_shared>>
        tpu.enqueue_indirect_dma source(%arg7 : memref<80x144xf32, #tpu.memory_space<vmem>>) target(%dma_start3A_589 : memref<10112x144xf32, #tpu.memory_space<vmem_shared>>) offsets(%dma_start3A_586 : memref<80xi32, #tpu.memory_space<vmem>>) semaphore(%arg12 : memref<!tpu.dma_semaphore, #tpu.memory_space<semaphore_mem>>) {add = true}
        %add3A_590 = arith.constant 2 : i32
        %add3A_591 = arith.addi %scan3A_140, %add3A_590 : i32
        %lt3A_592 = arith.constant 125 : i32
        %lt3A_593 = arith.cmpi slt, %add3A_591, %lt3A_592 : i32
        %convert_element_type3A_594 = arith.extui %lt3A_593 : i1 to i32
        %cond3A_595 = arith.constant 0 : i32
        %cond3A_596 = arith.cmpi ne, %convert_element_type3A_594, %cond3A_595 : i32
        scf.if %cond3A_596 {
          %add3A_597 = arith.constant 2 : i32
          %add3A_598 = arith.addi %scan3A_140, %add3A_597 : i32
          %jit3A_599 = arith.constant 3 : i32
          %eq3A_600 = arith.constant 0 : i32
          %eq3A_601 = arith.cmpi eq, %jit3A_599, %eq3A_600 : i32
          %jit3A_602 = arith.constant 1 : i32
          %select_n3A_603 = arith.select %eq3A_601, %jit3A_602, %jit3A_599 : i32
          %rem3A_604 = arith.remsi %add3A_598, %select_n3A_603 : i32
          %ne3A_605 = arith.constant 0 : i32
          %ne3A_606 = arith.cmpi ne, %rem3A_604, %ne3A_605 : i32
          %lt3A_607 = arith.constant 0 : i32
          %lt3A_608 = arith.cmpi slt, %rem3A_604, %lt3A_607 : i32
          %lt3A_609 = arith.constant 0 : i32
          %lt3A_610 = arith.cmpi slt, %select_n3A_603, %lt3A_609 : i32
          %ne3A_611 = arith.xori %lt3A_608, %lt3A_610 : i1
          %and3A_612 = arith.andi %ne3A_611, %ne3A_606 : i1
          %add3A_613 = arith.addi %rem3A_604, %select_n3A_603 : i32
          %select_n3A_614 = arith.select %and3A_612, %add3A_613, %rem3A_604 : i32
          %eq3A_615 = arith.constant 0 : i32
          %eq3A_616 = arith.cmpi eq, %select_n3A_614, %eq3A_615 : i32
          %convert_element_type3A_617 = arith.extui %eq3A_616 : i1 to i32
          %cond3A_618 = arith.constant 0 : i32
          %cond3A_619 = arith.cmpi ne, %convert_element_type3A_617, %cond3A_618 : i32
          scf.if %cond3A_619 {
            %ge3A = arith.constant 1 : i32
            %ge3A_630 = arith.cmpi sge, %scan3A_140, %ge3A : i32
            %convert_element_type3A_631 = arith.extui %ge3A_630 : i1 to i32
            %cond3A_632 = arith.constant 0 : i32
            %cond3A_633 = arith.cmpi ne, %convert_element_type3A_631, %cond3A_632 : i32
            scf.if %cond3A_633 {
              %dma_wait3A_663 = arith.constant 1 : i32
              %dma_wait3A_664 = arith.constant 0 : i32
              %dma_wait3A_665 = tpu.memref_slice %arg6[%dma_wait3A_663, %dma_wait3A_664] : memref<2x80xi32, #tpu.memory_space<vmem>> -> memref<1x80xi32, #tpu.memory_space<vmem>>
              %dma_wait3A_666 = tpu.memref_squeeze %dma_wait3A_665 : memref<1x80xi32, #tpu.memory_space<vmem>> -> memref<80xi32, #tpu.memory_space<vmem>>
              %dma_wait3A_667 = arith.constant 0 : i32
              %dma_wait3A_668 = arith.constant 0 : i32
              %dma_wait3A_669 = tpu.memref_slice %arg28[%dma_wait3A_667, %dma_wait3A_668] : memref<10112x144xf32, #tpu.memory_space<vmem_shared>> -> memref<10112x144xf32, #tpu.memory_space<vmem_shared>>
              tpu.wait_indirect_dma semaphore(%arg12 : memref<!tpu.dma_semaphore, #tpu.memory_space<semaphore_mem>>) src(%arg7 : memref<80x144xf32, #tpu.memory_space<vmem>>) dst(%dma_wait3A_669 : memref<10112x144xf32, #tpu.memory_space<vmem_shared>>)
            } else {
            }
            %add3A_634 = arith.constant 2 : i32
            %add3A_635 = arith.addi %scan3A_140, %add3A_634 : i32
            %mul3A_636 = arith.constant 32 : i32
            %mul3A_637 = arith.muli %add3A_635, %mul3A_636 : i32
            %add3A_638 = arith.addi %mul3A_637, %add3A : i32
            %mul3A_639 = arith.constant 80 : i32
            %mul3A_640 = arith.muli %add3A_638, %mul3A_639 : i32
            %dma_start3A_641 = arith.constant 0 : i32
            %dma_start3A_642 = tpu.memref_slice %arg3[%dma_start3A_641, %mul3A_640] : memref<2x320000xi32, #tpu.memory_space<hbm>> -> memref<2x80xi32, #tpu.memory_space<hbm>>
            %dma_start3A_643 = arith.constant 0 : i32
            %dma_start3A_644 = tpu.memref_slice %arg3[%dma_start3A_643, %mul3A_640] : memref<2x320000xi32, #tpu.memory_space<hbm>> -> memref<2x80xi32, #tpu.memory_space<hbm>>
            tpu.enqueue_dma source(%dma_start3A_644 : memref<2x80xi32, #tpu.memory_space<hbm>>) target(%arg6 : memref<2x80xi32, #tpu.memory_space<vmem>>) target_semaphore(%arg9 : memref<!tpu.dma_semaphore, #tpu.memory_space<semaphore_mem>>)
            %dma_wait3A_645 = arith.constant 0 : i32
            %dma_wait3A_646 = tpu.memref_slice %arg3[%dma_wait3A_645, %mul3A_640] : memref<2x320000xi32, #tpu.memory_space<hbm>> -> memref<2x80xi32, #tpu.memory_space<hbm>>
            %dma_wait3A_647 = arith.constant 0 : i32
            %dma_wait3A_648 = tpu.memref_slice %arg3[%dma_wait3A_647, %mul3A_640] : memref<2x320000xi32, #tpu.memory_space<hbm>> -> memref<2x80xi32, #tpu.memory_space<hbm>>
            tpu.wait_dma2 semaphore(%arg9 : memref<!tpu.dma_semaphore, #tpu.memory_space<semaphore_mem>>) src(%dma_wait3A_648 : memref<2x80xi32, #tpu.memory_space<hbm>>) dst(%arg6 : memref<2x80xi32, #tpu.memory_space<vmem>>)
            %dma_start3A_649 = arith.constant 0 : i32
            %dma_start3A_650 = arith.constant 0 : i32
            %dma_start3A_651 = tpu.memref_slice %arg6[%dma_start3A_649, %dma_start3A_650] : memref<2x80xi32, #tpu.memory_space<vmem>> -> memref<1x80xi32, #tpu.memory_space<vmem>>
            %dma_start3A_652 = tpu.memref_squeeze %dma_start3A_651 : memref<1x80xi32, #tpu.memory_space<vmem>> -> memref<80xi32, #tpu.memory_space<vmem>>
            %dma_start3A_653 = arith.constant 0 : i32
            %dma_start3A_654 = arith.constant 0 : i32
            %dma_start3A_655 = tpu.memref_slice %arg2[%dma_start3A_653, %dma_start3A_654] : memref<10000x144xf32, #tpu.memory_space<hbm>> -> memref<10000x144xf32, #tpu.memory_space<hbm>>
            tpu.enqueue_indirect_dma source(%dma_start3A_655 : memref<10000x144xf32, #tpu.memory_space<hbm>>) target(%arg7 : memref<80x144xf32, #tpu.memory_space<vmem>>) offsets(%dma_start3A_652 : memref<80xi32, #tpu.memory_space<vmem>>) semaphore(%arg10 : memref<!tpu.dma_semaphore, #tpu.memory_space<semaphore_mem>>)
            %dma_start3A_656 = arith.constant 1 : i32
            %dma_start3A_657 = arith.constant 0 : i32
            %dma_start3A_658 = tpu.memref_slice %arg6[%dma_start3A_656, %dma_start3A_657] : memref<2x80xi32, #tpu.memory_space<vmem>> -> memref<1x80xi32, #tpu.memory_space<vmem>>
            %dma_start3A_659 = tpu.memref_squeeze %dma_start3A_658 : memref<1x80xi32, #tpu.memory_space<vmem>> -> memref<80xi32, #tpu.memory_space<vmem>>
            %dma_start3A_660 = arith.constant 0 : i32
            %dma_start3A_661 = arith.constant 0 : i32
            %dma_start3A_662 = tpu.memref_slice %arg4[%dma_start3A_660, %dma_start3A_661] : memref<10000x16xf32, #tpu.memory_space<hbm>> -> memref<10000x16xf32, #tpu.memory_space<hbm>>
            tpu.enqueue_indirect_dma source(%dma_start3A_662 : memref<10000x16xf32, #tpu.memory_space<hbm>>) target(%arg8 : memref<80x16xf32, #tpu.memory_space<vmem>>) offsets(%dma_start3A_659 : memref<80xi32, #tpu.memory_space<vmem>>) semaphore(%arg11 : memref<!tpu.dma_semaphore, #tpu.memory_space<semaphore_mem>>)
          } else {
          }
          %eq3A_620 = arith.constant 1 : i32
          %eq3A_621 = arith.cmpi eq, %select_n3A_614, %eq3A_620 : i32
          %convert_element_type3A_622 = arith.extui %eq3A_621 : i1 to i32
          %cond3A_623 = arith.constant 0 : i32
          %cond3A_624 = arith.cmpi ne, %convert_element_type3A_622, %cond3A_623 : i32
          scf.if %cond3A_624 {
            %ge3A = arith.constant 1 : i32
            %ge3A_630 = arith.cmpi sge, %scan3A_140, %ge3A : i32
            %convert_element_type3A_631 = arith.extui %ge3A_630 : i1 to i32
            %cond3A_632 = arith.constant 0 : i32
            %cond3A_633 = arith.cmpi ne, %convert_element_type3A_631, %cond3A_632 : i32
            scf.if %cond3A_633 {
              %dma_wait3A_663 = arith.constant 1 : i32
              %dma_wait3A_664 = arith.constant 0 : i32
              %dma_wait3A_665 = tpu.memref_slice %arg13[%dma_wait3A_663, %dma_wait3A_664] : memref<2x80xi32, #tpu.memory_space<vmem>> -> memref<1x80xi32, #tpu.memory_space<vmem>>
              %dma_wait3A_666 = tpu.memref_squeeze %dma_wait3A_665 : memref<1x80xi32, #tpu.memory_space<vmem>> -> memref<80xi32, #tpu.memory_space<vmem>>
              %dma_wait3A_667 = arith.constant 0 : i32
              %dma_wait3A_668 = arith.constant 0 : i32
              %dma_wait3A_669 = tpu.memref_slice %arg28[%dma_wait3A_667, %dma_wait3A_668] : memref<10112x144xf32, #tpu.memory_space<vmem_shared>> -> memref<10112x144xf32, #tpu.memory_space<vmem_shared>>
              tpu.wait_indirect_dma semaphore(%arg19 : memref<!tpu.dma_semaphore, #tpu.memory_space<semaphore_mem>>) src(%arg14 : memref<80x144xf32, #tpu.memory_space<vmem>>) dst(%dma_wait3A_669 : memref<10112x144xf32, #tpu.memory_space<vmem_shared>>)
            } else {
            }
            %add3A_634 = arith.constant 2 : i32
            %add3A_635 = arith.addi %scan3A_140, %add3A_634 : i32
            %mul3A_636 = arith.constant 32 : i32
            %mul3A_637 = arith.muli %add3A_635, %mul3A_636 : i32
            %add3A_638 = arith.addi %mul3A_637, %add3A : i32
            %mul3A_639 = arith.constant 80 : i32
            %mul3A_640 = arith.muli %add3A_638, %mul3A_639 : i32
            %dma_start3A_641 = arith.constant 0 : i32
            %dma_start3A_642 = tpu.memref_slice %arg3[%dma_start3A_641, %mul3A_640] : memref<2x320000xi32, #tpu.memory_space<hbm>> -> memref<2x80xi32, #tpu.memory_space<hbm>>
            %dma_start3A_643 = arith.constant 0 : i32
            %dma_start3A_644 = tpu.memref_slice %arg3[%dma_start3A_643, %mul3A_640] : memref<2x320000xi32, #tpu.memory_space<hbm>> -> memref<2x80xi32, #tpu.memory_space<hbm>>
            tpu.enqueue_dma source(%dma_start3A_644 : memref<2x80xi32, #tpu.memory_space<hbm>>) target(%arg13 : memref<2x80xi32, #tpu.memory_space<vmem>>) target_semaphore(%arg16 : memref<!tpu.dma_semaphore, #tpu.memory_space<semaphore_mem>>)
            %dma_wait3A_645 = arith.constant 0 : i32
            %dma_wait3A_646 = tpu.memref_slice %arg3[%dma_wait3A_645, %mul3A_640] : memref<2x320000xi32, #tpu.memory_space<hbm>> -> memref<2x80xi32, #tpu.memory_space<hbm>>
            %dma_wait3A_647 = arith.constant 0 : i32
            %dma_wait3A_648 = tpu.memref_slice %arg3[%dma_wait3A_647, %mul3A_640] : memref<2x320000xi32, #tpu.memory_space<hbm>> -> memref<2x80xi32, #tpu.memory_space<hbm>>
            tpu.wait_dma2 semaphore(%arg16 : memref<!tpu.dma_semaphore, #tpu.memory_space<semaphore_mem>>) src(%dma_wait3A_648 : memref<2x80xi32, #tpu.memory_space<hbm>>) dst(%arg13 : memref<2x80xi32, #tpu.memory_space<vmem>>)
            %dma_start3A_649 = arith.constant 0 : i32
            %dma_start3A_650 = arith.constant 0 : i32
            %dma_start3A_651 = tpu.memref_slice %arg13[%dma_start3A_649, %dma_start3A_650] : memref<2x80xi32, #tpu.memory_space<vmem>> -> memref<1x80xi32, #tpu.memory_space<vmem>>
            %dma_start3A_652 = tpu.memref_squeeze %dma_start3A_651 : memref<1x80xi32, #tpu.memory_space<vmem>> -> memref<80xi32, #tpu.memory_space<vmem>>
            %dma_start3A_653 = arith.constant 0 : i32
            %dma_start3A_654 = arith.constant 0 : i32
            %dma_start3A_655 = tpu.memref_slice %arg2[%dma_start3A_653, %dma_start3A_654] : memref<10000x144xf32, #tpu.memory_space<hbm>> -> memref<10000x144xf32, #tpu.memory_space<hbm>>
            tpu.enqueue_indirect_dma source(%dma_start3A_655 : memref<10000x144xf32, #tpu.memory_space<hbm>>) target(%arg14 : memref<80x144xf32, #tpu.memory_space<vmem>>) offsets(%dma_start3A_652 : memref<80xi32, #tpu.memory_space<vmem>>) semaphore(%arg17 : memref<!tpu.dma_semaphore, #tpu.memory_space<semaphore_mem>>)
            %dma_start3A_656 = arith.constant 1 : i32
            %dma_start3A_657 = arith.constant 0 : i32
            %dma_start3A_658 = tpu.memref_slice %arg13[%dma_start3A_656, %dma_start3A_657] : memref<2x80xi32, #tpu.memory_space<vmem>> -> memref<1x80xi32, #tpu.memory_space<vmem>>
            %dma_start3A_659 = tpu.memref_squeeze %dma_start3A_658 : memref<1x80xi32, #tpu.memory_space<vmem>> -> memref<80xi32, #tpu.memory_space<vmem>>
            %dma_start3A_660 = arith.constant 0 : i32
            %dma_start3A_661 = arith.constant 0 : i32
            %dma_start3A_662 = tpu.memref_slice %arg4[%dma_start3A_660, %dma_start3A_661] : memref<10000x16xf32, #tpu.memory_space<hbm>> -> memref<10000x16xf32, #tpu.memory_space<hbm>>
            tpu.enqueue_indirect_dma source(%dma_start3A_662 : memref<10000x16xf32, #tpu.memory_space<hbm>>) target(%arg15 : memref<80x16xf32, #tpu.memory_space<vmem>>) offsets(%dma_start3A_659 : memref<80xi32, #tpu.memory_space<vmem>>) semaphore(%arg18 : memref<!tpu.dma_semaphore, #tpu.memory_space<semaphore_mem>>)
          } else {
          }
          %eq3A_625 = arith.constant 2 : i32
          %eq3A_626 = arith.cmpi eq, %select_n3A_614, %eq3A_625 : i32
          %convert_element_type3A_627 = arith.extui %eq3A_626 : i1 to i32
          %cond3A_628 = arith.constant 0 : i32
          %cond3A_629 = arith.cmpi ne, %convert_element_type3A_627, %cond3A_628 : i32
          scf.if %cond3A_629 {
            %ge3A = arith.constant 1 : i32
            %ge3A_630 = arith.cmpi sge, %scan3A_140, %ge3A : i32
            %convert_element_type3A_631 = arith.extui %ge3A_630 : i1 to i32
            %cond3A_632 = arith.constant 0 : i32
            %cond3A_633 = arith.cmpi ne, %convert_element_type3A_631, %cond3A_632 : i32
            scf.if %cond3A_633 {
              %dma_wait3A_663 = arith.constant 1 : i32
              %dma_wait3A_664 = arith.constant 0 : i32
              %dma_wait3A_665 = tpu.memref_slice %arg20[%dma_wait3A_663, %dma_wait3A_664] : memref<2x80xi32, #tpu.memory_space<vmem>> -> memref<1x80xi32, #tpu.memory_space<vmem>>
              %dma_wait3A_666 = tpu.memref_squeeze %dma_wait3A_665 : memref<1x80xi32, #tpu.memory_space<vmem>> -> memref<80xi32, #tpu.memory_space<vmem>>
              %dma_wait3A_667 = arith.constant 0 : i32
              %dma_wait3A_668 = arith.constant 0 : i32
              %dma_wait3A_669 = tpu.memref_slice %arg28[%dma_wait3A_667, %dma_wait3A_668] : memref<10112x144xf32, #tpu.memory_space<vmem_shared>> -> memref<10112x144xf32, #tpu.memory_space<vmem_shared>>
              tpu.wait_indirect_dma semaphore(%arg26 : memref<!tpu.dma_semaphore, #tpu.memory_space<semaphore_mem>>) src(%arg21 : memref<80x144xf32, #tpu.memory_space<vmem>>) dst(%dma_wait3A_669 : memref<10112x144xf32, #tpu.memory_space<vmem_shared>>)
            } else {
            }
            %add3A_634 = arith.constant 2 : i32
            %add3A_635 = arith.addi %scan3A_140, %add3A_634 : i32
            %mul3A_636 = arith.constant 32 : i32
            %mul3A_637 = arith.muli %add3A_635, %mul3A_636 : i32
            %add3A_638 = arith.addi %mul3A_637, %add3A : i32
            %mul3A_639 = arith.constant 80 : i32
            %mul3A_640 = arith.muli %add3A_638, %mul3A_639 : i32
            %dma_start3A_641 = arith.constant 0 : i32
            %dma_start3A_642 = tpu.memref_slice %arg3[%dma_start3A_641, %mul3A_640] : memref<2x320000xi32, #tpu.memory_space<hbm>> -> memref<2x80xi32, #tpu.memory_space<hbm>>
            %dma_start3A_643 = arith.constant 0 : i32
            %dma_start3A_644 = tpu.memref_slice %arg3[%dma_start3A_643, %mul3A_640] : memref<2x320000xi32, #tpu.memory_space<hbm>> -> memref<2x80xi32, #tpu.memory_space<hbm>>
            tpu.enqueue_dma source(%dma_start3A_644 : memref<2x80xi32, #tpu.memory_space<hbm>>) target(%arg20 : memref<2x80xi32, #tpu.memory_space<vmem>>) target_semaphore(%arg23 : memref<!tpu.dma_semaphore, #tpu.memory_space<semaphore_mem>>)
            %dma_wait3A_645 = arith.constant 0 : i32
            %dma_wait3A_646 = tpu.memref_slice %arg3[%dma_wait3A_645, %mul3A_640] : memref<2x320000xi32, #tpu.memory_space<hbm>> -> memref<2x80xi32, #tpu.memory_space<hbm>>
            %dma_wait3A_647 = arith.constant 0 : i32
            %dma_wait3A_648 = tpu.memref_slice %arg3[%dma_wait3A_647, %mul3A_640] : memref<2x320000xi32, #tpu.memory_space<hbm>> -> memref<2x80xi32, #tpu.memory_space<hbm>>
            tpu.wait_dma2 semaphore(%arg23 : memref<!tpu.dma_semaphore, #tpu.memory_space<semaphore_mem>>) src(%dma_wait3A_648 : memref<2x80xi32, #tpu.memory_space<hbm>>) dst(%arg20 : memref<2x80xi32, #tpu.memory_space<vmem>>)
            %dma_start3A_649 = arith.constant 0 : i32
            %dma_start3A_650 = arith.constant 0 : i32
            %dma_start3A_651 = tpu.memref_slice %arg20[%dma_start3A_649, %dma_start3A_650] : memref<2x80xi32, #tpu.memory_space<vmem>> -> memref<1x80xi32, #tpu.memory_space<vmem>>
            %dma_start3A_652 = tpu.memref_squeeze %dma_start3A_651 : memref<1x80xi32, #tpu.memory_space<vmem>> -> memref<80xi32, #tpu.memory_space<vmem>>
            %dma_start3A_653 = arith.constant 0 : i32
            %dma_start3A_654 = arith.constant 0 : i32
            %dma_start3A_655 = tpu.memref_slice %arg2[%dma_start3A_653, %dma_start3A_654] : memref<10000x144xf32, #tpu.memory_space<hbm>> -> memref<10000x144xf32, #tpu.memory_space<hbm>>
            tpu.enqueue_indirect_dma source(%dma_start3A_655 : memref<10000x144xf32, #tpu.memory_space<hbm>>) target(%arg21 : memref<80x144xf32, #tpu.memory_space<vmem>>) offsets(%dma_start3A_652 : memref<80xi32, #tpu.memory_space<vmem>>) semaphore(%arg24 : memref<!tpu.dma_semaphore, #tpu.memory_space<semaphore_mem>>)
            %dma_start3A_656 = arith.constant 1 : i32
            %dma_start3A_657 = arith.constant 0 : i32
            %dma_start3A_658 = tpu.memref_slice %arg20[%dma_start3A_656, %dma_start3A_657] : memref<2x80xi32, #tpu.memory_space<vmem>> -> memref<1x80xi32, #tpu.memory_space<vmem>>
            %dma_start3A_659 = tpu.memref_squeeze %dma_start3A_658 : memref<1x80xi32, #tpu.memory_space<vmem>> -> memref<80xi32, #tpu.memory_space<vmem>>
            %dma_start3A_660 = arith.constant 0 : i32
            %dma_start3A_661 = arith.constant 0 : i32
            %dma_start3A_662 = tpu.memref_slice %arg4[%dma_start3A_660, %dma_start3A_661] : memref<10000x16xf32, #tpu.memory_space<hbm>> -> memref<10000x16xf32, #tpu.memory_space<hbm>>
            tpu.enqueue_indirect_dma source(%dma_start3A_662 : memref<10000x16xf32, #tpu.memory_space<hbm>>) target(%arg22 : memref<80x16xf32, #tpu.memory_space<vmem>>) offsets(%dma_start3A_659 : memref<80xi32, #tpu.memory_space<vmem>>) semaphore(%arg25 : memref<!tpu.dma_semaphore, #tpu.memory_space<semaphore_mem>>)
          } else {
          }
        } else {
        }
      } else {
      }
      %jit3A_153 = arith.constant 3 : i32
      %eq3A_154 = arith.constant 0 : i32
      %eq3A_155 = arith.cmpi eq, %jit3A_153, %eq3A_154 : i32
      %jit3A_156 = arith.constant 1 : i32
      %select_n3A_157 = arith.select %eq3A_155, %jit3A_156, %jit3A_153 : i32
      %rem3A_158 = arith.remsi %scan3A_140, %select_n3A_157 : i32
      %ne3A_159 = arith.constant 0 : i32
      %ne3A_160 = arith.cmpi ne, %rem3A_158, %ne3A_159 : i32
      %lt3A_161 = arith.constant 0 : i32
      %lt3A_162 = arith.cmpi slt, %rem3A_158, %lt3A_161 : i32
      %lt3A_163 = arith.constant 0 : i32
      %lt3A_164 = arith.cmpi slt, %select_n3A_157, %lt3A_163 : i32
      %ne3A_165 = arith.xori %lt3A_162, %lt3A_164 : i1
      %and3A_166 = arith.andi %ne3A_165, %ne3A_160 : i1
      %add3A_167 = arith.addi %rem3A_158, %select_n3A_157 : i32
      %select_n3A_168 = arith.select %and3A_166, %add3A_167, %rem3A_158 : i32
      %eq3A_169 = arith.constant 1 : i32
      %eq3A_170 = arith.cmpi eq, %select_n3A_168, %eq3A_169 : i32
      %convert_element_type3A_171 = arith.extui %eq3A_170 : i1 to i32
      %cond3A_172 = arith.constant 0 : i32
      %cond3A_173 = arith.cmpi ne, %convert_element_type3A_171, %cond3A_172 : i32
      scf.if %cond3A_173 {
        %dma_wait3A_195 = arith.constant 0 : i32
        %dma_wait3A_196 = arith.constant 0 : i32
        %dma_wait3A_197 = tpu.memref_slice %arg13[%dma_wait3A_195, %dma_wait3A_196] : memref<2x80xi32, #tpu.memory_space<vmem>> -> memref<1x80xi32, #tpu.memory_space<vmem>>
        %dma_wait3A_198 = tpu.memref_squeeze %dma_wait3A_197 : memref<1x80xi32, #tpu.memory_space<vmem>> -> memref<80xi32, #tpu.memory_space<vmem>>
        %dma_wait3A_199 = arith.constant 0 : i32
        %dma_wait3A_200 = arith.constant 0 : i32
        %dma_wait3A_201 = tpu.memref_slice %arg2[%dma_wait3A_199, %dma_wait3A_200] : memref<10000x144xf32, #tpu.memory_space<hbm>> -> memref<10000x144xf32, #tpu.memory_space<hbm>>
        tpu.wait_indirect_dma semaphore(%arg17 : memref<!tpu.dma_semaphore, #tpu.memory_space<semaphore_mem>>) src(%dma_wait3A_201 : memref<10000x144xf32, #tpu.memory_space<hbm>>) dst(%arg14 : memref<80x144xf32, #tpu.memory_space<vmem>>)
        %dma_wait3A_202 = arith.constant 1 : i32
        %dma_wait3A_203 = arith.constant 0 : i32
        %dma_wait3A_204 = tpu.memref_slice %arg13[%dma_wait3A_202, %dma_wait3A_203] : memref<2x80xi32, #tpu.memory_space<vmem>> -> memref<1x80xi32, #tpu.memory_space<vmem>>
        %dma_wait3A_205 = tpu.memref_squeeze %dma_wait3A_204 : memref<1x80xi32, #tpu.memory_space<vmem>> -> memref<80xi32, #tpu.memory_space<vmem>>
        %dma_wait3A_206 = arith.constant 0 : i32
        %dma_wait3A_207 = arith.constant 0 : i32
        %dma_wait3A_208 = tpu.memref_slice %arg4[%dma_wait3A_206, %dma_wait3A_207] : memref<10000x16xf32, #tpu.memory_space<hbm>> -> memref<10000x16xf32, #tpu.memory_space<hbm>>
        tpu.wait_indirect_dma semaphore(%arg18 : memref<!tpu.dma_semaphore, #tpu.memory_space<semaphore_mem>>) src(%dma_wait3A_208 : memref<10000x16xf32, #tpu.memory_space<hbm>>) dst(%arg15 : memref<80x16xf32, #tpu.memory_space<vmem>>)
        %add3A_209 = arith.constant 0 : i32
        %add3A_210 = vector.broadcast %add3A_209 : i32 to vector<16xi32>
        %add3A_211 = arith.addi %add3A_210, %iota3A : vector<16xi32>
        %broadcast_in_dim3A_212 = arith.constant 128 : i32
        %broadcast_in_dim3A_213 = vector.broadcast %broadcast_in_dim3A_212 : i32 to vector<16xi32>
        %gather3A = tpu.vector_load_idx %arg14[%add3A_211, %broadcast_in_dim3A_213] : memref<80x144xf32, #tpu.memory_space<vmem>>[vector<16xi32>, vector<16xi32>], vector<16xf32>,
        %broadcast_in_dim3A_214 = arith.constant 0 : i32
        %broadcast_in_dim3A_215 = vector.broadcast %broadcast_in_dim3A_214 : i32 to vector<16xi32>
        %gather3A_216 = tpu.vector_load_idx %arg15[%add3A_211, %broadcast_in_dim3A_215] : memref<80x16xf32, #tpu.memory_space<vmem>>[vector<16xi32>, vector<16xi32>], vector<16xf32>,
        %add3A_217 = arith.addf %gather3A, %gather3A_216 : vector<16xf32>
        %mul3A_218 = arith.constant 2.000000e-01 : f32
        %mul3A_219 = vector.broadcast %mul3A_218 : f32 to vector<16xf32>
        %mul3A_220 = arith.mulf %mul3A_219, %add3A_217 : vector<16xf32>
        %max3A = arith.maximumf %add3A_217, %mul3A_220 : vector<16xf32>
        %exp3A = math.exp %max3A : vector<16xf32>
        %mul3A_221 = arith.constant 4 : i32
        %mul3A_222 = vector.broadcast %mul3A_221 : i32 to vector<16xi32>
        %mul3A_223 = arith.muli %add3A_211, %mul3A_222 : vector<16xi32>
        %add3A_224 = arith.constant 0 : i32
        %add3A_225 = vector.broadcast %add3A_224 : i32 to vector<16xi32>
        %add3A_226 = arith.addi %mul3A_223, %add3A_225 : vector<16xi32>
        tpu.vector_store_idx %arg27[%add3A_226], %exp3A : memref<320xf32, #tpu.memory_space<vmem>>[vector<16xi32>], vector<16xf32>,
        %broadcast_in_dim3A_227 = arith.constant 129 : i32
        %broadcast_in_dim3A_228 = vector.broadcast %broadcast_in_dim3A_227 : i32 to vector<16xi32>
        %gather3A_229 = tpu.vector_load_idx %arg14[%add3A_211, %broadcast_in_dim3A_228] : memref<80x144xf32, #tpu.memory_space<vmem>>[vector<16xi32>, vector<16xi32>], vector<16xf32>,
        %broadcast_in_dim3A_230 = arith.constant 1 : i32
        %broadcast_in_dim3A_231 = vector.broadcast %broadcast_in_dim3A_230 : i32 to vector<16xi32>
        %gather3A_232 = tpu.vector_load_idx %arg15[%add3A_211, %broadcast_in_dim3A_231] : memref<80x16xf32, #tpu.memory_space<vmem>>[vector<16xi32>, vector<16xi32>], vector<16xf32>,
        %add3A_233 = arith.addf %gather3A_229, %gather3A_232 : vector<16xf32>
        %mul3A_234 = arith.constant 2.000000e-01 : f32
        %mul3A_235 = vector.broadcast %mul3A_234 : f32 to vector<16xf32>
        %mul3A_236 = arith.mulf %mul3A_235, %add3A_233 : vector<16xf32>
        %max3A_237 = arith.maximumf %add3A_233, %mul3A_236 : vector<16xf32>
        %exp3A_238 = math.exp %max3A_237 : vector<16xf32>
        %mul3A_239 = arith.constant 4 : i32
        %mul3A_240 = vector.broadcast %mul3A_239 : i32 to vector<16xi32>
        %mul3A_241 = arith.muli %add3A_211, %mul3A_240 : vector<16xi32>
        %add3A_242 = arith.constant 1 : i32
        %add3A_243 = vector.broadcast %add3A_242 : i32 to vector<16xi32>
        %add3A_244 = arith.addi %mul3A_241, %add3A_243 : vector<16xi32>
        tpu.vector_store_idx %arg27[%add3A_244], %exp3A_238 : memref<320xf32, #tpu.memory_space<vmem>>[vector<16xi32>], vector<16xf32>,
        %broadcast_in_dim3A_245 = arith.constant 130 : i32
        %broadcast_in_dim3A_246 = vector.broadcast %broadcast_in_dim3A_245 : i32 to vector<16xi32>
        %gather3A_247 = tpu.vector_load_idx %arg14[%add3A_211, %broadcast_in_dim3A_246] : memref<80x144xf32, #tpu.memory_space<vmem>>[vector<16xi32>, vector<16xi32>], vector<16xf32>,
        %broadcast_in_dim3A_248 = arith.constant 2 : i32
        %broadcast_in_dim3A_249 = vector.broadcast %broadcast_in_dim3A_248 : i32 to vector<16xi32>
        %gather3A_250 = tpu.vector_load_idx %arg15[%add3A_211, %broadcast_in_dim3A_249] : memref<80x16xf32, #tpu.memory_space<vmem>>[vector<16xi32>, vector<16xi32>], vector<16xf32>,
        %add3A_251 = arith.addf %gather3A_247, %gather3A_250 : vector<16xf32>
        %mul3A_252 = arith.constant 2.000000e-01 : f32
        %mul3A_253 = vector.broadcast %mul3A_252 : f32 to vector<16xf32>
        %mul3A_254 = arith.mulf %mul3A_253, %add3A_251 : vector<16xf32>
        %max3A_255 = arith.maximumf %add3A_251, %mul3A_254 : vector<16xf32>
        %exp3A_256 = math.exp %max3A_255 : vector<16xf32>
        %mul3A_257 = arith.constant 4 : i32
        %mul3A_258 = vector.broadcast %mul3A_257 : i32 to vector<16xi32>
        %mul3A_259 = arith.muli %add3A_211, %mul3A_258 : vector<16xi32>
        %add3A_260 = arith.constant 2 : i32
        %add3A_261 = vector.broadcast %add3A_260 : i32 to vector<16xi32>
        %add3A_262 = arith.addi %mul3A_259, %add3A_261 : vector<16xi32>
        tpu.vector_store_idx %arg27[%add3A_262], %exp3A_256 : memref<320xf32, #tpu.memory_space<vmem>>[vector<16xi32>], vector<16xf32>,
        %broadcast_in_dim3A_263 = arith.constant 131 : i32
        %broadcast_in_dim3A_264 = vector.broadcast %broadcast_in_dim3A_263 : i32 to vector<16xi32>
        %gather3A_265 = tpu.vector_load_idx %arg14[%add3A_211, %broadcast_in_dim3A_264] : memref<80x144xf32, #tpu.memory_space<vmem>>[vector<16xi32>, vector<16xi32>], vector<16xf32>,
        %broadcast_in_dim3A_266 = arith.constant 3 : i32
        %broadcast_in_dim3A_267 = vector.broadcast %broadcast_in_dim3A_266 : i32 to vector<16xi32>
        %gather3A_268 = tpu.vector_load_idx %arg15[%add3A_211, %broadcast_in_dim3A_267] : memref<80x16xf32, #tpu.memory_space<vmem>>[vector<16xi32>, vector<16xi32>], vector<16xf32>,
        %add3A_269 = arith.addf %gather3A_265, %gather3A_268 : vector<16xf32>
        %mul3A_270 = arith.constant 2.000000e-01 : f32
        %mul3A_271 = vector.broadcast %mul3A_270 : f32 to vector<16xf32>
        %mul3A_272 = arith.mulf %mul3A_271, %add3A_269 : vector<16xf32>
        %max3A_273 = arith.maximumf %add3A_269, %mul3A_272 : vector<16xf32>
        %exp3A_274 = math.exp %max3A_273 : vector<16xf32>
        %mul3A_275 = arith.constant 4 : i32
        %mul3A_276 = vector.broadcast %mul3A_275 : i32 to vector<16xi32>
        %mul3A_277 = arith.muli %add3A_211, %mul3A_276 : vector<16xi32>
        %add3A_278 = arith.constant 3 : i32
        %add3A_279 = vector.broadcast %add3A_278 : i32 to vector<16xi32>
        %add3A_280 = arith.addi %mul3A_277, %add3A_279 : vector<16xi32>
        tpu.vector_store_idx %arg27[%add3A_280], %exp3A_274 : memref<320xf32, #tpu.memory_space<vmem>>[vector<16xi32>], vector<16xf32>,
        %add3A_281 = arith.constant 16 : i32
        %add3A_282 = vector.broadcast %add3A_281 : i32 to vector<16xi32>
        %add3A_283 = arith.addi %add3A_282, %iota3A : vector<16xi32>
        %broadcast_in_dim3A_284 = arith.constant 128 : i32
        %broadcast_in_dim3A_285 = vector.broadcast %broadcast_in_dim3A_284 : i32 to vector<16xi32>
        %gather3A_286 = tpu.vector_load_idx %arg14[%add3A_283, %broadcast_in_dim3A_285] : memref<80x144xf32, #tpu.memory_space<vmem>>[vector<16xi32>, vector<16xi32>], vector<16xf32>,
        %broadcast_in_dim3A_287 = arith.constant 0 : i32
        %broadcast_in_dim3A_288 = vector.broadcast %broadcast_in_dim3A_287 : i32 to vector<16xi32>
        %gather3A_289 = tpu.vector_load_idx %arg15[%add3A_283, %broadcast_in_dim3A_288] : memref<80x16xf32, #tpu.memory_space<vmem>>[vector<16xi32>, vector<16xi32>], vector<16xf32>,
        %add3A_290 = arith.addf %gather3A_286, %gather3A_289 : vector<16xf32>
        %mul3A_291 = arith.constant 2.000000e-01 : f32
        %mul3A_292 = vector.broadcast %mul3A_291 : f32 to vector<16xf32>
        %mul3A_293 = arith.mulf %mul3A_292, %add3A_290 : vector<16xf32>
        %max3A_294 = arith.maximumf %add3A_290, %mul3A_293 : vector<16xf32>
        %exp3A_295 = math.exp %max3A_294 : vector<16xf32>
        %mul3A_296 = arith.constant 4 : i32
        %mul3A_297 = vector.broadcast %mul3A_296 : i32 to vector<16xi32>
        %mul3A_298 = arith.muli %add3A_283, %mul3A_297 : vector<16xi32>
        %add3A_299 = arith.constant 0 : i32
        %add3A_300 = vector.broadcast %add3A_299 : i32 to vector<16xi32>
        %add3A_301 = arith.addi %mul3A_298, %add3A_300 : vector<16xi32>
        tpu.vector_store_idx %arg27[%add3A_301], %exp3A_295 : memref<320xf32, #tpu.memory_space<vmem>>[vector<16xi32>], vector<16xf32>,
        %broadcast_in_dim3A_302 = arith.constant 129 : i32
        %broadcast_in_dim3A_303 = vector.broadcast %broadcast_in_dim3A_302 : i32 to vector<16xi32>
        %gather3A_304 = tpu.vector_load_idx %arg14[%add3A_283, %broadcast_in_dim3A_303] : memref<80x144xf32, #tpu.memory_space<vmem>>[vector<16xi32>, vector<16xi32>], vector<16xf32>,
        %broadcast_in_dim3A_305 = arith.constant 1 : i32
        %broadcast_in_dim3A_306 = vector.broadcast %broadcast_in_dim3A_305 : i32 to vector<16xi32>
        %gather3A_307 = tpu.vector_load_idx %arg15[%add3A_283, %broadcast_in_dim3A_306] : memref<80x16xf32, #tpu.memory_space<vmem>>[vector<16xi32>, vector<16xi32>], vector<16xf32>,
        %add3A_308 = arith.addf %gather3A_304, %gather3A_307 : vector<16xf32>
        %mul3A_309 = arith.constant 2.000000e-01 : f32
        %mul3A_310 = vector.broadcast %mul3A_309 : f32 to vector<16xf32>
        %mul3A_311 = arith.mulf %mul3A_310, %add3A_308 : vector<16xf32>
        %max3A_312 = arith.maximumf %add3A_308, %mul3A_311 : vector<16xf32>
        %exp3A_313 = math.exp %max3A_312 : vector<16xf32>
        %mul3A_314 = arith.constant 4 : i32
        %mul3A_315 = vector.broadcast %mul3A_314 : i32 to vector<16xi32>
        %mul3A_316 = arith.muli %add3A_283, %mul3A_315 : vector<16xi32>
        %add3A_317 = arith.constant 1 : i32
        %add3A_318 = vector.broadcast %add3A_317 : i32 to vector<16xi32>
        %add3A_319 = arith.addi %mul3A_316, %add3A_318 : vector<16xi32>
        tpu.vector_store_idx %arg27[%add3A_319], %exp3A_313 : memref<320xf32, #tpu.memory_space<vmem>>[vector<16xi32>], vector<16xf32>,
        %broadcast_in_dim3A_320 = arith.constant 130 : i32
        %broadcast_in_dim3A_321 = vector.broadcast %broadcast_in_dim3A_320 : i32 to vector<16xi32>
        %gather3A_322 = tpu.vector_load_idx %arg14[%add3A_283, %broadcast_in_dim3A_321] : memref<80x144xf32, #tpu.memory_space<vmem>>[vector<16xi32>, vector<16xi32>], vector<16xf32>,
        %broadcast_in_dim3A_323 = arith.constant 2 : i32
        %broadcast_in_dim3A_324 = vector.broadcast %broadcast_in_dim3A_323 : i32 to vector<16xi32>
        %gather3A_325 = tpu.vector_load_idx %arg15[%add3A_283, %broadcast_in_dim3A_324] : memref<80x16xf32, #tpu.memory_space<vmem>>[vector<16xi32>, vector<16xi32>], vector<16xf32>,
        %add3A_326 = arith.addf %gather3A_322, %gather3A_325 : vector<16xf32>
        %mul3A_327 = arith.constant 2.000000e-01 : f32
        %mul3A_328 = vector.broadcast %mul3A_327 : f32 to vector<16xf32>
        %mul3A_329 = arith.mulf %mul3A_328, %add3A_326 : vector<16xf32>
        %max3A_330 = arith.maximumf %add3A_326, %mul3A_329 : vector<16xf32>
        %exp3A_331 = math.exp %max3A_330 : vector<16xf32>
        %mul3A_332 = arith.constant 4 : i32
        %mul3A_333 = vector.broadcast %mul3A_332 : i32 to vector<16xi32>
        %mul3A_334 = arith.muli %add3A_283, %mul3A_333 : vector<16xi32>
        %add3A_335 = arith.constant 2 : i32
        %add3A_336 = vector.broadcast %add3A_335 : i32 to vector<16xi32>
        %add3A_337 = arith.addi %mul3A_334, %add3A_336 : vector<16xi32>
        tpu.vector_store_idx %arg27[%add3A_337], %exp3A_331 : memref<320xf32, #tpu.memory_space<vmem>>[vector<16xi32>], vector<16xf32>,
        %broadcast_in_dim3A_338 = arith.constant 131 : i32
        %broadcast_in_dim3A_339 = vector.broadcast %broadcast_in_dim3A_338 : i32 to vector<16xi32>
        %gather3A_340 = tpu.vector_load_idx %arg14[%add3A_283, %broadcast_in_dim3A_339] : memref<80x144xf32, #tpu.memory_space<vmem>>[vector<16xi32>, vector<16xi32>], vector<16xf32>,
        %broadcast_in_dim3A_341 = arith.constant 3 : i32
        %broadcast_in_dim3A_342 = vector.broadcast %broadcast_in_dim3A_341 : i32 to vector<16xi32>
        %gather3A_343 = tpu.vector_load_idx %arg15[%add3A_283, %broadcast_in_dim3A_342] : memref<80x16xf32, #tpu.memory_space<vmem>>[vector<16xi32>, vector<16xi32>], vector<16xf32>,
        %add3A_344 = arith.addf %gather3A_340, %gather3A_343 : vector<16xf32>
        %mul3A_345 = arith.constant 2.000000e-01 : f32
        %mul3A_346 = vector.broadcast %mul3A_345 : f32 to vector<16xf32>
        %mul3A_347 = arith.mulf %mul3A_346, %add3A_344 : vector<16xf32>
        %max3A_348 = arith.maximumf %add3A_344, %mul3A_347 : vector<16xf32>
        %exp3A_349 = math.exp %max3A_348 : vector<16xf32>
        %mul3A_350 = arith.constant 4 : i32
        %mul3A_351 = vector.broadcast %mul3A_350 : i32 to vector<16xi32>
        %mul3A_352 = arith.muli %add3A_283, %mul3A_351 : vector<16xi32>
        %add3A_353 = arith.constant 3 : i32
        %add3A_354 = vector.broadcast %add3A_353 : i32 to vector<16xi32>
        %add3A_355 = arith.addi %mul3A_352, %add3A_354 : vector<16xi32>
        tpu.vector_store_idx %arg27[%add3A_355], %exp3A_349 : memref<320xf32, #tpu.memory_space<vmem>>[vector<16xi32>], vector<16xf32>,
        %add3A_356 = arith.constant 32 : i32
        %add3A_357 = vector.broadcast %add3A_356 : i32 to vector<16xi32>
        %add3A_358 = arith.addi %add3A_357, %iota3A : vector<16xi32>
        %broadcast_in_dim3A_359 = arith.constant 128 : i32
        %broadcast_in_dim3A_360 = vector.broadcast %broadcast_in_dim3A_359 : i32 to vector<16xi32>
        %gather3A_361 = tpu.vector_load_idx %arg14[%add3A_358, %broadcast_in_dim3A_360] : memref<80x144xf32, #tpu.memory_space<vmem>>[vector<16xi32>, vector<16xi32>], vector<16xf32>,
        %broadcast_in_dim3A_362 = arith.constant 0 : i32
        %broadcast_in_dim3A_363 = vector.broadcast %broadcast_in_dim3A_362 : i32 to vector<16xi32>
        %gather3A_364 = tpu.vector_load_idx %arg15[%add3A_358, %broadcast_in_dim3A_363] : memref<80x16xf32, #tpu.memory_space<vmem>>[vector<16xi32>, vector<16xi32>], vector<16xf32>,
        %add3A_365 = arith.addf %gather3A_361, %gather3A_364 : vector<16xf32>
        %mul3A_366 = arith.constant 2.000000e-01 : f32
        %mul3A_367 = vector.broadcast %mul3A_366 : f32 to vector<16xf32>
        %mul3A_368 = arith.mulf %mul3A_367, %add3A_365 : vector<16xf32>
        %max3A_369 = arith.maximumf %add3A_365, %mul3A_368 : vector<16xf32>
        %exp3A_370 = math.exp %max3A_369 : vector<16xf32>
        %mul3A_371 = arith.constant 4 : i32
        %mul3A_372 = vector.broadcast %mul3A_371 : i32 to vector<16xi32>
        %mul3A_373 = arith.muli %add3A_358, %mul3A_372 : vector<16xi32>
        %add3A_374 = arith.constant 0 : i32
        %add3A_375 = vector.broadcast %add3A_374 : i32 to vector<16xi32>
        %add3A_376 = arith.addi %mul3A_373, %add3A_375 : vector<16xi32>
        tpu.vector_store_idx %arg27[%add3A_376], %exp3A_370 : memref<320xf32, #tpu.memory_space<vmem>>[vector<16xi32>], vector<16xf32>,
        %broadcast_in_dim3A_377 = arith.constant 129 : i32
        %broadcast_in_dim3A_378 = vector.broadcast %broadcast_in_dim3A_377 : i32 to vector<16xi32>
        %gather3A_379 = tpu.vector_load_idx %arg14[%add3A_358, %broadcast_in_dim3A_378] : memref<80x144xf32, #tpu.memory_space<vmem>>[vector<16xi32>, vector<16xi32>], vector<16xf32>,
        %broadcast_in_dim3A_380 = arith.constant 1 : i32
        %broadcast_in_dim3A_381 = vector.broadcast %broadcast_in_dim3A_380 : i32 to vector<16xi32>
        %gather3A_382 = tpu.vector_load_idx %arg15[%add3A_358, %broadcast_in_dim3A_381] : memref<80x16xf32, #tpu.memory_space<vmem>>[vector<16xi32>, vector<16xi32>], vector<16xf32>,
        %add3A_383 = arith.addf %gather3A_379, %gather3A_382 : vector<16xf32>
        %mul3A_384 = arith.constant 2.000000e-01 : f32
        %mul3A_385 = vector.broadcast %mul3A_384 : f32 to vector<16xf32>
        %mul3A_386 = arith.mulf %mul3A_385, %add3A_383 : vector<16xf32>
        %max3A_387 = arith.maximumf %add3A_383, %mul3A_386 : vector<16xf32>
        %exp3A_388 = math.exp %max3A_387 : vector<16xf32>
        %mul3A_389 = arith.constant 4 : i32
        %mul3A_390 = vector.broadcast %mul3A_389 : i32 to vector<16xi32>
        %mul3A_391 = arith.muli %add3A_358, %mul3A_390 : vector<16xi32>
        %add3A_392 = arith.constant 1 : i32
        %add3A_393 = vector.broadcast %add3A_392 : i32 to vector<16xi32>
        %add3A_394 = arith.addi %mul3A_391, %add3A_393 : vector<16xi32>
        tpu.vector_store_idx %arg27[%add3A_394], %exp3A_388 : memref<320xf32, #tpu.memory_space<vmem>>[vector<16xi32>], vector<16xf32>,
        %broadcast_in_dim3A_395 = arith.constant 130 : i32
        %broadcast_in_dim3A_396 = vector.broadcast %broadcast_in_dim3A_395 : i32 to vector<16xi32>
        %gather3A_397 = tpu.vector_load_idx %arg14[%add3A_358, %broadcast_in_dim3A_396] : memref<80x144xf32, #tpu.memory_space<vmem>>[vector<16xi32>, vector<16xi32>], vector<16xf32>,
        %broadcast_in_dim3A_398 = arith.constant 2 : i32
        %broadcast_in_dim3A_399 = vector.broadcast %broadcast_in_dim3A_398 : i32 to vector<16xi32>
        %gather3A_400 = tpu.vector_load_idx %arg15[%add3A_358, %broadcast_in_dim3A_399] : memref<80x16xf32, #tpu.memory_space<vmem>>[vector<16xi32>, vector<16xi32>], vector<16xf32>,
        %add3A_401 = arith.addf %gather3A_397, %gather3A_400 : vector<16xf32>
        %mul3A_402 = arith.constant 2.000000e-01 : f32
        %mul3A_403 = vector.broadcast %mul3A_402 : f32 to vector<16xf32>
        %mul3A_404 = arith.mulf %mul3A_403, %add3A_401 : vector<16xf32>
        %max3A_405 = arith.maximumf %add3A_401, %mul3A_404 : vector<16xf32>
        %exp3A_406 = math.exp %max3A_405 : vector<16xf32>
        %mul3A_407 = arith.constant 4 : i32
        %mul3A_408 = vector.broadcast %mul3A_407 : i32 to vector<16xi32>
        %mul3A_409 = arith.muli %add3A_358, %mul3A_408 : vector<16xi32>
        %add3A_410 = arith.constant 2 : i32
        %add3A_411 = vector.broadcast %add3A_410 : i32 to vector<16xi32>
        %add3A_412 = arith.addi %mul3A_409, %add3A_411 : vector<16xi32>
        tpu.vector_store_idx %arg27[%add3A_412], %exp3A_406 : memref<320xf32, #tpu.memory_space<vmem>>[vector<16xi32>], vector<16xf32>,
        %broadcast_in_dim3A_413 = arith.constant 131 : i32
        %broadcast_in_dim3A_414 = vector.broadcast %broadcast_in_dim3A_413 : i32 to vector<16xi32>
        %gather3A_415 = tpu.vector_load_idx %arg14[%add3A_358, %broadcast_in_dim3A_414] : memref<80x144xf32, #tpu.memory_space<vmem>>[vector<16xi32>, vector<16xi32>], vector<16xf32>,
        %broadcast_in_dim3A_416 = arith.constant 3 : i32
        %broadcast_in_dim3A_417 = vector.broadcast %broadcast_in_dim3A_416 : i32 to vector<16xi32>
        %gather3A_418 = tpu.vector_load_idx %arg15[%add3A_358, %broadcast_in_dim3A_417] : memref<80x16xf32, #tpu.memory_space<vmem>>[vector<16xi32>, vector<16xi32>], vector<16xf32>,
        %add3A_419 = arith.addf %gather3A_415, %gather3A_418 : vector<16xf32>
        %mul3A_420 = arith.constant 2.000000e-01 : f32
        %mul3A_421 = vector.broadcast %mul3A_420 : f32 to vector<16xf32>
        %mul3A_422 = arith.mulf %mul3A_421, %add3A_419 : vector<16xf32>
        %max3A_423 = arith.maximumf %add3A_419, %mul3A_422 : vector<16xf32>
        %exp3A_424 = math.exp %max3A_423 : vector<16xf32>
        %mul3A_425 = arith.constant 4 : i32
        %mul3A_426 = vector.broadcast %mul3A_425 : i32 to vector<16xi32>
        %mul3A_427 = arith.muli %add3A_358, %mul3A_426 : vector<16xi32>
        %add3A_428 = arith.constant 3 : i32
        %add3A_429 = vector.broadcast %add3A_428 : i32 to vector<16xi32>
        %add3A_430 = arith.addi %mul3A_427, %add3A_429 : vector<16xi32>
        tpu.vector_store_idx %arg27[%add3A_430], %exp3A_424 : memref<320xf32, #tpu.memory_space<vmem>>[vector<16xi32>], vector<16xf32>,
        %add3A_431 = arith.constant 48 : i32
        %add3A_432 = vector.broadcast %add3A_431 : i32 to vector<16xi32>
        %add3A_433 = arith.addi %add3A_432, %iota3A : vector<16xi32>
        %broadcast_in_dim3A_434 = arith.constant 128 : i32
        %broadcast_in_dim3A_435 = vector.broadcast %broadcast_in_dim3A_434 : i32 to vector<16xi32>
        %gather3A_436 = tpu.vector_load_idx %arg14[%add3A_433, %broadcast_in_dim3A_435] : memref<80x144xf32, #tpu.memory_space<vmem>>[vector<16xi32>, vector<16xi32>], vector<16xf32>,
        %broadcast_in_dim3A_437 = arith.constant 0 : i32
        %broadcast_in_dim3A_438 = vector.broadcast %broadcast_in_dim3A_437 : i32 to vector<16xi32>
        %gather3A_439 = tpu.vector_load_idx %arg15[%add3A_433, %broadcast_in_dim3A_438] : memref<80x16xf32, #tpu.memory_space<vmem>>[vector<16xi32>, vector<16xi32>], vector<16xf32>,
        %add3A_440 = arith.addf %gather3A_436, %gather3A_439 : vector<16xf32>
        %mul3A_441 = arith.constant 2.000000e-01 : f32
        %mul3A_442 = vector.broadcast %mul3A_441 : f32 to vector<16xf32>
        %mul3A_443 = arith.mulf %mul3A_442, %add3A_440 : vector<16xf32>
        %max3A_444 = arith.maximumf %add3A_440, %mul3A_443 : vector<16xf32>
        %exp3A_445 = math.exp %max3A_444 : vector<16xf32>
        %mul3A_446 = arith.constant 4 : i32
        %mul3A_447 = vector.broadcast %mul3A_446 : i32 to vector<16xi32>
        %mul3A_448 = arith.muli %add3A_433, %mul3A_447 : vector<16xi32>
        %add3A_449 = arith.constant 0 : i32
        %add3A_450 = vector.broadcast %add3A_449 : i32 to vector<16xi32>
        %add3A_451 = arith.addi %mul3A_448, %add3A_450 : vector<16xi32>
        tpu.vector_store_idx %arg27[%add3A_451], %exp3A_445 : memref<320xf32, #tpu.memory_space<vmem>>[vector<16xi32>], vector<16xf32>,
        %broadcast_in_dim3A_452 = arith.constant 129 : i32
        %broadcast_in_dim3A_453 = vector.broadcast %broadcast_in_dim3A_452 : i32 to vector<16xi32>
        %gather3A_454 = tpu.vector_load_idx %arg14[%add3A_433, %broadcast_in_dim3A_453] : memref<80x144xf32, #tpu.memory_space<vmem>>[vector<16xi32>, vector<16xi32>], vector<16xf32>,
        %broadcast_in_dim3A_455 = arith.constant 1 : i32
        %broadcast_in_dim3A_456 = vector.broadcast %broadcast_in_dim3A_455 : i32 to vector<16xi32>
        %gather3A_457 = tpu.vector_load_idx %arg15[%add3A_433, %broadcast_in_dim3A_456] : memref<80x16xf32, #tpu.memory_space<vmem>>[vector<16xi32>, vector<16xi32>], vector<16xf32>,
        %add3A_458 = arith.addf %gather3A_454, %gather3A_457 : vector<16xf32>
        %mul3A_459 = arith.constant 2.000000e-01 : f32
        %mul3A_460 = vector.broadcast %mul3A_459 : f32 to vector<16xf32>
        %mul3A_461 = arith.mulf %mul3A_460, %add3A_458 : vector<16xf32>
        %max3A_462 = arith.maximumf %add3A_458, %mul3A_461 : vector<16xf32>
        %exp3A_463 = math.exp %max3A_462 : vector<16xf32>
        %mul3A_464 = arith.constant 4 : i32
        %mul3A_465 = vector.broadcast %mul3A_464 : i32 to vector<16xi32>
        %mul3A_466 = arith.muli %add3A_433, %mul3A_465 : vector<16xi32>
        %add3A_467 = arith.constant 1 : i32
        %add3A_468 = vector.broadcast %add3A_467 : i32 to vector<16xi32>
        %add3A_469 = arith.addi %mul3A_466, %add3A_468 : vector<16xi32>
        tpu.vector_store_idx %arg27[%add3A_469], %exp3A_463 : memref<320xf32, #tpu.memory_space<vmem>>[vector<16xi32>], vector<16xf32>,
        %broadcast_in_dim3A_470 = arith.constant 130 : i32
        %broadcast_in_dim3A_471 = vector.broadcast %broadcast_in_dim3A_470 : i32 to vector<16xi32>
        %gather3A_472 = tpu.vector_load_idx %arg14[%add3A_433, %broadcast_in_dim3A_471] : memref<80x144xf32, #tpu.memory_space<vmem>>[vector<16xi32>, vector<16xi32>], vector<16xf32>,
        %broadcast_in_dim3A_473 = arith.constant 2 : i32
        %broadcast_in_dim3A_474 = vector.broadcast %broadcast_in_dim3A_473 : i32 to vector<16xi32>
        %gather3A_475 = tpu.vector_load_idx %arg15[%add3A_433, %broadcast_in_dim3A_474] : memref<80x16xf32, #tpu.memory_space<vmem>>[vector<16xi32>, vector<16xi32>], vector<16xf32>,
        %add3A_476 = arith.addf %gather3A_472, %gather3A_475 : vector<16xf32>
        %mul3A_477 = arith.constant 2.000000e-01 : f32
        %mul3A_478 = vector.broadcast %mul3A_477 : f32 to vector<16xf32>
        %mul3A_479 = arith.mulf %mul3A_478, %add3A_476 : vector<16xf32>
        %max3A_480 = arith.maximumf %add3A_476, %mul3A_479 : vector<16xf32>
        %exp3A_481 = math.exp %max3A_480 : vector<16xf32>
        %mul3A_482 = arith.constant 4 : i32
        %mul3A_483 = vector.broadcast %mul3A_482 : i32 to vector<16xi32>
        %mul3A_484 = arith.muli %add3A_433, %mul3A_483 : vector<16xi32>
        %add3A_485 = arith.constant 2 : i32
        %add3A_486 = vector.broadcast %add3A_485 : i32 to vector<16xi32>
        %add3A_487 = arith.addi %mul3A_484, %add3A_486 : vector<16xi32>
        tpu.vector_store_idx %arg27[%add3A_487], %exp3A_481 : memref<320xf32, #tpu.memory_space<vmem>>[vector<16xi32>], vector<16xf32>,
        %broadcast_in_dim3A_488 = arith.constant 131 : i32
        %broadcast_in_dim3A_489 = vector.broadcast %broadcast_in_dim3A_488 : i32 to vector<16xi32>
        %gather3A_490 = tpu.vector_load_idx %arg14[%add3A_433, %broadcast_in_dim3A_489] : memref<80x144xf32, #tpu.memory_space<vmem>>[vector<16xi32>, vector<16xi32>], vector<16xf32>,
        %broadcast_in_dim3A_491 = arith.constant 3 : i32
        %broadcast_in_dim3A_492 = vector.broadcast %broadcast_in_dim3A_491 : i32 to vector<16xi32>
        %gather3A_493 = tpu.vector_load_idx %arg15[%add3A_433, %broadcast_in_dim3A_492] : memref<80x16xf32, #tpu.memory_space<vmem>>[vector<16xi32>, vector<16xi32>], vector<16xf32>,
        %add3A_494 = arith.addf %gather3A_490, %gather3A_493 : vector<16xf32>
        %mul3A_495 = arith.constant 2.000000e-01 : f32
        %mul3A_496 = vector.broadcast %mul3A_495 : f32 to vector<16xf32>
        %mul3A_497 = arith.mulf %mul3A_496, %add3A_494 : vector<16xf32>
        %max3A_498 = arith.maximumf %add3A_494, %mul3A_497 : vector<16xf32>
        %exp3A_499 = math.exp %max3A_498 : vector<16xf32>
        %mul3A_500 = arith.constant 4 : i32
        %mul3A_501 = vector.broadcast %mul3A_500 : i32 to vector<16xi32>
        %mul3A_502 = arith.muli %add3A_433, %mul3A_501 : vector<16xi32>
        %add3A_503 = arith.constant 3 : i32
        %add3A_504 = vector.broadcast %add3A_503 : i32 to vector<16xi32>
        %add3A_505 = arith.addi %mul3A_502, %add3A_504 : vector<16xi32>
        tpu.vector_store_idx %arg27[%add3A_505], %exp3A_499 : memref<320xf32, #tpu.memory_space<vmem>>[vector<16xi32>], vector<16xf32>,
        %add3A_506 = arith.constant 64 : i32
        %add3A_507 = vector.broadcast %add3A_506 : i32 to vector<16xi32>
        %add3A_508 = arith.addi %add3A_507, %iota3A : vector<16xi32>
        %broadcast_in_dim3A_509 = arith.constant 128 : i32
        %broadcast_in_dim3A_510 = vector.broadcast %broadcast_in_dim3A_509 : i32 to vector<16xi32>
        %gather3A_511 = tpu.vector_load_idx %arg14[%add3A_508, %broadcast_in_dim3A_510] : memref<80x144xf32, #tpu.memory_space<vmem>>[vector<16xi32>, vector<16xi32>], vector<16xf32>,
        %broadcast_in_dim3A_512 = arith.constant 0 : i32
        %broadcast_in_dim3A_513 = vector.broadcast %broadcast_in_dim3A_512 : i32 to vector<16xi32>
        %gather3A_514 = tpu.vector_load_idx %arg15[%add3A_508, %broadcast_in_dim3A_513] : memref<80x16xf32, #tpu.memory_space<vmem>>[vector<16xi32>, vector<16xi32>], vector<16xf32>,
        %add3A_515 = arith.addf %gather3A_511, %gather3A_514 : vector<16xf32>
        %mul3A_516 = arith.constant 2.000000e-01 : f32
        %mul3A_517 = vector.broadcast %mul3A_516 : f32 to vector<16xf32>
        %mul3A_518 = arith.mulf %mul3A_517, %add3A_515 : vector<16xf32>
        %max3A_519 = arith.maximumf %add3A_515, %mul3A_518 : vector<16xf32>
        %exp3A_520 = math.exp %max3A_519 : vector<16xf32>
        %mul3A_521 = arith.constant 4 : i32
        %mul3A_522 = vector.broadcast %mul3A_521 : i32 to vector<16xi32>
        %mul3A_523 = arith.muli %add3A_508, %mul3A_522 : vector<16xi32>
        %add3A_524 = arith.constant 0 : i32
        %add3A_525 = vector.broadcast %add3A_524 : i32 to vector<16xi32>
        %add3A_526 = arith.addi %mul3A_523, %add3A_525 : vector<16xi32>
        tpu.vector_store_idx %arg27[%add3A_526], %exp3A_520 : memref<320xf32, #tpu.memory_space<vmem>>[vector<16xi32>], vector<16xf32>,
        %broadcast_in_dim3A_527 = arith.constant 129 : i32
        %broadcast_in_dim3A_528 = vector.broadcast %broadcast_in_dim3A_527 : i32 to vector<16xi32>
        %gather3A_529 = tpu.vector_load_idx %arg14[%add3A_508, %broadcast_in_dim3A_528] : memref<80x144xf32, #tpu.memory_space<vmem>>[vector<16xi32>, vector<16xi32>], vector<16xf32>,
        %broadcast_in_dim3A_530 = arith.constant 1 : i32
        %broadcast_in_dim3A_531 = vector.broadcast %broadcast_in_dim3A_530 : i32 to vector<16xi32>
        %gather3A_532 = tpu.vector_load_idx %arg15[%add3A_508, %broadcast_in_dim3A_531] : memref<80x16xf32, #tpu.memory_space<vmem>>[vector<16xi32>, vector<16xi32>], vector<16xf32>,
        %add3A_533 = arith.addf %gather3A_529, %gather3A_532 : vector<16xf32>
        %mul3A_534 = arith.constant 2.000000e-01 : f32
        %mul3A_535 = vector.broadcast %mul3A_534 : f32 to vector<16xf32>
        %mul3A_536 = arith.mulf %mul3A_535, %add3A_533 : vector<16xf32>
        %max3A_537 = arith.maximumf %add3A_533, %mul3A_536 : vector<16xf32>
        %exp3A_538 = math.exp %max3A_537 : vector<16xf32>
        %mul3A_539 = arith.constant 4 : i32
        %mul3A_540 = vector.broadcast %mul3A_539 : i32 to vector<16xi32>
        %mul3A_541 = arith.muli %add3A_508, %mul3A_540 : vector<16xi32>
        %add3A_542 = arith.constant 1 : i32
        %add3A_543 = vector.broadcast %add3A_542 : i32 to vector<16xi32>
        %add3A_544 = arith.addi %mul3A_541, %add3A_543 : vector<16xi32>
        tpu.vector_store_idx %arg27[%add3A_544], %exp3A_538 : memref<320xf32, #tpu.memory_space<vmem>>[vector<16xi32>], vector<16xf32>,
        %broadcast_in_dim3A_545 = arith.constant 130 : i32
        %broadcast_in_dim3A_546 = vector.broadcast %broadcast_in_dim3A_545 : i32 to vector<16xi32>
        %gather3A_547 = tpu.vector_load_idx %arg14[%add3A_508, %broadcast_in_dim3A_546] : memref<80x144xf32, #tpu.memory_space<vmem>>[vector<16xi32>, vector<16xi32>], vector<16xf32>,
        %broadcast_in_dim3A_548 = arith.constant 2 : i32
        %broadcast_in_dim3A_549 = vector.broadcast %broadcast_in_dim3A_548 : i32 to vector<16xi32>
        %gather3A_550 = tpu.vector_load_idx %arg15[%add3A_508, %broadcast_in_dim3A_549] : memref<80x16xf32, #tpu.memory_space<vmem>>[vector<16xi32>, vector<16xi32>], vector<16xf32>,
        %add3A_551 = arith.addf %gather3A_547, %gather3A_550 : vector<16xf32>
        %mul3A_552 = arith.constant 2.000000e-01 : f32
        %mul3A_553 = vector.broadcast %mul3A_552 : f32 to vector<16xf32>
        %mul3A_554 = arith.mulf %mul3A_553, %add3A_551 : vector<16xf32>
        %max3A_555 = arith.maximumf %add3A_551, %mul3A_554 : vector<16xf32>
        %exp3A_556 = math.exp %max3A_555 : vector<16xf32>
        %mul3A_557 = arith.constant 4 : i32
        %mul3A_558 = vector.broadcast %mul3A_557 : i32 to vector<16xi32>
        %mul3A_559 = arith.muli %add3A_508, %mul3A_558 : vector<16xi32>
        %add3A_560 = arith.constant 2 : i32
        %add3A_561 = vector.broadcast %add3A_560 : i32 to vector<16xi32>
        %add3A_562 = arith.addi %mul3A_559, %add3A_561 : vector<16xi32>
        tpu.vector_store_idx %arg27[%add3A_562], %exp3A_556 : memref<320xf32, #tpu.memory_space<vmem>>[vector<16xi32>], vector<16xf32>,
        %broadcast_in_dim3A_563 = arith.constant 131 : i32
        %broadcast_in_dim3A_564 = vector.broadcast %broadcast_in_dim3A_563 : i32 to vector<16xi32>
        %gather3A_565 = tpu.vector_load_idx %arg14[%add3A_508, %broadcast_in_dim3A_564] : memref<80x144xf32, #tpu.memory_space<vmem>>[vector<16xi32>, vector<16xi32>], vector<16xf32>,
        %broadcast_in_dim3A_566 = arith.constant 3 : i32
        %broadcast_in_dim3A_567 = vector.broadcast %broadcast_in_dim3A_566 : i32 to vector<16xi32>
        %gather3A_568 = tpu.vector_load_idx %arg15[%add3A_508, %broadcast_in_dim3A_567] : memref<80x16xf32, #tpu.memory_space<vmem>>[vector<16xi32>, vector<16xi32>], vector<16xf32>,
        %add3A_569 = arith.addf %gather3A_565, %gather3A_568 : vector<16xf32>
        %mul3A_570 = arith.constant 2.000000e-01 : f32
        %mul3A_571 = vector.broadcast %mul3A_570 : f32 to vector<16xf32>
        %mul3A_572 = arith.mulf %mul3A_571, %add3A_569 : vector<16xf32>
        %max3A_573 = arith.maximumf %add3A_569, %mul3A_572 : vector<16xf32>
        %exp3A_574 = math.exp %max3A_573 : vector<16xf32>
        %mul3A_575 = arith.constant 4 : i32
        %mul3A_576 = vector.broadcast %mul3A_575 : i32 to vector<16xi32>
        %mul3A_577 = arith.muli %add3A_508, %mul3A_576 : vector<16xi32>
        %add3A_578 = arith.constant 3 : i32
        %add3A_579 = vector.broadcast %add3A_578 : i32 to vector<16xi32>
        %add3A_580 = arith.addi %mul3A_577, %add3A_579 : vector<16xi32>
        tpu.vector_store_idx %arg27[%add3A_580], %exp3A_574 : memref<320xf32, #tpu.memory_space<vmem>>[vector<16xi32>], vector<16xf32>,
        %parallel_loop3A = arith.constant 0 : i32
        %parallel_loop3A_581 = arith.constant 80 : i32
        %parallel_loop3A_582 = arith.constant 1 : i32
        scf.for %parallel_loop3A_597 = %parallel_loop3A to %parallel_loop3A_581 step %parallel_loop3A_582  : i32 {
          %parallel_loop3A_598 = arith.constant 4 : i32
          %parallel_loop3A_599 = arith.muli %parallel_loop3A_597, %parallel_loop3A_598 : i32
          %parallel_loop3A_600 = vector.broadcast %parallel_loop3A_599 : i32 to vector<16xi32>
          %parallel_loop3A_601 = arith.constant 0 : i32
          %parallel_loop3A_602 = vector.broadcast %parallel_loop3A_601 : i32 to vector<16xi32>
          %parallel_loop3A_603 = arith.addi %parallel_loop3A_600, %parallel_loop3A_602 : vector<16xi32>
          %parallel_loop3A_604 = tpu.vector_load_idx %arg27[%parallel_loop3A_603] : memref<320xf32, #tpu.memory_space<vmem>>[vector<16xi32>], vector<16xf32>,
          %parallel_loop3A_605 = arith.index_cast %parallel_loop3A_597 : i32 to index
          %parallel_loop3A_606 = arith.constant 0 : index
          %parallel_loop3A_607 = tpu.vector_load %arg14[%parallel_loop3A_605, %parallel_loop3A_606] {strides = array<i32>} : memref<80x144xf32, #tpu.memory_space<vmem>>, vector<16xf32>,
          %parallel_loop3A_608 = arith.mulf %parallel_loop3A_607, %parallel_loop3A_604 : vector<16xf32>
          %parallel_loop3A_609 = arith.index_cast %parallel_loop3A_597 : i32 to index
          %parallel_loop3A_610 = arith.constant 0 : index
          %parallel_loop3A_611 = tpu.vector_load %arg14[%parallel_loop3A_609, %parallel_loop3A_610] {strides = array<i32>} : memref<80x144xf32, #tpu.memory_space<vmem>>, vector<16xf32>,
          tpu.vector_store %arg14[%parallel_loop3A_609, %parallel_loop3A_610], %parallel_loop3A_608 {strides = array<i32>} : memref<80x144xf32, #tpu.memory_space<vmem>>, vector<16xf32>,
          %parallel_loop3A_612 = arith.index_cast %parallel_loop3A_597 : i32 to index
          %parallel_loop3A_613 = arith.constant 16 : index
          %parallel_loop3A_614 = tpu.vector_load %arg14[%parallel_loop3A_612, %parallel_loop3A_613] {strides = array<i32>} : memref<80x144xf32, #tpu.memory_space<vmem>>, vector<16xf32>,
          %parallel_loop3A_615 = arith.mulf %parallel_loop3A_614, %parallel_loop3A_604 : vector<16xf32>
          %parallel_loop3A_616 = arith.index_cast %parallel_loop3A_597 : i32 to index
          %parallel_loop3A_617 = arith.constant 16 : index
          %parallel_loop3A_618 = tpu.vector_load %arg14[%parallel_loop3A_616, %parallel_loop3A_617] {strides = array<i32>} : memref<80x144xf32, #tpu.memory_space<vmem>>, vector<16xf32>,
          tpu.vector_store %arg14[%parallel_loop3A_616, %parallel_loop3A_617], %parallel_loop3A_615 {strides = array<i32>} : memref<80x144xf32, #tpu.memory_space<vmem>>, vector<16xf32>,
          %parallel_loop3A_619 = arith.constant 1 : i32
          %parallel_loop3A_620 = vector.broadcast %parallel_loop3A_619 : i32 to vector<16xi32>
          %parallel_loop3A_621 = arith.addi %parallel_loop3A_600, %parallel_loop3A_620 : vector<16xi32>
          %parallel_loop3A_622 = tpu.vector_load_idx %arg27[%parallel_loop3A_621] : memref<320xf32, #tpu.memory_space<vmem>>[vector<16xi32>], vector<16xf32>,
          %parallel_loop3A_623 = arith.index_cast %parallel_loop3A_597 : i32 to index
          %parallel_loop3A_624 = arith.constant 32 : index
          %parallel_loop3A_625 = tpu.vector_load %arg14[%parallel_loop3A_623, %parallel_loop3A_624] {strides = array<i32>} : memref<80x144xf32, #tpu.memory_space<vmem>>, vector<16xf32>,
          %parallel_loop3A_626 = arith.mulf %parallel_loop3A_625, %parallel_loop3A_622 : vector<16xf32>
          %parallel_loop3A_627 = arith.index_cast %parallel_loop3A_597 : i32 to index
          %parallel_loop3A_628 = arith.constant 32 : index
          %parallel_loop3A_629 = tpu.vector_load %arg14[%parallel_loop3A_627, %parallel_loop3A_628] {strides = array<i32>} : memref<80x144xf32, #tpu.memory_space<vmem>>, vector<16xf32>,
          tpu.vector_store %arg14[%parallel_loop3A_627, %parallel_loop3A_628], %parallel_loop3A_626 {strides = array<i32>} : memref<80x144xf32, #tpu.memory_space<vmem>>, vector<16xf32>,
          %parallel_loop3A_630 = arith.index_cast %parallel_loop3A_597 : i32 to index
          %parallel_loop3A_631 = arith.constant 48 : index
          %parallel_loop3A_632 = tpu.vector_load %arg14[%parallel_loop3A_630, %parallel_loop3A_631] {strides = array<i32>} : memref<80x144xf32, #tpu.memory_space<vmem>>, vector<16xf32>,
          %parallel_loop3A_633 = arith.mulf %parallel_loop3A_632, %parallel_loop3A_622 : vector<16xf32>
          %parallel_loop3A_634 = arith.index_cast %parallel_loop3A_597 : i32 to index
          %parallel_loop3A_635 = arith.constant 48 : index
          %parallel_loop3A_636 = tpu.vector_load %arg14[%parallel_loop3A_634, %parallel_loop3A_635] {strides = array<i32>} : memref<80x144xf32, #tpu.memory_space<vmem>>, vector<16xf32>,
          tpu.vector_store %arg14[%parallel_loop3A_634, %parallel_loop3A_635], %parallel_loop3A_633 {strides = array<i32>} : memref<80x144xf32, #tpu.memory_space<vmem>>, vector<16xf32>,
          %parallel_loop3A_637 = arith.constant 2 : i32
          %parallel_loop3A_638 = vector.broadcast %parallel_loop3A_637 : i32 to vector<16xi32>
          %parallel_loop3A_639 = arith.addi %parallel_loop3A_600, %parallel_loop3A_638 : vector<16xi32>
          %parallel_loop3A_640 = tpu.vector_load_idx %arg27[%parallel_loop3A_639] : memref<320xf32, #tpu.memory_space<vmem>>[vector<16xi32>], vector<16xf32>,
          %parallel_loop3A_641 = arith.index_cast %parallel_loop3A_597 : i32 to index
          %parallel_loop3A_642 = arith.constant 64 : index
          %parallel_loop3A_643 = tpu.vector_load %arg14[%parallel_loop3A_641, %parallel_loop3A_642] {strides = array<i32>} : memref<80x144xf32, #tpu.memory_space<vmem>>, vector<16xf32>,
          %parallel_loop3A_644 = arith.mulf %parallel_loop3A_643, %parallel_loop3A_640 : vector<16xf32>
          %parallel_loop3A_645 = arith.index_cast %parallel_loop3A_597 : i32 to index
          %parallel_loop3A_646 = arith.constant 64 : index
          %parallel_loop3A_647 = tpu.vector_load %arg14[%parallel_loop3A_645, %parallel_loop3A_646] {strides = array<i32>} : memref<80x144xf32, #tpu.memory_space<vmem>>, vector<16xf32>,
          tpu.vector_store %arg14[%parallel_loop3A_645, %parallel_loop3A_646], %parallel_loop3A_644 {strides = array<i32>} : memref<80x144xf32, #tpu.memory_space<vmem>>, vector<16xf32>,
          %parallel_loop3A_648 = arith.index_cast %parallel_loop3A_597 : i32 to index
          %parallel_loop3A_649 = arith.constant 80 : index
          %parallel_loop3A_650 = tpu.vector_load %arg14[%parallel_loop3A_648, %parallel_loop3A_649] {strides = array<i32>} : memref<80x144xf32, #tpu.memory_space<vmem>>, vector<16xf32>,
          %parallel_loop3A_651 = arith.mulf %parallel_loop3A_650, %parallel_loop3A_640 : vector<16xf32>
          %parallel_loop3A_652 = arith.index_cast %parallel_loop3A_597 : i32 to index
          %parallel_loop3A_653 = arith.constant 80 : index
          %parallel_loop3A_654 = tpu.vector_load %arg14[%parallel_loop3A_652, %parallel_loop3A_653] {strides = array<i32>} : memref<80x144xf32, #tpu.memory_space<vmem>>, vector<16xf32>,
          tpu.vector_store %arg14[%parallel_loop3A_652, %parallel_loop3A_653], %parallel_loop3A_651 {strides = array<i32>} : memref<80x144xf32, #tpu.memory_space<vmem>>, vector<16xf32>,
          %parallel_loop3A_655 = arith.constant 3 : i32
          %parallel_loop3A_656 = vector.broadcast %parallel_loop3A_655 : i32 to vector<16xi32>
          %parallel_loop3A_657 = arith.addi %parallel_loop3A_600, %parallel_loop3A_656 : vector<16xi32>
          %parallel_loop3A_658 = tpu.vector_load_idx %arg27[%parallel_loop3A_657] : memref<320xf32, #tpu.memory_space<vmem>>[vector<16xi32>], vector<16xf32>,
          %parallel_loop3A_659 = arith.index_cast %parallel_loop3A_597 : i32 to index
          %parallel_loop3A_660 = arith.constant 96 : index
          %parallel_loop3A_661 = tpu.vector_load %arg14[%parallel_loop3A_659, %parallel_loop3A_660] {strides = array<i32>} : memref<80x144xf32, #tpu.memory_space<vmem>>, vector<16xf32>,
          %parallel_loop3A_662 = arith.mulf %parallel_loop3A_661, %parallel_loop3A_658 : vector<16xf32>
          %parallel_loop3A_663 = arith.index_cast %parallel_loop3A_597 : i32 to index
          %parallel_loop3A_664 = arith.constant 96 : index
          %parallel_loop3A_665 = tpu.vector_load %arg14[%parallel_loop3A_663, %parallel_loop3A_664] {strides = array<i32>} : memref<80x144xf32, #tpu.memory_space<vmem>>, vector<16xf32>,
          tpu.vector_store %arg14[%parallel_loop3A_663, %parallel_loop3A_664], %parallel_loop3A_662 {strides = array<i32>} : memref<80x144xf32, #tpu.memory_space<vmem>>, vector<16xf32>,
          %parallel_loop3A_666 = arith.index_cast %parallel_loop3A_597 : i32 to index
          %parallel_loop3A_667 = arith.constant 112 : index
          %parallel_loop3A_668 = tpu.vector_load %arg14[%parallel_loop3A_666, %parallel_loop3A_667] {strides = array<i32>} : memref<80x144xf32, #tpu.memory_space<vmem>>, vector<16xf32>,
          %parallel_loop3A_669 = arith.mulf %parallel_loop3A_668, %parallel_loop3A_658 : vector<16xf32>
          %parallel_loop3A_670 = arith.index_cast %parallel_loop3A_597 : i32 to index
          %parallel_loop3A_671 = arith.constant 112 : index
          %parallel_loop3A_672 = tpu.vector_load %arg14[%parallel_loop3A_670, %parallel_loop3A_671] {strides = array<i32>} : memref<80x144xf32, #tpu.memory_space<vmem>>, vector<16xf32>,
          tpu.vector_store %arg14[%parallel_loop3A_670, %parallel_loop3A_671], %parallel_loop3A_669 {strides = array<i32>} : memref<80x144xf32, #tpu.memory_space<vmem>>, vector<16xf32>,
          %parallel_loop3A_673 = arith.constant 3 : i32
          %parallel_loop3A_674 = vector.broadcast %parallel_loop3A_673 : i32 to vector<16xi32>
          %parallel_loop3A_675 = arith.minsi %iota3A, %parallel_loop3A_674 : vector<16xi32>
          %parallel_loop3A_676 = arith.addi %parallel_loop3A_600, %parallel_loop3A_675 : vector<16xi32>
          %parallel_loop3A_677 = tpu.vector_load_idx %arg27[%parallel_loop3A_676] : memref<320xf32, #tpu.memory_space<vmem>>[vector<16xi32>], vector<16xf32>,
          %parallel_loop3A_678 = arith.constant 4 : i32
          %parallel_loop3A_679 = vector.broadcast %parallel_loop3A_678 : i32 to vector<16xi32>
          %parallel_loop3A_680 = arith.cmpi slt, %iota3A, %parallel_loop3A_679 : vector<16xi32>
          %parallel_loop3A_681 = arith.constant 0.000000e+00 : f32
          %parallel_loop3A_682 = vector.broadcast %parallel_loop3A_681 : f32 to vector<16xf32>
          %parallel_loop3A_683 = arith.select %parallel_loop3A_680, %parallel_loop3A_677, %parallel_loop3A_682 : vector<16xi1>, vector<16xf32>
          %parallel_loop3A_684 = arith.index_cast %parallel_loop3A_597 : i32 to index
          %parallel_loop3A_685 = arith.constant 128 : index
          %parallel_loop3A_686 = tpu.vector_load %arg14[%parallel_loop3A_684, %parallel_loop3A_685] {strides = array<i32>} : memref<80x144xf32, #tpu.memory_space<vmem>>, vector<16xf32>,
          tpu.vector_store %arg14[%parallel_loop3A_684, %parallel_loop3A_685], %parallel_loop3A_683 {strides = array<i32>} : memref<80x144xf32, #tpu.memory_space<vmem>>, vector<16xf32>,
        } {sc.loop_unroll_factor = 8 : i64, sc.parallel_access}
        %dma_start3A_583 = arith.constant 1 : i32
        %dma_start3A_584 = arith.constant 0 : i32
        %dma_start3A_585 = tpu.memref_slice %arg13[%dma_start3A_583, %dma_start3A_584] : memref<2x80xi32, #tpu.memory_space<vmem>> -> memref<1x80xi32, #tpu.memory_space<vmem>>
        %dma_start3A_586 = tpu.memref_squeeze %dma_start3A_585 : memref<1x80xi32, #tpu.memory_space<vmem>> -> memref<80xi32, #tpu.memory_space<vmem>>
        %dma_start3A_587 = arith.constant 0 : i32
        %dma_start3A_588 = arith.constant 0 : i32
        %dma_start3A_589 = tpu.memref_slice %arg28[%dma_start3A_587, %dma_start3A_588] : memref<10112x144xf32, #tpu.memory_space<vmem_shared>> -> memref<10112x144xf32, #tpu.memory_space<vmem_shared>>
        tpu.enqueue_indirect_dma source(%arg14 : memref<80x144xf32, #tpu.memory_space<vmem>>) target(%dma_start3A_589 : memref<10112x144xf32, #tpu.memory_space<vmem_shared>>) offsets(%dma_start3A_586 : memref<80xi32, #tpu.memory_space<vmem>>) semaphore(%arg19 : memref<!tpu.dma_semaphore, #tpu.memory_space<semaphore_mem>>) {add = true}
        %add3A_590 = arith.constant 2 : i32
        %add3A_591 = arith.addi %scan3A_140, %add3A_590 : i32
        %lt3A_592 = arith.constant 125 : i32
        %lt3A_593 = arith.cmpi slt, %add3A_591, %lt3A_592 : i32
        %convert_element_type3A_594 = arith.extui %lt3A_593 : i1 to i32
        %cond3A_595 = arith.constant 0 : i32
        %cond3A_596 = arith.cmpi ne, %convert_element_type3A_594, %cond3A_595 : i32
        scf.if %cond3A_596 {
          %add3A_597 = arith.constant 2 : i32
          %add3A_598 = arith.addi %scan3A_140, %add3A_597 : i32
          %jit3A_599 = arith.constant 3 : i32
          %eq3A_600 = arith.constant 0 : i32
          %eq3A_601 = arith.cmpi eq, %jit3A_599, %eq3A_600 : i32
          %jit3A_602 = arith.constant 1 : i32
          %select_n3A_603 = arith.select %eq3A_601, %jit3A_602, %jit3A_599 : i32
          %rem3A_604 = arith.remsi %add3A_598, %select_n3A_603 : i32
          %ne3A_605 = arith.constant 0 : i32
          %ne3A_606 = arith.cmpi ne, %rem3A_604, %ne3A_605 : i32
          %lt3A_607 = arith.constant 0 : i32
          %lt3A_608 = arith.cmpi slt, %rem3A_604, %lt3A_607 : i32
          %lt3A_609 = arith.constant 0 : i32
          %lt3A_610 = arith.cmpi slt, %select_n3A_603, %lt3A_609 : i32
          %ne3A_611 = arith.xori %lt3A_608, %lt3A_610 : i1
          %and3A_612 = arith.andi %ne3A_611, %ne3A_606 : i1
          %add3A_613 = arith.addi %rem3A_604, %select_n3A_603 : i32
          %select_n3A_614 = arith.select %and3A_612, %add3A_613, %rem3A_604 : i32
          %eq3A_615 = arith.constant 0 : i32
          %eq3A_616 = arith.cmpi eq, %select_n3A_614, %eq3A_615 : i32
          %convert_element_type3A_617 = arith.extui %eq3A_616 : i1 to i32
          %cond3A_618 = arith.constant 0 : i32
          %cond3A_619 = arith.cmpi ne, %convert_element_type3A_617, %cond3A_618 : i32
          scf.if %cond3A_619 {
            %ge3A = arith.constant 1 : i32
            %ge3A_630 = arith.cmpi sge, %scan3A_140, %ge3A : i32
            %convert_element_type3A_631 = arith.extui %ge3A_630 : i1 to i32
            %cond3A_632 = arith.constant 0 : i32
            %cond3A_633 = arith.cmpi ne, %convert_element_type3A_631, %cond3A_632 : i32
            scf.if %cond3A_633 {
              %dma_wait3A_663 = arith.constant 1 : i32
              %dma_wait3A_664 = arith.constant 0 : i32
              %dma_wait3A_665 = tpu.memref_slice %arg6[%dma_wait3A_663, %dma_wait3A_664] : memref<2x80xi32, #tpu.memory_space<vmem>> -> memref<1x80xi32, #tpu.memory_space<vmem>>
              %dma_wait3A_666 = tpu.memref_squeeze %dma_wait3A_665 : memref<1x80xi32, #tpu.memory_space<vmem>> -> memref<80xi32, #tpu.memory_space<vmem>>
              %dma_wait3A_667 = arith.constant 0 : i32
              %dma_wait3A_668 = arith.constant 0 : i32
              %dma_wait3A_669 = tpu.memref_slice %arg28[%dma_wait3A_667, %dma_wait3A_668] : memref<10112x144xf32, #tpu.memory_space<vmem_shared>> -> memref<10112x144xf32, #tpu.memory_space<vmem_shared>>
              tpu.wait_indirect_dma semaphore(%arg12 : memref<!tpu.dma_semaphore, #tpu.memory_space<semaphore_mem>>) src(%arg7 : memref<80x144xf32, #tpu.memory_space<vmem>>) dst(%dma_wait3A_669 : memref<10112x144xf32, #tpu.memory_space<vmem_shared>>)
            } else {
            }
            %add3A_634 = arith.constant 2 : i32
            %add3A_635 = arith.addi %scan3A_140, %add3A_634 : i32
            %mul3A_636 = arith.constant 32 : i32
            %mul3A_637 = arith.muli %add3A_635, %mul3A_636 : i32
            %add3A_638 = arith.addi %mul3A_637, %add3A : i32
            %mul3A_639 = arith.constant 80 : i32
            %mul3A_640 = arith.muli %add3A_638, %mul3A_639 : i32
            %dma_start3A_641 = arith.constant 0 : i32
            %dma_start3A_642 = tpu.memref_slice %arg3[%dma_start3A_641, %mul3A_640] : memref<2x320000xi32, #tpu.memory_space<hbm>> -> memref<2x80xi32, #tpu.memory_space<hbm>>
            %dma_start3A_643 = arith.constant 0 : i32
            %dma_start3A_644 = tpu.memref_slice %arg3[%dma_start3A_643, %mul3A_640] : memref<2x320000xi32, #tpu.memory_space<hbm>> -> memref<2x80xi32, #tpu.memory_space<hbm>>
            tpu.enqueue_dma source(%dma_start3A_644 : memref<2x80xi32, #tpu.memory_space<hbm>>) target(%arg6 : memref<2x80xi32, #tpu.memory_space<vmem>>) target_semaphore(%arg9 : memref<!tpu.dma_semaphore, #tpu.memory_space<semaphore_mem>>)
            %dma_wait3A_645 = arith.constant 0 : i32
            %dma_wait3A_646 = tpu.memref_slice %arg3[%dma_wait3A_645, %mul3A_640] : memref<2x320000xi32, #tpu.memory_space<hbm>> -> memref<2x80xi32, #tpu.memory_space<hbm>>
            %dma_wait3A_647 = arith.constant 0 : i32
            %dma_wait3A_648 = tpu.memref_slice %arg3[%dma_wait3A_647, %mul3A_640] : memref<2x320000xi32, #tpu.memory_space<hbm>> -> memref<2x80xi32, #tpu.memory_space<hbm>>
            tpu.wait_dma2 semaphore(%arg9 : memref<!tpu.dma_semaphore, #tpu.memory_space<semaphore_mem>>) src(%dma_wait3A_648 : memref<2x80xi32, #tpu.memory_space<hbm>>) dst(%arg6 : memref<2x80xi32, #tpu.memory_space<vmem>>)
            %dma_start3A_649 = arith.constant 0 : i32
            %dma_start3A_650 = arith.constant 0 : i32
            %dma_start3A_651 = tpu.memref_slice %arg6[%dma_start3A_649, %dma_start3A_650] : memref<2x80xi32, #tpu.memory_space<vmem>> -> memref<1x80xi32, #tpu.memory_space<vmem>>
            %dma_start3A_652 = tpu.memref_squeeze %dma_start3A_651 : memref<1x80xi32, #tpu.memory_space<vmem>> -> memref<80xi32, #tpu.memory_space<vmem>>
            %dma_start3A_653 = arith.constant 0 : i32
            %dma_start3A_654 = arith.constant 0 : i32
            %dma_start3A_655 = tpu.memref_slice %arg2[%dma_start3A_653, %dma_start3A_654] : memref<10000x144xf32, #tpu.memory_space<hbm>> -> memref<10000x144xf32, #tpu.memory_space<hbm>>
            tpu.enqueue_indirect_dma source(%dma_start3A_655 : memref<10000x144xf32, #tpu.memory_space<hbm>>) target(%arg7 : memref<80x144xf32, #tpu.memory_space<vmem>>) offsets(%dma_start3A_652 : memref<80xi32, #tpu.memory_space<vmem>>) semaphore(%arg10 : memref<!tpu.dma_semaphore, #tpu.memory_space<semaphore_mem>>)
            %dma_start3A_656 = arith.constant 1 : i32
            %dma_start3A_657 = arith.constant 0 : i32
            %dma_start3A_658 = tpu.memref_slice %arg6[%dma_start3A_656, %dma_start3A_657] : memref<2x80xi32, #tpu.memory_space<vmem>> -> memref<1x80xi32, #tpu.memory_space<vmem>>
            %dma_start3A_659 = tpu.memref_squeeze %dma_start3A_658 : memref<1x80xi32, #tpu.memory_space<vmem>> -> memref<80xi32, #tpu.memory_space<vmem>>
            %dma_start3A_660 = arith.constant 0 : i32
            %dma_start3A_661 = arith.constant 0 : i32
            %dma_start3A_662 = tpu.memref_slice %arg4[%dma_start3A_660, %dma_start3A_661] : memref<10000x16xf32, #tpu.memory_space<hbm>> -> memref<10000x16xf32, #tpu.memory_space<hbm>>
            tpu.enqueue_indirect_dma source(%dma_start3A_662 : memref<10000x16xf32, #tpu.memory_space<hbm>>) target(%arg8 : memref<80x16xf32, #tpu.memory_space<vmem>>) offsets(%dma_start3A_659 : memref<80xi32, #tpu.memory_space<vmem>>) semaphore(%arg11 : memref<!tpu.dma_semaphore, #tpu.memory_space<semaphore_mem>>)
          } else {
          }
          %eq3A_620 = arith.constant 1 : i32
          %eq3A_621 = arith.cmpi eq, %select_n3A_614, %eq3A_620 : i32
          %convert_element_type3A_622 = arith.extui %eq3A_621 : i1 to i32
          %cond3A_623 = arith.constant 0 : i32
          %cond3A_624 = arith.cmpi ne, %convert_element_type3A_622, %cond3A_623 : i32
          scf.if %cond3A_624 {
            %ge3A = arith.constant 1 : i32
            %ge3A_630 = arith.cmpi sge, %scan3A_140, %ge3A : i32
            %convert_element_type3A_631 = arith.extui %ge3A_630 : i1 to i32
            %cond3A_632 = arith.constant 0 : i32
            %cond3A_633 = arith.cmpi ne, %convert_element_type3A_631, %cond3A_632 : i32
            scf.if %cond3A_633 {
              %dma_wait3A_663 = arith.constant 1 : i32
              %dma_wait3A_664 = arith.constant 0 : i32
              %dma_wait3A_665 = tpu.memref_slice %arg13[%dma_wait3A_663, %dma_wait3A_664] : memref<2x80xi32, #tpu.memory_space<vmem>> -> memref<1x80xi32, #tpu.memory_space<vmem>>
              %dma_wait3A_666 = tpu.memref_squeeze %dma_wait3A_665 : memref<1x80xi32, #tpu.memory_space<vmem>> -> memref<80xi32, #tpu.memory_space<vmem>>
              %dma_wait3A_667 = arith.constant 0 : i32
              %dma_wait3A_668 = arith.constant 0 : i32
              %dma_wait3A_669 = tpu.memref_slice %arg28[%dma_wait3A_667, %dma_wait3A_668] : memref<10112x144xf32, #tpu.memory_space<vmem_shared>> -> memref<10112x144xf32, #tpu.memory_space<vmem_shared>>
              tpu.wait_indirect_dma semaphore(%arg19 : memref<!tpu.dma_semaphore, #tpu.memory_space<semaphore_mem>>) src(%arg14 : memref<80x144xf32, #tpu.memory_space<vmem>>) dst(%dma_wait3A_669 : memref<10112x144xf32, #tpu.memory_space<vmem_shared>>)
            } else {
            }
            %add3A_634 = arith.constant 2 : i32
            %add3A_635 = arith.addi %scan3A_140, %add3A_634 : i32
            %mul3A_636 = arith.constant 32 : i32
            %mul3A_637 = arith.muli %add3A_635, %mul3A_636 : i32
            %add3A_638 = arith.addi %mul3A_637, %add3A : i32
            %mul3A_639 = arith.constant 80 : i32
            %mul3A_640 = arith.muli %add3A_638, %mul3A_639 : i32
            %dma_start3A_641 = arith.constant 0 : i32
            %dma_start3A_642 = tpu.memref_slice %arg3[%dma_start3A_641, %mul3A_640] : memref<2x320000xi32, #tpu.memory_space<hbm>> -> memref<2x80xi32, #tpu.memory_space<hbm>>
            %dma_start3A_643 = arith.constant 0 : i32
            %dma_start3A_644 = tpu.memref_slice %arg3[%dma_start3A_643, %mul3A_640] : memref<2x320000xi32, #tpu.memory_space<hbm>> -> memref<2x80xi32, #tpu.memory_space<hbm>>
            tpu.enqueue_dma source(%dma_start3A_644 : memref<2x80xi32, #tpu.memory_space<hbm>>) target(%arg13 : memref<2x80xi32, #tpu.memory_space<vmem>>) target_semaphore(%arg16 : memref<!tpu.dma_semaphore, #tpu.memory_space<semaphore_mem>>)
            %dma_wait3A_645 = arith.constant 0 : i32
            %dma_wait3A_646 = tpu.memref_slice %arg3[%dma_wait3A_645, %mul3A_640] : memref<2x320000xi32, #tpu.memory_space<hbm>> -> memref<2x80xi32, #tpu.memory_space<hbm>>
            %dma_wait3A_647 = arith.constant 0 : i32
            %dma_wait3A_648 = tpu.memref_slice %arg3[%dma_wait3A_647, %mul3A_640] : memref<2x320000xi32, #tpu.memory_space<hbm>> -> memref<2x80xi32, #tpu.memory_space<hbm>>
            tpu.wait_dma2 semaphore(%arg16 : memref<!tpu.dma_semaphore, #tpu.memory_space<semaphore_mem>>) src(%dma_wait3A_648 : memref<2x80xi32, #tpu.memory_space<hbm>>) dst(%arg13 : memref<2x80xi32, #tpu.memory_space<vmem>>)
            %dma_start3A_649 = arith.constant 0 : i32
            %dma_start3A_650 = arith.constant 0 : i32
            %dma_start3A_651 = tpu.memref_slice %arg13[%dma_start3A_649, %dma_start3A_650] : memref<2x80xi32, #tpu.memory_space<vmem>> -> memref<1x80xi32, #tpu.memory_space<vmem>>
            %dma_start3A_652 = tpu.memref_squeeze %dma_start3A_651 : memref<1x80xi32, #tpu.memory_space<vmem>> -> memref<80xi32, #tpu.memory_space<vmem>>
            %dma_start3A_653 = arith.constant 0 : i32
            %dma_start3A_654 = arith.constant 0 : i32
            %dma_start3A_655 = tpu.memref_slice %arg2[%dma_start3A_653, %dma_start3A_654] : memref<10000x144xf32, #tpu.memory_space<hbm>> -> memref<10000x144xf32, #tpu.memory_space<hbm>>
            tpu.enqueue_indirect_dma source(%dma_start3A_655 : memref<10000x144xf32, #tpu.memory_space<hbm>>) target(%arg14 : memref<80x144xf32, #tpu.memory_space<vmem>>) offsets(%dma_start3A_652 : memref<80xi32, #tpu.memory_space<vmem>>) semaphore(%arg17 : memref<!tpu.dma_semaphore, #tpu.memory_space<semaphore_mem>>)
            %dma_start3A_656 = arith.constant 1 : i32
            %dma_start3A_657 = arith.constant 0 : i32
            %dma_start3A_658 = tpu.memref_slice %arg13[%dma_start3A_656, %dma_start3A_657] : memref<2x80xi32, #tpu.memory_space<vmem>> -> memref<1x80xi32, #tpu.memory_space<vmem>>
            %dma_start3A_659 = tpu.memref_squeeze %dma_start3A_658 : memref<1x80xi32, #tpu.memory_space<vmem>> -> memref<80xi32, #tpu.memory_space<vmem>>
            %dma_start3A_660 = arith.constant 0 : i32
            %dma_start3A_661 = arith.constant 0 : i32
            %dma_start3A_662 = tpu.memref_slice %arg4[%dma_start3A_660, %dma_start3A_661] : memref<10000x16xf32, #tpu.memory_space<hbm>> -> memref<10000x16xf32, #tpu.memory_space<hbm>>
            tpu.enqueue_indirect_dma source(%dma_start3A_662 : memref<10000x16xf32, #tpu.memory_space<hbm>>) target(%arg15 : memref<80x16xf32, #tpu.memory_space<vmem>>) offsets(%dma_start3A_659 : memref<80xi32, #tpu.memory_space<vmem>>) semaphore(%arg18 : memref<!tpu.dma_semaphore, #tpu.memory_space<semaphore_mem>>)
          } else {
          }
          %eq3A_625 = arith.constant 2 : i32
          %eq3A_626 = arith.cmpi eq, %select_n3A_614, %eq3A_625 : i32
          %convert_element_type3A_627 = arith.extui %eq3A_626 : i1 to i32
          %cond3A_628 = arith.constant 0 : i32
          %cond3A_629 = arith.cmpi ne, %convert_element_type3A_627, %cond3A_628 : i32
          scf.if %cond3A_629 {
            %ge3A = arith.constant 1 : i32
            %ge3A_630 = arith.cmpi sge, %scan3A_140, %ge3A : i32
            %convert_element_type3A_631 = arith.extui %ge3A_630 : i1 to i32
            %cond3A_632 = arith.constant 0 : i32
            %cond3A_633 = arith.cmpi ne, %convert_element_type3A_631, %cond3A_632 : i32
            scf.if %cond3A_633 {
              %dma_wait3A_663 = arith.constant 1 : i32
              %dma_wait3A_664 = arith.constant 0 : i32
              %dma_wait3A_665 = tpu.memref_slice %arg20[%dma_wait3A_663, %dma_wait3A_664] : memref<2x80xi32, #tpu.memory_space<vmem>> -> memref<1x80xi32, #tpu.memory_space<vmem>>
              %dma_wait3A_666 = tpu.memref_squeeze %dma_wait3A_665 : memref<1x80xi32, #tpu.memory_space<vmem>> -> memref<80xi32, #tpu.memory_space<vmem>>
              %dma_wait3A_667 = arith.constant 0 : i32
              %dma_wait3A_668 = arith.constant 0 : i32
              %dma_wait3A_669 = tpu.memref_slice %arg28[%dma_wait3A_667, %dma_wait3A_668] : memref<10112x144xf32, #tpu.memory_space<vmem_shared>> -> memref<10112x144xf32, #tpu.memory_space<vmem_shared>>
              tpu.wait_indirect_dma semaphore(%arg26 : memref<!tpu.dma_semaphore, #tpu.memory_space<semaphore_mem>>) src(%arg21 : memref<80x144xf32, #tpu.memory_space<vmem>>) dst(%dma_wait3A_669 : memref<10112x144xf32, #tpu.memory_space<vmem_shared>>)
            } else {
            }
            %add3A_634 = arith.constant 2 : i32
            %add3A_635 = arith.addi %scan3A_140, %add3A_634 : i32
            %mul3A_636 = arith.constant 32 : i32
            %mul3A_637 = arith.muli %add3A_635, %mul3A_636 : i32
            %add3A_638 = arith.addi %mul3A_637, %add3A : i32
            %mul3A_639 = arith.constant 80 : i32
            %mul3A_640 = arith.muli %add3A_638, %mul3A_639 : i32
            %dma_start3A_641 = arith.constant 0 : i32
            %dma_start3A_642 = tpu.memref_slice %arg3[%dma_start3A_641, %mul3A_640] : memref<2x320000xi32, #tpu.memory_space<hbm>> -> memref<2x80xi32, #tpu.memory_space<hbm>>
            %dma_start3A_643 = arith.constant 0 : i32
            %dma_start3A_644 = tpu.memref_slice %arg3[%dma_start3A_643, %mul3A_640] : memref<2x320000xi32, #tpu.memory_space<hbm>> -> memref<2x80xi32, #tpu.memory_space<hbm>>
            tpu.enqueue_dma source(%dma_start3A_644 : memref<2x80xi32, #tpu.memory_space<hbm>>) target(%arg20 : memref<2x80xi32, #tpu.memory_space<vmem>>) target_semaphore(%arg23 : memref<!tpu.dma_semaphore, #tpu.memory_space<semaphore_mem>>)
            %dma_wait3A_645 = arith.constant 0 : i32
            %dma_wait3A_646 = tpu.memref_slice %arg3[%dma_wait3A_645, %mul3A_640] : memref<2x320000xi32, #tpu.memory_space<hbm>> -> memref<2x80xi32, #tpu.memory_space<hbm>>
            %dma_wait3A_647 = arith.constant 0 : i32
            %dma_wait3A_648 = tpu.memref_slice %arg3[%dma_wait3A_647, %mul3A_640] : memref<2x320000xi32, #tpu.memory_space<hbm>> -> memref<2x80xi32, #tpu.memory_space<hbm>>
            tpu.wait_dma2 semaphore(%arg23 : memref<!tpu.dma_semaphore, #tpu.memory_space<semaphore_mem>>) src(%dma_wait3A_648 : memref<2x80xi32, #tpu.memory_space<hbm>>) dst(%arg20 : memref<2x80xi32, #tpu.memory_space<vmem>>)
            %dma_start3A_649 = arith.constant 0 : i32
            %dma_start3A_650 = arith.constant 0 : i32
            %dma_start3A_651 = tpu.memref_slice %arg20[%dma_start3A_649, %dma_start3A_650] : memref<2x80xi32, #tpu.memory_space<vmem>> -> memref<1x80xi32, #tpu.memory_space<vmem>>
            %dma_start3A_652 = tpu.memref_squeeze %dma_start3A_651 : memref<1x80xi32, #tpu.memory_space<vmem>> -> memref<80xi32, #tpu.memory_space<vmem>>
            %dma_start3A_653 = arith.constant 0 : i32
            %dma_start3A_654 = arith.constant 0 : i32
            %dma_start3A_655 = tpu.memref_slice %arg2[%dma_start3A_653, %dma_start3A_654] : memref<10000x144xf32, #tpu.memory_space<hbm>> -> memref<10000x144xf32, #tpu.memory_space<hbm>>
            tpu.enqueue_indirect_dma source(%dma_start3A_655 : memref<10000x144xf32, #tpu.memory_space<hbm>>) target(%arg21 : memref<80x144xf32, #tpu.memory_space<vmem>>) offsets(%dma_start3A_652 : memref<80xi32, #tpu.memory_space<vmem>>) semaphore(%arg24 : memref<!tpu.dma_semaphore, #tpu.memory_space<semaphore_mem>>)
            %dma_start3A_656 = arith.constant 1 : i32
            %dma_start3A_657 = arith.constant 0 : i32
            %dma_start3A_658 = tpu.memref_slice %arg20[%dma_start3A_656, %dma_start3A_657] : memref<2x80xi32, #tpu.memory_space<vmem>> -> memref<1x80xi32, #tpu.memory_space<vmem>>
            %dma_start3A_659 = tpu.memref_squeeze %dma_start3A_658 : memref<1x80xi32, #tpu.memory_space<vmem>> -> memref<80xi32, #tpu.memory_space<vmem>>
            %dma_start3A_660 = arith.constant 0 : i32
            %dma_start3A_661 = arith.constant 0 : i32
            %dma_start3A_662 = tpu.memref_slice %arg4[%dma_start3A_660, %dma_start3A_661] : memref<10000x16xf32, #tpu.memory_space<hbm>> -> memref<10000x16xf32, #tpu.memory_space<hbm>>
            tpu.enqueue_indirect_dma source(%dma_start3A_662 : memref<10000x16xf32, #tpu.memory_space<hbm>>) target(%arg22 : memref<80x16xf32, #tpu.memory_space<vmem>>) offsets(%dma_start3A_659 : memref<80xi32, #tpu.memory_space<vmem>>) semaphore(%arg25 : memref<!tpu.dma_semaphore, #tpu.memory_space<semaphore_mem>>)
          } else {
          }
        } else {
        }
      } else {
      }
      %jit3A_174 = arith.constant 3 : i32
      %eq3A_175 = arith.constant 0 : i32
      %eq3A_176 = arith.cmpi eq, %jit3A_174, %eq3A_175 : i32
      %jit3A_177 = arith.constant 1 : i32
      %select_n3A_178 = arith.select %eq3A_176, %jit3A_177, %jit3A_174 : i32
      %rem3A_179 = arith.remsi %scan3A_140, %select_n3A_178 : i32
      %ne3A_180 = arith.constant 0 : i32
      %ne3A_181 = arith.cmpi ne, %rem3A_179, %ne3A_180 : i32
      %lt3A_182 = arith.constant 0 : i32
      %lt3A_183 = arith.cmpi slt, %rem3A_179, %lt3A_182 : i32
      %lt3A_184 = arith.constant 0 : i32
      %lt3A_185 = arith.cmpi slt, %select_n3A_178, %lt3A_184 : i32
      %ne3A_186 = arith.xori %lt3A_183, %lt3A_185 : i1
      %and3A_187 = arith.andi %ne3A_186, %ne3A_181 : i1
      %add3A_188 = arith.addi %rem3A_179, %select_n3A_178 : i32
      %select_n3A_189 = arith.select %and3A_187, %add3A_188, %rem3A_179 : i32
      %eq3A_190 = arith.constant 2 : i32
      %eq3A_191 = arith.cmpi eq, %select_n3A_189, %eq3A_190 : i32
      %convert_element_type3A_192 = arith.extui %eq3A_191 : i1 to i32
      %cond3A_193 = arith.constant 0 : i32
      %cond3A_194 = arith.cmpi ne, %convert_element_type3A_192, %cond3A_193 : i32
      scf.if %cond3A_194 {
        %dma_wait3A_195 = arith.constant 0 : i32
        %dma_wait3A_196 = arith.constant 0 : i32
        %dma_wait3A_197 = tpu.memref_slice %arg20[%dma_wait3A_195, %dma_wait3A_196] : memref<2x80xi32, #tpu.memory_space<vmem>> -> memref<1x80xi32, #tpu.memory_space<vmem>>
        %dma_wait3A_198 = tpu.memref_squeeze %dma_wait3A_197 : memref<1x80xi32, #tpu.memory_space<vmem>> -> memref<80xi32, #tpu.memory_space<vmem>>
        %dma_wait3A_199 = arith.constant 0 : i32
        %dma_wait3A_200 = arith.constant 0 : i32
        %dma_wait3A_201 = tpu.memref_slice %arg2[%dma_wait3A_199, %dma_wait3A_200] : memref<10000x144xf32, #tpu.memory_space<hbm>> -> memref<10000x144xf32, #tpu.memory_space<hbm>>
        tpu.wait_indirect_dma semaphore(%arg24 : memref<!tpu.dma_semaphore, #tpu.memory_space<semaphore_mem>>) src(%dma_wait3A_201 : memref<10000x144xf32, #tpu.memory_space<hbm>>) dst(%arg21 : memref<80x144xf32, #tpu.memory_space<vmem>>)
        %dma_wait3A_202 = arith.constant 1 : i32
        %dma_wait3A_203 = arith.constant 0 : i32
        %dma_wait3A_204 = tpu.memref_slice %arg20[%dma_wait3A_202, %dma_wait3A_203] : memref<2x80xi32, #tpu.memory_space<vmem>> -> memref<1x80xi32, #tpu.memory_space<vmem>>
        %dma_wait3A_205 = tpu.memref_squeeze %dma_wait3A_204 : memref<1x80xi32, #tpu.memory_space<vmem>> -> memref<80xi32, #tpu.memory_space<vmem>>
        %dma_wait3A_206 = arith.constant 0 : i32
        %dma_wait3A_207 = arith.constant 0 : i32
        %dma_wait3A_208 = tpu.memref_slice %arg4[%dma_wait3A_206, %dma_wait3A_207] : memref<10000x16xf32, #tpu.memory_space<hbm>> -> memref<10000x16xf32, #tpu.memory_space<hbm>>
        tpu.wait_indirect_dma semaphore(%arg25 : memref<!tpu.dma_semaphore, #tpu.memory_space<semaphore_mem>>) src(%dma_wait3A_208 : memref<10000x16xf32, #tpu.memory_space<hbm>>) dst(%arg22 : memref<80x16xf32, #tpu.memory_space<vmem>>)
        %add3A_209 = arith.constant 0 : i32
        %add3A_210 = vector.broadcast %add3A_209 : i32 to vector<16xi32>
        %add3A_211 = arith.addi %add3A_210, %iota3A : vector<16xi32>
        %broadcast_in_dim3A_212 = arith.constant 128 : i32
        %broadcast_in_dim3A_213 = vector.broadcast %broadcast_in_dim3A_212 : i32 to vector<16xi32>
        %gather3A = tpu.vector_load_idx %arg21[%add3A_211, %broadcast_in_dim3A_213] : memref<80x144xf32, #tpu.memory_space<vmem>>[vector<16xi32>, vector<16xi32>], vector<16xf32>,
        %broadcast_in_dim3A_214 = arith.constant 0 : i32
        %broadcast_in_dim3A_215 = vector.broadcast %broadcast_in_dim3A_214 : i32 to vector<16xi32>
        %gather3A_216 = tpu.vector_load_idx %arg22[%add3A_211, %broadcast_in_dim3A_215] : memref<80x16xf32, #tpu.memory_space<vmem>>[vector<16xi32>, vector<16xi32>], vector<16xf32>,
        %add3A_217 = arith.addf %gather3A, %gather3A_216 : vector<16xf32>
        %mul3A_218 = arith.constant 2.000000e-01 : f32
        %mul3A_219 = vector.broadcast %mul3A_218 : f32 to vector<16xf32>
        %mul3A_220 = arith.mulf %mul3A_219, %add3A_217 : vector<16xf32>
        %max3A = arith.maximumf %add3A_217, %mul3A_220 : vector<16xf32>
        %exp3A = math.exp %max3A : vector<16xf32>
        %mul3A_221 = arith.constant 4 : i32
        %mul3A_222 = vector.broadcast %mul3A_221 : i32 to vector<16xi32>
        %mul3A_223 = arith.muli %add3A_211, %mul3A_222 : vector<16xi32>
        %add3A_224 = arith.constant 0 : i32
        %add3A_225 = vector.broadcast %add3A_224 : i32 to vector<16xi32>
        %add3A_226 = arith.addi %mul3A_223, %add3A_225 : vector<16xi32>
        tpu.vector_store_idx %arg27[%add3A_226], %exp3A : memref<320xf32, #tpu.memory_space<vmem>>[vector<16xi32>], vector<16xf32>,
        %broadcast_in_dim3A_227 = arith.constant 129 : i32
        %broadcast_in_dim3A_228 = vector.broadcast %broadcast_in_dim3A_227 : i32 to vector<16xi32>
        %gather3A_229 = tpu.vector_load_idx %arg21[%add3A_211, %broadcast_in_dim3A_228] : memref<80x144xf32, #tpu.memory_space<vmem>>[vector<16xi32>, vector<16xi32>], vector<16xf32>,
        %broadcast_in_dim3A_230 = arith.constant 1 : i32
        %broadcast_in_dim3A_231 = vector.broadcast %broadcast_in_dim3A_230 : i32 to vector<16xi32>
        %gather3A_232 = tpu.vector_load_idx %arg22[%add3A_211, %broadcast_in_dim3A_231] : memref<80x16xf32, #tpu.memory_space<vmem>>[vector<16xi32>, vector<16xi32>], vector<16xf32>,
        %add3A_233 = arith.addf %gather3A_229, %gather3A_232 : vector<16xf32>
        %mul3A_234 = arith.constant 2.000000e-01 : f32
        %mul3A_235 = vector.broadcast %mul3A_234 : f32 to vector<16xf32>
        %mul3A_236 = arith.mulf %mul3A_235, %add3A_233 : vector<16xf32>
        %max3A_237 = arith.maximumf %add3A_233, %mul3A_236 : vector<16xf32>
        %exp3A_238 = math.exp %max3A_237 : vector<16xf32>
        %mul3A_239 = arith.constant 4 : i32
        %mul3A_240 = vector.broadcast %mul3A_239 : i32 to vector<16xi32>
        %mul3A_241 = arith.muli %add3A_211, %mul3A_240 : vector<16xi32>
        %add3A_242 = arith.constant 1 : i32
        %add3A_243 = vector.broadcast %add3A_242 : i32 to vector<16xi32>
        %add3A_244 = arith.addi %mul3A_241, %add3A_243 : vector<16xi32>
        tpu.vector_store_idx %arg27[%add3A_244], %exp3A_238 : memref<320xf32, #tpu.memory_space<vmem>>[vector<16xi32>], vector<16xf32>,
        %broadcast_in_dim3A_245 = arith.constant 130 : i32
        %broadcast_in_dim3A_246 = vector.broadcast %broadcast_in_dim3A_245 : i32 to vector<16xi32>
        %gather3A_247 = tpu.vector_load_idx %arg21[%add3A_211, %broadcast_in_dim3A_246] : memref<80x144xf32, #tpu.memory_space<vmem>>[vector<16xi32>, vector<16xi32>], vector<16xf32>,
        %broadcast_in_dim3A_248 = arith.constant 2 : i32
        %broadcast_in_dim3A_249 = vector.broadcast %broadcast_in_dim3A_248 : i32 to vector<16xi32>
        %gather3A_250 = tpu.vector_load_idx %arg22[%add3A_211, %broadcast_in_dim3A_249] : memref<80x16xf32, #tpu.memory_space<vmem>>[vector<16xi32>, vector<16xi32>], vector<16xf32>,
        %add3A_251 = arith.addf %gather3A_247, %gather3A_250 : vector<16xf32>
        %mul3A_252 = arith.constant 2.000000e-01 : f32
        %mul3A_253 = vector.broadcast %mul3A_252 : f32 to vector<16xf32>
        %mul3A_254 = arith.mulf %mul3A_253, %add3A_251 : vector<16xf32>
        %max3A_255 = arith.maximumf %add3A_251, %mul3A_254 : vector<16xf32>
        %exp3A_256 = math.exp %max3A_255 : vector<16xf32>
        %mul3A_257 = arith.constant 4 : i32
        %mul3A_258 = vector.broadcast %mul3A_257 : i32 to vector<16xi32>
        %mul3A_259 = arith.muli %add3A_211, %mul3A_258 : vector<16xi32>
        %add3A_260 = arith.constant 2 : i32
        %add3A_261 = vector.broadcast %add3A_260 : i32 to vector<16xi32>
        %add3A_262 = arith.addi %mul3A_259, %add3A_261 : vector<16xi32>
        tpu.vector_store_idx %arg27[%add3A_262], %exp3A_256 : memref<320xf32, #tpu.memory_space<vmem>>[vector<16xi32>], vector<16xf32>,
        %broadcast_in_dim3A_263 = arith.constant 131 : i32
        %broadcast_in_dim3A_264 = vector.broadcast %broadcast_in_dim3A_263 : i32 to vector<16xi32>
        %gather3A_265 = tpu.vector_load_idx %arg21[%add3A_211, %broadcast_in_dim3A_264] : memref<80x144xf32, #tpu.memory_space<vmem>>[vector<16xi32>, vector<16xi32>], vector<16xf32>,
        %broadcast_in_dim3A_266 = arith.constant 3 : i32
        %broadcast_in_dim3A_267 = vector.broadcast %broadcast_in_dim3A_266 : i32 to vector<16xi32>
        %gather3A_268 = tpu.vector_load_idx %arg22[%add3A_211, %broadcast_in_dim3A_267] : memref<80x16xf32, #tpu.memory_space<vmem>>[vector<16xi32>, vector<16xi32>], vector<16xf32>,
        %add3A_269 = arith.addf %gather3A_265, %gather3A_268 : vector<16xf32>
        %mul3A_270 = arith.constant 2.000000e-01 : f32
        %mul3A_271 = vector.broadcast %mul3A_270 : f32 to vector<16xf32>
        %mul3A_272 = arith.mulf %mul3A_271, %add3A_269 : vector<16xf32>
        %max3A_273 = arith.maximumf %add3A_269, %mul3A_272 : vector<16xf32>
        %exp3A_274 = math.exp %max3A_273 : vector<16xf32>
        %mul3A_275 = arith.constant 4 : i32
        %mul3A_276 = vector.broadcast %mul3A_275 : i32 to vector<16xi32>
        %mul3A_277 = arith.muli %add3A_211, %mul3A_276 : vector<16xi32>
        %add3A_278 = arith.constant 3 : i32
        %add3A_279 = vector.broadcast %add3A_278 : i32 to vector<16xi32>
        %add3A_280 = arith.addi %mul3A_277, %add3A_279 : vector<16xi32>
        tpu.vector_store_idx %arg27[%add3A_280], %exp3A_274 : memref<320xf32, #tpu.memory_space<vmem>>[vector<16xi32>], vector<16xf32>,
        %add3A_281 = arith.constant 16 : i32
        %add3A_282 = vector.broadcast %add3A_281 : i32 to vector<16xi32>
        %add3A_283 = arith.addi %add3A_282, %iota3A : vector<16xi32>
        %broadcast_in_dim3A_284 = arith.constant 128 : i32
        %broadcast_in_dim3A_285 = vector.broadcast %broadcast_in_dim3A_284 : i32 to vector<16xi32>
        %gather3A_286 = tpu.vector_load_idx %arg21[%add3A_283, %broadcast_in_dim3A_285] : memref<80x144xf32, #tpu.memory_space<vmem>>[vector<16xi32>, vector<16xi32>], vector<16xf32>,
        %broadcast_in_dim3A_287 = arith.constant 0 : i32
        %broadcast_in_dim3A_288 = vector.broadcast %broadcast_in_dim3A_287 : i32 to vector<16xi32>
        %gather3A_289 = tpu.vector_load_idx %arg22[%add3A_283, %broadcast_in_dim3A_288] : memref<80x16xf32, #tpu.memory_space<vmem>>[vector<16xi32>, vector<16xi32>], vector<16xf32>,
        %add3A_290 = arith.addf %gather3A_286, %gather3A_289 : vector<16xf32>
        %mul3A_291 = arith.constant 2.000000e-01 : f32
        %mul3A_292 = vector.broadcast %mul3A_291 : f32 to vector<16xf32>
        %mul3A_293 = arith.mulf %mul3A_292, %add3A_290 : vector<16xf32>
        %max3A_294 = arith.maximumf %add3A_290, %mul3A_293 : vector<16xf32>
        %exp3A_295 = math.exp %max3A_294 : vector<16xf32>
        %mul3A_296 = arith.constant 4 : i32
        %mul3A_297 = vector.broadcast %mul3A_296 : i32 to vector<16xi32>
        %mul3A_298 = arith.muli %add3A_283, %mul3A_297 : vector<16xi32>
        %add3A_299 = arith.constant 0 : i32
        %add3A_300 = vector.broadcast %add3A_299 : i32 to vector<16xi32>
        %add3A_301 = arith.addi %mul3A_298, %add3A_300 : vector<16xi32>
        tpu.vector_store_idx %arg27[%add3A_301], %exp3A_295 : memref<320xf32, #tpu.memory_space<vmem>>[vector<16xi32>], vector<16xf32>,
        %broadcast_in_dim3A_302 = arith.constant 129 : i32
        %broadcast_in_dim3A_303 = vector.broadcast %broadcast_in_dim3A_302 : i32 to vector<16xi32>
        %gather3A_304 = tpu.vector_load_idx %arg21[%add3A_283, %broadcast_in_dim3A_303] : memref<80x144xf32, #tpu.memory_space<vmem>>[vector<16xi32>, vector<16xi32>], vector<16xf32>,
        %broadcast_in_dim3A_305 = arith.constant 1 : i32
        %broadcast_in_dim3A_306 = vector.broadcast %broadcast_in_dim3A_305 : i32 to vector<16xi32>
        %gather3A_307 = tpu.vector_load_idx %arg22[%add3A_283, %broadcast_in_dim3A_306] : memref<80x16xf32, #tpu.memory_space<vmem>>[vector<16xi32>, vector<16xi32>], vector<16xf32>,
        %add3A_308 = arith.addf %gather3A_304, %gather3A_307 : vector<16xf32>
        %mul3A_309 = arith.constant 2.000000e-01 : f32
        %mul3A_310 = vector.broadcast %mul3A_309 : f32 to vector<16xf32>
        %mul3A_311 = arith.mulf %mul3A_310, %add3A_308 : vector<16xf32>
        %max3A_312 = arith.maximumf %add3A_308, %mul3A_311 : vector<16xf32>
        %exp3A_313 = math.exp %max3A_312 : vector<16xf32>
        %mul3A_314 = arith.constant 4 : i32
        %mul3A_315 = vector.broadcast %mul3A_314 : i32 to vector<16xi32>
        %mul3A_316 = arith.muli %add3A_283, %mul3A_315 : vector<16xi32>
        %add3A_317 = arith.constant 1 : i32
        %add3A_318 = vector.broadcast %add3A_317 : i32 to vector<16xi32>
        %add3A_319 = arith.addi %mul3A_316, %add3A_318 : vector<16xi32>
        tpu.vector_store_idx %arg27[%add3A_319], %exp3A_313 : memref<320xf32, #tpu.memory_space<vmem>>[vector<16xi32>], vector<16xf32>,
        %broadcast_in_dim3A_320 = arith.constant 130 : i32
        %broadcast_in_dim3A_321 = vector.broadcast %broadcast_in_dim3A_320 : i32 to vector<16xi32>
        %gather3A_322 = tpu.vector_load_idx %arg21[%add3A_283, %broadcast_in_dim3A_321] : memref<80x144xf32, #tpu.memory_space<vmem>>[vector<16xi32>, vector<16xi32>], vector<16xf32>,
        %broadcast_in_dim3A_323 = arith.constant 2 : i32
        %broadcast_in_dim3A_324 = vector.broadcast %broadcast_in_dim3A_323 : i32 to vector<16xi32>
        %gather3A_325 = tpu.vector_load_idx %arg22[%add3A_283, %broadcast_in_dim3A_324] : memref<80x16xf32, #tpu.memory_space<vmem>>[vector<16xi32>, vector<16xi32>], vector<16xf32>,
        %add3A_326 = arith.addf %gather3A_322, %gather3A_325 : vector<16xf32>
        %mul3A_327 = arith.constant 2.000000e-01 : f32
        %mul3A_328 = vector.broadcast %mul3A_327 : f32 to vector<16xf32>
        %mul3A_329 = arith.mulf %mul3A_328, %add3A_326 : vector<16xf32>
        %max3A_330 = arith.maximumf %add3A_326, %mul3A_329 : vector<16xf32>
        %exp3A_331 = math.exp %max3A_330 : vector<16xf32>
        %mul3A_332 = arith.constant 4 : i32
        %mul3A_333 = vector.broadcast %mul3A_332 : i32 to vector<16xi32>
        %mul3A_334 = arith.muli %add3A_283, %mul3A_333 : vector<16xi32>
        %add3A_335 = arith.constant 2 : i32
        %add3A_336 = vector.broadcast %add3A_335 : i32 to vector<16xi32>
        %add3A_337 = arith.addi %mul3A_334, %add3A_336 : vector<16xi32>
        tpu.vector_store_idx %arg27[%add3A_337], %exp3A_331 : memref<320xf32, #tpu.memory_space<vmem>>[vector<16xi32>], vector<16xf32>,
        %broadcast_in_dim3A_338 = arith.constant 131 : i32
        %broadcast_in_dim3A_339 = vector.broadcast %broadcast_in_dim3A_338 : i32 to vector<16xi32>
        %gather3A_340 = tpu.vector_load_idx %arg21[%add3A_283, %broadcast_in_dim3A_339] : memref<80x144xf32, #tpu.memory_space<vmem>>[vector<16xi32>, vector<16xi32>], vector<16xf32>,
        %broadcast_in_dim3A_341 = arith.constant 3 : i32
        %broadcast_in_dim3A_342 = vector.broadcast %broadcast_in_dim3A_341 : i32 to vector<16xi32>
        %gather3A_343 = tpu.vector_load_idx %arg22[%add3A_283, %broadcast_in_dim3A_342] : memref<80x16xf32, #tpu.memory_space<vmem>>[vector<16xi32>, vector<16xi32>], vector<16xf32>,
        %add3A_344 = arith.addf %gather3A_340, %gather3A_343 : vector<16xf32>
        %mul3A_345 = arith.constant 2.000000e-01 : f32
        %mul3A_346 = vector.broadcast %mul3A_345 : f32 to vector<16xf32>
        %mul3A_347 = arith.mulf %mul3A_346, %add3A_344 : vector<16xf32>
        %max3A_348 = arith.maximumf %add3A_344, %mul3A_347 : vector<16xf32>
        %exp3A_349 = math.exp %max3A_348 : vector<16xf32>
        %mul3A_350 = arith.constant 4 : i32
        %mul3A_351 = vector.broadcast %mul3A_350 : i32 to vector<16xi32>
        %mul3A_352 = arith.muli %add3A_283, %mul3A_351 : vector<16xi32>
        %add3A_353 = arith.constant 3 : i32
        %add3A_354 = vector.broadcast %add3A_353 : i32 to vector<16xi32>
        %add3A_355 = arith.addi %mul3A_352, %add3A_354 : vector<16xi32>
        tpu.vector_store_idx %arg27[%add3A_355], %exp3A_349 : memref<320xf32, #tpu.memory_space<vmem>>[vector<16xi32>], vector<16xf32>,
        %add3A_356 = arith.constant 32 : i32
        %add3A_357 = vector.broadcast %add3A_356 : i32 to vector<16xi32>
        %add3A_358 = arith.addi %add3A_357, %iota3A : vector<16xi32>
        %broadcast_in_dim3A_359 = arith.constant 128 : i32
        %broadcast_in_dim3A_360 = vector.broadcast %broadcast_in_dim3A_359 : i32 to vector<16xi32>
        %gather3A_361 = tpu.vector_load_idx %arg21[%add3A_358, %broadcast_in_dim3A_360] : memref<80x144xf32, #tpu.memory_space<vmem>>[vector<16xi32>, vector<16xi32>], vector<16xf32>,
        %broadcast_in_dim3A_362 = arith.constant 0 : i32
        %broadcast_in_dim3A_363 = vector.broadcast %broadcast_in_dim3A_362 : i32 to vector<16xi32>
        %gather3A_364 = tpu.vector_load_idx %arg22[%add3A_358, %broadcast_in_dim3A_363] : memref<80x16xf32, #tpu.memory_space<vmem>>[vector<16xi32>, vector<16xi32>], vector<16xf32>,
        %add3A_365 = arith.addf %gather3A_361, %gather3A_364 : vector<16xf32>
        %mul3A_366 = arith.constant 2.000000e-01 : f32
        %mul3A_367 = vector.broadcast %mul3A_366 : f32 to vector<16xf32>
        %mul3A_368 = arith.mulf %mul3A_367, %add3A_365 : vector<16xf32>
        %max3A_369 = arith.maximumf %add3A_365, %mul3A_368 : vector<16xf32>
        %exp3A_370 = math.exp %max3A_369 : vector<16xf32>
        %mul3A_371 = arith.constant 4 : i32
        %mul3A_372 = vector.broadcast %mul3A_371 : i32 to vector<16xi32>
        %mul3A_373 = arith.muli %add3A_358, %mul3A_372 : vector<16xi32>
        %add3A_374 = arith.constant 0 : i32
        %add3A_375 = vector.broadcast %add3A_374 : i32 to vector<16xi32>
        %add3A_376 = arith.addi %mul3A_373, %add3A_375 : vector<16xi32>
        tpu.vector_store_idx %arg27[%add3A_376], %exp3A_370 : memref<320xf32, #tpu.memory_space<vmem>>[vector<16xi32>], vector<16xf32>,
        %broadcast_in_dim3A_377 = arith.constant 129 : i32
        %broadcast_in_dim3A_378 = vector.broadcast %broadcast_in_dim3A_377 : i32 to vector<16xi32>
        %gather3A_379 = tpu.vector_load_idx %arg21[%add3A_358, %broadcast_in_dim3A_378] : memref<80x144xf32, #tpu.memory_space<vmem>>[vector<16xi32>, vector<16xi32>], vector<16xf32>,
        %broadcast_in_dim3A_380 = arith.constant 1 : i32
        %broadcast_in_dim3A_381 = vector.broadcast %broadcast_in_dim3A_380 : i32 to vector<16xi32>
        %gather3A_382 = tpu.vector_load_idx %arg22[%add3A_358, %broadcast_in_dim3A_381] : memref<80x16xf32, #tpu.memory_space<vmem>>[vector<16xi32>, vector<16xi32>], vector<16xf32>,
        %add3A_383 = arith.addf %gather3A_379, %gather3A_382 : vector<16xf32>
        %mul3A_384 = arith.constant 2.000000e-01 : f32
        %mul3A_385 = vector.broadcast %mul3A_384 : f32 to vector<16xf32>
        %mul3A_386 = arith.mulf %mul3A_385, %add3A_383 : vector<16xf32>
        %max3A_387 = arith.maximumf %add3A_383, %mul3A_386 : vector<16xf32>
        %exp3A_388 = math.exp %max3A_387 : vector<16xf32>
        %mul3A_389 = arith.constant 4 : i32
        %mul3A_390 = vector.broadcast %mul3A_389 : i32 to vector<16xi32>
        %mul3A_391 = arith.muli %add3A_358, %mul3A_390 : vector<16xi32>
        %add3A_392 = arith.constant 1 : i32
        %add3A_393 = vector.broadcast %add3A_392 : i32 to vector<16xi32>
        %add3A_394 = arith.addi %mul3A_391, %add3A_393 : vector<16xi32>
        tpu.vector_store_idx %arg27[%add3A_394], %exp3A_388 : memref<320xf32, #tpu.memory_space<vmem>>[vector<16xi32>], vector<16xf32>,
        %broadcast_in_dim3A_395 = arith.constant 130 : i32
        %broadcast_in_dim3A_396 = vector.broadcast %broadcast_in_dim3A_395 : i32 to vector<16xi32>
        %gather3A_397 = tpu.vector_load_idx %arg21[%add3A_358, %broadcast_in_dim3A_396] : memref<80x144xf32, #tpu.memory_space<vmem>>[vector<16xi32>, vector<16xi32>], vector<16xf32>,
        %broadcast_in_dim3A_398 = arith.constant 2 : i32
        %broadcast_in_dim3A_399 = vector.broadcast %broadcast_in_dim3A_398 : i32 to vector<16xi32>
        %gather3A_400 = tpu.vector_load_idx %arg22[%add3A_358, %broadcast_in_dim3A_399] : memref<80x16xf32, #tpu.memory_space<vmem>>[vector<16xi32>, vector<16xi32>], vector<16xf32>,
        %add3A_401 = arith.addf %gather3A_397, %gather3A_400 : vector<16xf32>
        %mul3A_402 = arith.constant 2.000000e-01 : f32
        %mul3A_403 = vector.broadcast %mul3A_402 : f32 to vector<16xf32>
        %mul3A_404 = arith.mulf %mul3A_403, %add3A_401 : vector<16xf32>
        %max3A_405 = arith.maximumf %add3A_401, %mul3A_404 : vector<16xf32>
        %exp3A_406 = math.exp %max3A_405 : vector<16xf32>
        %mul3A_407 = arith.constant 4 : i32
        %mul3A_408 = vector.broadcast %mul3A_407 : i32 to vector<16xi32>
        %mul3A_409 = arith.muli %add3A_358, %mul3A_408 : vector<16xi32>
        %add3A_410 = arith.constant 2 : i32
        %add3A_411 = vector.broadcast %add3A_410 : i32 to vector<16xi32>
        %add3A_412 = arith.addi %mul3A_409, %add3A_411 : vector<16xi32>
        tpu.vector_store_idx %arg27[%add3A_412], %exp3A_406 : memref<320xf32, #tpu.memory_space<vmem>>[vector<16xi32>], vector<16xf32>,
        %broadcast_in_dim3A_413 = arith.constant 131 : i32
        %broadcast_in_dim3A_414 = vector.broadcast %broadcast_in_dim3A_413 : i32 to vector<16xi32>
        %gather3A_415 = tpu.vector_load_idx %arg21[%add3A_358, %broadcast_in_dim3A_414] : memref<80x144xf32, #tpu.memory_space<vmem>>[vector<16xi32>, vector<16xi32>], vector<16xf32>,
        %broadcast_in_dim3A_416 = arith.constant 3 : i32
        %broadcast_in_dim3A_417 = vector.broadcast %broadcast_in_dim3A_416 : i32 to vector<16xi32>
        %gather3A_418 = tpu.vector_load_idx %arg22[%add3A_358, %broadcast_in_dim3A_417] : memref<80x16xf32, #tpu.memory_space<vmem>>[vector<16xi32>, vector<16xi32>], vector<16xf32>,
        %add3A_419 = arith.addf %gather3A_415, %gather3A_418 : vector<16xf32>
        %mul3A_420 = arith.constant 2.000000e-01 : f32
        %mul3A_421 = vector.broadcast %mul3A_420 : f32 to vector<16xf32>
        %mul3A_422 = arith.mulf %mul3A_421, %add3A_419 : vector<16xf32>
        %max3A_423 = arith.maximumf %add3A_419, %mul3A_422 : vector<16xf32>
        %exp3A_424 = math.exp %max3A_423 : vector<16xf32>
        %mul3A_425 = arith.constant 4 : i32
        %mul3A_426 = vector.broadcast %mul3A_425 : i32 to vector<16xi32>
        %mul3A_427 = arith.muli %add3A_358, %mul3A_426 : vector<16xi32>
        %add3A_428 = arith.constant 3 : i32
        %add3A_429 = vector.broadcast %add3A_428 : i32 to vector<16xi32>
        %add3A_430 = arith.addi %mul3A_427, %add3A_429 : vector<16xi32>
        tpu.vector_store_idx %arg27[%add3A_430], %exp3A_424 : memref<320xf32, #tpu.memory_space<vmem>>[vector<16xi32>], vector<16xf32>,
        %add3A_431 = arith.constant 48 : i32
        %add3A_432 = vector.broadcast %add3A_431 : i32 to vector<16xi32>
        %add3A_433 = arith.addi %add3A_432, %iota3A : vector<16xi32>
        %broadcast_in_dim3A_434 = arith.constant 128 : i32
        %broadcast_in_dim3A_435 = vector.broadcast %broadcast_in_dim3A_434 : i32 to vector<16xi32>
        %gather3A_436 = tpu.vector_load_idx %arg21[%add3A_433, %broadcast_in_dim3A_435] : memref<80x144xf32, #tpu.memory_space<vmem>>[vector<16xi32>, vector<16xi32>], vector<16xf32>,
        %broadcast_in_dim3A_437 = arith.constant 0 : i32
        %broadcast_in_dim3A_438 = vector.broadcast %broadcast_in_dim3A_437 : i32 to vector<16xi32>
        %gather3A_439 = tpu.vector_load_idx %arg22[%add3A_433, %broadcast_in_dim3A_438] : memref<80x16xf32, #tpu.memory_space<vmem>>[vector<16xi32>, vector<16xi32>], vector<16xf32>,
        %add3A_440 = arith.addf %gather3A_436, %gather3A_439 : vector<16xf32>
        %mul3A_441 = arith.constant 2.000000e-01 : f32
        %mul3A_442 = vector.broadcast %mul3A_441 : f32 to vector<16xf32>
        %mul3A_443 = arith.mulf %mul3A_442, %add3A_440 : vector<16xf32>
        %max3A_444 = arith.maximumf %add3A_440, %mul3A_443 : vector<16xf32>
        %exp3A_445 = math.exp %max3A_444 : vector<16xf32>
        %mul3A_446 = arith.constant 4 : i32
        %mul3A_447 = vector.broadcast %mul3A_446 : i32 to vector<16xi32>
        %mul3A_448 = arith.muli %add3A_433, %mul3A_447 : vector<16xi32>
        %add3A_449 = arith.constant 0 : i32
        %add3A_450 = vector.broadcast %add3A_449 : i32 to vector<16xi32>
        %add3A_451 = arith.addi %mul3A_448, %add3A_450 : vector<16xi32>
        tpu.vector_store_idx %arg27[%add3A_451], %exp3A_445 : memref<320xf32, #tpu.memory_space<vmem>>[vector<16xi32>], vector<16xf32>,
        %broadcast_in_dim3A_452 = arith.constant 129 : i32
        %broadcast_in_dim3A_453 = vector.broadcast %broadcast_in_dim3A_452 : i32 to vector<16xi32>
        %gather3A_454 = tpu.vector_load_idx %arg21[%add3A_433, %broadcast_in_dim3A_453] : memref<80x144xf32, #tpu.memory_space<vmem>>[vector<16xi32>, vector<16xi32>], vector<16xf32>,
        %broadcast_in_dim3A_455 = arith.constant 1 : i32
        %broadcast_in_dim3A_456 = vector.broadcast %broadcast_in_dim3A_455 : i32 to vector<16xi32>
        %gather3A_457 = tpu.vector_load_idx %arg22[%add3A_433, %broadcast_in_dim3A_456] : memref<80x16xf32, #tpu.memory_space<vmem>>[vector<16xi32>, vector<16xi32>], vector<16xf32>,
        %add3A_458 = arith.addf %gather3A_454, %gather3A_457 : vector<16xf32>
        %mul3A_459 = arith.constant 2.000000e-01 : f32
        %mul3A_460 = vector.broadcast %mul3A_459 : f32 to vector<16xf32>
        %mul3A_461 = arith.mulf %mul3A_460, %add3A_458 : vector<16xf32>
        %max3A_462 = arith.maximumf %add3A_458, %mul3A_461 : vector<16xf32>
        %exp3A_463 = math.exp %max3A_462 : vector<16xf32>
        %mul3A_464 = arith.constant 4 : i32
        %mul3A_465 = vector.broadcast %mul3A_464 : i32 to vector<16xi32>
        %mul3A_466 = arith.muli %add3A_433, %mul3A_465 : vector<16xi32>
        %add3A_467 = arith.constant 1 : i32
        %add3A_468 = vector.broadcast %add3A_467 : i32 to vector<16xi32>
        %add3A_469 = arith.addi %mul3A_466, %add3A_468 : vector<16xi32>
        tpu.vector_store_idx %arg27[%add3A_469], %exp3A_463 : memref<320xf32, #tpu.memory_space<vmem>>[vector<16xi32>], vector<16xf32>,
        %broadcast_in_dim3A_470 = arith.constant 130 : i32
        %broadcast_in_dim3A_471 = vector.broadcast %broadcast_in_dim3A_470 : i32 to vector<16xi32>
        %gather3A_472 = tpu.vector_load_idx %arg21[%add3A_433, %broadcast_in_dim3A_471] : memref<80x144xf32, #tpu.memory_space<vmem>>[vector<16xi32>, vector<16xi32>], vector<16xf32>,
        %broadcast_in_dim3A_473 = arith.constant 2 : i32
        %broadcast_in_dim3A_474 = vector.broadcast %broadcast_in_dim3A_473 : i32 to vector<16xi32>
        %gather3A_475 = tpu.vector_load_idx %arg22[%add3A_433, %broadcast_in_dim3A_474] : memref<80x16xf32, #tpu.memory_space<vmem>>[vector<16xi32>, vector<16xi32>], vector<16xf32>,
        %add3A_476 = arith.addf %gather3A_472, %gather3A_475 : vector<16xf32>
        %mul3A_477 = arith.constant 2.000000e-01 : f32
        %mul3A_478 = vector.broadcast %mul3A_477 : f32 to vector<16xf32>
        %mul3A_479 = arith.mulf %mul3A_478, %add3A_476 : vector<16xf32>
        %max3A_480 = arith.maximumf %add3A_476, %mul3A_479 : vector<16xf32>
        %exp3A_481 = math.exp %max3A_480 : vector<16xf32>
        %mul3A_482 = arith.constant 4 : i32
        %mul3A_483 = vector.broadcast %mul3A_482 : i32 to vector<16xi32>
        %mul3A_484 = arith.muli %add3A_433, %mul3A_483 : vector<16xi32>
        %add3A_485 = arith.constant 2 : i32
        %add3A_486 = vector.broadcast %add3A_485 : i32 to vector<16xi32>
        %add3A_487 = arith.addi %mul3A_484, %add3A_486 : vector<16xi32>
        tpu.vector_store_idx %arg27[%add3A_487], %exp3A_481 : memref<320xf32, #tpu.memory_space<vmem>>[vector<16xi32>], vector<16xf32>,
        %broadcast_in_dim3A_488 = arith.constant 131 : i32
        %broadcast_in_dim3A_489 = vector.broadcast %broadcast_in_dim3A_488 : i32 to vector<16xi32>
        %gather3A_490 = tpu.vector_load_idx %arg21[%add3A_433, %broadcast_in_dim3A_489] : memref<80x144xf32, #tpu.memory_space<vmem>>[vector<16xi32>, vector<16xi32>], vector<16xf32>,
        %broadcast_in_dim3A_491 = arith.constant 3 : i32
        %broadcast_in_dim3A_492 = vector.broadcast %broadcast_in_dim3A_491 : i32 to vector<16xi32>
        %gather3A_493 = tpu.vector_load_idx %arg22[%add3A_433, %broadcast_in_dim3A_492] : memref<80x16xf32, #tpu.memory_space<vmem>>[vector<16xi32>, vector<16xi32>], vector<16xf32>,
        %add3A_494 = arith.addf %gather3A_490, %gather3A_493 : vector<16xf32>
        %mul3A_495 = arith.constant 2.000000e-01 : f32
        %mul3A_496 = vector.broadcast %mul3A_495 : f32 to vector<16xf32>
        %mul3A_497 = arith.mulf %mul3A_496, %add3A_494 : vector<16xf32>
        %max3A_498 = arith.maximumf %add3A_494, %mul3A_497 : vector<16xf32>
        %exp3A_499 = math.exp %max3A_498 : vector<16xf32>
        %mul3A_500 = arith.constant 4 : i32
        %mul3A_501 = vector.broadcast %mul3A_500 : i32 to vector<16xi32>
        %mul3A_502 = arith.muli %add3A_433, %mul3A_501 : vector<16xi32>
        %add3A_503 = arith.constant 3 : i32
        %add3A_504 = vector.broadcast %add3A_503 : i32 to vector<16xi32>
        %add3A_505 = arith.addi %mul3A_502, %add3A_504 : vector<16xi32>
        tpu.vector_store_idx %arg27[%add3A_505], %exp3A_499 : memref<320xf32, #tpu.memory_space<vmem>>[vector<16xi32>], vector<16xf32>,
        %add3A_506 = arith.constant 64 : i32
        %add3A_507 = vector.broadcast %add3A_506 : i32 to vector<16xi32>
        %add3A_508 = arith.addi %add3A_507, %iota3A : vector<16xi32>
        %broadcast_in_dim3A_509 = arith.constant 128 : i32
        %broadcast_in_dim3A_510 = vector.broadcast %broadcast_in_dim3A_509 : i32 to vector<16xi32>
        %gather3A_511 = tpu.vector_load_idx %arg21[%add3A_508, %broadcast_in_dim3A_510] : memref<80x144xf32, #tpu.memory_space<vmem>>[vector<16xi32>, vector<16xi32>], vector<16xf32>,
        %broadcast_in_dim3A_512 = arith.constant 0 : i32
        %broadcast_in_dim3A_513 = vector.broadcast %broadcast_in_dim3A_512 : i32 to vector<16xi32>
        %gather3A_514 = tpu.vector_load_idx %arg22[%add3A_508, %broadcast_in_dim3A_513] : memref<80x16xf32, #tpu.memory_space<vmem>>[vector<16xi32>, vector<16xi32>], vector<16xf32>,
        %add3A_515 = arith.addf %gather3A_511, %gather3A_514 : vector<16xf32>
        %mul3A_516 = arith.constant 2.000000e-01 : f32
        %mul3A_517 = vector.broadcast %mul3A_516 : f32 to vector<16xf32>
        %mul3A_518 = arith.mulf %mul3A_517, %add3A_515 : vector<16xf32>
        %max3A_519 = arith.maximumf %add3A_515, %mul3A_518 : vector<16xf32>
        %exp3A_520 = math.exp %max3A_519 : vector<16xf32>
        %mul3A_521 = arith.constant 4 : i32
        %mul3A_522 = vector.broadcast %mul3A_521 : i32 to vector<16xi32>
        %mul3A_523 = arith.muli %add3A_508, %mul3A_522 : vector<16xi32>
        %add3A_524 = arith.constant 0 : i32
        %add3A_525 = vector.broadcast %add3A_524 : i32 to vector<16xi32>
        %add3A_526 = arith.addi %mul3A_523, %add3A_525 : vector<16xi32>
        tpu.vector_store_idx %arg27[%add3A_526], %exp3A_520 : memref<320xf32, #tpu.memory_space<vmem>>[vector<16xi32>], vector<16xf32>,
        %broadcast_in_dim3A_527 = arith.constant 129 : i32
        %broadcast_in_dim3A_528 = vector.broadcast %broadcast_in_dim3A_527 : i32 to vector<16xi32>
        %gather3A_529 = tpu.vector_load_idx %arg21[%add3A_508, %broadcast_in_dim3A_528] : memref<80x144xf32, #tpu.memory_space<vmem>>[vector<16xi32>, vector<16xi32>], vector<16xf32>,
        %broadcast_in_dim3A_530 = arith.constant 1 : i32
        %broadcast_in_dim3A_531 = vector.broadcast %broadcast_in_dim3A_530 : i32 to vector<16xi32>
        %gather3A_532 = tpu.vector_load_idx %arg22[%add3A_508, %broadcast_in_dim3A_531] : memref<80x16xf32, #tpu.memory_space<vmem>>[vector<16xi32>, vector<16xi32>], vector<16xf32>,
        %add3A_533 = arith.addf %gather3A_529, %gather3A_532 : vector<16xf32>
        %mul3A_534 = arith.constant 2.000000e-01 : f32
        %mul3A_535 = vector.broadcast %mul3A_534 : f32 to vector<16xf32>
        %mul3A_536 = arith.mulf %mul3A_535, %add3A_533 : vector<16xf32>
        %max3A_537 = arith.maximumf %add3A_533, %mul3A_536 : vector<16xf32>
        %exp3A_538 = math.exp %max3A_537 : vector<16xf32>
        %mul3A_539 = arith.constant 4 : i32
        %mul3A_540 = vector.broadcast %mul3A_539 : i32 to vector<16xi32>
        %mul3A_541 = arith.muli %add3A_508, %mul3A_540 : vector<16xi32>
        %add3A_542 = arith.constant 1 : i32
        %add3A_543 = vector.broadcast %add3A_542 : i32 to vector<16xi32>
        %add3A_544 = arith.addi %mul3A_541, %add3A_543 : vector<16xi32>
        tpu.vector_store_idx %arg27[%add3A_544], %exp3A_538 : memref<320xf32, #tpu.memory_space<vmem>>[vector<16xi32>], vector<16xf32>,
        %broadcast_in_dim3A_545 = arith.constant 130 : i32
        %broadcast_in_dim3A_546 = vector.broadcast %broadcast_in_dim3A_545 : i32 to vector<16xi32>
        %gather3A_547 = tpu.vector_load_idx %arg21[%add3A_508, %broadcast_in_dim3A_546] : memref<80x144xf32, #tpu.memory_space<vmem>>[vector<16xi32>, vector<16xi32>], vector<16xf32>,
        %broadcast_in_dim3A_548 = arith.constant 2 : i32
        %broadcast_in_dim3A_549 = vector.broadcast %broadcast_in_dim3A_548 : i32 to vector<16xi32>
        %gather3A_550 = tpu.vector_load_idx %arg22[%add3A_508, %broadcast_in_dim3A_549] : memref<80x16xf32, #tpu.memory_space<vmem>>[vector<16xi32>, vector<16xi32>], vector<16xf32>,
        %add3A_551 = arith.addf %gather3A_547, %gather3A_550 : vector<16xf32>
        %mul3A_552 = arith.constant 2.000000e-01 : f32
        %mul3A_553 = vector.broadcast %mul3A_552 : f32 to vector<16xf32>
        %mul3A_554 = arith.mulf %mul3A_553, %add3A_551 : vector<16xf32>
        %max3A_555 = arith.maximumf %add3A_551, %mul3A_554 : vector<16xf32>
        %exp3A_556 = math.exp %max3A_555 : vector<16xf32>
        %mul3A_557 = arith.constant 4 : i32
        %mul3A_558 = vector.broadcast %mul3A_557 : i32 to vector<16xi32>
        %mul3A_559 = arith.muli %add3A_508, %mul3A_558 : vector<16xi32>
        %add3A_560 = arith.constant 2 : i32
        %add3A_561 = vector.broadcast %add3A_560 : i32 to vector<16xi32>
        %add3A_562 = arith.addi %mul3A_559, %add3A_561 : vector<16xi32>
        tpu.vector_store_idx %arg27[%add3A_562], %exp3A_556 : memref<320xf32, #tpu.memory_space<vmem>>[vector<16xi32>], vector<16xf32>,
        %broadcast_in_dim3A_563 = arith.constant 131 : i32
        %broadcast_in_dim3A_564 = vector.broadcast %broadcast_in_dim3A_563 : i32 to vector<16xi32>
        %gather3A_565 = tpu.vector_load_idx %arg21[%add3A_508, %broadcast_in_dim3A_564] : memref<80x144xf32, #tpu.memory_space<vmem>>[vector<16xi32>, vector<16xi32>], vector<16xf32>,
        %broadcast_in_dim3A_566 = arith.constant 3 : i32
        %broadcast_in_dim3A_567 = vector.broadcast %broadcast_in_dim3A_566 : i32 to vector<16xi32>
        %gather3A_568 = tpu.vector_load_idx %arg22[%add3A_508, %broadcast_in_dim3A_567] : memref<80x16xf32, #tpu.memory_space<vmem>>[vector<16xi32>, vector<16xi32>], vector<16xf32>,
        %add3A_569 = arith.addf %gather3A_565, %gather3A_568 : vector<16xf32>
        %mul3A_570 = arith.constant 2.000000e-01 : f32
        %mul3A_571 = vector.broadcast %mul3A_570 : f32 to vector<16xf32>
        %mul3A_572 = arith.mulf %mul3A_571, %add3A_569 : vector<16xf32>
        %max3A_573 = arith.maximumf %add3A_569, %mul3A_572 : vector<16xf32>
        %exp3A_574 = math.exp %max3A_573 : vector<16xf32>
        %mul3A_575 = arith.constant 4 : i32
        %mul3A_576 = vector.broadcast %mul3A_575 : i32 to vector<16xi32>
        %mul3A_577 = arith.muli %add3A_508, %mul3A_576 : vector<16xi32>
        %add3A_578 = arith.constant 3 : i32
        %add3A_579 = vector.broadcast %add3A_578 : i32 to vector<16xi32>
        %add3A_580 = arith.addi %mul3A_577, %add3A_579 : vector<16xi32>
        tpu.vector_store_idx %arg27[%add3A_580], %exp3A_574 : memref<320xf32, #tpu.memory_space<vmem>>[vector<16xi32>], vector<16xf32>,
        %parallel_loop3A = arith.constant 0 : i32
        %parallel_loop3A_581 = arith.constant 80 : i32
        %parallel_loop3A_582 = arith.constant 1 : i32
        scf.for %parallel_loop3A_597 = %parallel_loop3A to %parallel_loop3A_581 step %parallel_loop3A_582  : i32 {
          %parallel_loop3A_598 = arith.constant 4 : i32
          %parallel_loop3A_599 = arith.muli %parallel_loop3A_597, %parallel_loop3A_598 : i32
          %parallel_loop3A_600 = vector.broadcast %parallel_loop3A_599 : i32 to vector<16xi32>
          %parallel_loop3A_601 = arith.constant 0 : i32
          %parallel_loop3A_602 = vector.broadcast %parallel_loop3A_601 : i32 to vector<16xi32>
          %parallel_loop3A_603 = arith.addi %parallel_loop3A_600, %parallel_loop3A_602 : vector<16xi32>
          %parallel_loop3A_604 = tpu.vector_load_idx %arg27[%parallel_loop3A_603] : memref<320xf32, #tpu.memory_space<vmem>>[vector<16xi32>], vector<16xf32>,
          %parallel_loop3A_605 = arith.index_cast %parallel_loop3A_597 : i32 to index
          %parallel_loop3A_606 = arith.constant 0 : index
          %parallel_loop3A_607 = tpu.vector_load %arg21[%parallel_loop3A_605, %parallel_loop3A_606] {strides = array<i32>} : memref<80x144xf32, #tpu.memory_space<vmem>>, vector<16xf32>,
          %parallel_loop3A_608 = arith.mulf %parallel_loop3A_607, %parallel_loop3A_604 : vector<16xf32>
          %parallel_loop3A_609 = arith.index_cast %parallel_loop3A_597 : i32 to index
          %parallel_loop3A_610 = arith.constant 0 : index
          %parallel_loop3A_611 = tpu.vector_load %arg21[%parallel_loop3A_609, %parallel_loop3A_610] {strides = array<i32>} : memref<80x144xf32, #tpu.memory_space<vmem>>, vector<16xf32>,
          tpu.vector_store %arg21[%parallel_loop3A_609, %parallel_loop3A_610], %parallel_loop3A_608 {strides = array<i32>} : memref<80x144xf32, #tpu.memory_space<vmem>>, vector<16xf32>,
          %parallel_loop3A_612 = arith.index_cast %parallel_loop3A_597 : i32 to index
          %parallel_loop3A_613 = arith.constant 16 : index
          %parallel_loop3A_614 = tpu.vector_load %arg21[%parallel_loop3A_612, %parallel_loop3A_613] {strides = array<i32>} : memref<80x144xf32, #tpu.memory_space<vmem>>, vector<16xf32>,
          %parallel_loop3A_615 = arith.mulf %parallel_loop3A_614, %parallel_loop3A_604 : vector<16xf32>
          %parallel_loop3A_616 = arith.index_cast %parallel_loop3A_597 : i32 to index
          %parallel_loop3A_617 = arith.constant 16 : index
          %parallel_loop3A_618 = tpu.vector_load %arg21[%parallel_loop3A_616, %parallel_loop3A_617] {strides = array<i32>} : memref<80x144xf32, #tpu.memory_space<vmem>>, vector<16xf32>,
          tpu.vector_store %arg21[%parallel_loop3A_616, %parallel_loop3A_617], %parallel_loop3A_615 {strides = array<i32>} : memref<80x144xf32, #tpu.memory_space<vmem>>, vector<16xf32>,
          %parallel_loop3A_619 = arith.constant 1 : i32
          %parallel_loop3A_620 = vector.broadcast %parallel_loop3A_619 : i32 to vector<16xi32>
          %parallel_loop3A_621 = arith.addi %parallel_loop3A_600, %parallel_loop3A_620 : vector<16xi32>
          %parallel_loop3A_622 = tpu.vector_load_idx %arg27[%parallel_loop3A_621] : memref<320xf32, #tpu.memory_space<vmem>>[vector<16xi32>], vector<16xf32>,
          %parallel_loop3A_623 = arith.index_cast %parallel_loop3A_597 : i32 to index
          %parallel_loop3A_624 = arith.constant 32 : index
          %parallel_loop3A_625 = tpu.vector_load %arg21[%parallel_loop3A_623, %parallel_loop3A_624] {strides = array<i32>} : memref<80x144xf32, #tpu.memory_space<vmem>>, vector<16xf32>,
          %parallel_loop3A_626 = arith.mulf %parallel_loop3A_625, %parallel_loop3A_622 : vector<16xf32>
          %parallel_loop3A_627 = arith.index_cast %parallel_loop3A_597 : i32 to index
          %parallel_loop3A_628 = arith.constant 32 : index
          %parallel_loop3A_629 = tpu.vector_load %arg21[%parallel_loop3A_627, %parallel_loop3A_628] {strides = array<i32>} : memref<80x144xf32, #tpu.memory_space<vmem>>, vector<16xf32>,
          tpu.vector_store %arg21[%parallel_loop3A_627, %parallel_loop3A_628], %parallel_loop3A_626 {strides = array<i32>} : memref<80x144xf32, #tpu.memory_space<vmem>>, vector<16xf32>,
          %parallel_loop3A_630 = arith.index_cast %parallel_loop3A_597 : i32 to index
          %parallel_loop3A_631 = arith.constant 48 : index
          %parallel_loop3A_632 = tpu.vector_load %arg21[%parallel_loop3A_630, %parallel_loop3A_631] {strides = array<i32>} : memref<80x144xf32, #tpu.memory_space<vmem>>, vector<16xf32>,
          %parallel_loop3A_633 = arith.mulf %parallel_loop3A_632, %parallel_loop3A_622 : vector<16xf32>
          %parallel_loop3A_634 = arith.index_cast %parallel_loop3A_597 : i32 to index
          %parallel_loop3A_635 = arith.constant 48 : index
          %parallel_loop3A_636 = tpu.vector_load %arg21[%parallel_loop3A_634, %parallel_loop3A_635] {strides = array<i32>} : memref<80x144xf32, #tpu.memory_space<vmem>>, vector<16xf32>,
          tpu.vector_store %arg21[%parallel_loop3A_634, %parallel_loop3A_635], %parallel_loop3A_633 {strides = array<i32>} : memref<80x144xf32, #tpu.memory_space<vmem>>, vector<16xf32>,
          %parallel_loop3A_637 = arith.constant 2 : i32
          %parallel_loop3A_638 = vector.broadcast %parallel_loop3A_637 : i32 to vector<16xi32>
          %parallel_loop3A_639 = arith.addi %parallel_loop3A_600, %parallel_loop3A_638 : vector<16xi32>
          %parallel_loop3A_640 = tpu.vector_load_idx %arg27[%parallel_loop3A_639] : memref<320xf32, #tpu.memory_space<vmem>>[vector<16xi32>], vector<16xf32>,
          %parallel_loop3A_641 = arith.index_cast %parallel_loop3A_597 : i32 to index
          %parallel_loop3A_642 = arith.constant 64 : index
          %parallel_loop3A_643 = tpu.vector_load %arg21[%parallel_loop3A_641, %parallel_loop3A_642] {strides = array<i32>} : memref<80x144xf32, #tpu.memory_space<vmem>>, vector<16xf32>,
          %parallel_loop3A_644 = arith.mulf %parallel_loop3A_643, %parallel_loop3A_640 : vector<16xf32>
          %parallel_loop3A_645 = arith.index_cast %parallel_loop3A_597 : i32 to index
          %parallel_loop3A_646 = arith.constant 64 : index
          %parallel_loop3A_647 = tpu.vector_load %arg21[%parallel_loop3A_645, %parallel_loop3A_646] {strides = array<i32>} : memref<80x144xf32, #tpu.memory_space<vmem>>, vector<16xf32>,
          tpu.vector_store %arg21[%parallel_loop3A_645, %parallel_loop3A_646], %parallel_loop3A_644 {strides = array<i32>} : memref<80x144xf32, #tpu.memory_space<vmem>>, vector<16xf32>,
          %parallel_loop3A_648 = arith.index_cast %parallel_loop3A_597 : i32 to index
          %parallel_loop3A_649 = arith.constant 80 : index
          %parallel_loop3A_650 = tpu.vector_load %arg21[%parallel_loop3A_648, %parallel_loop3A_649] {strides = array<i32>} : memref<80x144xf32, #tpu.memory_space<vmem>>, vector<16xf32>,
          %parallel_loop3A_651 = arith.mulf %parallel_loop3A_650, %parallel_loop3A_640 : vector<16xf32>
          %parallel_loop3A_652 = arith.index_cast %parallel_loop3A_597 : i32 to index
          %parallel_loop3A_653 = arith.constant 80 : index
          %parallel_loop3A_654 = tpu.vector_load %arg21[%parallel_loop3A_652, %parallel_loop3A_653] {strides = array<i32>} : memref<80x144xf32, #tpu.memory_space<vmem>>, vector<16xf32>,
          tpu.vector_store %arg21[%parallel_loop3A_652, %parallel_loop3A_653], %parallel_loop3A_651 {strides = array<i32>} : memref<80x144xf32, #tpu.memory_space<vmem>>, vector<16xf32>,
          %parallel_loop3A_655 = arith.constant 3 : i32
          %parallel_loop3A_656 = vector.broadcast %parallel_loop3A_655 : i32 to vector<16xi32>
          %parallel_loop3A_657 = arith.addi %parallel_loop3A_600, %parallel_loop3A_656 : vector<16xi32>
          %parallel_loop3A_658 = tpu.vector_load_idx %arg27[%parallel_loop3A_657] : memref<320xf32, #tpu.memory_space<vmem>>[vector<16xi32>], vector<16xf32>,
          %parallel_loop3A_659 = arith.index_cast %parallel_loop3A_597 : i32 to index
          %parallel_loop3A_660 = arith.constant 96 : index
          %parallel_loop3A_661 = tpu.vector_load %arg21[%parallel_loop3A_659, %parallel_loop3A_660] {strides = array<i32>} : memref<80x144xf32, #tpu.memory_space<vmem>>, vector<16xf32>,
          %parallel_loop3A_662 = arith.mulf %parallel_loop3A_661, %parallel_loop3A_658 : vector<16xf32>
          %parallel_loop3A_663 = arith.index_cast %parallel_loop3A_597 : i32 to index
          %parallel_loop3A_664 = arith.constant 96 : index
          %parallel_loop3A_665 = tpu.vector_load %arg21[%parallel_loop3A_663, %parallel_loop3A_664] {strides = array<i32>} : memref<80x144xf32, #tpu.memory_space<vmem>>, vector<16xf32>,
          tpu.vector_store %arg21[%parallel_loop3A_663, %parallel_loop3A_664], %parallel_loop3A_662 {strides = array<i32>} : memref<80x144xf32, #tpu.memory_space<vmem>>, vector<16xf32>,
          %parallel_loop3A_666 = arith.index_cast %parallel_loop3A_597 : i32 to index
          %parallel_loop3A_667 = arith.constant 112 : index
          %parallel_loop3A_668 = tpu.vector_load %arg21[%parallel_loop3A_666, %parallel_loop3A_667] {strides = array<i32>} : memref<80x144xf32, #tpu.memory_space<vmem>>, vector<16xf32>,
          %parallel_loop3A_669 = arith.mulf %parallel_loop3A_668, %parallel_loop3A_658 : vector<16xf32>
          %parallel_loop3A_670 = arith.index_cast %parallel_loop3A_597 : i32 to index
          %parallel_loop3A_671 = arith.constant 112 : index
          %parallel_loop3A_672 = tpu.vector_load %arg21[%parallel_loop3A_670, %parallel_loop3A_671] {strides = array<i32>} : memref<80x144xf32, #tpu.memory_space<vmem>>, vector<16xf32>,
          tpu.vector_store %arg21[%parallel_loop3A_670, %parallel_loop3A_671], %parallel_loop3A_669 {strides = array<i32>} : memref<80x144xf32, #tpu.memory_space<vmem>>, vector<16xf32>,
          %parallel_loop3A_673 = arith.constant 3 : i32
          %parallel_loop3A_674 = vector.broadcast %parallel_loop3A_673 : i32 to vector<16xi32>
          %parallel_loop3A_675 = arith.minsi %iota3A, %parallel_loop3A_674 : vector<16xi32>
          %parallel_loop3A_676 = arith.addi %parallel_loop3A_600, %parallel_loop3A_675 : vector<16xi32>
          %parallel_loop3A_677 = tpu.vector_load_idx %arg27[%parallel_loop3A_676] : memref<320xf32, #tpu.memory_space<vmem>>[vector<16xi32>], vector<16xf32>,
          %parallel_loop3A_678 = arith.constant 4 : i32
          %parallel_loop3A_679 = vector.broadcast %parallel_loop3A_678 : i32 to vector<16xi32>
          %parallel_loop3A_680 = arith.cmpi slt, %iota3A, %parallel_loop3A_679 : vector<16xi32>
          %parallel_loop3A_681 = arith.constant 0.000000e+00 : f32
          %parallel_loop3A_682 = vector.broadcast %parallel_loop3A_681 : f32 to vector<16xf32>
          %parallel_loop3A_683 = arith.select %parallel_loop3A_680, %parallel_loop3A_677, %parallel_loop3A_682 : vector<16xi1>, vector<16xf32>
          %parallel_loop3A_684 = arith.index_cast %parallel_loop3A_597 : i32 to index
          %parallel_loop3A_685 = arith.constant 128 : index
          %parallel_loop3A_686 = tpu.vector_load %arg21[%parallel_loop3A_684, %parallel_loop3A_685] {strides = array<i32>} : memref<80x144xf32, #tpu.memory_space<vmem>>, vector<16xf32>,
          tpu.vector_store %arg21[%parallel_loop3A_684, %parallel_loop3A_685], %parallel_loop3A_683 {strides = array<i32>} : memref<80x144xf32, #tpu.memory_space<vmem>>, vector<16xf32>,
        } {sc.loop_unroll_factor = 8 : i64, sc.parallel_access}
        %dma_start3A_583 = arith.constant 1 : i32
        %dma_start3A_584 = arith.constant 0 : i32
        %dma_start3A_585 = tpu.memref_slice %arg20[%dma_start3A_583, %dma_start3A_584] : memref<2x80xi32, #tpu.memory_space<vmem>> -> memref<1x80xi32, #tpu.memory_space<vmem>>
        %dma_start3A_586 = tpu.memref_squeeze %dma_start3A_585 : memref<1x80xi32, #tpu.memory_space<vmem>> -> memref<80xi32, #tpu.memory_space<vmem>>
        %dma_start3A_587 = arith.constant 0 : i32
        %dma_start3A_588 = arith.constant 0 : i32
        %dma_start3A_589 = tpu.memref_slice %arg28[%dma_start3A_587, %dma_start3A_588] : memref<10112x144xf32, #tpu.memory_space<vmem_shared>> -> memref<10112x144xf32, #tpu.memory_space<vmem_shared>>
        tpu.enqueue_indirect_dma source(%arg21 : memref<80x144xf32, #tpu.memory_space<vmem>>) target(%dma_start3A_589 : memref<10112x144xf32, #tpu.memory_space<vmem_shared>>) offsets(%dma_start3A_586 : memref<80xi32, #tpu.memory_space<vmem>>) semaphore(%arg26 : memref<!tpu.dma_semaphore, #tpu.memory_space<semaphore_mem>>) {add = true}
        %add3A_590 = arith.constant 2 : i32
        %add3A_591 = arith.addi %scan3A_140, %add3A_590 : i32
        %lt3A_592 = arith.constant 125 : i32
        %lt3A_593 = arith.cmpi slt, %add3A_591, %lt3A_592 : i32
        %convert_element_type3A_594 = arith.extui %lt3A_593 : i1 to i32
        %cond3A_595 = arith.constant 0 : i32
        %cond3A_596 = arith.cmpi ne, %convert_element_type3A_594, %cond3A_595 : i32
        scf.if %cond3A_596 {
          %add3A_597 = arith.constant 2 : i32
          %add3A_598 = arith.addi %scan3A_140, %add3A_597 : i32
          %jit3A_599 = arith.constant 3 : i32
          %eq3A_600 = arith.constant 0 : i32
          %eq3A_601 = arith.cmpi eq, %jit3A_599, %eq3A_600 : i32
          %jit3A_602 = arith.constant 1 : i32
          %select_n3A_603 = arith.select %eq3A_601, %jit3A_602, %jit3A_599 : i32
          %rem3A_604 = arith.remsi %add3A_598, %select_n3A_603 : i32
          %ne3A_605 = arith.constant 0 : i32
          %ne3A_606 = arith.cmpi ne, %rem3A_604, %ne3A_605 : i32
          %lt3A_607 = arith.constant 0 : i32
          %lt3A_608 = arith.cmpi slt, %rem3A_604, %lt3A_607 : i32
          %lt3A_609 = arith.constant 0 : i32
          %lt3A_610 = arith.cmpi slt, %select_n3A_603, %lt3A_609 : i32
          %ne3A_611 = arith.xori %lt3A_608, %lt3A_610 : i1
          %and3A_612 = arith.andi %ne3A_611, %ne3A_606 : i1
          %add3A_613 = arith.addi %rem3A_604, %select_n3A_603 : i32
          %select_n3A_614 = arith.select %and3A_612, %add3A_613, %rem3A_604 : i32
          %eq3A_615 = arith.constant 0 : i32
          %eq3A_616 = arith.cmpi eq, %select_n3A_614, %eq3A_615 : i32
          %convert_element_type3A_617 = arith.extui %eq3A_616 : i1 to i32
          %cond3A_618 = arith.constant 0 : i32
          %cond3A_619 = arith.cmpi ne, %convert_element_type3A_617, %cond3A_618 : i32
          scf.if %cond3A_619 {
            %ge3A = arith.constant 1 : i32
            %ge3A_630 = arith.cmpi sge, %scan3A_140, %ge3A : i32
            %convert_element_type3A_631 = arith.extui %ge3A_630 : i1 to i32
            %cond3A_632 = arith.constant 0 : i32
            %cond3A_633 = arith.cmpi ne, %convert_element_type3A_631, %cond3A_632 : i32
            scf.if %cond3A_633 {
              %dma_wait3A_663 = arith.constant 1 : i32
              %dma_wait3A_664 = arith.constant 0 : i32
              %dma_wait3A_665 = tpu.memref_slice %arg6[%dma_wait3A_663, %dma_wait3A_664] : memref<2x80xi32, #tpu.memory_space<vmem>> -> memref<1x80xi32, #tpu.memory_space<vmem>>
              %dma_wait3A_666 = tpu.memref_squeeze %dma_wait3A_665 : memref<1x80xi32, #tpu.memory_space<vmem>> -> memref<80xi32, #tpu.memory_space<vmem>>
              %dma_wait3A_667 = arith.constant 0 : i32
              %dma_wait3A_668 = arith.constant 0 : i32
              %dma_wait3A_669 = tpu.memref_slice %arg28[%dma_wait3A_667, %dma_wait3A_668] : memref<10112x144xf32, #tpu.memory_space<vmem_shared>> -> memref<10112x144xf32, #tpu.memory_space<vmem_shared>>
              tpu.wait_indirect_dma semaphore(%arg12 : memref<!tpu.dma_semaphore, #tpu.memory_space<semaphore_mem>>) src(%arg7 : memref<80x144xf32, #tpu.memory_space<vmem>>) dst(%dma_wait3A_669 : memref<10112x144xf32, #tpu.memory_space<vmem_shared>>)
            } else {
            }
            %add3A_634 = arith.constant 2 : i32
            %add3A_635 = arith.addi %scan3A_140, %add3A_634 : i32
            %mul3A_636 = arith.constant 32 : i32
            %mul3A_637 = arith.muli %add3A_635, %mul3A_636 : i32
            %add3A_638 = arith.addi %mul3A_637, %add3A : i32
            %mul3A_639 = arith.constant 80 : i32
            %mul3A_640 = arith.muli %add3A_638, %mul3A_639 : i32
            %dma_start3A_641 = arith.constant 0 : i32
            %dma_start3A_642 = tpu.memref_slice %arg3[%dma_start3A_641, %mul3A_640] : memref<2x320000xi32, #tpu.memory_space<hbm>> -> memref<2x80xi32, #tpu.memory_space<hbm>>
            %dma_start3A_643 = arith.constant 0 : i32
            %dma_start3A_644 = tpu.memref_slice %arg3[%dma_start3A_643, %mul3A_640] : memref<2x320000xi32, #tpu.memory_space<hbm>> -> memref<2x80xi32, #tpu.memory_space<hbm>>
            tpu.enqueue_dma source(%dma_start3A_644 : memref<2x80xi32, #tpu.memory_space<hbm>>) target(%arg6 : memref<2x80xi32, #tpu.memory_space<vmem>>) target_semaphore(%arg9 : memref<!tpu.dma_semaphore, #tpu.memory_space<semaphore_mem>>)
            %dma_wait3A_645 = arith.constant 0 : i32
            %dma_wait3A_646 = tpu.memref_slice %arg3[%dma_wait3A_645, %mul3A_640] : memref<2x320000xi32, #tpu.memory_space<hbm>> -> memref<2x80xi32, #tpu.memory_space<hbm>>
            %dma_wait3A_647 = arith.constant 0 : i32
            %dma_wait3A_648 = tpu.memref_slice %arg3[%dma_wait3A_647, %mul3A_640] : memref<2x320000xi32, #tpu.memory_space<hbm>> -> memref<2x80xi32, #tpu.memory_space<hbm>>
            tpu.wait_dma2 semaphore(%arg9 : memref<!tpu.dma_semaphore, #tpu.memory_space<semaphore_mem>>) src(%dma_wait3A_648 : memref<2x80xi32, #tpu.memory_space<hbm>>) dst(%arg6 : memref<2x80xi32, #tpu.memory_space<vmem>>)
            %dma_start3A_649 = arith.constant 0 : i32
            %dma_start3A_650 = arith.constant 0 : i32
            %dma_start3A_651 = tpu.memref_slice %arg6[%dma_start3A_649, %dma_start3A_650] : memref<2x80xi32, #tpu.memory_space<vmem>> -> memref<1x80xi32, #tpu.memory_space<vmem>>
            %dma_start3A_652 = tpu.memref_squeeze %dma_start3A_651 : memref<1x80xi32, #tpu.memory_space<vmem>> -> memref<80xi32, #tpu.memory_space<vmem>>
            %dma_start3A_653 = arith.constant 0 : i32
            %dma_start3A_654 = arith.constant 0 : i32
            %dma_start3A_655 = tpu.memref_slice %arg2[%dma_start3A_653, %dma_start3A_654] : memref<10000x144xf32, #tpu.memory_space<hbm>> -> memref<10000x144xf32, #tpu.memory_space<hbm>>
            tpu.enqueue_indirect_dma source(%dma_start3A_655 : memref<10000x144xf32, #tpu.memory_space<hbm>>) target(%arg7 : memref<80x144xf32, #tpu.memory_space<vmem>>) offsets(%dma_start3A_652 : memref<80xi32, #tpu.memory_space<vmem>>) semaphore(%arg10 : memref<!tpu.dma_semaphore, #tpu.memory_space<semaphore_mem>>)
            %dma_start3A_656 = arith.constant 1 : i32
            %dma_start3A_657 = arith.constant 0 : i32
            %dma_start3A_658 = tpu.memref_slice %arg6[%dma_start3A_656, %dma_start3A_657] : memref<2x80xi32, #tpu.memory_space<vmem>> -> memref<1x80xi32, #tpu.memory_space<vmem>>
            %dma_start3A_659 = tpu.memref_squeeze %dma_start3A_658 : memref<1x80xi32, #tpu.memory_space<vmem>> -> memref<80xi32, #tpu.memory_space<vmem>>
            %dma_start3A_660 = arith.constant 0 : i32
            %dma_start3A_661 = arith.constant 0 : i32
            %dma_start3A_662 = tpu.memref_slice %arg4[%dma_start3A_660, %dma_start3A_661] : memref<10000x16xf32, #tpu.memory_space<hbm>> -> memref<10000x16xf32, #tpu.memory_space<hbm>>
            tpu.enqueue_indirect_dma source(%dma_start3A_662 : memref<10000x16xf32, #tpu.memory_space<hbm>>) target(%arg8 : memref<80x16xf32, #tpu.memory_space<vmem>>) offsets(%dma_start3A_659 : memref<80xi32, #tpu.memory_space<vmem>>) semaphore(%arg11 : memref<!tpu.dma_semaphore, #tpu.memory_space<semaphore_mem>>)
          } else {
          }
          %eq3A_620 = arith.constant 1 : i32
          %eq3A_621 = arith.cmpi eq, %select_n3A_614, %eq3A_620 : i32
          %convert_element_type3A_622 = arith.extui %eq3A_621 : i1 to i32
          %cond3A_623 = arith.constant 0 : i32
          %cond3A_624 = arith.cmpi ne, %convert_element_type3A_622, %cond3A_623 : i32
          scf.if %cond3A_624 {
            %ge3A = arith.constant 1 : i32
            %ge3A_630 = arith.cmpi sge, %scan3A_140, %ge3A : i32
            %convert_element_type3A_631 = arith.extui %ge3A_630 : i1 to i32
            %cond3A_632 = arith.constant 0 : i32
            %cond3A_633 = arith.cmpi ne, %convert_element_type3A_631, %cond3A_632 : i32
            scf.if %cond3A_633 {
              %dma_wait3A_663 = arith.constant 1 : i32
              %dma_wait3A_664 = arith.constant 0 : i32
              %dma_wait3A_665 = tpu.memref_slice %arg13[%dma_wait3A_663, %dma_wait3A_664] : memref<2x80xi32, #tpu.memory_space<vmem>> -> memref<1x80xi32, #tpu.memory_space<vmem>>
              %dma_wait3A_666 = tpu.memref_squeeze %dma_wait3A_665 : memref<1x80xi32, #tpu.memory_space<vmem>> -> memref<80xi32, #tpu.memory_space<vmem>>
              %dma_wait3A_667 = arith.constant 0 : i32
              %dma_wait3A_668 = arith.constant 0 : i32
              %dma_wait3A_669 = tpu.memref_slice %arg28[%dma_wait3A_667, %dma_wait3A_668] : memref<10112x144xf32, #tpu.memory_space<vmem_shared>> -> memref<10112x144xf32, #tpu.memory_space<vmem_shared>>
              tpu.wait_indirect_dma semaphore(%arg19 : memref<!tpu.dma_semaphore, #tpu.memory_space<semaphore_mem>>) src(%arg14 : memref<80x144xf32, #tpu.memory_space<vmem>>) dst(%dma_wait3A_669 : memref<10112x144xf32, #tpu.memory_space<vmem_shared>>)
            } else {
            }
            %add3A_634 = arith.constant 2 : i32
            %add3A_635 = arith.addi %scan3A_140, %add3A_634 : i32
            %mul3A_636 = arith.constant 32 : i32
            %mul3A_637 = arith.muli %add3A_635, %mul3A_636 : i32
            %add3A_638 = arith.addi %mul3A_637, %add3A : i32
            %mul3A_639 = arith.constant 80 : i32
            %mul3A_640 = arith.muli %add3A_638, %mul3A_639 : i32
            %dma_start3A_641 = arith.constant 0 : i32
            %dma_start3A_642 = tpu.memref_slice %arg3[%dma_start3A_641, %mul3A_640] : memref<2x320000xi32, #tpu.memory_space<hbm>> -> memref<2x80xi32, #tpu.memory_space<hbm>>
            %dma_start3A_643 = arith.constant 0 : i32
            %dma_start3A_644 = tpu.memref_slice %arg3[%dma_start3A_643, %mul3A_640] : memref<2x320000xi32, #tpu.memory_space<hbm>> -> memref<2x80xi32, #tpu.memory_space<hbm>>
            tpu.enqueue_dma source(%dma_start3A_644 : memref<2x80xi32, #tpu.memory_space<hbm>>) target(%arg13 : memref<2x80xi32, #tpu.memory_space<vmem>>) target_semaphore(%arg16 : memref<!tpu.dma_semaphore, #tpu.memory_space<semaphore_mem>>)
            %dma_wait3A_645 = arith.constant 0 : i32
            %dma_wait3A_646 = tpu.memref_slice %arg3[%dma_wait3A_645, %mul3A_640] : memref<2x320000xi32, #tpu.memory_space<hbm>> -> memref<2x80xi32, #tpu.memory_space<hbm>>
            %dma_wait3A_647 = arith.constant 0 : i32
            %dma_wait3A_648 = tpu.memref_slice %arg3[%dma_wait3A_647, %mul3A_640] : memref<2x320000xi32, #tpu.memory_space<hbm>> -> memref<2x80xi32, #tpu.memory_space<hbm>>
            tpu.wait_dma2 semaphore(%arg16 : memref<!tpu.dma_semaphore, #tpu.memory_space<semaphore_mem>>) src(%dma_wait3A_648 : memref<2x80xi32, #tpu.memory_space<hbm>>) dst(%arg13 : memref<2x80xi32, #tpu.memory_space<vmem>>)
            %dma_start3A_649 = arith.constant 0 : i32
            %dma_start3A_650 = arith.constant 0 : i32
            %dma_start3A_651 = tpu.memref_slice %arg13[%dma_start3A_649, %dma_start3A_650] : memref<2x80xi32, #tpu.memory_space<vmem>> -> memref<1x80xi32, #tpu.memory_space<vmem>>
            %dma_start3A_652 = tpu.memref_squeeze %dma_start3A_651 : memref<1x80xi32, #tpu.memory_space<vmem>> -> memref<80xi32, #tpu.memory_space<vmem>>
            %dma_start3A_653 = arith.constant 0 : i32
            %dma_start3A_654 = arith.constant 0 : i32
            %dma_start3A_655 = tpu.memref_slice %arg2[%dma_start3A_653, %dma_start3A_654] : memref<10000x144xf32, #tpu.memory_space<hbm>> -> memref<10000x144xf32, #tpu.memory_space<hbm>>
            tpu.enqueue_indirect_dma source(%dma_start3A_655 : memref<10000x144xf32, #tpu.memory_space<hbm>>) target(%arg14 : memref<80x144xf32, #tpu.memory_space<vmem>>) offsets(%dma_start3A_652 : memref<80xi32, #tpu.memory_space<vmem>>) semaphore(%arg17 : memref<!tpu.dma_semaphore, #tpu.memory_space<semaphore_mem>>)
            %dma_start3A_656 = arith.constant 1 : i32
            %dma_start3A_657 = arith.constant 0 : i32
            %dma_start3A_658 = tpu.memref_slice %arg13[%dma_start3A_656, %dma_start3A_657] : memref<2x80xi32, #tpu.memory_space<vmem>> -> memref<1x80xi32, #tpu.memory_space<vmem>>
            %dma_start3A_659 = tpu.memref_squeeze %dma_start3A_658 : memref<1x80xi32, #tpu.memory_space<vmem>> -> memref<80xi32, #tpu.memory_space<vmem>>
            %dma_start3A_660 = arith.constant 0 : i32
            %dma_start3A_661 = arith.constant 0 : i32
            %dma_start3A_662 = tpu.memref_slice %arg4[%dma_start3A_660, %dma_start3A_661] : memref<10000x16xf32, #tpu.memory_space<hbm>> -> memref<10000x16xf32, #tpu.memory_space<hbm>>
            tpu.enqueue_indirect_dma source(%dma_start3A_662 : memref<10000x16xf32, #tpu.memory_space<hbm>>) target(%arg15 : memref<80x16xf32, #tpu.memory_space<vmem>>) offsets(%dma_start3A_659 : memref<80xi32, #tpu.memory_space<vmem>>) semaphore(%arg18 : memref<!tpu.dma_semaphore, #tpu.memory_space<semaphore_mem>>)
          } else {
          }
          %eq3A_625 = arith.constant 2 : i32
          %eq3A_626 = arith.cmpi eq, %select_n3A_614, %eq3A_625 : i32
          %convert_element_type3A_627 = arith.extui %eq3A_626 : i1 to i32
          %cond3A_628 = arith.constant 0 : i32
          %cond3A_629 = arith.cmpi ne, %convert_element_type3A_627, %cond3A_628 : i32
          scf.if %cond3A_629 {
            %ge3A = arith.constant 1 : i32
            %ge3A_630 = arith.cmpi sge, %scan3A_140, %ge3A : i32
            %convert_element_type3A_631 = arith.extui %ge3A_630 : i1 to i32
            %cond3A_632 = arith.constant 0 : i32
            %cond3A_633 = arith.cmpi ne, %convert_element_type3A_631, %cond3A_632 : i32
            scf.if %cond3A_633 {
              %dma_wait3A_663 = arith.constant 1 : i32
              %dma_wait3A_664 = arith.constant 0 : i32
              %dma_wait3A_665 = tpu.memref_slice %arg20[%dma_wait3A_663, %dma_wait3A_664] : memref<2x80xi32, #tpu.memory_space<vmem>> -> memref<1x80xi32, #tpu.memory_space<vmem>>
              %dma_wait3A_666 = tpu.memref_squeeze %dma_wait3A_665 : memref<1x80xi32, #tpu.memory_space<vmem>> -> memref<80xi32, #tpu.memory_space<vmem>>
              %dma_wait3A_667 = arith.constant 0 : i32
              %dma_wait3A_668 = arith.constant 0 : i32
              %dma_wait3A_669 = tpu.memref_slice %arg28[%dma_wait3A_667, %dma_wait3A_668] : memref<10112x144xf32, #tpu.memory_space<vmem_shared>> -> memref<10112x144xf32, #tpu.memory_space<vmem_shared>>
              tpu.wait_indirect_dma semaphore(%arg26 : memref<!tpu.dma_semaphore, #tpu.memory_space<semaphore_mem>>) src(%arg21 : memref<80x144xf32, #tpu.memory_space<vmem>>) dst(%dma_wait3A_669 : memref<10112x144xf32, #tpu.memory_space<vmem_shared>>)
            } else {
            }
            %add3A_634 = arith.constant 2 : i32
            %add3A_635 = arith.addi %scan3A_140, %add3A_634 : i32
            %mul3A_636 = arith.constant 32 : i32
            %mul3A_637 = arith.muli %add3A_635, %mul3A_636 : i32
            %add3A_638 = arith.addi %mul3A_637, %add3A : i32
            %mul3A_639 = arith.constant 80 : i32
            %mul3A_640 = arith.muli %add3A_638, %mul3A_639 : i32
            %dma_start3A_641 = arith.constant 0 : i32
            %dma_start3A_642 = tpu.memref_slice %arg3[%dma_start3A_641, %mul3A_640] : memref<2x320000xi32, #tpu.memory_space<hbm>> -> memref<2x80xi32, #tpu.memory_space<hbm>>
            %dma_start3A_643 = arith.constant 0 : i32
            %dma_start3A_644 = tpu.memref_slice %arg3[%dma_start3A_643, %mul3A_640] : memref<2x320000xi32, #tpu.memory_space<hbm>> -> memref<2x80xi32, #tpu.memory_space<hbm>>
            tpu.enqueue_dma source(%dma_start3A_644 : memref<2x80xi32, #tpu.memory_space<hbm>>) target(%arg20 : memref<2x80xi32, #tpu.memory_space<vmem>>) target_semaphore(%arg23 : memref<!tpu.dma_semaphore, #tpu.memory_space<semaphore_mem>>)
            %dma_wait3A_645 = arith.constant 0 : i32
            %dma_wait3A_646 = tpu.memref_slice %arg3[%dma_wait3A_645, %mul3A_640] : memref<2x320000xi32, #tpu.memory_space<hbm>> -> memref<2x80xi32, #tpu.memory_space<hbm>>
            %dma_wait3A_647 = arith.constant 0 : i32
            %dma_wait3A_648 = tpu.memref_slice %arg3[%dma_wait3A_647, %mul3A_640] : memref<2x320000xi32, #tpu.memory_space<hbm>> -> memref<2x80xi32, #tpu.memory_space<hbm>>
            tpu.wait_dma2 semaphore(%arg23 : memref<!tpu.dma_semaphore, #tpu.memory_space<semaphore_mem>>) src(%dma_wait3A_648 : memref<2x80xi32, #tpu.memory_space<hbm>>) dst(%arg20 : memref<2x80xi32, #tpu.memory_space<vmem>>)
            %dma_start3A_649 = arith.constant 0 : i32
            %dma_start3A_650 = arith.constant 0 : i32
            %dma_start3A_651 = tpu.memref_slice %arg20[%dma_start3A_649, %dma_start3A_650] : memref<2x80xi32, #tpu.memory_space<vmem>> -> memref<1x80xi32, #tpu.memory_space<vmem>>
            %dma_start3A_652 = tpu.memref_squeeze %dma_start3A_651 : memref<1x80xi32, #tpu.memory_space<vmem>> -> memref<80xi32, #tpu.memory_space<vmem>>
            %dma_start3A_653 = arith.constant 0 : i32
            %dma_start3A_654 = arith.constant 0 : i32
            %dma_start3A_655 = tpu.memref_slice %arg2[%dma_start3A_653, %dma_start3A_654] : memref<10000x144xf32, #tpu.memory_space<hbm>> -> memref<10000x144xf32, #tpu.memory_space<hbm>>
            tpu.enqueue_indirect_dma source(%dma_start3A_655 : memref<10000x144xf32, #tpu.memory_space<hbm>>) target(%arg21 : memref<80x144xf32, #tpu.memory_space<vmem>>) offsets(%dma_start3A_652 : memref<80xi32, #tpu.memory_space<vmem>>) semaphore(%arg24 : memref<!tpu.dma_semaphore, #tpu.memory_space<semaphore_mem>>)
            %dma_start3A_656 = arith.constant 1 : i32
            %dma_start3A_657 = arith.constant 0 : i32
            %dma_start3A_658 = tpu.memref_slice %arg20[%dma_start3A_656, %dma_start3A_657] : memref<2x80xi32, #tpu.memory_space<vmem>> -> memref<1x80xi32, #tpu.memory_space<vmem>>
            %dma_start3A_659 = tpu.memref_squeeze %dma_start3A_658 : memref<1x80xi32, #tpu.memory_space<vmem>> -> memref<80xi32, #tpu.memory_space<vmem>>
            %dma_start3A_660 = arith.constant 0 : i32
            %dma_start3A_661 = arith.constant 0 : i32
            %dma_start3A_662 = tpu.memref_slice %arg4[%dma_start3A_660, %dma_start3A_661] : memref<10000x16xf32, #tpu.memory_space<hbm>> -> memref<10000x16xf32, #tpu.memory_space<hbm>>
            tpu.enqueue_indirect_dma source(%dma_start3A_662 : memref<10000x16xf32, #tpu.memory_space<hbm>>) target(%arg22 : memref<80x16xf32, #tpu.memory_space<vmem>>) offsets(%dma_start3A_659 : memref<80xi32, #tpu.memory_space<vmem>>) semaphore(%arg25 : memref<!tpu.dma_semaphore, #tpu.memory_space<semaphore_mem>>)
          } else {
          }
        } else {
        }
      } else {
      }
    }
    %scan3A_81 = arith.constant 125 : i32
    %dma_wait3A_82 = arith.constant 1 : i32
    %dma_wait3A_83 = arith.constant 0 : i32
    %dma_wait3A_84 = tpu.memref_slice %arg6[%dma_wait3A_82, %dma_wait3A_83] : memref<2x80xi32, #tpu.memory_space<vmem>> -> memref<1x80xi32, #tpu.memory_space<vmem>>
    %dma_wait3A_85 = tpu.memref_squeeze %dma_wait3A_84 : memref<1x80xi32, #tpu.memory_space<vmem>> -> memref<80xi32, #tpu.memory_space<vmem>>
    %dma_wait3A_86 = arith.constant 0 : i32
    %dma_wait3A_87 = arith.constant 0 : i32
    %dma_wait3A_88 = tpu.memref_slice %arg28[%dma_wait3A_86, %dma_wait3A_87] : memref<10112x144xf32, #tpu.memory_space<vmem_shared>> -> memref<10112x144xf32, #tpu.memory_space<vmem_shared>>
    tpu.wait_indirect_dma semaphore(%arg12 : memref<!tpu.dma_semaphore, #tpu.memory_space<semaphore_mem>>) src(%arg7 : memref<80x144xf32, #tpu.memory_space<vmem>>) dst(%dma_wait3A_88 : memref<10112x144xf32, #tpu.memory_space<vmem_shared>>)
    %dma_wait3A_89 = arith.constant 1 : i32
    %dma_wait3A_90 = arith.constant 0 : i32
    %dma_wait3A_91 = tpu.memref_slice %arg13[%dma_wait3A_89, %dma_wait3A_90] : memref<2x80xi32, #tpu.memory_space<vmem>> -> memref<1x80xi32, #tpu.memory_space<vmem>>
    %dma_wait3A_92 = tpu.memref_squeeze %dma_wait3A_91 : memref<1x80xi32, #tpu.memory_space<vmem>> -> memref<80xi32, #tpu.memory_space<vmem>>
    %dma_wait3A_93 = arith.constant 0 : i32
    %dma_wait3A_94 = arith.constant 0 : i32
    %dma_wait3A_95 = tpu.memref_slice %arg28[%dma_wait3A_93, %dma_wait3A_94] : memref<10112x144xf32, #tpu.memory_space<vmem_shared>> -> memref<10112x144xf32, #tpu.memory_space<vmem_shared>>
    tpu.wait_indirect_dma semaphore(%arg19 : memref<!tpu.dma_semaphore, #tpu.memory_space<semaphore_mem>>) src(%arg14 : memref<80x144xf32, #tpu.memory_space<vmem>>) dst(%dma_wait3A_95 : memref<10112x144xf32, #tpu.memory_space<vmem_shared>>)
    %dma_wait3A_96 = arith.constant 1 : i32
    %dma_wait3A_97 = arith.constant 0 : i32
    %dma_wait3A_98 = tpu.memref_slice %arg20[%dma_wait3A_96, %dma_wait3A_97] : memref<2x80xi32, #tpu.memory_space<vmem>> -> memref<1x80xi32, #tpu.memory_space<vmem>>
    %dma_wait3A_99 = tpu.memref_squeeze %dma_wait3A_98 : memref<1x80xi32, #tpu.memory_space<vmem>> -> memref<80xi32, #tpu.memory_space<vmem>>
    %dma_wait3A_100 = arith.constant 0 : i32
    %dma_wait3A_101 = arith.constant 0 : i32
    %dma_wait3A_102 = tpu.memref_slice %arg28[%dma_wait3A_100, %dma_wait3A_101] : memref<10112x144xf32, #tpu.memory_space<vmem_shared>> -> memref<10112x144xf32, #tpu.memory_space<vmem_shared>>
    tpu.wait_indirect_dma semaphore(%arg26 : memref<!tpu.dma_semaphore, #tpu.memory_space<semaphore_mem>>) src(%arg21 : memref<80x144xf32, #tpu.memory_space<vmem>>) dst(%dma_wait3A_102 : memref<10112x144xf32, #tpu.memory_space<vmem_shared>>)
    %barrier3A_103 = arith.constant 0 : index
    tpu.barrier barrier_id(%barrier3A_103)
    %add3A_104 = arith.constant 0 : i32
    %add3A_105 = arith.addi %mul3A_8, %add3A_104 : i32
    "tpu.region"() ({
      %run_scoped3A = tpu.sem_alloc : memref<!tpu.dma_semaphore, #tpu.memory_space<semaphore_mem>>
      %dma_start3A_140 = arith.constant 0 : i32
      %dma_start3A_141 = tpu.memref_slice %arg28[%add3A_105, %dma_start3A_140] : memref<10112x144xf32, #tpu.memory_space<vmem_shared>> -> memref<80x144xf32, #tpu.memory_space<vmem_shared>>
      %dma_start3A_142 = arith.constant 0 : i32
      %dma_start3A_143 = tpu.memref_slice %arg28[%add3A_105, %dma_start3A_142] : memref<10112x144xf32, #tpu.memory_space<vmem_shared>> -> memref<80x144xf32, #tpu.memory_space<vmem_shared>>
      tpu.enqueue_dma source(%dma_start3A_143 : memref<80x144xf32, #tpu.memory_space<vmem_shared>>) target(%arg7 : memref<80x144xf32, #tpu.memory_space<vmem>>) target_semaphore(%run_scoped3A : memref<!tpu.dma_semaphore, #tpu.memory_space<semaphore_mem>>)
      %dma_wait3A_144 = arith.constant 0 : i32
      %dma_wait3A_145 = tpu.memref_slice %arg28[%add3A_105, %dma_wait3A_144] : memref<10112x144xf32, #tpu.memory_space<vmem_shared>> -> memref<80x144xf32, #tpu.memory_space<vmem_shared>>
      %dma_wait3A_146 = arith.constant 0 : i32
      %dma_wait3A_147 = tpu.memref_slice %arg28[%add3A_105, %dma_wait3A_146] : memref<10112x144xf32, #tpu.memory_space<vmem_shared>> -> memref<80x144xf32, #tpu.memory_space<vmem_shared>>
      tpu.wait_dma2 semaphore(%run_scoped3A : memref<!tpu.dma_semaphore, #tpu.memory_space<semaphore_mem>>) src(%dma_wait3A_147 : memref<80x144xf32, #tpu.memory_space<vmem_shared>>) dst(%arg7 : memref<80x144xf32, #tpu.memory_space<vmem>>)
      tpu.yield
    }) : () -> ()
    %add3A_106 = arith.constant 0 : i32
    %add3A_107 = arith.addi %mul3A_8, %add3A_106 : i32
    "tpu.region"() ({
      %run_scoped3A = tpu.sem_alloc : memref<!tpu.dma_semaphore, #tpu.memory_space<semaphore_mem>>
      %dma_start3A_140 = arith.constant 0 : i32
      %dma_start3A_141 = tpu.memref_slice %arg5[%arg0, %add3A_107, %dma_start3A_140] : memref<2x10112x144xf32, #tpu.memory_space<hbm>> -> memref<1x80x144xf32, #tpu.memory_space<hbm>>
      %dma_start3A_142 = tpu.memref_squeeze %dma_start3A_141 : memref<1x80x144xf32, #tpu.memory_space<hbm>> -> memref<80x144xf32, #tpu.memory_space<hbm>>
      %dma_start3A_143 = arith.constant 0 : i32
      %dma_start3A_144 = tpu.memref_slice %arg5[%arg0, %add3A_107, %dma_start3A_143] : memref<2x10112x144xf32, #tpu.memory_space<hbm>> -> memref<1x80x144xf32, #tpu.memory_space<hbm>>
      %dma_start3A_145 = tpu.memref_squeeze %dma_start3A_144 : memref<1x80x144xf32, #tpu.memory_space<hbm>> -> memref<80x144xf32, #tpu.memory_space<hbm>>
      tpu.enqueue_dma source(%arg7 : memref<80x144xf32, #tpu.memory_space<vmem>>) target(%dma_start3A_145 : memref<80x144xf32, #tpu.memory_space<hbm>>) target_semaphore(%run_scoped3A : memref<!tpu.dma_semaphore, #tpu.memory_space<semaphore_mem>>)
      %dma_wait3A_146 = arith.constant 0 : i32
      %dma_wait3A_147 = tpu.memref_slice %arg5[%arg0, %add3A_107, %dma_wait3A_146] : memref<2x10112x144xf32, #tpu.memory_space<hbm>> -> memref<1x80x144xf32, #tpu.memory_space<hbm>>
      %dma_wait3A_148 = tpu.memref_squeeze %dma_wait3A_147 : memref<1x80x144xf32, #tpu.memory_space<hbm>> -> memref<80x144xf32, #tpu.memory_space<hbm>>
      %dma_wait3A_149 = arith.constant 0 : i32
      %dma_wait3A_150 = tpu.memref_slice %arg5[%arg0, %add3A_107, %dma_wait3A_149] : memref<2x10112x144xf32, #tpu.memory_space<hbm>> -> memref<1x80x144xf32, #tpu.memory_space<hbm>>
      %dma_wait3A_151 = tpu.memref_squeeze %dma_wait3A_150 : memref<1x80x144xf32, #tpu.memory_space<hbm>> -> memref<80x144xf32, #tpu.memory_space<hbm>>
      tpu.wait_dma2 semaphore(%run_scoped3A : memref<!tpu.dma_semaphore, #tpu.memory_space<semaphore_mem>>) src(%arg7 : memref<80x144xf32, #tpu.memory_space<vmem>>) dst(%dma_wait3A_151 : memref<80x144xf32, #tpu.memory_space<hbm>>)
      tpu.yield
    }) : () -> ()
    %add3A_108 = arith.constant 80 : i32
    %add3A_109 = arith.addi %mul3A_8, %add3A_108 : i32
    "tpu.region"() ({
      %run_scoped3A = tpu.sem_alloc : memref<!tpu.dma_semaphore, #tpu.memory_space<semaphore_mem>>
      %dma_start3A_140 = arith.constant 0 : i32
      %dma_start3A_141 = tpu.memref_slice %arg28[%add3A_109, %dma_start3A_140] : memref<10112x144xf32, #tpu.memory_space<vmem_shared>> -> memref<80x144xf32, #tpu.memory_space<vmem_shared>>
      %dma_start3A_142 = arith.constant 0 : i32
      %dma_start3A_143 = tpu.memref_slice %arg28[%add3A_109, %dma_start3A_142] : memref<10112x144xf32, #tpu.memory_space<vmem_shared>> -> memref<80x144xf32, #tpu.memory_space<vmem_shared>>
      tpu.enqueue_dma source(%dma_start3A_143 : memref<80x144xf32, #tpu.memory_space<vmem_shared>>) target(%arg7 : memref<80x144xf32, #tpu.memory_space<vmem>>) target_semaphore(%run_scoped3A : memref<!tpu.dma_semaphore, #tpu.memory_space<semaphore_mem>>)
      %dma_wait3A_144 = arith.constant 0 : i32
      %dma_wait3A_145 = tpu.memref_slice %arg28[%add3A_109, %dma_wait3A_144] : memref<10112x144xf32, #tpu.memory_space<vmem_shared>> -> memref<80x144xf32, #tpu.memory_space<vmem_shared>>
      %dma_wait3A_146 = arith.constant 0 : i32
      %dma_wait3A_147 = tpu.memref_slice %arg28[%add3A_109, %dma_wait3A_146] : memref<10112x144xf32, #tpu.memory_space<vmem_shared>> -> memref<80x144xf32, #tpu.memory_space<vmem_shared>>
      tpu.wait_dma2 semaphore(%run_scoped3A : memref<!tpu.dma_semaphore, #tpu.memory_space<semaphore_mem>>) src(%dma_wait3A_147 : memref<80x144xf32, #tpu.memory_space<vmem_shared>>) dst(%arg7 : memref<80x144xf32, #tpu.memory_space<vmem>>)
      tpu.yield
    }) : () -> ()
    %add3A_110 = arith.constant 80 : i32
    %add3A_111 = arith.addi %mul3A_8, %add3A_110 : i32
    "tpu.region"() ({
      %run_scoped3A = tpu.sem_alloc : memref<!tpu.dma_semaphore, #tpu.memory_space<semaphore_mem>>
      %dma_start3A_140 = arith.constant 0 : i32
      %dma_start3A_141 = tpu.memref_slice %arg5[%arg0, %add3A_111, %dma_start3A_140] : memref<2x10112x144xf32, #tpu.memory_space<hbm>> -> memref<1x80x144xf32, #tpu.memory_space<hbm>>
      %dma_start3A_142 = tpu.memref_squeeze %dma_start3A_141 : memref<1x80x144xf32, #tpu.memory_space<hbm>> -> memref<80x144xf32, #tpu.memory_space<hbm>>
      %dma_start3A_143 = arith.constant 0 : i32
      %dma_start3A_144 = tpu.memref_slice %arg5[%arg0, %add3A_111, %dma_start3A_143] : memref<2x10112x144xf32, #tpu.memory_space<hbm>> -> memref<1x80x144xf32, #tpu.memory_space<hbm>>
      %dma_start3A_145 = tpu.memref_squeeze %dma_start3A_144 : memref<1x80x144xf32, #tpu.memory_space<hbm>> -> memref<80x144xf32, #tpu.memory_space<hbm>>
      tpu.enqueue_dma source(%arg7 : memref<80x144xf32, #tpu.memory_space<vmem>>) target(%dma_start3A_145 : memref<80x144xf32, #tpu.memory_space<hbm>>) target_semaphore(%run_scoped3A : memref<!tpu.dma_semaphore, #tpu.memory_space<semaphore_mem>>)
      %dma_wait3A_146 = arith.constant 0 : i32
      %dma_wait3A_147 = tpu.memref_slice %arg5[%arg0, %add3A_111, %dma_wait3A_146] : memref<2x10112x144xf32, #tpu.memory_space<hbm>> -> memref<1x80x144xf32, #tpu.memory_space<hbm>>
      %dma_wait3A_148 = tpu.memref_squeeze %dma_wait3A_147 : memref<1x80x144xf32, #tpu.memory_space<hbm>> -> memref<80x144xf32, #tpu.memory_space<hbm>>
      %dma_wait3A_149 = arith.constant 0 : i32
      %dma_wait3A_150 = tpu.memref_slice %arg5[%arg0, %add3A_111, %dma_wait3A_149] : memref<2x10112x144xf32, #tpu.memory_space<hbm>> -> memref<1x80x144xf32, #tpu.memory_space<hbm>>
      %dma_wait3A_151 = tpu.memref_squeeze %dma_wait3A_150 : memref<1x80x144xf32, #tpu.memory_space<hbm>> -> memref<80x144xf32, #tpu.memory_space<hbm>>
      tpu.wait_dma2 semaphore(%run_scoped3A : memref<!tpu.dma_semaphore, #tpu.memory_space<semaphore_mem>>) src(%arg7 : memref<80x144xf32, #tpu.memory_space<vmem>>) dst(%dma_wait3A_151 : memref<80x144xf32, #tpu.memory_space<hbm>>)
      tpu.yield
    }) : () -> ()
    %add3A_112 = arith.constant 160 : i32
    %add3A_113 = arith.addi %mul3A_8, %add3A_112 : i32
    "tpu.region"() ({
      %run_scoped3A = tpu.sem_alloc : memref<!tpu.dma_semaphore, #tpu.memory_space<semaphore_mem>>
      %dma_start3A_140 = arith.constant 0 : i32
      %dma_start3A_141 = tpu.memref_slice %arg28[%add3A_113, %dma_start3A_140] : memref<10112x144xf32, #tpu.memory_space<vmem_shared>> -> memref<80x144xf32, #tpu.memory_space<vmem_shared>>
      %dma_start3A_142 = arith.constant 0 : i32
      %dma_start3A_143 = tpu.memref_slice %arg28[%add3A_113, %dma_start3A_142] : memref<10112x144xf32, #tpu.memory_space<vmem_shared>> -> memref<80x144xf32, #tpu.memory_space<vmem_shared>>
      tpu.enqueue_dma source(%dma_start3A_143 : memref<80x144xf32, #tpu.memory_space<vmem_shared>>) target(%arg7 : memref<80x144xf32, #tpu.memory_space<vmem>>) target_semaphore(%run_scoped3A : memref<!tpu.dma_semaphore, #tpu.memory_space<semaphore_mem>>)
      %dma_wait3A_144 = arith.constant 0 : i32
      %dma_wait3A_145 = tpu.memref_slice %arg28[%add3A_113, %dma_wait3A_144] : memref<10112x144xf32, #tpu.memory_space<vmem_shared>> -> memref<80x144xf32, #tpu.memory_space<vmem_shared>>
      %dma_wait3A_146 = arith.constant 0 : i32
      %dma_wait3A_147 = tpu.memref_slice %arg28[%add3A_113, %dma_wait3A_146] : memref<10112x144xf32, #tpu.memory_space<vmem_shared>> -> memref<80x144xf32, #tpu.memory_space<vmem_shared>>
      tpu.wait_dma2 semaphore(%run_scoped3A : memref<!tpu.dma_semaphore, #tpu.memory_space<semaphore_mem>>) src(%dma_wait3A_147 : memref<80x144xf32, #tpu.memory_space<vmem_shared>>) dst(%arg7 : memref<80x144xf32, #tpu.memory_space<vmem>>)
      tpu.yield
    }) : () -> ()
    %add3A_114 = arith.constant 160 : i32
    %add3A_115 = arith.addi %mul3A_8, %add3A_114 : i32
    "tpu.region"() ({
      %run_scoped3A = tpu.sem_alloc : memref<!tpu.dma_semaphore, #tpu.memory_space<semaphore_mem>>
      %dma_start3A_140 = arith.constant 0 : i32
      %dma_start3A_141 = tpu.memref_slice %arg5[%arg0, %add3A_115, %dma_start3A_140] : memref<2x10112x144xf32, #tpu.memory_space<hbm>> -> memref<1x80x144xf32, #tpu.memory_space<hbm>>
      %dma_start3A_142 = tpu.memref_squeeze %dma_start3A_141 : memref<1x80x144xf32, #tpu.memory_space<hbm>> -> memref<80x144xf32, #tpu.memory_space<hbm>>
      %dma_start3A_143 = arith.constant 0 : i32
      %dma_start3A_144 = tpu.memref_slice %arg5[%arg0, %add3A_115, %dma_start3A_143] : memref<2x10112x144xf32, #tpu.memory_space<hbm>> -> memref<1x80x144xf32, #tpu.memory_space<hbm>>
      %dma_start3A_145 = tpu.memref_squeeze %dma_start3A_144 : memref<1x80x144xf32, #tpu.memory_space<hbm>> -> memref<80x144xf32, #tpu.memory_space<hbm>>
      tpu.enqueue_dma source(%arg7 : memref<80x144xf32, #tpu.memory_space<vmem>>) target(%dma_start3A_145 : memref<80x144xf32, #tpu.memory_space<hbm>>) target_semaphore(%run_scoped3A : memref<!tpu.dma_semaphore, #tpu.memory_space<semaphore_mem>>)
      %dma_wait3A_146 = arith.constant 0 : i32
      %dma_wait3A_147 = tpu.memref_slice %arg5[%arg0, %add3A_115, %dma_wait3A_146] : memref<2x10112x144xf32, #tpu.memory_space<hbm>> -> memref<1x80x144xf32, #tpu.memory_space<hbm>>
      %dma_wait3A_148 = tpu.memref_squeeze %dma_wait3A_147 : memref<1x80x144xf32, #tpu.memory_space<hbm>> -> memref<80x144xf32, #tpu.memory_space<hbm>>
      %dma_wait3A_149 = arith.constant 0 : i32
      %dma_wait3A_150 = tpu.memref_slice %arg5[%arg0, %add3A_115, %dma_wait3A_149] : memref<2x10112x144xf32, #tpu.memory_space<hbm>> -> memref<1x80x144xf32, #tpu.memory_space<hbm>>
      %dma_wait3A_151 = tpu.memref_squeeze %dma_wait3A_150 : memref<1x80x144xf32, #tpu.memory_space<hbm>> -> memref<80x144xf32, #tpu.memory_space<hbm>>
      tpu.wait_dma2 semaphore(%run_scoped3A : memref<!tpu.dma_semaphore, #tpu.memory_space<semaphore_mem>>) src(%arg7 : memref<80x144xf32, #tpu.memory_space<vmem>>) dst(%dma_wait3A_151 : memref<80x144xf32, #tpu.memory_space<hbm>>)
      tpu.yield
    }) : () -> ()
    %add3A_116 = arith.constant 240 : i32
    %add3A_117 = arith.addi %mul3A_8, %add3A_116 : i32
    "tpu.region"() ({
      %run_scoped3A = tpu.sem_alloc : memref<!tpu.dma_semaphore, #tpu.memory_space<semaphore_mem>>
      %dma_start3A_140 = arith.constant 0 : i32
      %dma_start3A_141 = tpu.memref_slice %arg28[%add3A_117, %dma_start3A_140] : memref<10112x144xf32, #tpu.memory_space<vmem_shared>> -> memref<80x144xf32, #tpu.memory_space<vmem_shared>>
      %dma_start3A_142 = arith.constant 0 : i32
      %dma_start3A_143 = tpu.memref_slice %arg28[%add3A_117, %dma_start3A_142] : memref<10112x144xf32, #tpu.memory_space<vmem_shared>> -> memref<80x144xf32, #tpu.memory_space<vmem_shared>>
      tpu.enqueue_dma source(%dma_start3A_143 : memref<80x144xf32, #tpu.memory_space<vmem_shared>>) target(%arg7 : memref<80x144xf32, #tpu.memory_space<vmem>>) target_semaphore(%run_scoped3A : memref<!tpu.dma_semaphore, #tpu.memory_space<semaphore_mem>>)
      %dma_wait3A_144 = arith.constant 0 : i32
      %dma_wait3A_145 = tpu.memref_slice %arg28[%add3A_117, %dma_wait3A_144] : memref<10112x144xf32, #tpu.memory_space<vmem_shared>> -> memref<80x144xf32, #tpu.memory_space<vmem_shared>>
      %dma_wait3A_146 = arith.constant 0 : i32
      %dma_wait3A_147 = tpu.memref_slice %arg28[%add3A_117, %dma_wait3A_146] : memref<10112x144xf32, #tpu.memory_space<vmem_shared>> -> memref<80x144xf32, #tpu.memory_space<vmem_shared>>
      tpu.wait_dma2 semaphore(%run_scoped3A : memref<!tpu.dma_semaphore, #tpu.memory_space<semaphore_mem>>) src(%dma_wait3A_147 : memref<80x144xf32, #tpu.memory_space<vmem_shared>>) dst(%arg7 : memref<80x144xf32, #tpu.memory_space<vmem>>)
      tpu.yield
    }) : () -> ()
    %add3A_118 = arith.constant 240 : i32
    %add3A_119 = arith.addi %mul3A_8, %add3A_118 : i32
    "tpu.region"() ({
      %run_scoped3A = tpu.sem_alloc : memref<!tpu.dma_semaphore, #tpu.memory_space<semaphore_mem>>
      %dma_start3A_140 = arith.constant 0 : i32
      %dma_start3A_141 = tpu.memref_slice %arg5[%arg0, %add3A_119, %dma_start3A_140] : memref<2x10112x144xf32, #tpu.memory_space<hbm>> -> memref<1x80x144xf32, #tpu.memory_space<hbm>>
      %dma_start3A_142 = tpu.memref_squeeze %dma_start3A_141 : memref<1x80x144xf32, #tpu.memory_space<hbm>> -> memref<80x144xf32, #tpu.memory_space<hbm>>
      %dma_start3A_143 = arith.constant 0 : i32
      %dma_start3A_144 = tpu.memref_slice %arg5[%arg0, %add3A_119, %dma_start3A_143] : memref<2x10112x144xf32, #tpu.memory_space<hbm>> -> memref<1x80x144xf32, #tpu.memory_space<hbm>>
      %dma_start3A_145 = tpu.memref_squeeze %dma_start3A_144 : memref<1x80x144xf32, #tpu.memory_space<hbm>> -> memref<80x144xf32, #tpu.memory_space<hbm>>
      tpu.enqueue_dma source(%arg7 : memref<80x144xf32, #tpu.memory_space<vmem>>) target(%dma_start3A_145 : memref<80x144xf32, #tpu.memory_space<hbm>>) target_semaphore(%run_scoped3A : memref<!tpu.dma_semaphore, #tpu.memory_space<semaphore_mem>>)
      %dma_wait3A_146 = arith.constant 0 : i32
      %dma_wait3A_147 = tpu.memref_slice %arg5[%arg0, %add3A_119, %dma_wait3A_146] : memref<2x10112x144xf32, #tpu.memory_space<hbm>> -> memref<1x80x144xf32, #tpu.memory_space<hbm>>
      %dma_wait3A_148 = tpu.memref_squeeze %dma_wait3A_147 : memref<1x80x144xf32, #tpu.memory_space<hbm>> -> memref<80x144xf32, #tpu.memory_space<hbm>>
      %dma_wait3A_149 = arith.constant 0 : i32
      %dma_wait3A_150 = tpu.memref_slice %arg5[%arg0, %add3A_119, %dma_wait3A_149] : memref<2x10112x144xf32, #tpu.memory_space<hbm>> -> memref<1x80x144xf32, #tpu.memory_space<hbm>>
      %dma_wait3A_151 = tpu.memref_squeeze %dma_wait3A_150 : memref<1x80x144xf32, #tpu.memory_space<hbm>> -> memref<80x144xf32, #tpu.memory_space<hbm>>
      tpu.wait_dma2 semaphore(%run_scoped3A : memref<!tpu.dma_semaphore, #tpu.memory_space<semaphore_mem>>) src(%arg7 : memref<80x144xf32, #tpu.memory_space<vmem>>) dst(%dma_wait3A_151 : memref<80x144xf32, #tpu.memory_space<hbm>>)
      tpu.yield
    }) : () -> ()
    %add3A_120 = arith.constant 320 : i32
    %add3A_121 = arith.addi %mul3A_8, %add3A_120 : i32
    "tpu.region"() ({
      %run_scoped3A = tpu.sem_alloc : memref<!tpu.dma_semaphore, #tpu.memory_space<semaphore_mem>>
      %dma_start3A_140 = arith.constant 0 : i32
      %dma_start3A_141 = tpu.memref_slice %arg28[%add3A_121, %dma_start3A_140] : memref<10112x144xf32, #tpu.memory_space<vmem_shared>> -> memref<80x144xf32, #tpu.memory_space<vmem_shared>>
      %dma_start3A_142 = arith.constant 0 : i32
      %dma_start3A_143 = tpu.memref_slice %arg28[%add3A_121, %dma_start3A_142] : memref<10112x144xf32, #tpu.memory_space<vmem_shared>> -> memref<80x144xf32, #tpu.memory_space<vmem_shared>>
      tpu.enqueue_dma source(%dma_start3A_143 : memref<80x144xf32, #tpu.memory_space<vmem_shared>>) target(%arg7 : memref<80x144xf32, #tpu.memory_space<vmem>>) target_semaphore(%run_scoped3A : memref<!tpu.dma_semaphore, #tpu.memory_space<semaphore_mem>>)
      %dma_wait3A_144 = arith.constant 0 : i32
      %dma_wait3A_145 = tpu.memref_slice %arg28[%add3A_121, %dma_wait3A_144] : memref<10112x144xf32, #tpu.memory_space<vmem_shared>> -> memref<80x144xf32, #tpu.memory_space<vmem_shared>>
      %dma_wait3A_146 = arith.constant 0 : i32
      %dma_wait3A_147 = tpu.memref_slice %arg28[%add3A_121, %dma_wait3A_146] : memref<10112x144xf32, #tpu.memory_space<vmem_shared>> -> memref<80x144xf32, #tpu.memory_space<vmem_shared>>
      tpu.wait_dma2 semaphore(%run_scoped3A : memref<!tpu.dma_semaphore, #tpu.memory_space<semaphore_mem>>) src(%dma_wait3A_147 : memref<80x144xf32, #tpu.memory_space<vmem_shared>>) dst(%arg7 : memref<80x144xf32, #tpu.memory_space<vmem>>)
      tpu.yield
    }) : () -> ()
    %add3A_122 = arith.constant 320 : i32
    %add3A_123 = arith.addi %mul3A_8, %add3A_122 : i32
    "tpu.region"() ({
      %run_scoped3A = tpu.sem_alloc : memref<!tpu.dma_semaphore, #tpu.memory_space<semaphore_mem>>
      %dma_start3A_140 = arith.constant 0 : i32
      %dma_start3A_141 = tpu.memref_slice %arg5[%arg0, %add3A_123, %dma_start3A_140] : memref<2x10112x144xf32, #tpu.memory_space<hbm>> -> memref<1x80x144xf32, #tpu.memory_space<hbm>>
      %dma_start3A_142 = tpu.memref_squeeze %dma_start3A_141 : memref<1x80x144xf32, #tpu.memory_space<hbm>> -> memref<80x144xf32, #tpu.memory_space<hbm>>
      %dma_start3A_143 = arith.constant 0 : i32
      %dma_start3A_144 = tpu.memref_slice %arg5[%arg0, %add3A_123, %dma_start3A_143] : memref<2x10112x144xf32, #tpu.memory_space<hbm>> -> memref<1x80x144xf32, #tpu.memory_space<hbm>>
      %dma_start3A_145 = tpu.memref_squeeze %dma_start3A_144 : memref<1x80x144xf32, #tpu.memory_space<hbm>> -> memref<80x144xf32, #tpu.memory_space<hbm>>
      tpu.enqueue_dma source(%arg7 : memref<80x144xf32, #tpu.memory_space<vmem>>) target(%dma_start3A_145 : memref<80x144xf32, #tpu.memory_space<hbm>>) target_semaphore(%run_scoped3A : memref<!tpu.dma_semaphore, #tpu.memory_space<semaphore_mem>>)
      %dma_wait3A_146 = arith.constant 0 : i32
      %dma_wait3A_147 = tpu.memref_slice %arg5[%arg0, %add3A_123, %dma_wait3A_146] : memref<2x10112x144xf32, #tpu.memory_space<hbm>> -> memref<1x80x144xf32, #tpu.memory_space<hbm>>
      %dma_wait3A_148 = tpu.memref_squeeze %dma_wait3A_147 : memref<1x80x144xf32, #tpu.memory_space<hbm>> -> memref<80x144xf32, #tpu.memory_space<hbm>>
      %dma_wait3A_149 = arith.constant 0 : i32
      %dma_wait3A_150 = tpu.memref_slice %arg5[%arg0, %add3A_123, %dma_wait3A_149] : memref<2x10112x144xf32, #tpu.memory_space<hbm>> -> memref<1x80x144xf32, #tpu.memory_space<hbm>>
      %dma_wait3A_151 = tpu.memref_squeeze %dma_wait3A_150 : memref<1x80x144xf32, #tpu.memory_space<hbm>> -> memref<80x144xf32, #tpu.memory_space<hbm>>
      tpu.wait_dma2 semaphore(%run_scoped3A : memref<!tpu.dma_semaphore, #tpu.memory_space<semaphore_mem>>) src(%arg7 : memref<80x144xf32, #tpu.memory_space<vmem>>) dst(%dma_wait3A_151 : memref<80x144xf32, #tpu.memory_space<hbm>>)
      tpu.yield
    }) : () -> ()
    %add3A_124 = arith.constant 400 : i32
    %add3A_125 = arith.addi %mul3A_8, %add3A_124 : i32
    "tpu.region"() ({
      %run_scoped3A = tpu.sem_alloc : memref<!tpu.dma_semaphore, #tpu.memory_space<semaphore_mem>>
      %dma_start3A_140 = arith.constant 0 : i32
      %dma_start3A_141 = tpu.memref_slice %arg28[%add3A_125, %dma_start3A_140] : memref<10112x144xf32, #tpu.memory_space<vmem_shared>> -> memref<80x144xf32, #tpu.memory_space<vmem_shared>>
      %dma_start3A_142 = arith.constant 0 : i32
      %dma_start3A_143 = tpu.memref_slice %arg28[%add3A_125, %dma_start3A_142] : memref<10112x144xf32, #tpu.memory_space<vmem_shared>> -> memref<80x144xf32, #tpu.memory_space<vmem_shared>>
      tpu.enqueue_dma source(%dma_start3A_143 : memref<80x144xf32, #tpu.memory_space<vmem_shared>>) target(%arg7 : memref<80x144xf32, #tpu.memory_space<vmem>>) target_semaphore(%run_scoped3A : memref<!tpu.dma_semaphore, #tpu.memory_space<semaphore_mem>>)
      %dma_wait3A_144 = arith.constant 0 : i32
      %dma_wait3A_145 = tpu.memref_slice %arg28[%add3A_125, %dma_wait3A_144] : memref<10112x144xf32, #tpu.memory_space<vmem_shared>> -> memref<80x144xf32, #tpu.memory_space<vmem_shared>>
      %dma_wait3A_146 = arith.constant 0 : i32
      %dma_wait3A_147 = tpu.memref_slice %arg28[%add3A_125, %dma_wait3A_146] : memref<10112x144xf32, #tpu.memory_space<vmem_shared>> -> memref<80x144xf32, #tpu.memory_space<vmem_shared>>
      tpu.wait_dma2 semaphore(%run_scoped3A : memref<!tpu.dma_semaphore, #tpu.memory_space<semaphore_mem>>) src(%dma_wait3A_147 : memref<80x144xf32, #tpu.memory_space<vmem_shared>>) dst(%arg7 : memref<80x144xf32, #tpu.memory_space<vmem>>)
      tpu.yield
    }) : () -> ()
    %add3A_126 = arith.constant 400 : i32
    %add3A_127 = arith.addi %mul3A_8, %add3A_126 : i32
    "tpu.region"() ({
      %run_scoped3A = tpu.sem_alloc : memref<!tpu.dma_semaphore, #tpu.memory_space<semaphore_mem>>
      %dma_start3A_140 = arith.constant 0 : i32
      %dma_start3A_141 = tpu.memref_slice %arg5[%arg0, %add3A_127, %dma_start3A_140] : memref<2x10112x144xf32, #tpu.memory_space<hbm>> -> memref<1x80x144xf32, #tpu.memory_space<hbm>>
      %dma_start3A_142 = tpu.memref_squeeze %dma_start3A_141 : memref<1x80x144xf32, #tpu.memory_space<hbm>> -> memref<80x144xf32, #tpu.memory_space<hbm>>
      %dma_start3A_143 = arith.constant 0 : i32
      %dma_start3A_144 = tpu.memref_slice %arg5[%arg0, %add3A_127, %dma_start3A_143] : memref<2x10112x144xf32, #tpu.memory_space<hbm>> -> memref<1x80x144xf32, #tpu.memory_space<hbm>>
      %dma_start3A_145 = tpu.memref_squeeze %dma_start3A_144 : memref<1x80x144xf32, #tpu.memory_space<hbm>> -> memref<80x144xf32, #tpu.memory_space<hbm>>
      tpu.enqueue_dma source(%arg7 : memref<80x144xf32, #tpu.memory_space<vmem>>) target(%dma_start3A_145 : memref<80x144xf32, #tpu.memory_space<hbm>>) target_semaphore(%run_scoped3A : memref<!tpu.dma_semaphore, #tpu.memory_space<semaphore_mem>>)
      %dma_wait3A_146 = arith.constant 0 : i32
      %dma_wait3A_147 = tpu.memref_slice %arg5[%arg0, %add3A_127, %dma_wait3A_146] : memref<2x10112x144xf32, #tpu.memory_space<hbm>> -> memref<1x80x144xf32, #tpu.memory_space<hbm>>
      %dma_wait3A_148 = tpu.memref_squeeze %dma_wait3A_147 : memref<1x80x144xf32, #tpu.memory_space<hbm>> -> memref<80x144xf32, #tpu.memory_space<hbm>>
      %dma_wait3A_149 = arith.constant 0 : i32
      %dma_wait3A_150 = tpu.memref_slice %arg5[%arg0, %add3A_127, %dma_wait3A_149] : memref<2x10112x144xf32, #tpu.memory_space<hbm>> -> memref<1x80x144xf32, #tpu.memory_space<hbm>>
      %dma_wait3A_151 = tpu.memref_squeeze %dma_wait3A_150 : memref<1x80x144xf32, #tpu.memory_space<hbm>> -> memref<80x144xf32, #tpu.memory_space<hbm>>
      tpu.wait_dma2 semaphore(%run_scoped3A : memref<!tpu.dma_semaphore, #tpu.memory_space<semaphore_mem>>) src(%arg7 : memref<80x144xf32, #tpu.memory_space<vmem>>) dst(%dma_wait3A_151 : memref<80x144xf32, #tpu.memory_space<hbm>>)
      tpu.yield
    }) : () -> ()
    %add3A_128 = arith.constant 480 : i32
    %add3A_129 = arith.addi %mul3A_8, %add3A_128 : i32
    "tpu.region"() ({
      %run_scoped3A = tpu.sem_alloc : memref<!tpu.dma_semaphore, #tpu.memory_space<semaphore_mem>>
      %dma_start3A_140 = arith.constant 0 : i32
      %dma_start3A_141 = tpu.memref_slice %arg28[%add3A_129, %dma_start3A_140] : memref<10112x144xf32, #tpu.memory_space<vmem_shared>> -> memref<80x144xf32, #tpu.memory_space<vmem_shared>>
      %dma_start3A_142 = arith.constant 0 : i32
      %dma_start3A_143 = tpu.memref_slice %arg28[%add3A_129, %dma_start3A_142] : memref<10112x144xf32, #tpu.memory_space<vmem_shared>> -> memref<80x144xf32, #tpu.memory_space<vmem_shared>>
      tpu.enqueue_dma source(%dma_start3A_143 : memref<80x144xf32, #tpu.memory_space<vmem_shared>>) target(%arg7 : memref<80x144xf32, #tpu.memory_space<vmem>>) target_semaphore(%run_scoped3A : memref<!tpu.dma_semaphore, #tpu.memory_space<semaphore_mem>>)
      %dma_wait3A_144 = arith.constant 0 : i32
      %dma_wait3A_145 = tpu.memref_slice %arg28[%add3A_129, %dma_wait3A_144] : memref<10112x144xf32, #tpu.memory_space<vmem_shared>> -> memref<80x144xf32, #tpu.memory_space<vmem_shared>>
      %dma_wait3A_146 = arith.constant 0 : i32
      %dma_wait3A_147 = tpu.memref_slice %arg28[%add3A_129, %dma_wait3A_146] : memref<10112x144xf32, #tpu.memory_space<vmem_shared>> -> memref<80x144xf32, #tpu.memory_space<vmem_shared>>
      tpu.wait_dma2 semaphore(%run_scoped3A : memref<!tpu.dma_semaphore, #tpu.memory_space<semaphore_mem>>) src(%dma_wait3A_147 : memref<80x144xf32, #tpu.memory_space<vmem_shared>>) dst(%arg7 : memref<80x144xf32, #tpu.memory_space<vmem>>)
      tpu.yield
    }) : () -> ()
    %add3A_130 = arith.constant 480 : i32
    %add3A_131 = arith.addi %mul3A_8, %add3A_130 : i32
    "tpu.region"() ({
      %run_scoped3A = tpu.sem_alloc : memref<!tpu.dma_semaphore, #tpu.memory_space<semaphore_mem>>
      %dma_start3A_140 = arith.constant 0 : i32
      %dma_start3A_141 = tpu.memref_slice %arg5[%arg0, %add3A_131, %dma_start3A_140] : memref<2x10112x144xf32, #tpu.memory_space<hbm>> -> memref<1x80x144xf32, #tpu.memory_space<hbm>>
      %dma_start3A_142 = tpu.memref_squeeze %dma_start3A_141 : memref<1x80x144xf32, #tpu.memory_space<hbm>> -> memref<80x144xf32, #tpu.memory_space<hbm>>
      %dma_start3A_143 = arith.constant 0 : i32
      %dma_start3A_144 = tpu.memref_slice %arg5[%arg0, %add3A_131, %dma_start3A_143] : memref<2x10112x144xf32, #tpu.memory_space<hbm>> -> memref<1x80x144xf32, #tpu.memory_space<hbm>>
      %dma_start3A_145 = tpu.memref_squeeze %dma_start3A_144 : memref<1x80x144xf32, #tpu.memory_space<hbm>> -> memref<80x144xf32, #tpu.memory_space<hbm>>
      tpu.enqueue_dma source(%arg7 : memref<80x144xf32, #tpu.memory_space<vmem>>) target(%dma_start3A_145 : memref<80x144xf32, #tpu.memory_space<hbm>>) target_semaphore(%run_scoped3A : memref<!tpu.dma_semaphore, #tpu.memory_space<semaphore_mem>>)
      %dma_wait3A_146 = arith.constant 0 : i32
      %dma_wait3A_147 = tpu.memref_slice %arg5[%arg0, %add3A_131, %dma_wait3A_146] : memref<2x10112x144xf32, #tpu.memory_space<hbm>> -> memref<1x80x144xf32, #tpu.memory_space<hbm>>
      %dma_wait3A_148 = tpu.memref_squeeze %dma_wait3A_147 : memref<1x80x144xf32, #tpu.memory_space<hbm>> -> memref<80x144xf32, #tpu.memory_space<hbm>>
      %dma_wait3A_149 = arith.constant 0 : i32
      %dma_wait3A_150 = tpu.memref_slice %arg5[%arg0, %add3A_131, %dma_wait3A_149] : memref<2x10112x144xf32, #tpu.memory_space<hbm>> -> memref<1x80x144xf32, #tpu.memory_space<hbm>>
      %dma_wait3A_151 = tpu.memref_squeeze %dma_wait3A_150 : memref<1x80x144xf32, #tpu.memory_space<hbm>> -> memref<80x144xf32, #tpu.memory_space<hbm>>
      tpu.wait_dma2 semaphore(%run_scoped3A : memref<!tpu.dma_semaphore, #tpu.memory_space<semaphore_mem>>) src(%arg7 : memref<80x144xf32, #tpu.memory_space<vmem>>) dst(%dma_wait3A_151 : memref<80x144xf32, #tpu.memory_space<hbm>>)
      tpu.yield
    }) : () -> ()
    %add3A_132 = arith.constant 632 : i32
    %add3A_133 = arith.addi %mul3A_8, %add3A_132 : i32
    %sub3A_134 = arith.constant 72 : i32
    %sub3A_135 = arith.subi %add3A_133, %sub3A_134 : i32
    "tpu.region"() ({
      %run_scoped3A = tpu.sem_alloc : memref<!tpu.dma_semaphore, #tpu.memory_space<semaphore_mem>>
      %dma_start3A_140 = arith.constant 0 : i32
      %dma_start3A_141 = arith.constant 0 : i32
      %dma_start3A_142 = tpu.memref_slice %arg7[%dma_start3A_140, %dma_start3A_141] : memref<80x144xf32, #tpu.memory_space<vmem>> -> memref<72x144xf32, #tpu.memory_space<vmem>>
      %dma_start3A_143 = arith.constant 0 : i32
      %dma_start3A_144 = tpu.memref_slice %arg28[%sub3A_135, %dma_start3A_143] : memref<10112x144xf32, #tpu.memory_space<vmem_shared>> -> memref<72x144xf32, #tpu.memory_space<vmem_shared>>
      %dma_start3A_145 = arith.constant 0 : i32
      %dma_start3A_146 = arith.constant 0 : i32
      %dma_start3A_147 = tpu.memref_slice %arg7[%dma_start3A_145, %dma_start3A_146] : memref<80x144xf32, #tpu.memory_space<vmem>> -> memref<72x144xf32, #tpu.memory_space<vmem>>
      %dma_start3A_148 = arith.constant 0 : i32
      %dma_start3A_149 = tpu.memref_slice %arg28[%sub3A_135, %dma_start3A_148] : memref<10112x144xf32, #tpu.memory_space<vmem_shared>> -> memref<72x144xf32, #tpu.memory_space<vmem_shared>>
      tpu.enqueue_dma source(%dma_start3A_149 : memref<72x144xf32, #tpu.memory_space<vmem_shared>>) target(%dma_start3A_147 : memref<72x144xf32, #tpu.memory_space<vmem>>) target_semaphore(%run_scoped3A : memref<!tpu.dma_semaphore, #tpu.memory_space<semaphore_mem>>)
      %dma_wait3A_150 = arith.constant 0 : i32
      %dma_wait3A_151 = arith.constant 0 : i32
      %dma_wait3A_152 = tpu.memref_slice %arg7[%dma_wait3A_150, %dma_wait3A_151] : memref<80x144xf32, #tpu.memory_space<vmem>> -> memref<72x144xf32, #tpu.memory_space<vmem>>
      %dma_wait3A_153 = arith.constant 0 : i32
      %dma_wait3A_154 = tpu.memref_slice %arg28[%sub3A_135, %dma_wait3A_153] : memref<10112x144xf32, #tpu.memory_space<vmem_shared>> -> memref<72x144xf32, #tpu.memory_space<vmem_shared>>
      %dma_wait3A_155 = arith.constant 0 : i32
      %dma_wait3A_156 = arith.constant 0 : i32
      %dma_wait3A_157 = tpu.memref_slice %arg7[%dma_wait3A_155, %dma_wait3A_156] : memref<80x144xf32, #tpu.memory_space<vmem>> -> memref<72x144xf32, #tpu.memory_space<vmem>>
      %dma_wait3A_158 = arith.constant 0 : i32
      %dma_wait3A_159 = tpu.memref_slice %arg28[%sub3A_135, %dma_wait3A_158] : memref<10112x144xf32, #tpu.memory_space<vmem_shared>> -> memref<72x144xf32, #tpu.memory_space<vmem_shared>>
      tpu.wait_dma2 semaphore(%run_scoped3A : memref<!tpu.dma_semaphore, #tpu.memory_space<semaphore_mem>>) src(%dma_wait3A_159 : memref<72x144xf32, #tpu.memory_space<vmem_shared>>) dst(%dma_wait3A_157 : memref<72x144xf32, #tpu.memory_space<vmem>>)
      tpu.yield
    }) : () -> ()
    %add3A_136 = arith.constant 632 : i32
    %add3A_137 = arith.addi %mul3A_8, %add3A_136 : i32
    %sub3A_138 = arith.constant 72 : i32
    %sub3A_139 = arith.subi %add3A_137, %sub3A_138 : i32
    "tpu.region"() ({
      %run_scoped3A = tpu.sem_alloc : memref<!tpu.dma_semaphore, #tpu.memory_space<semaphore_mem>>
      %dma_start3A_140 = arith.constant 0 : i32
      %dma_start3A_141 = arith.constant 0 : i32
      %dma_start3A_142 = tpu.memref_slice %arg7[%dma_start3A_140, %dma_start3A_141] : memref<80x144xf32, #tpu.memory_space<vmem>> -> memref<72x144xf32, #tpu.memory_space<vmem>>
      %dma_start3A_143 = arith.constant 0 : i32
      %dma_start3A_144 = tpu.memref_slice %arg5[%arg0, %sub3A_139, %dma_start3A_143] : memref<2x10112x144xf32, #tpu.memory_space<hbm>> -> memref<1x72x144xf32, #tpu.memory_space<hbm>>
      %dma_start3A_145 = tpu.memref_squeeze %dma_start3A_144 : memref<1x72x144xf32, #tpu.memory_space<hbm>> -> memref<72x144xf32, #tpu.memory_space<hbm>>
      %dma_start3A_146 = arith.constant 0 : i32
      %dma_start3A_147 = tpu.memref_slice %arg5[%arg0, %sub3A_139, %dma_start3A_146] : memref<2x10112x144xf32, #tpu.memory_space<hbm>> -> memref<1x72x144xf32, #tpu.memory_space<hbm>>
      %dma_start3A_148 = tpu.memref_squeeze %dma_start3A_147 : memref<1x72x144xf32, #tpu.memory_space<hbm>> -> memref<72x144xf32, #tpu.memory_space<hbm>>
      %dma_start3A_149 = arith.constant 0 : i32
      %dma_start3A_150 = arith.constant 0 : i32
      %dma_start3A_151 = tpu.memref_slice %arg7[%dma_start3A_149, %dma_start3A_150] : memref<80x144xf32, #tpu.memory_space<vmem>> -> memref<72x144xf32, #tpu.memory_space<vmem>>
      tpu.enqueue_dma source(%dma_start3A_151 : memref<72x144xf32, #tpu.memory_space<vmem>>) target(%dma_start3A_148 : memref<72x144xf32, #tpu.memory_space<hbm>>) target_semaphore(%run_scoped3A : memref<!tpu.dma_semaphore, #tpu.memory_space<semaphore_mem>>)
      %dma_wait3A_152 = arith.constant 0 : i32
      %dma_wait3A_153 = arith.constant 0 : i32
      %dma_wait3A_154 = tpu.memref_slice %arg7[%dma_wait3A_152, %dma_wait3A_153] : memref<80x144xf32, #tpu.memory_space<vmem>> -> memref<72x144xf32, #tpu.memory_space<vmem>>
      %dma_wait3A_155 = arith.constant 0 : i32
      %dma_wait3A_156 = tpu.memref_slice %arg5[%arg0, %sub3A_139, %dma_wait3A_155] : memref<2x10112x144xf32, #tpu.memory_space<hbm>> -> memref<1x72x144xf32, #tpu.memory_space<hbm>>
      %dma_wait3A_157 = tpu.memref_squeeze %dma_wait3A_156 : memref<1x72x144xf32, #tpu.memory_space<hbm>> -> memref<72x144xf32, #tpu.memory_space<hbm>>
      %dma_wait3A_158 = arith.constant 0 : i32
      %dma_wait3A_159 = tpu.memref_slice %arg5[%arg0, %sub3A_139, %dma_wait3A_158] : memref<2x10112x144xf32, #tpu.memory_space<hbm>> -> memref<1x72x144xf32, #tpu.memory_space<hbm>>
      %dma_wait3A_160 = tpu.memref_squeeze %dma_wait3A_159 : memref<1x72x144xf32, #tpu.memory_space<hbm>> -> memref<72x144xf32, #tpu.memory_space<hbm>>
      %dma_wait3A_161 = arith.constant 0 : i32
      %dma_wait3A_162 = arith.constant 0 : i32
      %dma_wait3A_163 = tpu.memref_slice %arg7[%dma_wait3A_161, %dma_wait3A_162] : memref<80x144xf32, #tpu.memory_space<vmem>> -> memref<72x144xf32, #tpu.memory_space<vmem>>
      tpu.wait_dma2 semaphore(%run_scoped3A : memref<!tpu.dma_semaphore, #tpu.memory_space<semaphore_mem>>) src(%dma_wait3A_163 : memref<72x144xf32, #tpu.memory_space<vmem>>) dst(%dma_wait3A_160 : memref<72x144xf32, #tpu.memory_space<hbm>>)
      tpu.yield
    }) : () -> ()
    return
  }
}

module attributes {stable_mosaic.version = 14 : i64} {
  func.func @_proj_body(%arg0: i32, %arg1: memref<2000x128xf32, #tpu.memory_space<vmem>>, %arg2: memref<128x144xf32, #tpu.memory_space<vmem>>, %arg3: memref<128x16xf32, #tpu.memory_space<vmem>>, %arg4: memref<2000x144xf32, #tpu.memory_space<vmem>>, %arg5: memref<2000x16xf32, #tpu.memory_space<vmem>>) attributes {dimension_semantics = [#tpu.dimension_semantics<arbitrary>], iteration_bounds = array<i64: 5>, scalar_prefetch = 0 : i64, scratch_operands = 0 : i64, tpu.core_type = #tpu.core_type<tc>, window_params = [{transform_indices = @transform_0, window_bounds = array<i64: 2000, 128>}, {pipeline_mode = #tpu.pipeline_mode<synchronous>, transform_indices = @transform_1, window_bounds = array<i64: 128, 144>}, {pipeline_mode = #tpu.pipeline_mode<synchronous>, transform_indices = @transform_2, window_bounds = array<i64: 128, 16>}, {transform_indices = @transform_3, window_bounds = array<i64: 2000, 144>}, {transform_indices = @transform_4, window_bounds = array<i64: 2000, 16>}]} {
    %get3A = arith.constant 0 : index
    %get3A_0 = arith.constant 0 : index
    %get3A_1 = vector.load %arg1[%get3A, %get3A_0] : memref<2000x128xf32, #tpu.memory_space<vmem>>, vector<2000x128xf32>
    %get3A_2 = arith.constant 0 : index
    %get3A_3 = arith.constant 0 : index
    %get3A_4 = vector.load %arg2[%get3A_2, %get3A_3] : memref<128x144xf32, #tpu.memory_space<vmem>>, vector<128x144xf32>
    %dot_general3A = arith.constant dense<0.000000e+00> : vector<2000x144xf32>
    %dot_general3A_5 = tpu.matmul %get3A_1, %get3A_4, %dot_general3A {dimension_numbers = #tpu.dot_dimension_numbers<[1], [0], [0], [1], [0, 0, 1, 1], [], []>, transpose_lhs_hint = false} : vector<2000x128xf32>, vector<128x144xf32>, vector<2000x144xf32> -> vector<2000x144xf32>
    %swap3A = arith.constant 0 : index
    %swap3A_6 = arith.constant 0 : index
    %swap3A_7 = vector.load %arg4[%swap3A, %swap3A_6] : memref<2000x144xf32, #tpu.memory_space<vmem>>, vector<2000x144xf32>
    tpu.vector_store %arg4[%swap3A, %swap3A_6], %dot_general3A_5 {strides = array<i32>} : memref<2000x144xf32, #tpu.memory_space<vmem>>, vector<2000x144xf32>,
    %get3A_8 = arith.constant 0 : index
    %get3A_9 = arith.constant 0 : index
    %get3A_10 = vector.load %arg3[%get3A_8, %get3A_9] : memref<128x16xf32, #tpu.memory_space<vmem>>, vector<128x16xf32>
    %dot_general3A_11 = arith.constant dense<0.000000e+00> : vector<2000x16xf32>
    %dot_general3A_12 = tpu.matmul %get3A_1, %get3A_10, %dot_general3A_11 {dimension_numbers = #tpu.dot_dimension_numbers<[1], [0], [0], [1], [0, 0, 1, 1], [], []>, transpose_lhs_hint = false} : vector<2000x128xf32>, vector<128x16xf32>, vector<2000x16xf32> -> vector<2000x16xf32>
    %swap3A_13 = arith.constant 0 : index
    %swap3A_14 = arith.constant 0 : index
    %swap3A_15 = vector.load %arg5[%swap3A_13, %swap3A_14] : memref<2000x16xf32, #tpu.memory_space<vmem>>, vector<2000x16xf32>
    tpu.vector_store %arg5[%swap3A_13, %swap3A_14], %dot_general3A_12 {strides = array<i32>} : memref<2000x16xf32, #tpu.memory_space<vmem>>, vector<2000x16xf32>,
    return
  }
  func.func @transform_0(%arg0: i32) -> (i32, i32) {
    %c0_i32 = arith.constant 0 : i32
    %c0_i32_0 = arith.constant 0 : i32
    return %arg0, %c0_i32 : i32, i32
  }
  func.func @transform_1(%arg0: i32) -> (i32, i32) {
    %c0_i32 = arith.constant 0 : i32
    %c0_i32_0 = arith.constant 0 : i32
    %c0_i32_1 = arith.constant 0 : i32
    return %c0_i32, %c0_i32_0 : i32, i32
  }
  func.func @transform_2(%arg0: i32) -> (i32, i32) {
    %c0_i32 = arith.constant 0 : i32
    %c0_i32_0 = arith.constant 0 : i32
    %c0_i32_1 = arith.constant 0 : i32
    return %c0_i32, %c0_i32_0 : i32, i32
  }
  func.func @transform_3(%arg0: i32) -> (i32, i32) {
    %c0_i32 = arith.constant 0 : i32
    %c0_i32_0 = arith.constant 0 : i32
    return %arg0, %c0_i32 : i32, i32
  }
  func.func @transform_4(%arg0: i32) -> (i32, i32) {
    %c0_i32 = arith.constant 0 : i32
    %c0_i32_0 = arith.constant 0 : i32
    return %arg0, %c0_i32 : i32, i32
  }
}

module attributes {stable_mosaic.version = 14 : i64} {
  func.func @_combine_body(%arg0: i32, %arg1: memref<1x2000x144xf32, #tpu.memory_space<vmem>>, %arg2: memref<1x2000x144xf32, #tpu.memory_space<vmem>>, %arg3: memref<144x128xf32, #tpu.memory_space<vmem>>, %arg4: memref<2000x128xf32, #tpu.memory_space<vmem>>) attributes {dimension_semantics = [#tpu.dimension_semantics<arbitrary>], iteration_bounds = array<i64: 5>, scalar_prefetch = 0 : i64, scratch_operands = 0 : i64, tpu.core_type = #tpu.core_type<tc>, window_params = [{transform_indices = @transform_0, window_bounds = array<i64: 1, 2000, 144>}, {transform_indices = @transform_1, window_bounds = array<i64: 1, 2000, 144>}, {pipeline_mode = #tpu.pipeline_mode<synchronous>, transform_indices = @transform_2, window_bounds = array<i64: 144, 128>}, {transform_indices = @transform_3, window_bounds = array<i64: 2000, 128>}]} {
    %get3A = arith.constant 0 : index
    %get3A_0 = arith.constant 0 : index
    %get3A_1 = arith.constant 0 : index
    %get3A_2 = vector.load %arg1[%get3A, %get3A_0, %get3A_1] : memref<1x2000x144xf32, #tpu.memory_space<vmem>>, vector<1x2000x144xf32>
    %get3A_3 = vector.shape_cast %get3A_2 : vector<1x2000x144xf32> to vector<2000x144xf32>
    %get3A_4 = arith.constant 0 : index
    %get3A_5 = arith.constant 0 : index
    %get3A_6 = arith.constant 0 : index
    %get3A_7 = vector.load %arg2[%get3A_4, %get3A_5, %get3A_6] : memref<1x2000x144xf32, #tpu.memory_space<vmem>>, vector<1x2000x144xf32>
    %get3A_8 = vector.shape_cast %get3A_7 : vector<1x2000x144xf32> to vector<2000x144xf32>
    %add3A = arith.addf %get3A_3, %get3A_8 : vector<2000x144xf32>
    %get3A_9 = arith.constant 0 : index
    %get3A_10 = arith.constant 0 : index
    %get3A_11 = vector.load %arg3[%get3A_9, %get3A_10] : memref<144x128xf32, #tpu.memory_space<vmem>>, vector<144x128xf32>
    %dot_general3A = arith.constant dense<0.000000e+00> : vector<2000x128xf32>
    %dot_general3A_12 = tpu.matmul %add3A, %get3A_11, %dot_general3A {dimension_numbers = #tpu.dot_dimension_numbers<[1], [0], [0], [1], [0, 0, 1, 1], [], []>, transpose_lhs_hint = false} : vector<2000x144xf32>, vector<144x128xf32>, vector<2000x128xf32> -> vector<2000x128xf32>
    %slice3A = vector.extract_strided_slice %add3A {offsets = [0, 0], sizes = [2000, 128], strides = [1, 1]} : vector<2000x144xf32> to vector<2000x128xf32>
    %gt3A = arith.constant 0.000000e+00 : f32
    %gt3A_13 = vector.broadcast %gt3A : f32 to vector<2000x128xf32>
    %gt3A_14 = arith.cmpf ogt, %dot_general3A_12, %gt3A_13 : vector<2000x128xf32>
    %div3A = arith.divf %slice3A, %dot_general3A_12 : vector<2000x128xf32>
    %jit3A = arith.constant 0.000000e+00 : f32
    %broadcast_in_dim3A = vector.broadcast %jit3A : f32 to vector<2000x128xf32>
    %select_n3A = arith.select %gt3A_14, %div3A, %broadcast_in_dim3A : vector<2000x128xi1>, vector<2000x128xf32>
    %swap3A = arith.constant 0 : index
    %swap3A_15 = arith.constant 0 : index
    %swap3A_16 = vector.load %arg4[%swap3A, %swap3A_15] : memref<2000x128xf32, #tpu.memory_space<vmem>>, vector<2000x128xf32>
    tpu.vector_store %arg4[%swap3A, %swap3A_15], %select_n3A {strides = array<i32>} : memref<2000x128xf32, #tpu.memory_space<vmem>>, vector<2000x128xf32>,
    return
  }
  func.func @transform_0(%arg0: i32) -> (i32, i32, i32) {
    %c0_i32 = arith.constant 0 : i32
    %c0_i32_0 = arith.constant 0 : i32
    %c0_i32_1 = arith.constant 0 : i32
    return %c0_i32, %arg0, %c0_i32_0 : i32, i32, i32
  }
  func.func @transform_1(%arg0: i32) -> (i32, i32, i32) {
    %c1_i32 = arith.constant 1 : i32
    %c0_i32 = arith.constant 0 : i32
    %c0_i32_0 = arith.constant 0 : i32
    return %c1_i32, %arg0, %c0_i32 : i32, i32, i32
  }
  func.func @transform_2(%arg0: i32) -> (i32, i32) {
    %c0_i32 = arith.constant 0 : i32
    %c0_i32_0 = arith.constant 0 : i32
    %c0_i32_1 = arith.constant 0 : i32
    return %c0_i32, %c0_i32_0 : i32, i32
  }
  func.func @transform_3(%arg0: i32) -> (i32, i32) {
    %c0_i32 = arith.constant 0 : i32
    %c0_i32_0 = arith.constant 0 : i32
    return %arg0, %c0_i32 : i32, i32
  }
}

</mosaic_0001>

<sc_bundles>
// kernel: kernel.5.cloned.1.call-start
scs
__scs_entry_jumppad:
0x0: {  	(pc) =	sbr.rel $0x88, $3  }
0x1: {  	(tag) =	ssettag $0x0;
	lr =	simm.s32 $0x1  }
0x2: {  	[smem:$0x3F9C] =	sst lr;
	_ =	strace $0xD0000000  }
0x3: {  	_ = 	snop  }
0x4: {  	_ = 	snop  }
0x5: {  	_ = 	snop  }
0x6: {  	_ = 	snop  }
0x7: {  	_ = 	snop  }
__scs_overlays_trampoline_lowered:
0x8: {  	[smem:$0x3FAB] =	sst s0  }
0x9: {  	[smem:$0x3FAC] =	sst s1  }
0xa: {  	[smem:$0x3FAD] =	sst s2  }
0xb: {  	[smem:$0x3FAE] =	sst s3  }
0xc: {  	[smem:$0x3FAF] =	sst s4  }
0xd: {  	[smem:$0x3FB0] =	sst s5  }
0xe: {  	[smem:$0x3FB1] =	sst s6  }
0xf: {  	[smem:$0x3FB2] =	sst s7  }
0x10: {  	[smem:$0x3FB3] =	sst s8  }
0x11: {  	[smem:$0x3FB4] =	sst s9;
	s0 =	simm.s32 @!p0 $0x0  }
0x12: {  	s1 =	sld [smem:$0x3F9A];
	s0 =	simm.s32 @p0 $0x1  }
0x13: {  	[smem:$0x3FB5] =	sst s0;
	s0 =	simm.s32 @!p1 $0x0  }
0x14: {  	s2 =	sld [smem:$0x3F99];
	s0 =	simm.s32 @p1 $0x1  }
0x15: {  	[smem:$0x3FB6] =	sst s0;
	s0 =	simm.s32 @!p2 $0x0  }
0x16: {  	s3 =	sld [smem:$0x3FDB];
	s0 =	simm.s32 @p2 $0x1  }
0x17: {  	s4 =	simm.s32 $0x1BF5;
	[smem:$0x3FB8] =	sst s0  }
0x18: {  	s0 =	sld [smem:$0x3F9B];
	_ =	swait.ge [sflag:s4], $0x0  }
0x19: {  	s7 =	sld [smem:$0x3F9C]  }
0x1a: {  	s8 =	sadd.s32 $0xFFFFE003, lr  }
0x1b: {  	s9 =	sadd.s32 $0xFFFFFEF7, lr;
	s5 =	simm.s32 $0xFFFFFFFF;
	p2 =	slt.u32 s8, $0xFFFFF086  }
0x1c: {  	p1 =	slt.u32 s9, $0xF7A;
	s5 =	simm.s32 @!p2 $0x0  }
0x1d: {  	s5 =	simm.s32 @p1 $0x1;
	p0 =	seq.s32 s7, s2  }
0x1e: {  	s7 =	smul.u32 @!p0 $0xF7A, s2;
	p2 =	seq.s32 @!p0 s5, $0x0  }
0x1f: {  	s9 =	smul.u32 $0xF7A, s1;
	s8 =	simm.s32 @!p0 $0x1BF5;
	p2 =	por !p2, p0  }
0x20: {  	[sflag:s8] =	ssyncset.s32 @!p0 $0xFFFFF086;
	s6 =	sadd.s32 @!p0 s3, s7;
	s7 =	simm.s32 @!p0 $0x108  }
0x21: {  	s3 =	sadd.s32 s3, s9;
	s6 =	sadd.s32 @!p0 $0x88, s6;
	s7 =	simm.s32 @p2 $0x1082  }
0x22: {  	[simem:s7], [sflag:s8] =	dma.local @!p0 [hbm:s6], $0xF7A  }
0x23: {  	s9 =	sor.u32 $0xD0000000, s2;
	s6 =	simm.s32 $0x108;
	_ =	swait.ge @!p0 [sflag:s8], $0x0  }
0x24: {  	s3 =	sadd.s32 $0x88, s3;
	s6 =	simm.s32 @!p1 $0x1082;
	[sflag:s4] =	ssyncset.s32 $0xFFFFF086  }
0x25: {  	[simem:s6], [sflag:s4] =	dma.local [hbm:s3], $0xF7A  }
0x26: {  	[smem:$0x3F9C] =	sst s1;
	(tag) =	ssettag s2;
	_ =	strace s9  }
0x27: {  	s1 =	sld [smem:$0x3FAC]  }
0x28: {  	s2 =	sld [smem:$0x3FAD]  }
0x29: {  	s4 =	sld [smem:$0x3FAF]  }
0x2a: {  	p0 =	seq.s32 s5, $0x0;
	s5 =	sld [smem:$0x3FB0]  }
0x2b: {  	s6 =	sld [smem:$0x3FB1]  }
0x2c: {  	s7 =	sld [smem:$0x3FB2]  }
0x2d: {  	s3 =	simm.s32 $0x108;
	s8 =	sld [smem:$0x3FB3]  }
0x2e: {  	s3 =	simm.s32 @!p0 $0x1082;
	s9 =	sld [smem:$0x3FB4]  }
0x2f: {  	lr =	sadd.s32 s0, s3;
	s0 =	sld [smem:$0x3FAB]  }
0x30: {  	s3 =	sld [smem:$0x3FAE]  }
0x31: {  	[smem:$0x3FB7] =	sst s10  }
0x32: {  	s10 =	sld [smem:$0x3FB5];
	_ =	sdelay $0x3  }
0x33: {  	p0 =	seq.s32 s10, $0x1;
	s10 =	sld [smem:$0x3FB7];
	_ =	sdelay $0x3  }
0x34: {  	[smem:$0x3FB7] =	sst s10  }
0x35: {  	s10 =	sld [smem:$0x3FB6];
	_ =	sdelay $0x3  }
0x36: {  	p1 =	seq.s32 s10, $0x1;
	s10 =	sld [smem:$0x3FB7];
	_ =	sdelay $0x3  }
0x37: {  	[smem:$0x3FB7] =	sst s10  }
0x38: {  	s10 =	sld [smem:$0x3FB8]  }
0x39: {  	_ = 	snop;
	(pc) =	sbr.ind lr, $3  }
0x3a: {  	_ = 	snop  }
0x3b: {  	_ = 	snop  }
0x3c: {  	p2 =	seq.s32 s10, $0x1;
	s10 =	sld [smem:$0x3FB7]  }
0x3d: {  	_ =	shalt  }
0x3e: {  	_ =	shalt  }
0x3f: {  	_ =	shalt  }
0x40: {  	_ =	shalt  }
0x41: {  	_ =	shalt  }
0x42: {  	_ =	shalt  }
0x43: {  	_ =	shalt  }
0x44: {  	_ =	shalt  }
0x45: {  	_ =	shalt  }
0x46: {  	_ =	shalt  }
0x47: {  	_ =	shalt  }
0x48: {  	_ =	shalt  }
0x49: {  	_ =	shalt  }
0x4a: {  	_ =	shalt  }
0x4b: {  	_ =	shalt  }
0x4c: {  	_ =	shalt  }
0x4d: {  	_ =	shalt  }
0x4e: {  	_ =	shalt  }
0x4f: {  	_ =	shalt  }
0x50: {  	_ =	shalt  }
0x51: {  	_ =	shalt  }
0x52: {  	_ =	shalt  }
0x53: {  	_ =	shalt  }
0x54: {  	_ =	shalt  }
0x55: {  	_ =	shalt  }
0x56: {  	_ =	shalt  }
0x57: {  	_ =	shalt  }
0x58: {  	_ =	shalt  }
0x59: {  	_ =	shalt  }
0x5a: {  	_ =	shalt  }
0x5b: {  	_ =	shalt  }
0x5c: {  	_ =	shalt  }
0x5d: {  	_ =	shalt  }
0x5e: {  	_ =	shalt  }
0x5f: {  	_ =	shalt  }
0x60: {  	_ =	shalt  }
0x61: {  	_ =	shalt  }
0x62: {  	_ =	shalt  }
0x63: {  	_ =	shalt  }
0x64: {  	_ =	shalt  }
0x65: {  	_ =	shalt  }
0x66: {  	_ =	shalt  }
0x67: {  	_ =	shalt  }
0x68: {  	_ =	shalt  }
0x69: {  	_ =	shalt  }
0x6a: {  	_ =	shalt  }
0x6b: {  	_ =	shalt  }
0x6c: {  	_ =	shalt  }
0x6d: {  	_ =	shalt  }
0x6e: {  	_ =	shalt  }
0x6f: {  	_ =	shalt  }
0x70: {  	_ =	shalt  }
0x71: {  	_ =	shalt  }
0x72: {  	_ =	shalt  }
0x73: {  	_ =	shalt  }
0x74: {  	_ =	shalt  }
0x75: {  	_ =	shalt  }
0x76: {  	_ =	shalt  }
0x77: {  	_ =	shalt  }
0x78: {  	_ =	shalt  }
0x79: {  	_ =	shalt  }
0x7a: {  	_ =	shalt  }
0x7b: {  	_ =	shalt  }
0x7c: {  	_ =	shalt  }
0x7d: {  	_ =	shalt  }
0x7e: {  	_ =	shalt  }
0x7f: {  	_ =	shalt  }
0x80: {  	_ =	shalt  }
0x81: {  	_ =	shalt  }
0x82: {  	_ =	shalt  }
0x83: {  	_ =	shalt  }
0x84: {  	_ =	shalt  }
0x85: {  	_ =	shalt  }
0x86: {  	_ =	shalt  }
0x87: {  	_ =	shalt  }
.Lfunc_end0:
.L_simem_size_0:
called_computation_lowered:
.L_overlay_start_0:
0x88: {  	s2 =	sld [smem:$0x3FD9]  }
0x89: {  	s3 =	sld [smem:$0x3FFE];
	_ =	sdelay $0x1  }
0x8a: {  	s1 =	srdreg.scid  }
0x8b: {  	s0 =	sand.u32 $0x1, s1  }
0x8c: {  	s17 =	sshll.u32 s0, $0xA;
	s2 =	sadd.s32 s3, s2  }
0x8d: {  	s2 =	sadd.s32 s2, s17  }
0x8e: {  	[smem:$0x3FC3] =	sst s2  }
0x8f: {  	_ = 	snop  }
0x90: {  	s2 =	sld [smem:$0x3FD0];
	(tm) =	ssettm $0x1  }
0x91: {  	s18 =	sld [smem:$0x3FFB];
	_ =	sdelay $0x3  }
0x92: {  	_ =	strace s18  }
0x93: {  	s3 =	sld [smem:$0x3FFC];
	_ =	sdelay $0x3  }
0x94: {  	_ =	strace s3  }
0x95: {  	s3 =	sld [smem:$0x3FFD];
	_ =	sdelay $0x3  }
0x96: {  	_ =	strace s3  }
0x97: {  	_ =	strace $0x8FFFFFFF  }
0x98: {  	s19 =	sld [smem:$0x3FDB];
	_ =	sdelay $0x1  }
0x99: {  	s4 =	simm.s32 $_scs_section_size  }
0x9a: {  	s5 =	simm.s32 $_size__tile_overlayer_lowered;
	s6 =	simm.s32 $_tile_overlayer_lowered  }
0x9b: {  	s22 =	simm.s32 $0x1BFF;
	s21 =	sshll.u32 s6, $0x1;
	s3 =	sadd.s32 s4, s19  }
0x9c: {  	s7 =	simm.s32 $0x0;
	s20 =	sshll.u32 s5, $0x1;
	s5 =	sadd.s32 s21, s3  }
0x9d: {  	[timem:s7], [sflag:s22] =	dma.local [hbm:s5], s20  }
0x9e: {  	_ =	swait.ge [sflag:s22], s20  }
0x9f: {  	s4 =	ssub.s32 $0x0, s20;
	[sflag:s22] =	ssyncset.done $0x0  }
0xa0: {  	[sflag:s22] =	ssyncadd.s32 s4;
	_ =	sdelay $0x1  }
0xa1: {  	s23 =	simm.s32 $0x1B8B  }
0xa2: {  	_ =	swait.ge [sflag:s23], $0x1  }
0xa3: {  	[sflag:s23] =	ssyncset.done $0x0  }
0xa4: {  	s25 =	simm.s32 $0x1B8E;
	s24 =	sld [smem:$0x3FFE];
	[sflag:s23] =	ssyncadd.s32 $0xFFFFFFFF  }
0xa5: {  	s26 =	simm.s32 $execute0_lowered;
	[smem:$0x3FD2] =	sst s25  }
0xa6: {  	s5 =	sshll.u32 s26, $0x1;
	_ =	strace $0x80000046;
	[dreg:$0x1] =	wrdreg $0xFFFFFFFF  }
0xa7: {  	s28 =	simm.s32 $_size_execute0_lowered;
	s3 =	sadd.s32 s3, s5;
	[dreg:$0x0] =	wrdreg $0x0  }
0xa8: {  	s5 =	sshll.u32 s28, $0x1;
	[dreg:$0x2] =	wrdreg s3  }
0xa9: {  	[dreg:$0x3] =	wrdreg s5  }
0xaa: {  	[dreg:$0x4] =	wrdreg $0xC0  }
0xab: {  	_ =	task [dreg:s7], $0x5FFFF  }
0xac: {  	[dreg:$0x1] =	wrdreg $0xFFFFFFFF  }
0xad: {  	[dreg:$0x0] =	wrdreg $0x60  }
0xae: {  	[dreg:$0x2] =	wrdreg s24  }
0xaf: {  	[dreg:$0x3] =	wrdreg s2  }
0xb0: {  	[dreg:$0x4] =	wrdreg $0x99200  }
0xb1: {  	[dreg:$0x5] =	wrdreg $0x9  }
0xb2: {  	_ =	task.clear_ibuf [dreg:s7], $0x6FFFF;
	_ =	strace $0x90000046  }
0xb3: {  	s29 =	simm.s32 $0x9;
	_ =	strace $0x80000048  }
0xb4: {  	_ =	swait.ge [sflag:s29], $0x1  }
0xb5: {  	[sflag:s29] =	ssyncadd.s32 $0xFFFFFFFF  }
0xb6: {  	_ =	strace $0x90000048  }
0xb7: {  	_ =	sfence  }
0xb8: {  	s30 =	sld [smem:$0x0];
	_ =	sdelay $0x2  }
0xb9: {  	s31 =	sshll.u32 s1, $0xD;
	s1 =	sshrl.u32 s1, $0x2  }
0xba: {  	s3 =	sand.u32 $0x4000, s31;
	s1 =	sadd.s32 s1, s30  }
0xbb: {  	s0 =	sor.u32 s3, s0;
	s1 =	sshll.u32 s1, $0x11  }
0xbc: {  	s0 =	sor.u32 s1, s0  }
0xbd: {  	s0 =	sadd.s32 $0x8F2B, s0  }
0xbe: {  	[sflag:s0] =	ssyncadd.remote.s32 $0x1  }
0xbf: {  	_ =	sfence.sel $0xFFFF  }
0xc0: {  	[dreg:$0x0] =	wrdreg $0xFFFFFFFF;
	(pc) =	sbr.abs _section_cstart, $3  }
0xc1: {  	[dreg:$0x1] =	wrdreg $0xFFFFFFFF  }
0xc2: {  	_ =	task.clear_ibuf [dreg:s7], $0x2FFFF;
	_ =	strace $0x9FFFFFFF  }
0xc3: {  	(tm) =	ssettm $0x7FFFFFFF  }
tec
execute0_lowered:
.L_overlay_start_1:
0x0: {  	(tag) =	ssettag $0x1  }
0x1: {  	v0 =	vlaneseq.u32  }
0x2: {  	s0 =	rddreg [dreg:$0x0];
	v2 =	vmul.u32 $0x90, v0  }
0x3: {  	s16 =	rddreg [dreg:$0x1];
	s1 =	simm.s32 $0x0  }
0x4: {  	[smem:$0x7FF] =	sst s1;
	v4 =	vmul.u32 $0x10, v0;
	v5 =	vmul.u32 $0x4, v0;
	v0 =	vadd.s32 $0x80, v2  }
0x5: {  	s2 =	rddreg [dreg:$0x2];
	_ =	strace $0x80000047;
	[tilespmem:$0x1FD20] =	vst v0;
	v0 =	vadd.s32 $0x81, v2  }
0x6: {  	[tilespmem:$0x1FD30] =	vst v0;
	v0 =	vor.u32 $0x1, v4  }
0x7: {  	[tilespmem:$0x1FD40] =	vst v0;
	v0 =	vor.u32 $0x1, v5  }
0x8: {  	[tilespmem:$0x1FD50] =	vst v0;
	v0 =	vadd.s32 $0x82, v2  }
0x9: {  	[tilespmem:$0x1FD60] =	vst v0;
	v0 =	vor.u32 $0x2, v4  }
0xa: {  	[tilespmem:$0x1FD70] =	vst v0;
	v0 =	vor.u32 $0x2, v5  }
0xb: {  	[tilespmem:$0x1FD80] =	vst v0;
	v0 =	vadd.s32 $0x83, v2  }
0xc: {  	[tilespmem:$0x1FD90] =	vst v0;
	v0 =	vor.u32 $0x3, v4  }
0xd: {  	[tilespmem:$0x1FDA0] =	vst v0;
	v0 =	vor.u32 $0x3, v5  }
0xe: {  	[tilespmem:$0x1FDB0] =	vst v0;
	v0 =	vadd.s32 $0x980, v2  }
0xf: {  	[tilespmem:$0x1FDC0] =	vst v0;
	v0 =	vor.u32 $0x100, v4  }
0x10: {  	[tilespmem:$0x1FDD0] =	vst v0;
	v0 =	vor.u32 $0x40, v5  }
0x11: {  	[tilespmem:$0x1FDE0] =	vst v0;
	v0 =	vadd.s32 $0x981, v2  }
0x12: {  	[tilespmem:$0x1FDF0] =	vst v0;
	v0 =	vor.u32 $0x101, v4  }
0x13: {  	[tilespmem:$0x1FE00] =	vst v0;
	v0 =	vor.u32 $0x41, v5  }
0x14: {  	[tilespmem:$0x1FE10] =	vst v0;
	v0 =	vadd.s32 $0x982, v2  }
0x15: {  	[tilespmem:$0x1FE20] =	vst v0;
	v0 =	vor.u32 $0x42, v5  }
0x16: {  	s20 =	srdreg.scid;
	s8 =	stileid.u32;
	[tilespmem:$0x1FE30] =	vst v0;
	v0 =	vadd.s32 $0x983, v2  }
0x17: {  	s28 =	simm.s32 $0xA0;
	s29 =	simm.s32 $0xD;
	s30 =	simm.s32 $0x50;
	[tilespmem:$0x1FE40] =	vst v0;
	v0 =	vor.u32 $0x103, v4  }
0x18: {  	s3 =	sand.u32 $0x1, s20;
	s5 =	sadd.s32 $0xE00, s0;
	s6 =	sadd.s32 $0x2CE00, s0;
	[tilespmem:$0x1FE50] =	vst v0;
	v0 =	vor.u32 $0x43, v5  }
0x19: {  	s9 =	smul.u32 $0x16380, s8;
	s21 =	sadd.s32 $0x31E00, s0;
	s4 =	ssub.s32 $0x2, s3;
	[tilespmem:$0x1FE60] =	vst v0;
	v0 =	vadd.s32 $0x1280, v2  }
0x1a: {  	s22 =	sshll.u32 s8, $0x1;
	s11 =	smul.u32 $0x163800, s3;
	s7 =	sshrl.u32 s4, $0x1;
	[tilespmem:$0x1FE70] =	vst v0;
	v0 =	vor.u32 $0x200, v4  }
0x1b: {  	s19 =	sadd.s32 s9, s2;
	s10 =	sadd.s32 $0x2D00, s9;
	s23 =	sadd.s32 $0x5A00, s9;
	[tilespmem:$0x1FE80] =	vst v0;
	v0 =	vor.u32 $0x80, v5  }
0x1c: {  	s12 =	sadd.s32 $0x8700, s9;
	s13 =	sadd.s32 $0xB400, s9;
	s8 =	sadd.s32 $0xE100, s9;
	[tilespmem:$0x1FE90] =	vst v0;
	v0 =	vadd.s32 $0x1281, v2  }
0x1d: {  	s0 =	ssub.s32 s4, s7;
	s7 =	sor.u32 s3, s22;
	s20 =	sadd.s32 s10, s2;
	[tilespmem:$0x1FEA0] =	vst v0;
	v0 =	vor.u32 $0x201, v4  }
0x1e: {  	s3 =	sadd.s32 $0x10E00, s9;
	s14 =	sadd.s32 s9, s11;
	s10 =	sadd.s32 s11, s10;
	[tilespmem:$0x1FEB0] =	vst v0;
	v0 =	vor.u32 $0x81, v5  }
0x1f: {  	s9 =	sadd.s32 $0x13B00, s9;
	s24 =	sadd.s32 s11, s23;
	s25 =	sadd.s32 s11, s12;
	[tilespmem:$0x1FEC0] =	vst v0;
	v0 =	vadd.s32 $0x1282, v2  }
0x20: {  	s15 =	sadd.s32 s11, s13;
	s4 =	sadd.s32 s23, s2;
	s22 =	sadd.s32 s12, s2;
	[tilespmem:$0x1FED0] =	vst v0;
	v0 =	vor.u32 $0x202, v4  }
0x21: {  	s23 =	sadd.s32 s13, s2;
	s12 =	simm.s32 $0x3340;
	[dreg:$0x4] =	wrdreg s19;
	[tilespmem:$0x1FEE0] =	vst v0;
	v0 =	vor.u32 $0x82, v5  }
0x22: {  	s14 =	sshrl.u32 s14, $0x3;
	s10 =	sshrl.u32 s10, $0x3;
	[dreg:$0xe] =	wrdreg s4;
	[tilespmem:$0x1FEF0] =	vst v0;
	v0 =	vadd.s32 $0x1283, v2  }
0x23: {  	s26 =	sshrl.u32 s25, $0x3;
	s31 =	sshrl.u32 s15, $0x3;
	[dreg:$0xf] =	wrdreg s22;
	[tilespmem:$0x1FF00] =	vst v0;
	v0 =	vor.u32 $0x203, v4  }
0x24: {  	s15 =	sadd.s32 s11, s8;
	s17 =	sadd.s32 s11, s3;
	[dreg:$0x10] =	wrdreg s23;
	[tilespmem:$0x1FF10] =	vst v0;
	v0 =	vor.u32 $0x83, v5  }
0x25: {  	s11 =	sadd.s32 s11, s9;
	s3 =	sadd.s32 s3, s2;
	[dreg:$0x5] =	wrdreg s20;
	[tilespmem:$0x1FF20] =	vst v0;
	v0 =	vadd.s32 $0x1B80, v2  }
0x26: {  	s25 =	smul.u32 $0xA, s7;
	s0 =	smax.u32 s0, $0x1;
	[dreg:$0x12] =	wrdreg s3;
	[tilespmem:$0x1FF30] =	vst v0;
	v0 =	vor.u32 $0x300, v4  }
0x27: {  	s4 =	simm.s32 $0x2DA0;
	s14 =	sadd.s32 s21, s14;
	[dreg:$0x16] =	wrdreg s0;
	[tilespmem:$0x1FF40] =	vst v0;
	v0 =	vor.u32 $0xC0, v5  }
0x28: {  	s22 =	simm.s32 $0x7;
	s10 =	sadd.s32 s21, s10;
	[dreg:$0x6] =	wrdreg s14;
	[tilespmem:$0x1FF50] =	vst v0;
	v0 =	vadd.s32 $0x1B81, v2  }
0x29: {  	s11 =	sshrl.u32 s11, $0x3;
	[dreg:$0x7] =	wrdreg s10;
	s14 =	sadd.s32 s21, s31;
	[tilespmem:$0x1FF60] =	vst v0;
	v0 =	vor.u32 $0x301, v4  }
0x2a: {  	s23 =	simm.s32 $0x2;
	s1 =	sadd.s32 s21, s11;
	[dreg:$0xa] =	wrdreg s14;
	[tilespmem:$0x1FF70] =	vst v0;
	v0 =	vor.u32 $0xC1, v5  }
0x2b: {  	s10 =	sshrl.u32 s24, $0x3;
	s24 =	sadd.s32 s8, s2;
	[dreg:$0xd] =	wrdreg s1;
	[tilespmem:$0x1FF80] =	vst v0;
	v0 =	vadd.s32 $0x1B82, v2  }
0x2c: {  	s18 =	sshrl.u32 s17, $0x3;
	s10 =	sadd.s32 s21, s10;
	[dreg:$0x11] =	wrdreg s24;
	[tilespmem:$0x1FF90] =	vst v0;
	v0 =	vor.u32 $0x302, v4  }
0x2d: {  	v1 =	vimm.f32 $0.0e+00;
	s17 =	simm.s32 $0x65E0;
	[dreg:$0x8] =	wrdreg s10;
	s10 =	sadd.s32 s21, s26;
	[tilespmem:$0x1FFA0] =	vst v0;
	v0 =	vor.u32 $0xC2, v5  }
0x2e: {  	v3 =	vimm.s32 $0x7060504;
	vm1 =	vcmask $0xF00;
	s31 =	sadd.s32 s16, s25;
	[dreg:$0x9] =	wrdreg s10;
	s10 =	sshrl.u32 s15, $0x3;
	[tilespmem:$0x1FFB0] =	vst v0;
	v0 =	vadd.s32 $0x1B83, v2  }
0x2f: {  	vm0 =	vmmov $0xf;
	v49 =	vor.u32 $0x400, v4;
	s25 =	simm.s32 $0x97E0;
	[dreg:$0x14] =	wrdreg s31;
	s10 =	sadd.s32 s21, s10;
	[tilespmem:$0x1FFC0] =	vst v0;
	v0 =	vor.u32 $0x303, v4  }
0x30: {  	v50 =	vadd.s32 $0x2481, v2;
	v51 =	vor.u32 $0x401, v4;
	[dreg:$0xb] =	wrdreg s10;
	s10 =	sadd.s32 s21, s18;
	s21 =	smul.u32 $0x50, s7;
	[tilespmem:$0x1FFD0] =	vst v0;
	v0 =	vor.u32 $0xC3, v5  }
.Ltmp0:
0x31: {  	v52 =	vor.u32 $0x101, v5;
	v53 =	vadd.s32 $0x2482, v2;
	s14 =	simm.s32 $0x6040;
	s26 =	sadd.s32 s9, s2;
	[tilespmem:$0x1FFE0] =	vst v0;
	v0 =	vadd.s32 $0x2480, v2;
	(pc) =	sbr.rel .LBB2_1-.Ltmp0, $4  }
0x32: {  	v54 =	vor.u32 $0x100, v5;
	v55 =	vor.u32 $0x402, v4;
	s24 =	simm.s32 $0x92E0;
	[dreg:$0x13] =	wrdreg s26;
	s1 =	sshrl.u32 s21, $0x3;
	[tilespmem:$0x1FFF0] =	vst v0;
	v0 =	vimm.s32 $0x3020100  }
0x33: {  	v58 =	vadd.s32 $0x2483, v2;
	s15 =	simm.s32 $0xA;
	s18 =	simm.s32 $0x3;
	s1 =	sadd.s32 s16, s1;
	v2 =	vunpack.c.0.s8.s32 v3;
	v0 =	vunpack.c.0.s8.s32 v0  }
0x34: {  	v56 =	vor.u32 $0x102, v4;
	v57 =	vor.u32 $0x102, v5;
	v59 =	vor.u32 $0x403, v4;
	[dreg:$0xc] =	wrdreg s10;
	s21 =	simm.s32 $0x6;
	s1 =	sadd.s32 $0x140, s1  }
0x35: {  	v47 =	vmovc v4;
	v48 =	vmovc v5;
	v60 =	vor.u32 $0x103, v5;
	s16 =	simm.s32 $0xB;
	[dreg:$0x15] =	wrdreg s1;
	s1 =	simm.s32 $0x0;
	v62 =	vnsel vm1, $0x7, v2;
	v61 =	vnsel vm1, $0x3, v0  }
.LBB2_29:
0x36: {  	s0 =	simm.s32 $0x4  }
0x37: {  	_ =	swait.ge [sflag:s0], $0x2D00  }
0x38: {  	[sflag:s0] =	ssyncset.done $0x0  }
0x39: {  	s1 =	simm.s32 $0x8;
	[sflag:s0] =	ssyncadd.s32 $0xFFFFD300  }
0x3a: {  	_ =	swait.ge [sflag:s1], $0x2D00  }
0x3b: {  	[sflag:s1] =	ssyncset.done $0x0  }
0x3c: {  	s3 =	simm.s32 $0xC;
	[sflag:s1] =	ssyncadd.s32 $0xFFFFD300  }
0x3d: {  	_ =	swait.ge [sflag:s3], $0x2D00  }
0x3e: {  	[sflag:s3] =	ssyncset.done $0x0  }
0x3f: {  	[sflag:s3] =	ssyncadd.s32 $0xFFFFD300  }
0x40: {  	[bflag:$0x0] =	sbarrier.arrive $0xFFFF  }
0x41: {  	s19 =	rddreg [dreg:$0x4]  }
0x42: {  	[tilespmem:s28], [sflag:$0xD] =	stream.linear.gather [spmem:s19], $0x2D00, $0x38;
	[tilespmem:$0x1FCA0] =	vst v63  }
0x43: {  	_ =	swait.ge [sflag:s29], $0x2D00  }
0x44: {  	[sflag:s29] =	ssyncset.done $0x0  }
0x45: {  	s0 =	simm.s32 $0x0;
	s1 =	rddreg [dreg:$0x6];
	[sflag:s29] =	ssyncadd.s32 $0xFFFFD300  }
0x46: {  	[hbm4b:s1+s0] =	stream.linear.scatter [tilespmem:s28], [sflag:$0xD], $0x2D00, $0x38;
	[tilespmem:$0x1FCA0] =	vst v63  }
0x47: {  	_ =	swait.ge [sflag:s29], $0x2D00  }
0x48: {  	[sflag:s29] =	ssyncset.done $0x0  }
0x49: {  	s20 =	rddreg [dreg:$0x5];
	[sflag:s29] =	ssyncadd.s32 $0xFFFFD300  }
0x4a: {  	[tilespmem:s28], [sflag:$0xD] =	stream.linear.gather [spmem:s20], $0x2D00, $0x38;
	[tilespmem:$0x1FCA0] =	vst v63  }
0x4b: {  	_ =	swait.ge [sflag:s29], $0x2D00  }
0x4c: {  	[sflag:s29] =	ssyncset.done $0x0  }
0x4d: {  	s8 =	rddreg [dreg:$0x7];
	[sflag:s29] =	ssyncadd.s32 $0xFFFFD300  }
0x4e: {  	[hbm4b:s8+s0] =	stream.linear.scatter [tilespmem:s28], [sflag:$0xD], $0x2D00, $0x38;
	[tilespmem:$0x1FCA0] =	vst v63  }
0x4f: {  	_ =	swait.ge [sflag:s29], $0x2D00  }
0x50: {  	[sflag:s29] =	ssyncset.done $0x0  }
0x51: {  	s9 =	rddreg [dreg:$0xe];
	[sflag:s29] =	ssyncadd.s32 $0xFFFFD300  }
0x52: {  	[tilespmem:s28], [sflag:$0xD] =	stream.linear.gather [spmem:s9], $0x2D00, $0x38;
	[tilespmem:$0x1FCA0] =	vst v63  }
0x53: {  	_ =	swait.ge [sflag:s29], $0x2D00  }
0x54: {  	[sflag:s29] =	ssyncset.done $0x0  }
0x55: {  	s10 =	rddreg [dreg:$0x8];
	[sflag:s29] =	ssyncadd.s32 $0xFFFFD300  }
0x56: {  	[hbm4b:s10+s0] =	stream.linear.scatter [tilespmem:s28], [sflag:$0xD], $0x2D00, $0x38;
	[tilespmem:$0x1FCA0] =	vst v63  }
0x57: {  	_ =	swait.ge [sflag:s29], $0x2D00  }
0x58: {  	[sflag:s29] =	ssyncset.done $0x0  }
0x59: {  	s11 =	rddreg [dreg:$0xf];
	[sflag:s29] =	ssyncadd.s32 $0xFFFFD300  }
0x5a: {  	[tilespmem:s28], [sflag:$0xD] =	stream.linear.gather [spmem:s11], $0x2D00, $0x38;
	[tilespmem:$0x1FCA0] =	vst v63  }
0x5b: {  	_ =	swait.ge [sflag:s29], $0x2D00  }
0x5c: {  	[sflag:s29] =	ssyncset.done $0x0  }
0x5d: {  	s13 =	rddreg [dreg:$0x9];
	[sflag:s29] =	ssyncadd.s32 $0xFFFFD300  }
0x5e: {  	[hbm4b:s13+s0] =	stream.linear.scatter [tilespmem:s28], [sflag:$0xD], $0x2D00, $0x38;
	[tilespmem:$0x1FCA0] =	vst v63  }
0x5f: {  	_ =	swait.ge [sflag:s29], $0x2D00  }
0x60: {  	[sflag:s29] =	ssyncset.done $0x0  }
0x61: {  	s26 =	rddreg [dreg:$0x10];
	[sflag:s29] =	ssyncadd.s32 $0xFFFFD300  }
0x62: {  	[tilespmem:s28], [sflag:$0xD] =	stream.linear.gather [spmem:s26], $0x2D00, $0x38;
	[tilespmem:$0x1FCA0] =	vst v63  }
0x63: {  	_ =	swait.ge [sflag:s29], $0x2D00  }
0x64: {  	[sflag:s29] =	ssyncset.done $0x0  }
0x65: {  	s31 =	rddreg [dreg:$0xa];
	[sflag:s29] =	ssyncadd.s32 $0xFFFFD300  }
0x66: {  	[hbm4b:s31+s0] =	stream.linear.scatter [tilespmem:s28], [sflag:$0xD], $0x2D00, $0x38;
	[tilespmem:$0x1FCA0] =	vst v63  }
0x67: {  	_ =	swait.ge [sflag:s29], $0x2D00  }
0x68: {  	[sflag:s29] =	ssyncset.done $0x0  }
0x69: {  	s3 =	rddreg [dreg:$0x11];
	[sflag:s29] =	ssyncadd.s32 $0xFFFFD300  }
0x6a: {  	[tilespmem:s28], [sflag:$0xD] =	stream.linear.gather [spmem:s3], $0x2D00, $0x38;
	[tilespmem:$0x1FCA0] =	vst v63  }
0x6b: {  	_ =	swait.ge [sflag:s29], $0x2D00  }
0x6c: {  	[sflag:s29] =	ssyncset.done $0x0  }
0x6d: {  	s8 =	rddreg [dreg:$0xb];
	[sflag:s29] =	ssyncadd.s32 $0xFFFFD300  }
0x6e: {  	[hbm4b:s8+s0] =	stream.linear.scatter [tilespmem:s28], [sflag:$0xD], $0x2D00, $0x38;
	[tilespmem:$0x1FCA0] =	vst v63  }
0x6f: {  	_ =	swait.ge [sflag:s29], $0x2D00  }
0x70: {  	[sflag:s29] =	ssyncset.done $0x0  }
0x71: {  	s9 =	rddreg [dreg:$0x12];
	[sflag:s29] =	ssyncadd.s32 $0xFFFFD300  }
0x72: {  	[tilespmem:s28], [sflag:$0xD] =	stream.linear.gather [spmem:s9], $0x2D00, $0x38;
	[tilespmem:$0x1FCA0] =	vst v63  }
0x73: {  	_ =	swait.ge [sflag:s29], $0x2D00  }
0x74: {  	[sflag:s29] =	ssyncset.done $0x0  }
0x75: {  	s10 =	rddreg [dreg:$0xc];
	[sflag:s29] =	ssyncadd.s32 $0xFFFFD300  }
0x76: {  	[hbm4b:s10+s0] =	stream.linear.scatter [tilespmem:s28], [sflag:$0xD], $0x2D00, $0x38;
	[tilespmem:$0x1FCA0] =	vst v63  }
0x77: {  	_ =	swait.ge [sflag:s29], $0x2D00  }
0x78: {  	[sflag:s29] =	ssyncset.done $0x0  }
0x79: {  	s11 =	rddreg [dreg:$0x13];
	[sflag:s29] =	ssyncadd.s32 $0xFFFFD300  }
0x7a: {  	[tilespmem:s28], [sflag:$0xD] =	stream.linear.gather [spmem:s11], $0x2880, $0x38;
	[tilespmem:$0x1FCA0] =	vst v63  }
0x7b: {  	_ =	swait.ge [sflag:s29], $0x2880  }
0x7c: {  	[sflag:s29] =	ssyncset.done $0x0  }
0x7d: {  	s13 =	rddreg [dreg:$0xd];
	[sflag:s29] =	ssyncadd.s32 $0xFFFFD780  }
0x7e: {  	[hbm4b:s13+s0] =	stream.linear.scatter [tilespmem:s28], [sflag:$0xD], $0x2880, $0x38;
	[tilespmem:$0x1FCA0] =	vst v63  }
0x7f: {  	_ =	swait.ge [sflag:s29], $0x2880  }
0x80: {  	s26 =	rddreg [dreg:$0x17]  }
0x81: {  	s31 =	rddreg [dreg:$0x16];
	s1 =	sadd.s32 $0x1, s26  }
0x82: {  	p0 =	sne.s32 s1, s31  }
.Ltmp1:
0x83: {  	_ = 	snop;
	(pc) =	sbr.rel @!p0 .LBB2_30-.Ltmp1, $3  }
0x84: {  	_ =	sdelay $0x1  }
0x85: {  	[sflag:s29] =	ssyncset.done $0x0  }
0x86: {  	[sflag:s29] =	ssyncadd.s32 $0xFFFFD780  }
.LBB2_1:
0x87: {  	[dreg:$0x17] =	wrdreg s1;
	s1 =	simm.s32 $0x0;
	s3 =	simm.s32 $0x240  }
.LBB2_2:
0x88: {  	p0 =	sne.s32 s3, $0xB1C0;
	[tilespmem:s1+$0x120] =	vst v1  }
0x89: {  	[tilespmem:s1+$0xA0] =	vst v1  }
0x8a: {  	[tilespmem:s1+$0xB0] =	vst v1  }
0x8b: {  	[tilespmem:s1+$0xC0] =	vst v1  }
.Ltmp2:
0x8c: {  	[tilespmem:s1+$0xD0] =	vst v1;
	(pc) =	sbr.rel @p0 .LBB2_2-.Ltmp2, $4  }
0x8d: {  	[tilespmem:s1+$0xE0] =	vst v1  }
0x8e: {  	[tilespmem:s1+$0xF0] =	vst v1  }
0x8f: {  	[tilespmem:s1+$0x100] =	vst v1  }
0x90: {  	[tilespmem:s1+$0x110] =	vst v1;
	s1 =	sshra.s32 s3, $0x2;
	s3 =	sadd.s32 $0x240, s3  }
0x91: {  	[tilespmem:s1+$0x120] =	vst v1  }
0x92: {  	[tilespmem:s1+$0xA0] =	vst v1  }
0x93: {  	[tilespmem:s1+$0xB0] =	vst v1  }
0x94: {  	[tilespmem:s1+$0xC0] =	vst v1  }
0x95: {  	[tilespmem:s1+$0xD0] =	vst v1  }
0x96: {  	[tilespmem:s1+$0xE0] =	vst v1  }
0x97: {  	[tilespmem:s1+$0xF0] =	vst v1  }
0x98: {  	[tilespmem:s1+$0x100] =	vst v1  }
0x99: {  	[tilespmem:s1+$0x110] =	vst v1  }
0x9a: {  	[spmem:s19] =	stream.linear.scatter [tilespmem:s28], [sflag:$0xD], $0x2D00, $0x38;
	[tilespmem:$0x1FCA0] =	vst v63  }
0x9b: {  	_ =	swait.ge [sflag:s29], $0x2D00  }
0x9c: {  	[sflag:s29] =	ssyncset.done $0x0  }
0x9d: {  	[sflag:s29] =	ssyncadd.s32 $0xFFFFD300  }
0x9e: {  	[spmem:s20] =	stream.linear.scatter [tilespmem:s28], [sflag:$0xD], $0x2D00, $0x38;
	[tilespmem:$0x1FCA0] =	vst v63  }
0x9f: {  	_ =	swait.ge [sflag:s29], $0x2D00  }
0xa0: {  	[sflag:s29] =	ssyncset.done $0x0  }
0xa1: {  	s0 =	rddreg [dreg:$0xe];
	[sflag:s29] =	ssyncadd.s32 $0xFFFFD300  }
0xa2: {  	[spmem:s0] =	stream.linear.scatter [tilespmem:s28], [sflag:$0xD], $0x2D00, $0x38;
	[tilespmem:$0x1FCA0] =	vst v63  }
0xa3: {  	_ =	swait.ge [sflag:s29], $0x2D00  }
0xa4: {  	[sflag:s29] =	ssyncset.done $0x0  }
0xa5: {  	s31 =	rddreg [dreg:$0xf];
	[sflag:s29] =	ssyncadd.s32 $0xFFFFD300  }
0xa6: {  	[spmem:s31] =	stream.linear.scatter [tilespmem:s28], [sflag:$0xD], $0x2D00, $0x38;
	[tilespmem:$0x1FCA0] =	vst v63  }
0xa7: {  	_ =	swait.ge [sflag:s29], $0x2D00  }
0xa8: {  	[sflag:s29] =	ssyncset.done $0x0  }
0xa9: {  	s1 =	rddreg [dreg:$0x10];
	[sflag:s29] =	ssyncadd.s32 $0xFFFFD300  }
0xaa: {  	[spmem:s1] =	stream.linear.scatter [tilespmem:s28], [sflag:$0xD], $0x2D00, $0x38;
	[tilespmem:$0x1FCA0] =	vst v63  }
0xab: {  	_ =	swait.ge [sflag:s29], $0x2D00  }
0xac: {  	[sflag:s29] =	ssyncset.done $0x0  }
0xad: {  	s3 =	rddreg [dreg:$0x11];
	[sflag:s29] =	ssyncadd.s32 $0xFFFFD300  }
0xae: {  	[spmem:s3] =	stream.linear.scatter [tilespmem:s28], [sflag:$0xD], $0x2D00, $0x38;
	[tilespmem:$0x1FCA0] =	vst v63  }
0xaf: {  	_ =	swait.ge [sflag:s29], $0x2D00  }
0xb0: {  	[sflag:s29] =	ssyncset.done $0x0  }
0xb1: {  	s8 =	rddreg [dreg:$0x12];
	[sflag:s29] =	ssyncadd.s32 $0xFFFFD300  }
0xb2: {  	[spmem:s8] =	stream.linear.scatter [tilespmem:s28], [sflag:$0xD], $0x2D00, $0x38;
	[tilespmem:$0x1FCA0] =	vst v63  }
0xb3: {  	_ =	swait.ge [sflag:s29], $0x2D00  }
0xb4: {  	[sflag:s29] =	ssyncset.done $0x0  }
0xb5: {  	s9 =	rddreg [dreg:$0x13];
	[sflag:s29] =	ssyncadd.s32 $0xFFFFD300  }
0xb6: {  	[spmem:s9] =	stream.linear.scatter [tilespmem:s28], [sflag:$0xD], $0x2880, $0x38;
	[tilespmem:$0x1FCA0] =	vst v63  }
0xb7: {  	_ =	swait.ge [sflag:s29], $0x2880  }
0xb8: {  	[sflag:s29] =	ssyncset.done $0x0  }
0xb9: {  	[sflag:s29] =	ssyncadd.s32 $0xFFFFD780  }
0xba: {  	s11 =	simm.s32 $0x4E200;
	[bflag:$0x0] =	sbarrier.arrive $0xFFFF  }
0xbb: {  	s13 =	simm.s32 $0x1;
	s20 =	simm.s32 $0x0;
	s10 =	rddreg [dreg:$0x14]  }
0xbc: {  	[tilespmem:s20], [sflag:$0x1] =	stream.strided.gather [hbm4b:s10+s30], $0xA0, s11, s30, $0x38;
	[tilespmem:$0x1FCA0] =	vst v63  }
0xbd: {  	_ =	swait.ge [sflag:s13], $0xA0  }
0xbe: {  	[sflag:s13] =	ssyncset.done $0x0  }
0xbf: {  	[sflag:s13] =	ssyncadd.s32 $0xFFFFFF60  }
0xc0: {  	[tilespmem:s28], [sflag:$0x2] =	stream.indirect.gather [hbm4b:s5+s30], $0x90, s20, s30, $0xb8;
	[tilespmem:$0x1FCA0] =	vst v63  }
0xc1: {  	_ = 	snop  }
0xc2: {  	[tilespmem:s4], [sflag:$0x3] =	stream.indirect.gather [hbm4b:s6+s30], $0x10, s30, s30, $0xb8;
	[tilespmem:$0x1FCA0] =	vst v63  }
0xc3: {  	s26 =	simm.s32 $0x5;
	s3 =	simm.s32 $0x32A0;
	s19 =	rddreg [dreg:$0x15]  }
0xc4: {  	[tilespmem:s3], [sflag:$0x5] =	stream.strided.gather [hbm4b:s19+s30], $0xA0, s11, s30, $0x38;
	[tilespmem:$0x1FCA0] =	vst v63  }
0xc5: {  	_ =	swait.ge [sflag:s26], $0xA0  }
.Ltmp3:
0xc6: {  	[sflag:s26] =	ssyncset.done $0x0;
	(pc) =	sbr.rel .LBB2_4-.Ltmp3, $4  }
0xc7: {  	[sflag:s26] =	ssyncadd.s32 $0xFFFFFF60  }
0xc8: {  	[tilespmem:s12], [sflag:$0x6] =	stream.indirect.gather [hbm4b:s5+s30], $0x90, s3, s30, $0xb8;
	[tilespmem:$0x1FCA0] =	vst v63  }
0xc9: {  	s31 =	simm.s32 $0x32F0  }
0xca: {  	[tilespmem:s14], [sflag:$0x7] =	stream.indirect.gather [hbm4b:s6+s30], $0x10, s31, s30, $0xb8;
	[tilespmem:$0x1FCA0] =	vst v63  }
.LBB2_19:
0xcb: {  	s0 =	simm.s32 $0xC  }
0xcc: {  	_ =	swait.ge [sflag:s0], $0x2D00  }
0xcd: {  	s19 =	simm.s32 $0x4E200;
	[sflag:s0] =	ssyncset.done $0x0  }
0xce: {  	s3 =	simm.s32 $0x6540;
	s26 =	simm.s32 $0x9;
	[sflag:s0] =	ssyncadd.s32 $0xFFFFD300  }
0xcf: {  	[tilespmem:s3], [sflag:$0x9] =	stream.strided.gather [hbm4b:s1+s30], $0xA0, s19, s30, $0x38;
	[tilespmem:$0x1FCA0] =	vst v63  }
0xd0: {  	_ =	swait.ge [sflag:s26], $0xA0  }
0xd1: {  	[sflag:s26] =	ssyncset.done $0x0  }
0xd2: {  	[sflag:s26] =	ssyncadd.s32 $0xFFFFFF60  }
0xd3: {  	[tilespmem:s17], [sflag:$0xA] =	stream.indirect.gather [hbm4b:s5+s30], $0x90, s3, s30, $0xb8;
	[tilespmem:$0x1FCA0] =	vst v63  }
0xd4: {  	s31 =	simm.s32 $0x6590  }
0xd5: {  	[tilespmem:s24], [sflag:$0xB] =	stream.indirect.gather [hbm4b:s6+s30], $0x10, s31, s30, $0xb8;
	[tilespmem:$0x1FCA0] =	vst v63  }
.LBB2_28:
0xd6: {  	s20 =	sadd.s32 $0x1, s20  }
0xd7: {  	p0 =	sne.s32 s20, $0x7D  }
.Ltmp4:
0xd8: {  	_ = 	snop;
	(pc) =	sbr.rel @!p0 .LBB2_29-.Ltmp4, $1  }
0xd9: {  	_ =	sdelay $0x3  }
.LBB2_4:
0xda: {  	s1 =	smul.u32 $0xAB, s20;
	_ =	sdelay $0x1  }
0xdb: {  	s1 =	sshrl.u32 s1, $0x9  }
0xdc: {  	s1 =	sand.u32 $0x7F, s1  }
0xdd: {  	s1 =	smul.u32 $0x3, s1;
	_ =	sdelay $0x1  }
0xde: {  	s1 =	ssub.s32 s20, s1  }
0xdf: {  	s1 =	sand.u32 $0xFF, s1  }
0xe0: {  	p0 =	seq.s32 s1, $0x2  }
.Ltmp5:
0xe1: {  	_ = 	snop;
	(pc) =	sbr.rel @p0 .LBB2_20-.Ltmp5, $1  }
0xe2: {  	_ =	sdelay $0x3  }
0xe3: {  	p0 =	seq.s32 s1, $0x1  }
.Ltmp6:
0xe4: {  	_ = 	snop;
	(pc) =	sbr.rel @!p0 .LBB2_6-.Ltmp6, $1  }
0xe5: {  	_ =	sdelay $0x3  }
0xe6: {  	_ =	swait.ge [sflag:s21], $0x2D00  }
0xe7: {  	[sflag:s21] =	ssyncset.done $0x0  }
0xe8: {  	[sflag:s21] =	ssyncadd.s32 $0xFFFFD300  }
0xe9: {  	_ =	swait.ge [sflag:s22], $0x500  }
0xea: {  	v0 =	vld [tilespmem:$0x1FD20];
	_ =	sdelay $0x4  }
0xeb: {  	[sflag:s22] =	ssyncset.done $0x0  }
0xec: {  	[sflag:s22] =	ssyncadd.s32 $0xFFFFFB00  }
0xed: {  	v2 =	vld.idx.msk [tilespmem:v47+s14+$0x0], $0xffff  }
0xee: {  	v0 =	vld.idx.msk [tilespmem:v0+s12+$0x0], $0xffff;
	_ =	sdelay $0x4  }
0xef: {  	v0 =	vadd.f32 v2, v0;
	_ =	sdelay $0x1  }
0xf0: {  	v2 =	vmul.f32 $2.000000030e-01, v0;
	_ =	sdelay $0x1  }
0xf1: {  	v0 =	vmax.f32 v0, v2  }
0xf2: {  	v0 =	vmul.f32 $1.442695020e+00, v0;
	_ =	sdelay $0x1  }
0xf3: {  	(erf) = vpow2.f32 v0;
	_ =	sdelay $0x8  }
0xf4: {  	v2 =	vld [tilespmem:$0x1FD40];
	v0 =	vpop (erf)  }
0xf5: {  	[tilespmem:v48+s25+$0x0] =	vst.idx.msk $0xffff, v0;
	v0 =	vld [tilespmem:$0x1FD30];
	_ =	sdelay $0x6  }
0xf6: {  	v2 =	vld.idx.msk [tilespmem:v2+s14+$0x0], $0xffff  }
0xf7: {  	v0 =	vld.idx.msk [tilespmem:v0+s12+$0x0], $0xffff;
	_ =	sdelay $0x4  }
0xf8: {  	v0 =	vadd.f32 v2, v0;
	_ =	sdelay $0x1  }
0xf9: {  	v2 =	vmul.f32 $2.000000030e-01, v0;
	_ =	sdelay $0x1  }
0xfa: {  	v0 =	vmax.f32 v0, v2  }
0xfb: {  	v0 =	vmul.f32 $1.442695020e+00, v0;
	_ =	sdelay $0x1  }
0xfc: {  	(erf) = vpow2.f32 v0;
	_ =	sdelay $0x1  }
0xfd: {  	v2 =	vld [tilespmem:$0x1FD50];
	_ =	sdelay $0x6  }
0xfe: {  	v0 =	vpop (erf)  }
0xff: {  	[tilespmem:v2+s25+$0x0] =	vst.idx.msk $0xffff, v0;
	v0 =	vld [tilespmem:$0x1FD60]  }
0x100: {  	v2 =	vld [tilespmem:$0x1FD70];
	_ =	sdelay $0x6  }
0x101: {  	v0 =	vld.idx.msk [tilespmem:v0+s12+$0x0], $0xffff  }
0x102: {  	v2 =	vld.idx.msk [tilespmem:v2+s14+$0x0], $0xffff;
	_ =	sdelay $0x4  }
0x103: {  	v0 =	vadd.f32 v2, v0;
	_ =	sdelay $0x1  }
0x104: {  	v2 =	vmul.f32 $2.000000030e-01, v0;
	_ =	sdelay $0x1  }
0x105: {  	v0 =	vmax.f32 v0, v2  }
0x106: {  	v0 =	vmul.f32 $1.442695020e+00, v0;
	_ =	sdelay $0x1  }
0x107: {  	(erf) = vpow2.f32 v0;
	_ =	sdelay $0x1  }
0x108: {  	v2 =	vld [tilespmem:$0x1FD80];
	_ =	sdelay $0x6  }
0x109: {  	v0 =	vpop (erf)  }
0x10a: {  	[tilespmem:v2+s25+$0x0] =	vst.idx.msk $0xffff, v0;
	v0 =	vld [tilespmem:$0x1FD90]  }
0x10b: {  	v2 =	vld [tilespmem:$0x1FDA0];
	_ =	sdelay $0x6  }
0x10c: {  	v0 =	vld.idx.msk [tilespmem:v0+s12+$0x0], $0xffff  }
0x10d: {  	v2 =	vld.idx.msk [tilespmem:v2+s14+$0x0], $0xffff;
	_ =	sdelay $0x4  }
0x10e: {  	v0 =	vadd.f32 v2, v0;
	_ =	sdelay $0x1  }
0x10f: {  	v2 =	vmul.f32 $2.000000030e-01, v0;
	_ =	sdelay $0x1  }
0x110: {  	v0 =	vmax.f32 v0, v2  }
0x111: {  	v0 =	vmul.f32 $1.442695020e+00, v0;
	_ =	sdelay $0x1  }
0x112: {  	(erf) = vpow2.f32 v0;
	_ =	sdelay $0x1  }
0x113: {  	v2 =	vld [tilespmem:$0x1FDB0];
	_ =	sdelay $0x6  }
0x114: {  	v0 =	vpop (erf)  }
0x115: {  	[tilespmem:v2+s25+$0x0] =	vst.idx.msk $0xffff, v0;
	v0 =	vld [tilespmem:$0x1FDC0]  }
0x116: {  	v2 =	vld [tilespmem:$0x1FDD0];
	_ =	sdelay $0x6  }
0x117: {  	v0 =	vld.idx.msk [tilespmem:v0+s12+$0x0], $0xffff  }
0x118: {  	v2 =	vld.idx.msk [tilespmem:v2+s14+$0x0], $0xffff;
	_ =	sdelay $0x4  }
0x119: {  	v0 =	vadd.f32 v2, v0;
	_ =	sdelay $0x1  }
0x11a: {  	v2 =	vmul.f32 $2.000000030e-01, v0;
	_ =	sdelay $0x1  }
0x11b: {  	v0 =	vmax.f32 v0, v2  }
0x11c: {  	v0 =	vmul.f32 $1.442695020e+00, v0;
	_ =	sdelay $0x1  }
0x11d: {  	(erf) = vpow2.f32 v0;
	_ =	sdelay $0x1  }
0x11e: {  	v2 =	vld [tilespmem:$0x1FDE0];
	_ =	sdelay $0x6  }
0x11f: {  	v0 =	vpop (erf)  }
0x120: {  	[tilespmem:v2+s25+$0x0] =	vst.idx.msk $0xffff, v0;
	v0 =	vld [tilespmem:$0x1FDF0]  }
0x121: {  	v2 =	vld [tilespmem:$0x1FE00];
	_ =	sdelay $0x6  }
0x122: {  	v0 =	vld.idx.msk [tilespmem:v0+s12+$0x0], $0xffff  }
0x123: {  	v2 =	vld.idx.msk [tilespmem:v2+s14+$0x0], $0xffff;
	_ =	sdelay $0x4  }
0x124: {  	v0 =	vadd.f32 v2, v0;
	_ =	sdelay $0x1  }
0x125: {  	v2 =	vmul.f32 $2.000000030e-01, v0;
	_ =	sdelay $0x1  }
0x126: {  	v0 =	vmax.f32 v0, v2  }
0x127: {  	v0 =	vmul.f32 $1.442695020e+00, v0;
	_ =	sdelay $0x1  }
0x128: {  	(erf) = vpow2.f32 v0;
	_ =	sdelay $0x1  }
0x129: {  	v2 =	vld [tilespmem:$0x1FE10];
	_ =	sdelay $0x6  }
0x12a: {  	v0 =	vpop (erf)  }
0x12b: {  	[tilespmem:v2+s25+$0x0] =	vst.idx.msk $0xffff, v0;
	v0 =	vld [tilespmem:$0x1FE20];
	_ =	sdelay $0x6  }
0x12c: {  	v2 =	vld.idx.msk [tilespmem:v56+s14+$0x0], $0xffff  }
0x12d: {  	v0 =	vld.idx.msk [tilespmem:v0+s12+$0x0], $0xffff;
	_ =	sdelay $0x4  }
0x12e: {  	v0 =	vadd.f32 v2, v0;
	_ =	sdelay $0x1  }
0x12f: {  	v2 =	vmul.f32 $2.000000030e-01, v0;
	_ =	sdelay $0x1  }
0x130: {  	v0 =	vmax.f32 v0, v2  }
0x131: {  	v0 =	vmul.f32 $1.442695020e+00, v0;
	_ =	sdelay $0x1  }
0x132: {  	(erf) = vpow2.f32 v0;
	_ =	sdelay $0x1  }
0x133: {  	v2 =	vld [tilespmem:$0x1FE30];
	_ =	sdelay $0x6  }
0x134: {  	v0 =	vpop (erf)  }
0x135: {  	[tilespmem:v2+s25+$0x0] =	vst.idx.msk $0xffff, v0;
	v0 =	vld [tilespmem:$0x1FE40]  }
0x136: {  	v2 =	vld [tilespmem:$0x1FE50];
	_ =	sdelay $0x6  }
0x137: {  	v0 =	vld.idx.msk [tilespmem:v0+s12+$0x0], $0xffff  }
0x138: {  	v2 =	vld.idx.msk [tilespmem:v2+s14+$0x0], $0xffff;
	_ =	sdelay $0x4  }
0x139: {  	v0 =	vadd.f32 v2, v0;
	_ =	sdelay $0x1  }
0x13a: {  	v2 =	vmul.f32 $2.000000030e-01, v0;
	_ =	sdelay $0x1  }
0x13b: {  	v0 =	vmax.f32 v0, v2  }
0x13c: {  	v0 =	vmul.f32 $1.442695020e+00, v0;
	_ =	sdelay $0x1  }
0x13d: {  	(erf) = vpow2.f32 v0;
	_ =	sdelay $0x1  }
0x13e: {  	v2 =	vld [tilespmem:$0x1FE60];
	_ =	sdelay $0x6  }
0x13f: {  	v0 =	vpop (erf)  }
0x140: {  	[tilespmem:v2+s25+$0x0] =	vst.idx.msk $0xffff, v0;
	v0 =	vld [tilespmem:$0x1FE70]  }
0x141: {  	v2 =	vld [tilespmem:$0x1FE80];
	_ =	sdelay $0x6  }
0x142: {  	v0 =	vld.idx.msk [tilespmem:v0+s12+$0x0], $0xffff  }
0x143: {  	v2 =	vld.idx.msk [tilespmem:v2+s14+$0x0], $0xffff;
	_ =	sdelay $0x4  }
0x144: {  	v0 =	vadd.f32 v2, v0;
	_ =	sdelay $0x1  }
0x145: {  	v2 =	vmul.f32 $2.000000030e-01, v0;
	_ =	sdelay $0x1  }
0x146: {  	v0 =	vmax.f32 v0, v2  }
0x147: {  	v0 =	vmul.f32 $1.442695020e+00, v0;
	_ =	sdelay $0x1  }
0x148: {  	(erf) = vpow2.f32 v0;
	_ =	sdelay $0x1  }
0x149: {  	v2 =	vld [tilespmem:$0x1FE90];
	_ =	sdelay $0x6  }
0x14a: {  	v0 =	vpop (erf)  }
0x14b: {  	[tilespmem:v2+s25+$0x0] =	vst.idx.msk $0xffff, v0;
	v0 =	vld [tilespmem:$0x1FEA0]  }
0x14c: {  	v2 =	vld [tilespmem:$0x1FEB0];
	_ =	sdelay $0x6  }
0x14d: {  	v0 =	vld.idx.msk [tilespmem:v0+s12+$0x0], $0xffff  }
0x14e: {  	v2 =	vld.idx.msk [tilespmem:v2+s14+$0x0], $0xffff;
	_ =	sdelay $0x4  }
0x14f: {  	v0 =	vadd.f32 v2, v0;
	_ =	sdelay $0x1  }
0x150: {  	v2 =	vmul.f32 $2.000000030e-01, v0;
	_ =	sdelay $0x1  }
0x151: {  	v0 =	vmax.f32 v0, v2  }
0x152: {  	v0 =	vmul.f32 $1.442695020e+00, v0;
	_ =	sdelay $0x1  }
0x153: {  	(erf) = vpow2.f32 v0;
	_ =	sdelay $0x1  }
0x154: {  	v2 =	vld [tilespmem:$0x1FEC0];
	_ =	sdelay $0x6  }
0x155: {  	v0 =	vpop (erf)  }
0x156: {  	[tilespmem:v2+s25+$0x0] =	vst.idx.msk $0xffff, v0;
	v0 =	vld [tilespmem:$0x1FED0]  }
0x157: {  	v2 =	vld [tilespmem:$0x1FEE0];
	_ =	sdelay $0x6  }
0x158: {  	v0 =	vld.idx.msk [tilespmem:v0+s12+$0x0], $0xffff  }
0x159: {  	v2 =	vld.idx.msk [tilespmem:v2+s14+$0x0], $0xffff;
	_ =	sdelay $0x4  }
0x15a: {  	v0 =	vadd.f32 v2, v0;
	_ =	sdelay $0x1  }
0x15b: {  	v2 =	vmul.f32 $2.000000030e-01, v0;
	_ =	sdelay $0x1  }
0x15c: {  	v0 =	vmax.f32 v0, v2  }
0x15d: {  	v0 =	vmul.f32 $1.442695020e+00, v0;
	_ =	sdelay $0x1  }
0x15e: {  	(erf) = vpow2.f32 v0;
	_ =	sdelay $0x1  }
0x15f: {  	v2 =	vld [tilespmem:$0x1FEF0];
	_ =	sdelay $0x6  }
0x160: {  	v0 =	vpop (erf)  }
0x161: {  	[tilespmem:v2+s25+$0x0] =	vst.idx.msk $0xffff, v0;
	v0 =	vld [tilespmem:$0x1FF00]  }
0x162: {  	v2 =	vld [tilespmem:$0x1FF10];
	_ =	sdelay $0x6  }
0x163: {  	v0 =	vld.idx.msk [tilespmem:v0+s12+$0x0], $0xffff  }
0x164: {  	v2 =	vld.idx.msk [tilespmem:v2+s14+$0x0], $0xffff;
	_ =	sdelay $0x4  }
0x165: {  	v0 =	vadd.f32 v2, v0;
	_ =	sdelay $0x1  }
0x166: {  	v2 =	vmul.f32 $2.000000030e-01, v0;
	_ =	sdelay $0x1  }
0x167: {  	v0 =	vmax.f32 v0, v2  }
0x168: {  	v0 =	vmul.f32 $1.442695020e+00, v0;
	_ =	sdelay $0x1  }
0x169: {  	(erf) = vpow2.f32 v0;
	_ =	sdelay $0x1  }
0x16a: {  	v2 =	vld [tilespmem:$0x1FF20];
	_ =	sdelay $0x6  }
0x16b: {  	v0 =	vpop (erf)  }
0x16c: {  	[tilespmem:v2+s25+$0x0] =	vst.idx.msk $0xffff, v0;
	v0 =	vld [tilespmem:$0x1FF30]  }
0x16d: {  	v2 =	vld [tilespmem:$0x1FF40];
	_ =	sdelay $0x6  }
0x16e: {  	v0 =	vld.idx.msk [tilespmem:v0+s12+$0x0], $0xffff  }
0x16f: {  	v2 =	vld.idx.msk [tilespmem:v2+s14+$0x0], $0xffff;
	_ =	sdelay $0x4  }
0x170: {  	v0 =	vadd.f32 v2, v0;
	_ =	sdelay $0x1  }
0x171: {  	v2 =	vmul.f32 $2.000000030e-01, v0;
	_ =	sdelay $0x1  }
0x172: {  	v0 =	vmax.f32 v0, v2  }
0x173: {  	v0 =	vmul.f32 $1.442695020e+00, v0;
	_ =	sdelay $0x1  }
0x174: {  	(erf) = vpow2.f32 v0;
	_ =	sdelay $0x1  }
0x175: {  	v2 =	vld [tilespmem:$0x1FF50];
	_ =	sdelay $0x6  }
0x176: {  	v0 =	vpop (erf)  }
0x177: {  	[tilespmem:v2+s25+$0x0] =	vst.idx.msk $0xffff, v0;
	v0 =	vld [tilespmem:$0x1FF60]  }
0x178: {  	v2 =	vld [tilespmem:$0x1FF70];
	_ =	sdelay $0x6  }
0x179: {  	v0 =	vld.idx.msk [tilespmem:v0+s12+$0x0], $0xffff  }
0x17a: {  	v2 =	vld.idx.msk [tilespmem:v2+s14+$0x0], $0xffff;
	_ =	sdelay $0x4  }
0x17b: {  	v0 =	vadd.f32 v2, v0;
	_ =	sdelay $0x1  }
0x17c: {  	v2 =	vmul.f32 $2.000000030e-01, v0;
	_ =	sdelay $0x1  }
0x17d: {  	v0 =	vmax.f32 v0, v2  }
0x17e: {  	v0 =	vmul.f32 $1.442695020e+00, v0;
	_ =	sdelay $0x1  }
0x17f: {  	(erf) = vpow2.f32 v0;
	_ =	sdelay $0x1  }
0x180: {  	v2 =	vld [tilespmem:$0x1FF80];
	_ =	sdelay $0x6  }
0x181: {  	v0 =	vpop (erf)  }
0x182: {  	[tilespmem:v2+s25+$0x0] =	vst.idx.msk $0xffff, v0;
	v0 =	vld [tilespmem:$0x1FF90]  }
0x183: {  	v2 =	vld [tilespmem:$0x1FFA0];
	_ =	sdelay $0x6  }
0x184: {  	v0 =	vld.idx.msk [tilespmem:v0+s12+$0x0], $0xffff  }
0x185: {  	v2 =	vld.idx.msk [tilespmem:v2+s14+$0x0], $0xffff;
	_ =	sdelay $0x4  }
0x186: {  	v0 =	vadd.f32 v2, v0;
	_ =	sdelay $0x1  }
0x187: {  	v2 =	vmul.f32 $2.000000030e-01, v0;
	_ =	sdelay $0x1  }
0x188: {  	v0 =	vmax.f32 v0, v2  }
0x189: {  	v0 =	vmul.f32 $1.442695020e+00, v0;
	_ =	sdelay $0x1  }
0x18a: {  	(erf) = vpow2.f32 v0;
	_ =	sdelay $0x1  }
0x18b: {  	v2 =	vld [tilespmem:$0x1FFB0];
	_ =	sdelay $0x6  }
0x18c: {  	v0 =	vpop (erf)  }
0x18d: {  	[tilespmem:v2+s25+$0x0] =	vst.idx.msk $0xffff, v0;
	v0 =	vld [tilespmem:$0x1FFC0]  }
0x18e: {  	v2 =	vld [tilespmem:$0x1FFD0];
	_ =	sdelay $0x6  }
0x18f: {  	v0 =	vld.idx.msk [tilespmem:v0+s12+$0x0], $0xffff  }
0x190: {  	v2 =	vld.idx.msk [tilespmem:v2+s14+$0x0], $0xffff;
	_ =	sdelay $0x4  }
0x191: {  	v0 =	vadd.f32 v2, v0;
	_ =	sdelay $0x1  }
0x192: {  	v2 =	vmul.f32 $2.000000030e-01, v0;
	_ =	sdelay $0x1  }
0x193: {  	v0 =	vmax.f32 v0, v2  }
0x194: {  	v0 =	vmul.f32 $1.442695020e+00, v0;
	_ =	sdelay $0x1  }
0x195: {  	(erf) = vpow2.f32 v0;
	_ =	sdelay $0x1  }
0x196: {  	v2 =	vld [tilespmem:$0x1FFE0];
	_ =	sdelay $0x6  }
0x197: {  	v0 =	vpop (erf)  }
0x198: {  	[tilespmem:v2+s25+$0x0] =	vst.idx.msk $0xffff, v0;
	v0 =	vld [tilespmem:$0x1FFF0];
	_ =	sdelay $0x6  }
0x199: {  	v2 =	vld.idx.msk [tilespmem:v49+s14+$0x0], $0xffff  }
0x19a: {  	v0 =	vld.idx.msk [tilespmem:v0+s12+$0x0], $0xffff;
	_ =	sdelay $0x4  }
0x19b: {  	v0 =	vadd.f32 v2, v0;
	_ =	sdelay $0x1  }
0x19c: {  	v2 =	vmul.f32 $2.000000030e-01, v0;
	_ =	sdelay $0x1  }
0x19d: {  	v0 =	vmax.f32 v0, v2  }
0x19e: {  	v0 =	vmul.f32 $1.442695020e+00, v0;
	_ =	sdelay $0x1  }
0x19f: {  	(erf) = vpow2.f32 v0;
	_ =	sdelay $0x8  }
0x1a0: {  	v0 =	vpop (erf)  }
0x1a1: {  	[tilespmem:v54+s25+$0x0] =	vst.idx.msk $0xffff, v0  }
0x1a2: {  	v0 =	vld.idx.msk [tilespmem:v50+s12+$0x0], $0xffff  }
0x1a3: {  	v2 =	vld.idx.msk [tilespmem:v51+s14+$0x0], $0xffff;
	_ =	sdelay $0x4  }
0x1a4: {  	v0 =	vadd.f32 v2, v0;
	_ =	sdelay $0x1  }
0x1a5: {  	v2 =	vmul.f32 $2.000000030e-01, v0;
	_ =	sdelay $0x1  }
0x1a6: {  	v0 =	vmax.f32 v0, v2  }
0x1a7: {  	v0 =	vmul.f32 $1.442695020e+00, v0;
	_ =	sdelay $0x1  }
0x1a8: {  	(erf) = vpow2.f32 v0;
	_ =	sdelay $0x8  }
0x1a9: {  	v0 =	vpop (erf)  }
0x1aa: {  	[tilespmem:v52+s25+$0x0] =	vst.idx.msk $0xffff, v0  }
0x1ab: {  	v0 =	vld.idx.msk [tilespmem:v53+s12+$0x0], $0xffff  }
0x1ac: {  	v2 =	vld.idx.msk [tilespmem:v55+s14+$0x0], $0xffff;
	_ =	sdelay $0x4  }
0x1ad: {  	v0 =	vadd.f32 v2, v0;
	_ =	sdelay $0x1  }
0x1ae: {  	v2 =	vmul.f32 $2.000000030e-01, v0;
	_ =	sdelay $0x1  }
0x1af: {  	v0 =	vmax.f32 v0, v2  }
0x1b0: {  	v0 =	vmul.f32 $1.442695020e+00, v0;
	_ =	sdelay $0x1  }
0x1b1: {  	(erf) = vpow2.f32 v0;
	_ =	sdelay $0x8  }
0x1b2: {  	v0 =	vpop (erf)  }
0x1b3: {  	[tilespmem:v57+s25+$0x0] =	vst.idx.msk $0xffff, v0  }
0x1b4: {  	v0 =	vld.idx.msk [tilespmem:v58+s12+$0x0], $0xffff  }
0x1b5: {  	v2 =	vld.idx.msk [tilespmem:v59+s14+$0x0], $0xffff;
	_ =	sdelay $0x4  }
0x1b6: {  	v0 =	vadd.f32 v2, v0;
	_ =	sdelay $0x1  }
0x1b7: {  	v2 =	vmul.f32 $2.000000030e-01, v0;
	_ =	sdelay $0x1  }
0x1b8: {  	v0 =	vmax.f32 v0, v2  }
0x1b9: {  	v0 =	vmul.f32 $1.442695020e+00, v0;
	_ =	sdelay $0x1  }
0x1ba: {  	(erf) = vpow2.f32 v0;
	_ =	sdelay $0x4  }
0x1bb: {  	s1 =	simm.s32 $0x0  }
0x1bc: {  	s3 =	simm.s32 $0x1C;
	v3 =	vmov s1  }
0x1bd: {  	v0 =	vmov s3;
	_ =	sdelay $0x1  }
0x1be: {  	s31 =	simm.s32 $0x4;
	v2 =	vpop (erf)  }
0x1bf: {  	s13 =	simm.s32 $0x8;
	v9 =	vmov s31;
	[tilespmem:v60+s25+$0x0] =	vst.idx.msk $0xffff, v2  }
0x1c0: {  	s9 =	simm.s32 $0xC;
	v6 =	vmov s13;
	v2 =	vld.idx.msk [tilespmem:v3+s25+$0x0], $0xffff  }
0x1c1: {  	s8 =	simm.s32 $0x3580;
	s19 =	simm.s32 $0x10;
	v8 =	vmov s9;
	v10 =	vld.idx.msk [tilespmem:v0+s25+$0x0], $0xffff  }
0x1c2: {  	s10 =	simm.s32 $0x14;
	v7 =	vmov s19;
	v11 =	vld [tilespmem:s8+$0x1B0]  }
0x1c3: {  	v5 =	vmov s10;
	v12 =	vld [tilespmem:s8+$0x1C0]  }
0x1c4: {  	v13 =	vld.idx.msk [tilespmem:v9+s25+$0x0], $0xffff  }
0x1c5: {  	v14 =	vld.idx.msk [tilespmem:v6+s25+$0x0], $0xffff  }
0x1c6: {  	v15 =	vld.idx.msk [tilespmem:v8+s25+$0x0], $0xffff  }
0x1c7: {  	v17 =	vld.idx.msk [tilespmem:v7+s25+$0x0], $0xffff  }
0x1c8: {  	v18 =	vld.idx.msk [tilespmem:v5+s25+$0x0], $0xffff  }
0x1c9: {  	v40 =	vld [tilespmem:s8+$0x1D0]  }
0x1ca: {  	v19 =	vld [tilespmem:s8+$0x1E0]  }
0x1cb: {  	v20 =	vld [tilespmem:s8+$0xFFFFFDD0]  }
0x1cc: {  	v21 =	vld [tilespmem:s8+$0xFFFFFE50]  }
0x1cd: {  	v22 =	vld [tilespmem:s8+$0xFFFFFE60]  }
0x1ce: {  	v16 =	vor.u32 $0x5, v0;
	v24 =	vld [tilespmem:s8+$0xFFFFFEE0]  }
0x1cf: {  	v25 =	vld [tilespmem:s8+$0xFFFFFEF0];
	v11 =	vmul.f32 v11, v10  }
0x1d0: {  	v41 =	vld [tilespmem:s8+$0xFFFFFF70];
	v10 =	vmul.f32 v12, v10  }
0x1d1: {  	v42 =	vld [tilespmem:s8+$0xFFFFFF80];
	[tilespmem:s8+$0x1B0] =	vst v11  }
0x1d2: {  	v43 =	vld [tilespmem:s8+$0x1F0];
	[tilespmem:s8+$0x1C0] =	vst v10  }
0x1d3: {  	v10 =	vld.idx.msk [tilespmem:v16+s25+$0x0], $0xffff  }
0x1d4: {  	v44 =	vld [tilespmem:s8+$0x200]  }
0x1d5: {  	v46 =	vld [tilespmem:s8+$0x0]  }
0x1d6: {  	v63 =	vld [tilespmem:s8+$0x10]  }
0x1d7: {  	v23 =	vor.u32 $0x6, v0;
	v11 =	vld [tilespmem:s8+$0xFFFFFDC0]  }
0x1d8: {  	v32 =	vld [tilespmem:s8+$0x90];
	v16 =	vmul.f32 v40, v10  }
0x1d9: {  	v33 =	vld [tilespmem:s8+$0xA0];
	v10 =	vmul.f32 v19, v10  }
0x1da: {  	s26 =	simm.s32 $0x18;
	v34 =	vld [tilespmem:s8+$0x120];
	[tilespmem:s8+$0x1D0] =	vst v16  }
0x1db: {  	v4 =	vmov s26;
	v36 =	vld [tilespmem:s8+$0x130];
	[tilespmem:s8+$0x1E0] =	vst v10  }
0x1dc: {  	v10 =	vmul.f32 v11, v2;
	v11 =	vld.idx.msk [tilespmem:v23+s25+$0x0], $0xffff  }
0x1dd: {  	v39 =	vld [tilespmem:s8+$0x210]  }
0x1de: {  	v26 =	vld [tilespmem:s8+$0xFFFFFF10]  }
0x1df: {  	v27 =	vld [tilespmem:s8+$0xFFFFFF90];
	v21 =	vmul.f32 v21, v13  }
0x1e0: {  	v0 =	vor.u32 $0x7, v0;
	v12 =	vld.idx.msk [tilespmem:v4+s25+$0x0], $0xffff;
	v45 =	vmul.f32 v24, v14;
	v14 =	vmul.f32 v25, v14  }
0x1e1: {  	v35 =	vor.u32 $0x1, v6;
	v24 =	vld [tilespmem:s8+$0xFFFFFE80];
	[tilespmem:s8+$0xFFFFFE50] =	vst v21;
	v23 =	vmul.f32 v43, v11  }
0x1e2: {  	v25 =	vld [tilespmem:s8+$0xFFFFFF00];
	[tilespmem:s8+$0xFFFFFEF0] =	vst v14;
	v11 =	vmul.f32 v44, v11  }
0x1e3: {  	v14 =	vmul.f32 v33, v18;
	v33 =	vld [tilespmem:s8+$0xFFFFFFA0];
	[tilespmem:s8+$0x1F0] =	vst v23  }
0x1e4: {  	v21 =	vmul.f32 v32, v18;
	v19 =	vmul.f32 v41, v15;
	v41 =	vld [tilespmem:s8+$0x220];
	[tilespmem:s8+$0x200] =	vst v11  }
0x1e5: {  	[tilespmem:s8+$0xFFFFFEE0] =	vst v45;
	v15 =	vmul.f32 v42, v15;
	v42 =	vor.u32 $0x1, v3;
	v0 =	vld.idx.msk [tilespmem:v0+s25+$0x0], $0xffff  }
0x1e6: {  	v38 =	vor.u32 $0x5, v5;
	[tilespmem:s8+$0x90] =	vst v21;
	v16 =	vld.idx.msk [tilespmem:v35+s25+$0x0], $0xffff;
	v2 =	vmul.f32 v20, v2  }
0x1e7: {  	[tilespmem:s8+$0xFFFFFDC0] =	vst v10;
	v10 =	vmul.f32 v22, v13;
	v22 =	vmul.f32 v46, v17;
	v46 =	vld [tilespmem:s8+$0xFFFFFDE0]  }
0x1e8: {  	v17 =	vmul.f32 v63, v17;
	[tilespmem:s8+$0xFFFFFDD0] =	vst v2;
	v63 =	vld [tilespmem:s8+$0xFFFFFE70]  }
0x1e9: {  	v13 =	vmul.f32 v34, v12;
	v12 =	vmul.f32 v36, v12;
	v36 =	vld [tilespmem:s8+$0x30];
	[tilespmem:s8+$0xFFFFFE60] =	vst v10;
	v10 =	vor.u32 $0x5, v9  }
0x1ea: {  	v37 =	vor.u32 $0x1, v7;
	[tilespmem:s8+$0xA0] =	vst v14;
	v45 =	vld.idx.msk [tilespmem:v42+s25+$0x0], $0xffff;
	v44 =	vmul.f32 v39, v0;
	v0 =	vmul.f32 v41, v0  }
0x1eb: {  	v40 =	vor.u32 $0x1, v4;
	[tilespmem:s8+$0x130] =	vst v12;
	v12 =	vld.idx.msk [tilespmem:v38+s25+$0x0], $0xffff  }
0x1ec: {  	[tilespmem:s8+$0x220] =	vst v0;
	v0 =	vld [tilespmem:s8+$0xFFFFFDF0]  }
0x1ed: {  	[tilespmem:s8+$0x0] =	vst v22;
	v38 =	vld [tilespmem:s8+$0xB0];
	v11 =	vor.u32 $0x5, v8  }
0x1ee: {  	[tilespmem:s8+$0x10] =	vst v17;
	v10 =	vld.idx.msk [tilespmem:v10+s25+$0x0], $0xffff  }
0x1ef: {  	[tilespmem:s8+$0x120] =	vst v13;
	v13 =	vld.idx.msk [tilespmem:v37+s25+$0x0], $0xffff  }
0x1f0: {  	[tilespmem:s8+$0xFFFFFF70] =	vst v19;
	v2 =	vld.idx.msk [tilespmem:v40+s25+$0x0], $0xffff;
	v35 =	vmul.f32 v25, v16  }
0x1f1: {  	[tilespmem:s8+$0xFFFFFF80] =	vst v15;
	v25 =	vld [tilespmem:s8+$0xFFFFFE90];
	v43 =	vor.u32 s3, v62;
	v0 =	vmul.f32 v0, v45  }
0x1f2: {  	[tilespmem:s8+$0xFFFFFF00] =	vst v35;
	v11 =	vld.idx.msk [tilespmem:v11+s25+$0x0], $0xffff  }
0x1f3: {  	v35 =	vld [tilespmem:s8+$0x40];
	[tilespmem:s8+$0xFFFFFDF0] =	vst v0;
	v0 =	vmul.f32 v24, v10  }
0x1f4: {  	v41 =	vld [tilespmem:s8+$0xC0];
	[tilespmem:s8+$0x210] =	vst v44  }
0x1f5: {  	v44 =	vld [tilespmem:s8+$0x150];
	[tilespmem:s8+$0xFFFFFE80] =	vst v0;
	v0 =	vmul.f32 v26, v16  }
0x1f6: {  	v32 =	vmul.f32 v63, v10;
	v14 =	vld.idx.msk [tilespmem:v43+s25+$0x0], $0xffff;
	v43 =	vor.u32 $0x2, v3  }
0x1f7: {  	v40 =	vmul.f32 v27, v11;
	[tilespmem:s8+$0xFFFFFF10] =	vst v0;
	v0 =	vmul.f32 v33, v11;
	v11 =	vld [tilespmem:s8+$0x140]  }
0x1f8: {  	v15 =	vmul.f32 v46, v45;
	[tilespmem:s8+$0xFFFFFE70] =	vst v32;
	v32 =	vld [tilespmem:s8+$0xFFFFFF30]  }
0x1f9: {  	v27 =	vld [tilespmem:s8+$0xFFFFFF20]  }
0x1fa: {  	[tilespmem:s8+$0xFFFFFDE0] =	vst v15;
	v10 =	vld [tilespmem:s8+$0x20]  }
0x1fb: {  	v34 =	vor.u32 $0x6, v9;
	v24 =	vld.idx.msk [tilespmem:v43+s25+$0x0], $0xffff  }
0x1fc: {  	v26 =	vld [tilespmem:s8+$0xFFFFFEA0];
	v11 =	vmul.f32 v11, v2  }
0x1fd: {  	[tilespmem:s8+$0xFFFFFF90] =	vst v40;
	v16 =	vmul.f32 v38, v12;
	v38 =	vld [tilespmem:s8+$0x160];
	v2 =	vmul.f32 v44, v2  }
0x1fe: {  	v37 =	vor.u32 $0x2, v6;
	[tilespmem:s8+$0x140] =	vst v11;
	v11 =	vld [tilespmem:s8+$0xFFFFFE00]  }
0x1ff: {  	v45 =	vor.u32 $0x6, v5;
	v12 =	vmul.f32 v41, v12;
	[tilespmem:s8+$0x150] =	vst v2;
	v2 =	vld [tilespmem:s8+$0xFFFFFE10]  }
0x200: {  	v39 =	vor.u32 $0x6, v8;
	v19 =	vld.idx.msk [tilespmem:v34+s25+$0x0], $0xffff;
	[tilespmem:s8+$0xB0] =	vst v16  }
0x201: {  	v34 =	vld [tilespmem:s8+$0xFFFFFFC0];
	[tilespmem:s8+$0xC0] =	vst v12;
	v10 =	vmul.f32 v10, v13  }
0x202: {  	v42 =	vor.u32 $0x2, v7;
	v33 =	vld [tilespmem:s8+$0xFFFFFFB0];
	[tilespmem:s8+$0xFFFFFFA0] =	vst v0;
	v0 =	vmul.f32 v36, v13  }
0x203: {  	[tilespmem:s8+$0x20] =	vst v10;
	v10 =	vld.idx.msk [tilespmem:v37+s25+$0x0], $0xffff;
	v11 =	vmul.f32 v11, v24  }
0x204: {  	v12 =	vld.idx.msk [tilespmem:v45+s25+$0x0], $0xffff;
	[tilespmem:s8+$0x30] =	vst v0;
	v2 =	vmul.f32 v2, v24  }
0x205: {  	v46 =	vld.idx.msk [tilespmem:v39+s25+$0x0], $0xffff;
	v0 =	vor.u32 $0x2, v4;
	[tilespmem:s8+$0xFFFFFE00] =	vst v11;
	v11 =	vmul.f32 v25, v19  }
0x206: {  	v36 =	vld [tilespmem:s8+$0x50];
	[tilespmem:s8+$0xFFFFFE10] =	vst v2;
	v2 =	vmul.f32 v26, v19  }
0x207: {  	v63 =	vld.idx.msk [tilespmem:v42+s25+$0x0], $0xffff;
	[tilespmem:s8+$0xFFFFFE90] =	vst v11  }
0x208: {  	v11 =	vmul.f32 v27, v10;
	[tilespmem:s8+$0xFFFFFEA0] =	vst v2;
	v2 =	vor.u32 $0x3, v6;
	v6 =	vmul.f32 v32, v10;
	v10 =	vld [tilespmem:s8+$0xD0]  }
0x209: {  	v8 =	vor.u32 $0x7, v8;
	v37 =	vld [tilespmem:s8+$0xE0]  }
0x20a: {  	v0 =	vld.idx.msk [tilespmem:v0+s25+$0x0], $0xffff;
	[tilespmem:s8+$0xFFFFFF30] =	vst v6;
	v6 =	vor.u32 $0x3, v7;
	v7 =	vmul.f32 v34, v46  }
0x20b: {  	v3 =	vor.u32 $0x3, v3;
	v39 =	vld [tilespmem:s8+$0x170];
	[tilespmem:s8+$0xFFFFFF20] =	vst v11;
	v11 =	vmul.f32 v33, v46  }
0x20c: {  	v9 =	vor.u32 $0x7, v9;
	v40 =	vld [tilespmem:s8+$0xFFFFFF40];
	[tilespmem:s8+$0xFFFFFFC0] =	vst v7;
	v7 =	vmul.f32 v36, v63  }
0x20d: {  	v43 =	vld [tilespmem:s8+$0x70];
	[tilespmem:s8+$0xFFFFFFB0] =	vst v11;
	v10 =	vmul.f32 v10, v12  }
0x20e: {  	v4 =	vor.u32 $0x3, v4;
	[tilespmem:s8+$0x50] =	vst v7;
	v7 =	vld.idx.msk [tilespmem:v8+s25+$0x0], $0xffff;
	v8 =	vmul.f32 v37, v12  }
0x20f: {  	v42 =	vld [tilespmem:s8+$0xFFFFFF50];
	[tilespmem:s8+$0xD0] =	vst v10;
	v10 =	vmul.f32 v38, v0  }
0x210: {  	v3 =	vld.idx.msk [tilespmem:v3+s25+$0x0], $0xffff;
	v0 =	vmul.f32 v39, v0;
	[tilespmem:s8+$0xE0] =	vst v8  }
0x211: {  	v9 =	vld.idx.msk [tilespmem:v9+s25+$0x0], $0xffff;
	[tilespmem:s8+$0x160] =	vst v10  }
0x212: {  	v8 =	vld [tilespmem:s8+$0xFFFFFE20];
	[tilespmem:s8+$0x170] =	vst v0  }
0x213: {  	v0 =	vld.idx.msk [tilespmem:v4+s25+$0x0], $0xffff  }
0x214: {  	v11 =	vmul.f32 v35, v63;
	v4 =	vld [tilespmem:s8+$0xFFFFFE30]  }
0x215: {  	v10 =	vld [tilespmem:s8+$0xFFFFFEB0]  }
0x216: {  	[tilespmem:s8+$0x40] =	vst v11;
	v11 =	vld [tilespmem:s8+$0xFFFFFEC0]  }
0x217: {  	v5 =	vor.u32 $0x7, v5;
	v2 =	vld.idx.msk [tilespmem:v2+s25+$0x0], $0xffff  }
0x218: {  	v41 =	vnsel vm0, $0x0, v14;
	v6 =	vld.idx.msk [tilespmem:v6+s25+$0x0], $0xffff;
	v8 =	vmul.f32 v8, v3  }
0x219: {  	[tilespmem:s8+$0x230] =	vst v41;
	v3 =	vmul.f32 v4, v3;
	v4 =	vld [tilespmem:s8+$0xFFFFFFD0]  }
0x21a: {  	[tilespmem:s8+$0xFFFFFE20] =	vst v8;
	v8 =	vmul.f32 v10, v9;
	v10 =	vld [tilespmem:s8+$0xFFFFFFE0]  }
0x21b: {  	[tilespmem:s8+$0xFFFFFE30] =	vst v3;
	v3 =	vmul.f32 v11, v9;
	v9 =	vld [tilespmem:s8+$0x60]  }
0x21c: {  	v5 =	vld.idx.msk [tilespmem:v5+s25+$0x0], $0xffff;
	v11 =	vor.u32 s31, v62;
	[tilespmem:s8+$0xFFFFFEB0] =	vst v8;
	v8 =	vmul.f32 v40, v2  }
0x21d: {  	v44 =	vor.u32 s13, v61;
	v2 =	vmul.f32 v42, v2;
	[tilespmem:s8+$0xFFFFFEC0] =	vst v3;
	v3 =	vld [tilespmem:s8+$0xF0]  }
0x21e: {  	v45 =	vor.u32 s9, v62;
	[tilespmem:s8+$0xFFFFFF40] =	vst v8;
	v8 =	vld [tilespmem:s8+$0x100];
	v4 =	vmul.f32 v4, v7  }
0x21f: {  	v46 =	vor.u32 s19, v61;
	[tilespmem:s8+$0xFFFFFF50] =	vst v2;
	v2 =	vmul.f32 v10, v7;
	v7 =	vld [tilespmem:s8+$0x180]  }
0x220: {  	v63 =	vor.u32 s1, v61;
	[tilespmem:s8+$0xFFFFFFD0] =	vst v4;
	v4 =	vmul.f32 v9, v6;
	v9 =	vld [tilespmem:s8+$0x190]  }
0x221: {  	[tilespmem:s8+$0xFFFFFFE0] =	vst v2;
	v6 =	vmul.f32 v43, v6;
	v30 =	vld.idx.msk [tilespmem:v11+s25+$0x0], $0xffff  }
0x222: {  	v2 =	vld.idx.msk [tilespmem:v44+s25+$0x0], $0xffff;
	[tilespmem:s8+$0x60] =	vst v4;
	v3 =	vmul.f32 v3, v5  }
0x223: {  	v31 =	vld.idx.msk [tilespmem:v45+s25+$0x0], $0xffff;
	[tilespmem:s8+$0x70] =	vst v6;
	v6 =	vmul.f32 v8, v5;
	v4 =	vor.u32 s10, v62  }
0x224: {  	s19 =	simm.s32 $0x0;
	s1 =	simm.s32 $0x20;
	s10 =	simm.s32 $0x3580;
	v32 =	vld.idx.msk [tilespmem:v46+s25+$0x0], $0xffff;
	v5 =	vmul.f32 v7, v0;
	[tilespmem:s8+$0xF0] =	vst v3;
	v3 =	vor.u32 s26, v61  }
.LBB2_15:
0x225: {  	v7 =	vmov s1;
	s0 =	sadd.s32 $0x4, s1;
	s3 =	sadd.s32 $0x8, s1;
	s9 =	sadd.s32 $0x1C, s1;
	v33 =	vld.idx.msk [tilespmem:v63+s25+$0x0], $0xffff;
	v63 =	vor.u32 s1, v61;
	[tilespmem:s8+$0x100] =	vst v6;
	v0 =	vmul.f32 v9, v0  }
0x226: {  	s11 =	sadd.s32 $0xC, s1;
	s13 =	sadd.s32 $0x10, s1;
	s26 =	sadd.s32 $0x14, s1;
	v6 =	vmov s0;
	v34 =	vmov s3;
	v29 =	vmov s9;
	[tilespmem:s8+$0x180] =	vst v5  }
0x227: {  	s31 =	sadd.s32 $0x18, s1;
	v5 =	vmov s11;
	v35 =	vmov s13;
	v36 =	vmov s26;
	[tilespmem:s8+$0x190] =	vst v0  }
0x228: {  	v37 =	vmov s31;
	v0 =	vor.u32 $0x5, v6;
	v27 =	vor.u32 $0x1, v34;
	v38 =	vld.idx.msk [tilespmem:v4+s25+$0x0], $0xffff  }
0x229: {  	s19 =	sadd.s32 $0x8, s19;
	v28 =	vor.u32 $0x5, v5;
	v25 =	vor.u32 $0x1, v35;
	v24 =	vor.u32 $0x5, v36;
	v39 =	vld.idx.msk [tilespmem:v3+s25+$0x0], $0xffff  }
0x22a: {  	v23 =	vor.u32 $0x1, v7;
	p0 =	slt.u32 s19, $0x48;
	v21 =	vor.u32 $0x6, v6;
	v26 =	vor.u32 $0x1, v37;
	v40 =	vld.idx.msk [tilespmem:v7+s25+$0x0], $0xffff  }
0x22b: {  	v22 =	vor.u32 $0x2, v34;
	v20 =	vor.u32 $0x6, v5;
	v19 =	vor.u32 $0x2, v35;
	s8 =	sadd.s32 $0x480, s8;
	v41 =	vld.idx.msk [tilespmem:v29+s25+$0x0], $0xffff  }
0x22c: {  	v18 =	vor.u32 $0x2, v7;
	v17 =	vor.u32 $0x6, v36;
	v16 =	vor.u32 $0x2, v37;
	v42 =	vld [tilespmem:s8+$0x1B0]  }
0x22d: {  	v15 =	vor.u32 $0x7, v6;
	v14 =	vor.u32 $0x3, v34;
	v12 =	vor.u32 $0x7, v5;
	v43 =	vld [tilespmem:s8+$0x1C0]  }
0x22e: {  	v13 =	vor.u32 $0x3, v35;
	v10 =	vor.u32 $0x7, v36;
	v9 =	vor.u32 $0x3, v37;
	v44 =	vld.idx.msk [tilespmem:v6+s25+$0x0], $0xffff  }
0x22f: {  	v11 =	vor.u32 $0x3, v7;
	v8 =	vor.u32 s0, v62;
	v7 =	vor.u32 s3, v61;
	v34 =	vld.idx.msk [tilespmem:v34+s25+$0x0], $0xffff  }
0x230: {  	v46 =	vor.u32 $0x5, v29;
	v6 =	vor.u32 s11, v62;
	v45 =	vld.idx.msk [tilespmem:v5+s25+$0x0], $0xffff;
	v5 =	vor.u32 s13, v61  }
0x231: {  	v4 =	vor.u32 s26, v62;
	v3 =	vor.u32 s31, v61;
	v35 =	vld.idx.msk [tilespmem:v35+s25+$0x0], $0xffff;
	v42 =	vmul.f32 v42, v41  }
0x232: {  	v30 =	vnsel vm0, $0x0, v30;
	v2 =	vnsel vm0, $0x0, v2;
	v36 =	vld.idx.msk [tilespmem:v36+s25+$0x0], $0xffff;
	v41 =	vmul.f32 v43, v41  }
0x233: {  	v31 =	vnsel vm0, $0x0, v31;
	v32 =	vnsel vm0, $0x0, v32;
	v38 =	vnsel vm0, $0x0, v38;
	v37 =	vld.idx.msk [tilespmem:v37+s25+$0x0], $0xffff;
	[tilespmem:s8+$0x1B0] =	vst v42  }
0x234: {  	v33 =	vnsel vm0, $0x0, v33;
	v39 =	vnsel vm0, $0x0, v39;
	v42 =	vld [tilespmem:s8+$0xFFFFFDC0];
	[tilespmem:s8+$0x1C0] =	vst v41  }
0x235: {  	v41 =	vld.idx.msk [tilespmem:v46+s25+$0x0], $0xffff;
	[tilespmem:s10+$0xFFFFFED0] =	vst v30  }
0x236: {  	v30 =	vld [tilespmem:s8+$0x1D0];
	[tilespmem:s10+$0xFFFFFF60] =	vst v2  }
0x237: {  	v2 =	vld [tilespmem:s8+$0x1E0];
	[tilespmem:s10+$0xFFFFFFF0] =	vst v31  }
0x238: {  	v31 =	vld [tilespmem:s8+$0xFFFFFDD0];
	[tilespmem:s10+$0x80] =	vst v32  }
0x239: {  	v32 =	vmul.f32 v42, v40;
	v42 =	vld [tilespmem:s8+$0xFFFFFE50];
	[tilespmem:s10+$0x110] =	vst v38  }
0x23a: {  	v43 =	vor.u32 $0x6, v29;
	v38 =	vld [tilespmem:s8+$0xFFFFFE60];
	[tilespmem:s10+$0x1A0] =	vst v39  }
0x23b: {  	[tilespmem:s8+$0xFFFFFDC0] =	vst v32;
	v32 =	vld [tilespmem:s8+$0xFFFFFEE0];
	v30 =	vmul.f32 v30, v41  }
0x23c: {  	v39 =	vld [tilespmem:s8+$0xFFFFFEF0];
	v2 =	vmul.f32 v2, v41;
	[tilespmem:s10+$0xFFFFFE40] =	vst v33;
	s10 =	smov.u32 s8  }
0x23d: {  	v31 =	vmul.f32 v31, v40;
	v33 =	vld [tilespmem:s8+$0xFFFFFF70];
	[tilespmem:s8+$0x1D0] =	vst v30  }
0x23e: {  	v30 =	vmul.f32 v42, v44;
	v40 =	vld [tilespmem:s8+$0xFFFFFF80];
	[tilespmem:s8+$0x1E0] =	vst v2  }
0x23f: {  	[tilespmem:s8+$0xFFFFFDD0] =	vst v31;
	v2 =	vmul.f32 v38, v44;
	v31 =	vld.idx.msk [tilespmem:v43+s25+$0x0], $0xffff  }
0x240: {  	[tilespmem:s8+$0xFFFFFE50] =	vst v30;
	v30 =	vmul.f32 v32, v34;
	v32 =	vld [tilespmem:s8+$0x1F0]  }
0x241: {  	[tilespmem:s8+$0xFFFFFE60] =	vst v2;
	v2 =	vmul.f32 v39, v34;
	v34 =	vld [tilespmem:s8+$0x200]  }
0x242: {  	[tilespmem:s8+$0xFFFFFEE0] =	vst v30;
	v30 =	vmul.f32 v33, v45;
	v33 =	vld [tilespmem:s8+$0x0]  }
0x243: {  	[tilespmem:s8+$0xFFFFFEF0] =	vst v2;
	v2 =	vmul.f32 v40, v45;
	v38 =	vld [tilespmem:s8+$0x10]  }
0x244: {  	v29 =	vor.u32 $0x7, v29;
	[tilespmem:s8+$0xFFFFFF70] =	vst v30;
	v30 =	vld [tilespmem:s8+$0x90]  }
0x245: {  	[tilespmem:s8+$0xFFFFFF80] =	vst v2;
	v2 =	vld [tilespmem:s8+$0xA0];
	v32 =	vmul.f32 v32, v31  }
0x246: {  	v39 =	vld [tilespmem:s8+$0x120];
	v31 =	vmul.f32 v34, v31  }
0x247: {  	v33 =	vmul.f32 v33, v35;
	v34 =	vld [tilespmem:s8+$0x130];
	[tilespmem:s8+$0x1F0] =	vst v32  }
0x248: {  	v0 =	vld.idx.msk [tilespmem:v0+s25+$0x0], $0xffff;
	v32 =	vmul.f32 v38, v35;
	[tilespmem:s8+$0x200] =	vst v31  }
0x249: {  	[tilespmem:s8+$0x0] =	vst v33;
	v30 =	vmul.f32 v30, v36;
	v29 =	vld.idx.msk [tilespmem:v29+s25+$0x0], $0xffff  }
0x24a: {  	[tilespmem:s8+$0x10] =	vst v32;
	v2 =	vmul.f32 v2, v36;
	v31 =	vld [tilespmem:s8+$0x210]  }
0x24b: {  	[tilespmem:s8+$0x90] =	vst v30;
	v30 =	vmul.f32 v39, v37;
	v32 =	vld [tilespmem:s8+$0x220]  }
0x24c: {  	v27 =	vld.idx.msk [tilespmem:v27+s25+$0x0], $0xffff;
	[tilespmem:s8+$0xA0] =	vst v2;
	v2 =	vmul.f32 v34, v37  }
0x24d: {  	v28 =	vld.idx.msk [tilespmem:v28+s25+$0x0], $0xffff;
	[tilespmem:s8+$0x120] =	vst v30  }
0x24e: {  	v25 =	vld.idx.msk [tilespmem:v25+s25+$0x0], $0xffff;
	[tilespmem:s8+$0x130] =	vst v2;
	v2 =	vor.u32 s9, v62  }
0x24f: {  	v24 =	vld.idx.msk [tilespmem:v24+s25+$0x0], $0xffff;
	v30 =	vmul.f32 v31, v29  }
0x250: {  	v26 =	vld.idx.msk [tilespmem:v26+s25+$0x0], $0xffff;
	v29 =	vmul.f32 v32, v29  }
0x251: {  	v23 =	vld.idx.msk [tilespmem:v23+s25+$0x0], $0xffff;
	[tilespmem:s8+$0x210] =	vst v30  }
0x252: {  	v30 =	vld [tilespmem:s8+$0xFFFFFDE0];
	[tilespmem:s8+$0x220] =	vst v29  }
0x253: {  	v2 =	vld.idx.msk [tilespmem:v2+s25+$0x0], $0xffff  }
0x254: {  	v29 =	vld [tilespmem:s8+$0xFFFFFDF0]  }
0x255: {  	v31 =	vld [tilespmem:s8+$0xFFFFFE70]  }
0x256: {  	v32 =	vld [tilespmem:s8+$0xFFFFFE80]  }
0x257: {  	v30 =	vmul.f32 v30, v23;
	v33 =	vld [tilespmem:s8+$0xFFFFFF00]  }
0x258: {  	v34 =	vld [tilespmem:s8+$0xFFFFFF10]  }
0x259: {  	v2 =	vnsel vm0, $0x0, v2;
	[tilespmem:s8+$0xFFFFFDE0] =	vst v30;
	v23 =	vmul.f32 v29, v23;
	v29 =	vld [tilespmem:s8+$0xFFFFFF90]  }
0x25a: {  	v30 =	vmul.f32 v31, v0;
	v31 =	vld [tilespmem:s8+$0xFFFFFFA0];
	[tilespmem:s8+$0x230] =	vst v2  }
0x25b: {  	[tilespmem:s8+$0xFFFFFDF0] =	vst v23;
	v0 =	vmul.f32 v32, v0;
	v2 =	vld [tilespmem:s8+$0x20]  }
0x25c: {  	[tilespmem:s8+$0xFFFFFE70] =	vst v30;
	v23 =	vmul.f32 v33, v27;
	v30 =	vld [tilespmem:s8+$0x30]  }
0x25d: {  	[tilespmem:s8+$0xFFFFFE80] =	vst v0;
	v0 =	vmul.f32 v34, v27;
	v27 =	vld [tilespmem:s8+$0xB0]  }
0x25e: {  	[tilespmem:s8+$0xFFFFFF00] =	vst v23;
	v23 =	vmul.f32 v29, v28;
	v29 =	vld [tilespmem:s8+$0xC0]  }
0x25f: {  	[tilespmem:s8+$0xFFFFFF10] =	vst v0;
	v0 =	vmul.f32 v31, v28;
	v28 =	vld [tilespmem:s8+$0x140]  }
0x260: {  	[tilespmem:s8+$0xFFFFFF90] =	vst v23;
	v2 =	vmul.f32 v2, v25;
	v23 =	vld [tilespmem:s8+$0x150]  }
0x261: {  	v21 =	vld.idx.msk [tilespmem:v21+s25+$0x0], $0xffff;
	[tilespmem:s8+$0xFFFFFFA0] =	vst v0;
	v0 =	vmul.f32 v30, v25  }
0x262: {  	v22 =	vld.idx.msk [tilespmem:v22+s25+$0x0], $0xffff;
	[tilespmem:s8+$0x20] =	vst v2;
	v2 =	vmul.f32 v27, v24  }
0x263: {  	v20 =	vld.idx.msk [tilespmem:v20+s25+$0x0], $0xffff;
	[tilespmem:s8+$0x30] =	vst v0;
	v0 =	vmul.f32 v29, v24  }
0x264: {  	v19 =	vld.idx.msk [tilespmem:v19+s25+$0x0], $0xffff;
	[tilespmem:s8+$0xB0] =	vst v2;
	v2 =	vmul.f32 v28, v26  }
0x265: {  	v18 =	vld.idx.msk [tilespmem:v18+s25+$0x0], $0xffff;
	[tilespmem:s8+$0xC0] =	vst v0;
	v0 =	vmul.f32 v23, v26  }
0x266: {  	v17 =	vld.idx.msk [tilespmem:v17+s25+$0x0], $0xffff;
	[tilespmem:s8+$0x140] =	vst v2  }
0x267: {  	v2 =	vld [tilespmem:s8+$0xFFFFFE00];
	[tilespmem:s8+$0x150] =	vst v0  }
0x268: {  	v0 =	vld.idx.msk [tilespmem:v16+s25+$0x0], $0xffff  }
0x269: {  	v16 =	vld [tilespmem:s8+$0xFFFFFE10]  }
0x26a: {  	v23 =	vld [tilespmem:s8+$0xFFFFFE90]  }
0x26b: {  	v24 =	vld [tilespmem:s8+$0xFFFFFEA0]  }
0x26c: {  	v2 =	vmul.f32 v2, v18;
	v25 =	vld [tilespmem:s8+$0xFFFFFF20]  }
0x26d: {  	v26 =	vld [tilespmem:s8+$0xFFFFFF30]  }
0x26e: {  	[tilespmem:s8+$0xFFFFFE00] =	vst v2;
	v2 =	vmul.f32 v16, v18;
	v16 =	vld [tilespmem:s8+$0xFFFFFFB0]  }
0x26f: {  	v18 =	vmul.f32 v23, v21;
	v23 =	vld [tilespmem:s8+$0xFFFFFFC0]  }
0x270: {  	[tilespmem:s8+$0xFFFFFE10] =	vst v2;
	v2 =	vmul.f32 v24, v21;
	v21 =	vld [tilespmem:s8+$0x40]  }
0x271: {  	[tilespmem:s8+$0xFFFFFE90] =	vst v18;
	v18 =	vmul.f32 v25, v22;
	v24 =	vld [tilespmem:s8+$0x50]  }
0x272: {  	[tilespmem:s8+$0xFFFFFEA0] =	vst v2;
	v2 =	vmul.f32 v26, v22;
	v22 =	vld [tilespmem:s8+$0xD0]  }
0x273: {  	[tilespmem:s8+$0xFFFFFF20] =	vst v18;
	v16 =	vmul.f32 v16, v20;
	v18 =	vld [tilespmem:s8+$0xE0]  }
0x274: {  	[tilespmem:s8+$0xFFFFFF30] =	vst v2;
	v2 =	vmul.f32 v23, v20;
	v20 =	vld [tilespmem:s8+$0x160]  }
0x275: {  	[tilespmem:s8+$0xFFFFFFB0] =	vst v16;
	v16 =	vmul.f32 v21, v19;
	v21 =	vld [tilespmem:s8+$0x170]  }
0x276: {  	v15 =	vld.idx.msk [tilespmem:v15+s25+$0x0], $0xffff;
	[tilespmem:s8+$0xFFFFFFC0] =	vst v2;
	v2 =	vmul.f32 v24, v19  }
0x277: {  	v14 =	vld.idx.msk [tilespmem:v14+s25+$0x0], $0xffff;
	[tilespmem:s8+$0x40] =	vst v16;
	v16 =	vmul.f32 v22, v17  }
0x278: {  	v12 =	vld.idx.msk [tilespmem:v12+s25+$0x0], $0xffff;
	[tilespmem:s8+$0x50] =	vst v2;
	v2 =	vmul.f32 v18, v17  }
0x279: {  	v13 =	vld.idx.msk [tilespmem:v13+s25+$0x0], $0xffff;
	[tilespmem:s8+$0xD0] =	vst v16;
	v16 =	vmul.f32 v20, v0  }
0x27a: {  	v11 =	vld.idx.msk [tilespmem:v11+s25+$0x0], $0xffff;
	[tilespmem:s8+$0xE0] =	vst v2;
	v0 =	vmul.f32 v21, v0  }
0x27b: {  	v10 =	vld.idx.msk [tilespmem:v10+s25+$0x0], $0xffff;
	[tilespmem:s8+$0x160] =	vst v16  }
0x27c: {  	v2 =	vld [tilespmem:s8+$0xFFFFFE20];
	[tilespmem:s8+$0x170] =	vst v0  }
0x27d: {  	v0 =	vld.idx.msk [tilespmem:v9+s25+$0x0], $0xffff  }
0x27e: {  	v9 =	vld [tilespmem:s8+$0xFFFFFE30]  }
0x27f: {  	v16 =	vld [tilespmem:s8+$0xFFFFFEB0]  }
0x280: {  	v17 =	vld [tilespmem:s8+$0xFFFFFEC0]  }
0x281: {  	v2 =	vmul.f32 v2, v11;
	v18 =	vld [tilespmem:s8+$0xFFFFFF40]  }
0x282: {  	v19 =	vld [tilespmem:s8+$0xFFFFFF50]  }
0x283: {  	[tilespmem:s8+$0xFFFFFE20] =	vst v2;
	v2 =	vmul.f32 v9, v11;
	v9 =	vld [tilespmem:s8+$0xFFFFFFD0]  }
0x284: {  	v11 =	vmul.f32 v16, v15;
	v16 =	vld [tilespmem:s8+$0xFFFFFFE0]  }
0x285: {  	[tilespmem:s8+$0xFFFFFE30] =	vst v2;
	v2 =	vmul.f32 v17, v15;
	v15 =	vld [tilespmem:s8+$0x60]  }
0x286: {  	[tilespmem:s8+$0xFFFFFEB0] =	vst v11;
	v11 =	vmul.f32 v18, v14;
	v17 =	vld [tilespmem:s8+$0x70]  }
0x287: {  	[tilespmem:s8+$0xFFFFFEC0] =	vst v2;
	v2 =	vmul.f32 v19, v14;
	v14 =	vld [tilespmem:s8+$0xF0]  }
0x288: {  	[tilespmem:s8+$0xFFFFFF40] =	vst v11;
	v9 =	vmul.f32 v9, v12;
	v11 =	vld [tilespmem:s8+$0x100]  }
0x289: {  	[tilespmem:s8+$0xFFFFFF50] =	vst v2;
	v2 =	vmul.f32 v16, v12;
	v12 =	vld [tilespmem:s8+$0x180]  }
.Ltmp7:
0x28a: {  	[tilespmem:s8+$0xFFFFFFD0] =	vst v9;
	v15 =	vmul.f32 v15, v13;
	v9 =	vld [tilespmem:s8+$0x190];
	(pc) =	sbr.rel @p0 .LBB2_15-.Ltmp7, $4  }
0x28b: {  	v30 =	vld.idx.msk [tilespmem:v8+s25+$0x0], $0xffff;
	[tilespmem:s8+$0xFFFFFFE0] =	vst v2;
	v8 =	vmul.f32 v17, v13  }
0x28c: {  	v2 =	vld.idx.msk [tilespmem:v7+s25+$0x0], $0xffff;
	[tilespmem:s8+$0x60] =	vst v15;
	v7 =	vmul.f32 v14, v10  }
0x28d: {  	v31 =	vld.idx.msk [tilespmem:v6+s25+$0x0], $0xffff;
	[tilespmem:s8+$0x70] =	vst v8;
	v6 =	vmul.f32 v11, v10  }
0x28e: {  	s1 =	sadd.s32 $0x20, s1;
	v32 =	vld.idx.msk [tilespmem:v5+s25+$0x0], $0xffff;
	[tilespmem:s8+$0xF0] =	vst v7;
	v5 =	vmul.f32 v12, v0  }
0x28f: {  	_ =	sdelay $0x1  }
0x290: {  	[tilespmem:s8+$0x100] =	vst v6;
	v0 =	vmul.f32 v9, v0  }
0x291: {  	[tilespmem:s8+$0x180] =	vst v5  }
0x292: {  	[tilespmem:s8+$0x190] =	vst v0;
	v0 =	vld.idx.msk [tilespmem:v4+s25+$0x0], $0xffff  }
0x293: {  	v45 =	vnsel vm0, $0x0, v30;
	v3 =	vld.idx.msk [tilespmem:v3+s25+$0x0], $0xffff  }
0x294: {  	v46 =	vld.idx.msk [tilespmem:v63+s25+$0x0], $0xffff;
	v2 =	vnsel vm0, $0x0, v2;
	[tilespmem:s10+$0xFFFFFED0] =	vst v45  }
0x295: {  	v63 =	vnsel vm0, $0x0, v31;
	[tilespmem:s10+$0xFFFFFF60] =	vst v2  }
0x296: {  	p0 =	sgt.u32 s20, $0x7A;
	v2 =	vnsel vm0, $0x0, v32;
	[tilespmem:s10+$0xFFFFFFF0] =	vst v63  }
.Ltmp8:
0x297: {  	[tilespmem:s10+$0x80] =	vst v2;
	v0 =	vnsel vm0, $0x0, v0;
	(pc) =	sbr.rel @p0 .LBB2_28-.Ltmp8, $4  }
0x298: {  	v2 =	vnsel vm0, $0x0, v3;
	[tilespmem:s10+$0x110] =	vst v0  }
0x299: {  	v0 =	vnsel vm0, $0x0, v46;
	[tilespmem:s10+$0x1A0] =	vst v2  }
0x29a: {  	s0 =	simm.s32 $0x32F0;
	[tilespmem:s10+$0xFFFFFE40] =	vst v0  }
0x29b: {  	[spmem:s2] =	stream.indirect.scatter.add.f32 [tilespmem:s12], [sflag:$0x8], $0x90, s0, s30, $0xb8;
	[tilespmem:$0x1FCA0] =	vst v63  }
0x29c: {  	s0 =	sadd.s32 $0x2, s20  }
0x29d: {  	s1 =	smul.u32 $0xAB, s0;
	_ =	sdelay $0x1  }
0x29e: {  	s1 =	sshrl.u32 s1, $0x9  }
0x29f: {  	s1 =	sand.u32 $0x7F, s1  }
0x2a0: {  	s1 =	smul.u32 $0x3, s1;
	_ =	sdelay $0x1  }
0x2a1: {  	s3 =	sshll.u32 s0, $0x5;
	s0 =	ssub.s32 s0, s1  }
0x2a2: {  	s19 =	sor.u32 s7, s3;
	s3 =	sand.u32 $0xFF, s0  }
0x2a3: {  	p0 =	seq.s32 s3, $0x2  }
.Ltmp9:
0x2a4: {  	_ = 	snop;
	(pc) =	sbr.rel @p0 .LBB2_19-.Ltmp9, $4  }
0x2a5: {  	_ = 	snop  }
0x2a6: {  	s26 =	smul.u32 $0xA, s19  }
0x2a7: {  	s31 =	rddreg [dreg:$0x1]  }
0x2a8: {  	s1 =	sadd.s32 s31, s26  }
0x2a9: {  	p0 =	seq.s32 s3, $0x1  }
0x2aa: {  	s0 =	simm.s32 @!p0 $0x4  }
0x2ab: {  	_ =	swait.ge @!p0 [sflag:s0], $0x2D00  }
0x2ac: {  	[sflag:s0] =	ssyncset.done @!p0 $0x0  }
0x2ad: {  	s3 =	simm.s32 @!p0 $0x4E200;
	[sflag:s0] =	ssyncadd.s32 @!p0 $0xFFFFD300;
	s0 =	simm.s32 @!p0 $0x0  }
0x2ae: {  	[tilespmem:s0], [sflag:$0x1] =	stream.strided.gather @!p0 [hbm4b:s1+s30], $0xA0, s3, s30, $0x38;
	[tilespmem:$0x1FCA0] =	vst v63  }
0x2af: {  	s1 =	simm.s32 @!p0 $0x1  }
0x2b0: {  	_ =	swait.ge @!p0 [sflag:s1], $0xA0  }
0x2b1: {  	[sflag:s1] =	ssyncset.done @!p0 $0x0  }
0x2b2: {  	[sflag:s1] =	ssyncadd.s32 @!p0 $0xFFFFFF60  }
0x2b3: {  	[tilespmem:s28], [sflag:$0x2] =	stream.indirect.gather @!p0 [hbm4b:s5+s30], $0x90, s0, s30, $0xb8;
	[tilespmem:$0x1FCA0] =	vst v63  }
0x2b4: {  	s0 =	simm.s32 @p0 $0x8  }
0x2b5: {  	[tilespmem:s4], [sflag:$0x3] =	stream.indirect.gather @!p0 [hbm4b:s6+s30], $0x10, s30, s30, $0xb8;
	[tilespmem:$0x1FCA0] =	vst v63  }
0x2b6: {  	_ =	swait.ge @p0 [sflag:s0], $0x2D00  }
0x2b7: {  	[sflag:s0] =	ssyncset.done @p0 $0x0  }
0x2b8: {  	s3 =	simm.s32 @p0 $0x32A0;
	[sflag:s0] =	ssyncadd.s32 @p0 $0xFFFFD300;
	s0 =	simm.s32 @p0 $0x4E200  }
0x2b9: {  	[tilespmem:s3], [sflag:$0x5] =	stream.strided.gather @p0 [hbm4b:s1+s30], $0xA0, s0, s30, $0x38;
	[tilespmem:$0x1FCA0] =	vst v63  }
0x2ba: {  	s0 =	simm.s32 @p0 $0x5  }
0x2bb: {  	_ =	swait.ge @p0 [sflag:s0], $0xA0  }
.Ltmp10:
0x2bc: {  	[sflag:s0] =	ssyncset.done @p0 $0x0;
	(pc) =	sbr.rel .LBB2_28-.Ltmp10, $4  }
0x2bd: {  	[sflag:s0] =	ssyncadd.s32 @p0 $0xFFFFFF60  }
0x2be: {  	[tilespmem:s12], [sflag:$0x6] =	stream.indirect.gather @p0 [hbm4b:s5+s30], $0x90, s3, s30, $0xb8;
	[tilespmem:$0x1FCA0] =	vst v63  }
0x2bf: {  	s0 =	simm.s32 @p0 $0x32F0  }
0x2c0: {  	[tilespmem:s14], [sflag:$0x7] =	stream.indirect.gather @p0 [hbm4b:s6+s30], $0x10, s0, s30, $0xb8;
	[tilespmem:$0x1FCA0] =	vst v63  }
.LBB2_20:
0x2c1: {  	_ =	swait.ge [sflag:s15], $0x2D00  }
0x2c2: {  	[sflag:s15] =	ssyncset.done $0x0  }
0x2c3: {  	[sflag:s15] =	ssyncadd.s32 $0xFFFFD300  }
0x2c4: {  	_ =	swait.ge [sflag:s16], $0x500  }
0x2c5: {  	v0 =	vld [tilespmem:$0x1FD20];
	_ =	sdelay $0x4  }
0x2c6: {  	[sflag:s16] =	ssyncset.done $0x0  }
0x2c7: {  	[sflag:s16] =	ssyncadd.s32 $0xFFFFFB00  }
0x2c8: {  	v2 =	vld.idx.msk [tilespmem:v47+s24+$0x0], $0xffff  }
0x2c9: {  	v0 =	vld.idx.msk [tilespmem:v0+s17+$0x0], $0xffff;
	_ =	sdelay $0x4  }
0x2ca: {  	v0 =	vadd.f32 v2, v0;
	_ =	sdelay $0x1  }
0x2cb: {  	v2 =	vmul.f32 $2.000000030e-01, v0;
	_ =	sdelay $0x1  }
0x2cc: {  	v0 =	vmax.f32 v0, v2  }
0x2cd: {  	v0 =	vmul.f32 $1.442695020e+00, v0;
	_ =	sdelay $0x1  }
0x2ce: {  	(erf) = vpow2.f32 v0;
	_ =	sdelay $0x8  }
0x2cf: {  	v2 =	vld [tilespmem:$0x1FD40];
	v0 =	vpop (erf)  }
0x2d0: {  	[tilespmem:v48+s25+$0x0] =	vst.idx.msk $0xffff, v0;
	v0 =	vld [tilespmem:$0x1FD30];
	_ =	sdelay $0x6  }
0x2d1: {  	v2 =	vld.idx.msk [tilespmem:v2+s24+$0x0], $0xffff  }
0x2d2: {  	v0 =	vld.idx.msk [tilespmem:v0+s17+$0x0], $0xffff;
	_ =	sdelay $0x4  }
0x2d3: {  	v0 =	vadd.f32 v2, v0;
	_ =	sdelay $0x1  }
0x2d4: {  	v2 =	vmul.f32 $2.000000030e-01, v0;
	_ =	sdelay $0x1  }
0x2d5: {  	v0 =	vmax.f32 v0, v2  }
0x2d6: {  	v0 =	vmul.f32 $1.442695020e+00, v0;
	_ =	sdelay $0x1  }
0x2d7: {  	(erf) = vpow2.f32 v0;
	_ =	sdelay $0x1  }
0x2d8: {  	v2 =	vld [tilespmem:$0x1FD50];
	_ =	sdelay $0x6  }
0x2d9: {  	v0 =	vpop (erf)  }
0x2da: {  	[tilespmem:v2+s25+$0x0] =	vst.idx.msk $0xffff, v0;
	v0 =	vld [tilespmem:$0x1FD60]  }
0x2db: {  	v2 =	vld [tilespmem:$0x1FD70];
	_ =	sdelay $0x6  }
0x2dc: {  	v0 =	vld.idx.msk [tilespmem:v0+s17+$0x0], $0xffff  }
0x2dd: {  	v2 =	vld.idx.msk [tilespmem:v2+s24+$0x0], $0xffff;
	_ =	sdelay $0x4  }
0x2de: {  	v0 =	vadd.f32 v2, v0;
	_ =	sdelay $0x1  }
0x2df: {  	v2 =	vmul.f32 $2.000000030e-01, v0;
	_ =	sdelay $0x1  }
0x2e0: {  	v0 =	vmax.f32 v0, v2  }
0x2e1: {  	v0 =	vmul.f32 $1.442695020e+00, v0;
	_ =	sdelay $0x1  }
0x2e2: {  	(erf) = vpow2.f32 v0;
	_ =	sdelay $0x1  }
0x2e3: {  	v2 =	vld [tilespmem:$0x1FD80];
	_ =	sdelay $0x6  }
0x2e4: {  	v0 =	vpop (erf)  }
0x2e5: {  	[tilespmem:v2+s25+$0x0] =	vst.idx.msk $0xffff, v0;
	v0 =	vld [tilespmem:$0x1FD90]  }
0x2e6: {  	v2 =	vld [tilespmem:$0x1FDA0];
	_ =	sdelay $0x6  }
0x2e7: {  	v0 =	vld.idx.msk [tilespmem:v0+s17+$0x0], $0xffff  }
0x2e8: {  	v2 =	vld.idx.msk [tilespmem:v2+s24+$0x0], $0xffff;
	_ =	sdelay $0x4  }
0x2e9: {  	v0 =	vadd.f32 v2, v0;
	_ =	sdelay $0x1  }
0x2ea: {  	v2 =	vmul.f32 $2.000000030e-01, v0;
	_ =	sdelay $0x1  }
0x2eb: {  	v0 =	vmax.f32 v0, v2  }
0x2ec: {  	v0 =	vmul.f32 $1.442695020e+00, v0;
	_ =	sdelay $0x1  }
0x2ed: {  	(erf) = vpow2.f32 v0;
	_ =	sdelay $0x1  }
0x2ee: {  	v2 =	vld [tilespmem:$0x1FDB0];
	_ =	sdelay $0x6  }
0x2ef: {  	v0 =	vpop (erf)  }
0x2f0: {  	[tilespmem:v2+s25+$0x0] =	vst.idx.msk $0xffff, v0;
	v0 =	vld [tilespmem:$0x1FDC0]  }
0x2f1: {  	v2 =	vld [tilespmem:$0x1FDD0];
	_ =	sdelay $0x6  }
0x2f2: {  	v0 =	vld.idx.msk [tilespmem:v0+s17+$0x0], $0xffff  }
0x2f3: {  	v2 =	vld.idx.msk [tilespmem:v2+s24+$0x0], $0xffff;
	_ =	sdelay $0x4  }
0x2f4: {  	v0 =	vadd.f32 v2, v0;
	_ =	sdelay $0x1  }
0x2f5: {  	v2 =	vmul.f32 $2.000000030e-01, v0;
	_ =	sdelay $0x1  }
0x2f6: {  	v0 =	vmax.f32 v0, v2  }
0x2f7: {  	v0 =	vmul.f32 $1.442695020e+00, v0;
	_ =	sdelay $0x1  }
0x2f8: {  	(erf) = vpow2.f32 v0;
	_ =	sdelay $0x1  }
0x2f9: {  	v2 =	vld [tilespmem:$0x1FDE0];
	_ =	sdelay $0x6  }
0x2fa: {  	v0 =	vpop (erf)  }
0x2fb: {  	[tilespmem:v2+s25+$0x0] =	vst.idx.msk $0xffff, v0;
	v0 =	vld [tilespmem:$0x1FDF0]  }
0x2fc: {  	v2 =	vld [tilespmem:$0x1FE00];
	_ =	sdelay $0x6  }
0x2fd: {  	v0 =	vld.idx.msk [tilespmem:v0+s17+$0x0], $0xffff  }
0x2fe: {  	v2 =	vld.idx.msk [tilespmem:v2+s24+$0x0], $0xffff;
	_ =	sdelay $0x4  }
0x2ff: {  	v0 =	vadd.f32 v2, v0;
	_ =	sdelay $0x1  }
0x300: {  	v2 =	vmul.f32 $2.000000030e-01, v0;
	_ =	sdelay $0x1  }
0x301: {  	v0 =	vmax.f32 v0, v2  }
0x302: {  	v0 =	vmul.f32 $1.442695020e+00, v0;
	_ =	sdelay $0x1  }
0x303: {  	(erf) = vpow2.f32 v0;
	_ =	sdelay $0x1  }
0x304: {  	v2 =	vld [tilespmem:$0x1FE10];
	_ =	sdelay $0x6  }
0x305: {  	v0 =	vpop (erf)  }
0x306: {  	[tilespmem:v2+s25+$0x0] =	vst.idx.msk $0xffff, v0;
	v0 =	vld [tilespmem:$0x1FE20];
	_ =	sdelay $0x6  }
0x307: {  	v2 =	vld.idx.msk [tilespmem:v56+s24+$0x0], $0xffff  }
0x308: {  	v0 =	vld.idx.msk [tilespmem:v0+s17+$0x0], $0xffff;
	_ =	sdelay $0x4  }
0x309: {  	v0 =	vadd.f32 v2, v0;
	_ =	sdelay $0x1  }
0x30a: {  	v2 =	vmul.f32 $2.000000030e-01, v0;
	_ =	sdelay $0x1  }
0x30b: {  	v0 =	vmax.f32 v0, v2  }
0x30c: {  	v0 =	vmul.f32 $1.442695020e+00, v0;
	_ =	sdelay $0x1  }
0x30d: {  	(erf) = vpow2.f32 v0;
	_ =	sdelay $0x1  }
0x30e: {  	v2 =	vld [tilespmem:$0x1FE30];
	_ =	sdelay $0x6  }
0x30f: {  	v0 =	vpop (erf)  }
0x310: {  	[tilespmem:v2+s25+$0x0] =	vst.idx.msk $0xffff, v0;
	v0 =	vld [tilespmem:$0x1FE40]  }
0x311: {  	v2 =	vld [tilespmem:$0x1FE50];
	_ =	sdelay $0x6  }
0x312: {  	v0 =	vld.idx.msk [tilespmem:v0+s17+$0x0], $0xffff  }
0x313: {  	v2 =	vld.idx.msk [tilespmem:v2+s24+$0x0], $0xffff;
	_ =	sdelay $0x4  }
0x314: {  	v0 =	vadd.f32 v2, v0;
	_ =	sdelay $0x1  }
0x315: {  	v2 =	vmul.f32 $2.000000030e-01, v0;
	_ =	sdelay $0x1  }
0x316: {  	v0 =	vmax.f32 v0, v2  }
0x317: {  	v0 =	vmul.f32 $1.442695020e+00, v0;
	_ =	sdelay $0x1  }
0x318: {  	(erf) = vpow2.f32 v0;
	_ =	sdelay $0x1  }
0x319: {  	v2 =	vld [tilespmem:$0x1FE60];
	_ =	sdelay $0x6  }
0x31a: {  	v0 =	vpop (erf)  }
0x31b: {  	[tilespmem:v2+s25+$0x0] =	vst.idx.msk $0xffff, v0;
	v0 =	vld [tilespmem:$0x1FE70]  }
0x31c: {  	v2 =	vld [tilespmem:$0x1FE80];
	_ =	sdelay $0x6  }
0x31d: {  	v0 =	vld.idx.msk [tilespmem:v0+s17+$0x0], $0xffff  }
0x31e: {  	v2 =	vld.idx.msk [tilespmem:v2+s24+$0x0], $0xffff;
	_ =	sdelay $0x4  }
0x31f: {  	v0 =	vadd.f32 v2, v0;
	_ =	sdelay $0x1  }
0x320: {  	v2 =	vmul.f32 $2.000000030e-01, v0;
	_ =	sdelay $0x1  }
0x321: {  	v0 =	vmax.f32 v0, v2  }
0x322: {  	v0 =	vmul.f32 $1.442695020e+00, v0;
	_ =	sdelay $0x1  }
0x323: {  	(erf) = vpow2.f32 v0;
	_ =	sdelay $0x1  }
0x324: {  	v2 =	vld [tilespmem:$0x1FE90];
	_ =	sdelay $0x6  }
0x325: {  	v0 =	vpop (erf)  }
0x326: {  	[tilespmem:v2+s25+$0x0] =	vst.idx.msk $0xffff, v0;
	v0 =	vld [tilespmem:$0x1FEA0]  }
0x327: {  	v2 =	vld [tilespmem:$0x1FEB0];
	_ =	sdelay $0x6  }
0x328: {  	v0 =	vld.idx.msk [tilespmem:v0+s17+$0x0], $0xffff  }
0x329: {  	v2 =	vld.idx.msk [tilespmem:v2+s24+$0x0], $0xffff;
	_ =	sdelay $0x4  }
0x32a: {  	v0 =	vadd.f32 v2, v0;
	_ =	sdelay $0x1  }
0x32b: {  	v2 =	vmul.f32 $2.000000030e-01, v0;
	_ =	sdelay $0x1  }
0x32c: {  	v0 =	vmax.f32 v0, v2  }
0x32d: {  	v0 =	vmul.f32 $1.442695020e+00, v0;
	_ =	sdelay $0x1  }
0x32e: {  	(erf) = vpow2.f32 v0;
	_ =	sdelay $0x1  }
0x32f: {  	v2 =	vld [tilespmem:$0x1FEC0];
	_ =	sdelay $0x6  }
0x330: {  	v0 =	vpop (erf)  }
0x331: {  	[tilespmem:v2+s25+$0x0] =	vst.idx.msk $0xffff, v0;
	v0 =	vld [tilespmem:$0x1FED0]  }
0x332: {  	v2 =	vld [tilespmem:$0x1FEE0];
	_ =	sdelay $0x6  }
0x333: {  	v0 =	vld.idx.msk [tilespmem:v0+s17+$0x0], $0xffff  }
0x334: {  	v2 =	vld.idx.msk [tilespmem:v2+s24+$0x0], $0xffff;
	_ =	sdelay $0x4  }
0x335: {  	v0 =	vadd.f32 v2, v0;
	_ =	sdelay $0x1  }
0x336: {  	v2 =	vmul.f32 $2.000000030e-01, v0;
	_ =	sdelay $0x1  }
0x337: {  	v0 =	vmax.f32 v0, v2  }
0x338: {  	v0 =	vmul.f32 $1.442695020e+00, v0;
	_ =	sdelay $0x1  }
0x339: {  	(erf) = vpow2.f32 v0;
	_ =	sdelay $0x1  }
0x33a: {  	v2 =	vld [tilespmem:$0x1FEF0];
	_ =	sdelay $0x6  }
0x33b: {  	v0 =	vpop (erf)  }
0x33c: {  	[tilespmem:v2+s25+$0x0] =	vst.idx.msk $0xffff, v0;
	v0 =	vld [tilespmem:$0x1FF00]  }
0x33d: {  	v2 =	vld [tilespmem:$0x1FF10];
	_ =	sdelay $0x6  }
0x33e: {  	v0 =	vld.idx.msk [tilespmem:v0+s17+$0x0], $0xffff  }
0x33f: {  	v2 =	vld.idx.msk [tilespmem:v2+s24+$0x0], $0xffff;
	_ =	sdelay $0x4  }
0x340: {  	v0 =	vadd.f32 v2, v0;
	_ =	sdelay $0x1  }
0x341: {  	v2 =	vmul.f32 $2.000000030e-01, v0;
	_ =	sdelay $0x1  }
0x342: {  	v0 =	vmax.f32 v0, v2  }
0x343: {  	v0 =	vmul.f32 $1.442695020e+00, v0;
	_ =	sdelay $0x1  }
0x344: {  	(erf) = vpow2.f32 v0;
	_ =	sdelay $0x1  }
0x345: {  	v2 =	vld [tilespmem:$0x1FF20];
	_ =	sdelay $0x6  }
0x346: {  	v0 =	vpop (erf)  }
0x347: {  	[tilespmem:v2+s25+$0x0] =	vst.idx.msk $0xffff, v0;
	v0 =	vld [tilespmem:$0x1FF30]  }
0x348: {  	v2 =	vld [tilespmem:$0x1FF40];
	_ =	sdelay $0x6  }
0x349: {  	v0 =	vld.idx.msk [tilespmem:v0+s17+$0x0], $0xffff  }
0x34a: {  	v2 =	vld.idx.msk [tilespmem:v2+s24+$0x0], $0xffff;
	_ =	sdelay $0x4  }
0x34b: {  	v0 =	vadd.f32 v2, v0;
	_ =	sdelay $0x1  }
0x34c: {  	v2 =	vmul.f32 $2.000000030e-01, v0;
	_ =	sdelay $0x1  }
0x34d: {  	v0 =	vmax.f32 v0, v2  }
0x34e: {  	v0 =	vmul.f32 $1.442695020e+00, v0;
	_ =	sdelay $0x1  }
0x34f: {  	(erf) = vpow2.f32 v0;
	_ =	sdelay $0x1  }
0x350: {  	v2 =	vld [tilespmem:$0x1FF50];
	_ =	sdelay $0x6  }
0x351: {  	v0 =	vpop (erf)  }
0x352: {  	[tilespmem:v2+s25+$0x0] =	vst.idx.msk $0xffff, v0;
	v0 =	vld [tilespmem:$0x1FF60]  }
0x353: {  	v2 =	vld [tilespmem:$0x1FF70];
	_ =	sdelay $0x6  }
0x354: {  	v0 =	vld.idx.msk [tilespmem:v0+s17+$0x0], $0xffff  }
0x355: {  	v2 =	vld.idx.msk [tilespmem:v2+s24+$0x0], $0xffff;
	_ =	sdelay $0x4  }
0x356: {  	v0 =	vadd.f32 v2, v0;
	_ =	sdelay $0x1  }
0x357: {  	v2 =	vmul.f32 $2.000000030e-01, v0;
	_ =	sdelay $0x1  }
0x358: {  	v0 =	vmax.f32 v0, v2  }
0x359: {  	v0 =	vmul.f32 $1.442695020e+00, v0;
	_ =	sdelay $0x1  }
0x35a: {  	(erf) = vpow2.f32 v0;
	_ =	sdelay $0x1  }
0x35b: {  	v2 =	vld [tilespmem:$0x1FF80];
	_ =	sdelay $0x6  }
0x35c: {  	v0 =	vpop (erf)  }
0x35d: {  	[tilespmem:v2+s25+$0x0] =	vst.idx.msk $0xffff, v0;
	v0 =	vld [tilespmem:$0x1FF90]  }
0x35e: {  	v2 =	vld [tilespmem:$0x1FFA0];
	_ =	sdelay $0x6  }
0x35f: {  	v0 =	vld.idx.msk [tilespmem:v0+s17+$0x0], $0xffff  }
0x360: {  	v2 =	vld.idx.msk [tilespmem:v2+s24+$0x0], $0xffff;
	_ =	sdelay $0x4  }
0x361: {  	v0 =	vadd.f32 v2, v0;
	_ =	sdelay $0x1  }
0x362: {  	v2 =	vmul.f32 $2.000000030e-01, v0;
	_ =	sdelay $0x1  }
0x363: {  	v0 =	vmax.f32 v0, v2  }
0x364: {  	v0 =	vmul.f32 $1.442695020e+00, v0;
	_ =	sdelay $0x1  }
0x365: {  	(erf) = vpow2.f32 v0;
	_ =	sdelay $0x1  }
0x366: {  	v2 =	vld [tilespmem:$0x1FFB0];
	_ =	sdelay $0x6  }
0x367: {  	v0 =	vpop (erf)  }
0x368: {  	[tilespmem:v2+s25+$0x0] =	vst.idx.msk $0xffff, v0;
	v0 =	vld [tilespmem:$0x1FFC0]  }
0x369: {  	v2 =	vld [tilespmem:$0x1FFD0];
	_ =	sdelay $0x6  }
0x36a: {  	v0 =	vld.idx.msk [tilespmem:v0+s17+$0x0], $0xffff  }
0x36b: {  	v2 =	vld.idx.msk [tilespmem:v2+s24+$0x0], $0xffff;
	_ =	sdelay $0x4  }
0x36c: {  	v0 =	vadd.f32 v2, v0;
	_ =	sdelay $0x1  }
0x36d: {  	v2 =	vmul.f32 $2.000000030e-01, v0;
	_ =	sdelay $0x1  }
0x36e: {  	v0 =	vmax.f32 v0, v2  }
0x36f: {  	v0 =	vmul.f32 $1.442695020e+00, v0;
	_ =	sdelay $0x1  }
0x370: {  	(erf) = vpow2.f32 v0;
	_ =	sdelay $0x1  }
0x371: {  	v2 =	vld [tilespmem:$0x1FFE0];
	_ =	sdelay $0x6  }
0x372: {  	v0 =	vpop (erf)  }
0x373: {  	[tilespmem:v2+s25+$0x0] =	vst.idx.msk $0xffff, v0;
	v0 =	vld [tilespmem:$0x1FFF0];
	_ =	sdelay $0x6  }
0x374: {  	v2 =	vld.idx.msk [tilespmem:v49+s24+$0x0], $0xffff  }
0x375: {  	v0 =	vld.idx.msk [tilespmem:v0+s17+$0x0], $0xffff;
	_ =	sdelay $0x4  }
0x376: {  	v0 =	vadd.f32 v2, v0;
	_ =	sdelay $0x1  }
0x377: {  	v2 =	vmul.f32 $2.000000030e-01, v0;
	_ =	sdelay $0x1  }
0x378: {  	v0 =	vmax.f32 v0, v2  }
0x379: {  	v0 =	vmul.f32 $1.442695020e+00, v0;
	_ =	sdelay $0x1  }
0x37a: {  	(erf) = vpow2.f32 v0;
	_ =	sdelay $0x8  }
0x37b: {  	v0 =	vpop (erf)  }
0x37c: {  	[tilespmem:v54+s25+$0x0] =	vst.idx.msk $0xffff, v0  }
0x37d: {  	v0 =	vld.idx.msk [tilespmem:v50+s17+$0x0], $0xffff  }
0x37e: {  	v2 =	vld.idx.msk [tilespmem:v51+s24+$0x0], $0xffff;
	_ =	sdelay $0x4  }
0x37f: {  	v0 =	vadd.f32 v2, v0;
	_ =	sdelay $0x1  }
0x380: {  	v2 =	vmul.f32 $2.000000030e-01, v0;
	_ =	sdelay $0x1  }
0x381: {  	v0 =	vmax.f32 v0, v2  }
0x382: {  	v0 =	vmul.f32 $1.442695020e+00, v0;
	_ =	sdelay $0x1  }
0x383: {  	(erf) = vpow2.f32 v0;
	_ =	sdelay $0x8  }
0x384: {  	v0 =	vpop (erf)  }
0x385: {  	[tilespmem:v52+s25+$0x0] =	vst.idx.msk $0xffff, v0  }
0x386: {  	v0 =	vld.idx.msk [tilespmem:v53+s17+$0x0], $0xffff  }
0x387: {  	v2 =	vld.idx.msk [tilespmem:v55+s24+$0x0], $0xffff;
	_ =	sdelay $0x4  }
0x388: {  	v0 =	vadd.f32 v2, v0;
	_ =	sdelay $0x1  }
0x389: {  	v2 =	vmul.f32 $2.000000030e-01, v0;
	_ =	sdelay $0x1  }
0x38a: {  	v0 =	vmax.f32 v0, v2  }
0x38b: {  	v0 =	vmul.f32 $1.442695020e+00, v0;
	_ =	sdelay $0x1  }
0x38c: {  	(erf) = vpow2.f32 v0;
	_ =	sdelay $0x8  }
0x38d: {  	v0 =	vpop (erf)  }
0x38e: {  	[tilespmem:v57+s25+$0x0] =	vst.idx.msk $0xffff, v0  }
0x38f: {  	v0 =	vld.idx.msk [tilespmem:v58+s17+$0x0], $0xffff  }
0x390: {  	v2 =	vld.idx.msk [tilespmem:v59+s24+$0x0], $0xffff;
	_ =	sdelay $0x4  }
0x391: {  	v0 =	vadd.f32 v2, v0;
	_ =	sdelay $0x1  }
0x392: {  	v2 =	vmul.f32 $2.000000030e-01, v0;
	_ =	sdelay $0x1  }
0x393: {  	v0 =	vmax.f32 v0, v2  }
0x394: {  	v0 =	vmul.f32 $1.442695020e+00, v0;
	_ =	sdelay $0x1  }
0x395: {  	(erf) = vpow2.f32 v0;
	_ =	sdelay $0x4  }
0x396: {  	s1 =	simm.s32 $0x0  }
0x397: {  	s3 =	simm.s32 $0x1C;
	v3 =	vmov s1  }
0x398: {  	v0 =	vmov s3;
	_ =	sdelay $0x1  }
0x399: {  	s31 =	simm.s32 $0x4;
	v2 =	vpop (erf)  }
0x39a: {  	s13 =	simm.s32 $0x8;
	v9 =	vmov s31;
	[tilespmem:v60+s25+$0x0] =	vst.idx.msk $0xffff, v2  }
0x39b: {  	s9 =	simm.s32 $0xC;
	v6 =	vmov s13;
	v2 =	vld.idx.msk [tilespmem:v3+s25+$0x0], $0xffff  }
0x39c: {  	s8 =	simm.s32 $0x6820;
	s19 =	simm.s32 $0x10;
	v8 =	vmov s9;
	v10 =	vld.idx.msk [tilespmem:v0+s25+$0x0], $0xffff  }
0x39d: {  	s10 =	simm.s32 $0x14;
	v7 =	vmov s19;
	v11 =	vld [tilespmem:s8+$0x1B0]  }
0x39e: {  	v5 =	vmov s10;
	v12 =	vld [tilespmem:s8+$0x1C0]  }
0x39f: {  	v13 =	vld.idx.msk [tilespmem:v9+s25+$0x0], $0xffff  }
0x3a0: {  	v14 =	vld.idx.msk [tilespmem:v6+s25+$0x0], $0xffff  }
0x3a1: {  	v15 =	vld.idx.msk [tilespmem:v8+s25+$0x0], $0xffff  }
0x3a2: {  	v17 =	vld.idx.msk [tilespmem:v7+s25+$0x0], $0xffff  }
0x3a3: {  	v18 =	vld.idx.msk [tilespmem:v5+s25+$0x0], $0xffff  }
0x3a4: {  	v40 =	vld [tilespmem:s8+$0x1D0]  }
0x3a5: {  	v19 =	vld [tilespmem:s8+$0x1E0]  }
0x3a6: {  	v20 =	vld [tilespmem:s8+$0xFFFFFDD0]  }
0x3a7: {  	v21 =	vld [tilespmem:s8+$0xFFFFFE50]  }
0x3a8: {  	v22 =	vld [tilespmem:s8+$0xFFFFFE60]  }
0x3a9: {  	v16 =	vor.u32 $0x5, v0;
	v24 =	vld [tilespmem:s8+$0xFFFFFEE0]  }
0x3aa: {  	v25 =	vld [tilespmem:s8+$0xFFFFFEF0];
	v11 =	vmul.f32 v11, v10  }
0x3ab: {  	v41 =	vld [tilespmem:s8+$0xFFFFFF70];
	v10 =	vmul.f32 v12, v10  }
0x3ac: {  	v42 =	vld [tilespmem:s8+$0xFFFFFF80];
	[tilespmem:s8+$0x1B0] =	vst v11  }
0x3ad: {  	v43 =	vld [tilespmem:s8+$0x1F0];
	[tilespmem:s8+$0x1C0] =	vst v10  }
0x3ae: {  	v10 =	vld.idx.msk [tilespmem:v16+s25+$0x0], $0xffff  }
0x3af: {  	v44 =	vld [tilespmem:s8+$0x200]  }
0x3b0: {  	v46 =	vld [tilespmem:s8+$0x0]  }
0x3b1: {  	v63 =	vld [tilespmem:s8+$0x10]  }
0x3b2: {  	v23 =	vor.u32 $0x6, v0;
	v11 =	vld [tilespmem:s8+$0xFFFFFDC0]  }
0x3b3: {  	v32 =	vld [tilespmem:s8+$0x90];
	v16 =	vmul.f32 v40, v10  }
0x3b4: {  	v33 =	vld [tilespmem:s8+$0xA0];
	v10 =	vmul.f32 v19, v10  }
0x3b5: {  	s26 =	simm.s32 $0x18;
	v34 =	vld [tilespmem:s8+$0x120];
	[tilespmem:s8+$0x1D0] =	vst v16  }
0x3b6: {  	v4 =	vmov s26;
	v36 =	vld [tilespmem:s8+$0x130];
	[tilespmem:s8+$0x1E0] =	vst v10  }
0x3b7: {  	v10 =	vmul.f32 v11, v2;
	v11 =	vld.idx.msk [tilespmem:v23+s25+$0x0], $0xffff  }
0x3b8: {  	v39 =	vld [tilespmem:s8+$0x210]  }
0x3b9: {  	v26 =	vld [tilespmem:s8+$0xFFFFFF10]  }
0x3ba: {  	v27 =	vld [tilespmem:s8+$0xFFFFFF90];
	v21 =	vmul.f32 v21, v13  }
0x3bb: {  	v0 =	vor.u32 $0x7, v0;
	v12 =	vld.idx.msk [tilespmem:v4+s25+$0x0], $0xffff;
	v45 =	vmul.f32 v24, v14;
	v14 =	vmul.f32 v25, v14  }
0x3bc: {  	v35 =	vor.u32 $0x1, v6;
	v24 =	vld [tilespmem:s8+$0xFFFFFE80];
	[tilespmem:s8+$0xFFFFFE50] =	vst v21;
	v23 =	vmul.f32 v43, v11  }
0x3bd: {  	v25 =	vld [tilespmem:s8+$0xFFFFFF00];
	[tilespmem:s8+$0xFFFFFEF0] =	vst v14;
	v11 =	vmul.f32 v44, v11  }
0x3be: {  	v14 =	vmul.f32 v33, v18;
	v33 =	vld [tilespmem:s8+$0xFFFFFFA0];
	[tilespmem:s8+$0x1F0] =	vst v23  }
0x3bf: {  	v21 =	vmul.f32 v32, v18;
	v19 =	vmul.f32 v41, v15;
	v41 =	vld [tilespmem:s8+$0x220];
	[tilespmem:s8+$0x200] =	vst v11  }
0x3c0: {  	[tilespmem:s8+$0xFFFFFEE0] =	vst v45;
	v15 =	vmul.f32 v42, v15;
	v42 =	vor.u32 $0x1, v3;
	v0 =	vld.idx.msk [tilespmem:v0+s25+$0x0], $0xffff  }
0x3c1: {  	v38 =	vor.u32 $0x5, v5;
	[tilespmem:s8+$0x90] =	vst v21;
	v16 =	vld.idx.msk [tilespmem:v35+s25+$0x0], $0xffff;
	v2 =	vmul.f32 v20, v2  }
0x3c2: {  	[tilespmem:s8+$0xFFFFFDC0] =	vst v10;
	v10 =	vmul.f32 v22, v13;
	v22 =	vmul.f32 v46, v17;
	v46 =	vld [tilespmem:s8+$0xFFFFFDE0]  }
0x3c3: {  	v17 =	vmul.f32 v63, v17;
	[tilespmem:s8+$0xFFFFFDD0] =	vst v2;
	v63 =	vld [tilespmem:s8+$0xFFFFFE70]  }
0x3c4: {  	v13 =	vmul.f32 v34, v12;
	v12 =	vmul.f32 v36, v12;
	v36 =	vld [tilespmem:s8+$0x30];
	[tilespmem:s8+$0xFFFFFE60] =	vst v10;
	v10 =	vor.u32 $0x5, v9  }
0x3c5: {  	v37 =	vor.u32 $0x1, v7;
	[tilespmem:s8+$0xA0] =	vst v14;
	v45 =	vld.idx.msk [tilespmem:v42+s25+$0x0], $0xffff;
	v44 =	vmul.f32 v39, v0;
	v0 =	vmul.f32 v41, v0  }
0x3c6: {  	v40 =	vor.u32 $0x1, v4;
	[tilespmem:s8+$0x130] =	vst v12;
	v12 =	vld.idx.msk [tilespmem:v38+s25+$0x0], $0xffff  }
0x3c7: {  	[tilespmem:s8+$0x220] =	vst v0;
	v0 =	vld [tilespmem:s8+$0xFFFFFDF0]  }
0x3c8: {  	[tilespmem:s8+$0x0] =	vst v22;
	v38 =	vld [tilespmem:s8+$0xB0];
	v11 =	vor.u32 $0x5, v8  }
0x3c9: {  	[tilespmem:s8+$0x10] =	vst v17;
	v10 =	vld.idx.msk [tilespmem:v10+s25+$0x0], $0xffff  }
0x3ca: {  	[tilespmem:s8+$0x120] =	vst v13;
	v13 =	vld.idx.msk [tilespmem:v37+s25+$0x0], $0xffff  }
0x3cb: {  	[tilespmem:s8+$0xFFFFFF70] =	vst v19;
	v2 =	vld.idx.msk [tilespmem:v40+s25+$0x0], $0xffff;
	v35 =	vmul.f32 v25, v16  }
0x3cc: {  	[tilespmem:s8+$0xFFFFFF80] =	vst v15;
	v25 =	vld [tilespmem:s8+$0xFFFFFE90];
	v43 =	vor.u32 s3, v62;
	v0 =	vmul.f32 v0, v45  }
0x3cd: {  	[tilespmem:s8+$0xFFFFFF00] =	vst v35;
	v11 =	vld.idx.msk [tilespmem:v11+s25+$0x0], $0xffff  }
0x3ce: {  	v35 =	vld [tilespmem:s8+$0x40];
	[tilespmem:s8+$0xFFFFFDF0] =	vst v0;
	v0 =	vmul.f32 v24, v10  }
0x3cf: {  	v41 =	vld [tilespmem:s8+$0xC0];
	[tilespmem:s8+$0x210] =	vst v44  }
0x3d0: {  	v44 =	vld [tilespmem:s8+$0x150];
	[tilespmem:s8+$0xFFFFFE80] =	vst v0;
	v0 =	vmul.f32 v26, v16  }
0x3d1: {  	v32 =	vmul.f32 v63, v10;
	v14 =	vld.idx.msk [tilespmem:v43+s25+$0x0], $0xffff;
	v43 =	vor.u32 $0x2, v3  }
0x3d2: {  	v40 =	vmul.f32 v27, v11;
	[tilespmem:s8+$0xFFFFFF10] =	vst v0;
	v0 =	vmul.f32 v33, v11;
	v11 =	vld [tilespmem:s8+$0x140]  }
0x3d3: {  	v15 =	vmul.f32 v46, v45;
	[tilespmem:s8+$0xFFFFFE70] =	vst v32;
	v32 =	vld [tilespmem:s8+$0xFFFFFF30]  }
0x3d4: {  	v27 =	vld [tilespmem:s8+$0xFFFFFF20]  }
0x3d5: {  	[tilespmem:s8+$0xFFFFFDE0] =	vst v15;
	v10 =	vld [tilespmem:s8+$0x20]  }
0x3d6: {  	v34 =	vor.u32 $0x6, v9;
	v24 =	vld.idx.msk [tilespmem:v43+s25+$0x0], $0xffff  }
0x3d7: {  	v26 =	vld [tilespmem:s8+$0xFFFFFEA0];
	v11 =	vmul.f32 v11, v2  }
0x3d8: {  	[tilespmem:s8+$0xFFFFFF90] =	vst v40;
	v16 =	vmul.f32 v38, v12;
	v38 =	vld [tilespmem:s8+$0x160];
	v2 =	vmul.f32 v44, v2  }
0x3d9: {  	v37 =	vor.u32 $0x2, v6;
	[tilespmem:s8+$0x140] =	vst v11;
	v11 =	vld [tilespmem:s8+$0xFFFFFE00]  }
0x3da: {  	v45 =	vor.u32 $0x6, v5;
	v12 =	vmul.f32 v41, v12;
	[tilespmem:s8+$0x150] =	vst v2;
	v2 =	vld [tilespmem:s8+$0xFFFFFE10]  }
0x3db: {  	v39 =	vor.u32 $0x6, v8;
	v19 =	vld.idx.msk [tilespmem:v34+s25+$0x0], $0xffff;
	[tilespmem:s8+$0xB0] =	vst v16  }
0x3dc: {  	v34 =	vld [tilespmem:s8+$0xFFFFFFC0];
	[tilespmem:s8+$0xC0] =	vst v12;
	v10 =	vmul.f32 v10, v13  }
0x3dd: {  	v42 =	vor.u32 $0x2, v7;
	v33 =	vld [tilespmem:s8+$0xFFFFFFB0];
	[tilespmem:s8+$0xFFFFFFA0] =	vst v0;
	v0 =	vmul.f32 v36, v13  }
0x3de: {  	[tilespmem:s8+$0x20] =	vst v10;
	v10 =	vld.idx.msk [tilespmem:v37+s25+$0x0], $0xffff;
	v11 =	vmul.f32 v11, v24  }
0x3df: {  	v12 =	vld.idx.msk [tilespmem:v45+s25+$0x0], $0xffff;
	[tilespmem:s8+$0x30] =	vst v0;
	v2 =	vmul.f32 v2, v24  }
0x3e0: {  	v46 =	vld.idx.msk [tilespmem:v39+s25+$0x0], $0xffff;
	v0 =	vor.u32 $0x2, v4;
	[tilespmem:s8+$0xFFFFFE00] =	vst v11;
	v11 =	vmul.f32 v25, v19  }
0x3e1: {  	v36 =	vld [tilespmem:s8+$0x50];
	[tilespmem:s8+$0xFFFFFE10] =	vst v2;
	v2 =	vmul.f32 v26, v19  }
0x3e2: {  	v63 =	vld.idx.msk [tilespmem:v42+s25+$0x0], $0xffff;
	[tilespmem:s8+$0xFFFFFE90] =	vst v11  }
0x3e3: {  	v11 =	vmul.f32 v27, v10;
	[tilespmem:s8+$0xFFFFFEA0] =	vst v2;
	v2 =	vor.u32 $0x3, v6;
	v6 =	vmul.f32 v32, v10;
	v10 =	vld [tilespmem:s8+$0xD0]  }
0x3e4: {  	v8 =	vor.u32 $0x7, v8;
	v37 =	vld [tilespmem:s8+$0xE0]  }
0x3e5: {  	v0 =	vld.idx.msk [tilespmem:v0+s25+$0x0], $0xffff;
	[tilespmem:s8+$0xFFFFFF30] =	vst v6;
	v6 =	vor.u32 $0x3, v7;
	v7 =	vmul.f32 v34, v46  }
0x3e6: {  	v3 =	vor.u32 $0x3, v3;
	v39 =	vld [tilespmem:s8+$0x170];
	[tilespmem:s8+$0xFFFFFF20] =	vst v11;
	v11 =	vmul.f32 v33, v46  }
0x3e7: {  	v9 =	vor.u32 $0x7, v9;
	v40 =	vld [tilespmem:s8+$0xFFFFFF40];
	[tilespmem:s8+$0xFFFFFFC0] =	vst v7;
	v7 =	vmul.f32 v36, v63  }
0x3e8: {  	v43 =	vld [tilespmem:s8+$0x70];
	[tilespmem:s8+$0xFFFFFFB0] =	vst v11;
	v10 =	vmul.f32 v10, v12  }
0x3e9: {  	v4 =	vor.u32 $0x3, v4;
	[tilespmem:s8+$0x50] =	vst v7;
	v7 =	vld.idx.msk [tilespmem:v8+s25+$0x0], $0xffff;
	v8 =	vmul.f32 v37, v12  }
0x3ea: {  	v42 =	vld [tilespmem:s8+$0xFFFFFF50];
	[tilespmem:s8+$0xD0] =	vst v10;
	v10 =	vmul.f32 v38, v0  }
0x3eb: {  	v3 =	vld.idx.msk [tilespmem:v3+s25+$0x0], $0xffff;
	v0 =	vmul.f32 v39, v0;
	[tilespmem:s8+$0xE0] =	vst v8  }
0x3ec: {  	v9 =	vld.idx.msk [tilespmem:v9+s25+$0x0], $0xffff;
	[tilespmem:s8+$0x160] =	vst v10  }
0x3ed: {  	v8 =	vld [tilespmem:s8+$0xFFFFFE20];
	[tilespmem:s8+$0x170] =	vst v0  }
0x3ee: {  	v0 =	vld.idx.msk [tilespmem:v4+s25+$0x0], $0xffff  }
0x3ef: {  	v11 =	vmul.f32 v35, v63;
	v4 =	vld [tilespmem:s8+$0xFFFFFE30]  }
0x3f0: {  	v10 =	vld [tilespmem:s8+$0xFFFFFEB0]  }
0x3f1: {  	[tilespmem:s8+$0x40] =	vst v11;
	v11 =	vld [tilespmem:s8+$0xFFFFFEC0]  }
0x3f2: {  	v5 =	vor.u32 $0x7, v5;
	v2 =	vld.idx.msk [tilespmem:v2+s25+$0x0], $0xffff  }
0x3f3: {  	v41 =	vnsel vm0, $0x0, v14;
	v6 =	vld.idx.msk [tilespmem:v6+s25+$0x0], $0xffff;
	v8 =	vmul.f32 v8, v3  }
0x3f4: {  	[tilespmem:s8+$0x230] =	vst v41;
	v3 =	vmul.f32 v4, v3;
	v4 =	vld [tilespmem:s8+$0xFFFFFFD0]  }
0x3f5: {  	[tilespmem:s8+$0xFFFFFE20] =	vst v8;
	v8 =	vmul.f32 v10, v9;
	v10 =	vld [tilespmem:s8+$0xFFFFFFE0]  }
0x3f6: {  	[tilespmem:s8+$0xFFFFFE30] =	vst v3;
	v3 =	vmul.f32 v11, v9;
	v9 =	vld [tilespmem:s8+$0x60]  }
0x3f7: {  	v5 =	vld.idx.msk [tilespmem:v5+s25+$0x0], $0xffff;
	v11 =	vor.u32 s31, v62;
	[tilespmem:s8+$0xFFFFFEB0] =	vst v8;
	v8 =	vmul.f32 v40, v2  }
0x3f8: {  	v44 =	vor.u32 s13, v61;
	v2 =	vmul.f32 v42, v2;
	[tilespmem:s8+$0xFFFFFEC0] =	vst v3;
	v3 =	vld [tilespmem:s8+$0xF0]  }
0x3f9: {  	v45 =	vor.u32 s9, v62;
	[tilespmem:s8+$0xFFFFFF40] =	vst v8;
	v8 =	vld [tilespmem:s8+$0x100];
	v4 =	vmul.f32 v4, v7  }
0x3fa: {  	v46 =	vor.u32 s19, v61;
	[tilespmem:s8+$0xFFFFFF50] =	vst v2;
	v2 =	vmul.f32 v10, v7;
	v7 =	vld [tilespmem:s8+$0x180]  }
0x3fb: {  	v63 =	vor.u32 s1, v61;
	[tilespmem:s8+$0xFFFFFFD0] =	vst v4;
	v4 =	vmul.f32 v9, v6;
	v9 =	vld [tilespmem:s8+$0x190]  }
0x3fc: {  	[tilespmem:s8+$0xFFFFFFE0] =	vst v2;
	v6 =	vmul.f32 v43, v6;
	v30 =	vld.idx.msk [tilespmem:v11+s25+$0x0], $0xffff  }
0x3fd: {  	v2 =	vld.idx.msk [tilespmem:v44+s25+$0x0], $0xffff;
	[tilespmem:s8+$0x60] =	vst v4;
	v3 =	vmul.f32 v3, v5  }
0x3fe: {  	v31 =	vld.idx.msk [tilespmem:v45+s25+$0x0], $0xffff;
	[tilespmem:s8+$0x70] =	vst v6;
	v6 =	vmul.f32 v8, v5;
	v4 =	vor.u32 s10, v62  }
0x3ff: {  	s19 =	simm.s32 $0x0;
	s1 =	simm.s32 $0x20;
	s10 =	simm.s32 $0x6820;
	v32 =	vld.idx.msk [tilespmem:v46+s25+$0x0], $0xffff;
	v5 =	vmul.f32 v7, v0;
	[tilespmem:s8+$0xF0] =	vst v3;
	v3 =	vor.u32 s26, v61  }
.LBB2_21:
0x400: {  	v7 =	vmov s1;
	s0 =	sadd.s32 $0x4, s1;
	s3 =	sadd.s32 $0x8, s1;
	s9 =	sadd.s32 $0x1C, s1;
	v33 =	vld.idx.msk [tilespmem:v63+s25+$0x0], $0xffff;
	v63 =	vor.u32 s1, v61;
	[tilespmem:s8+$0x100] =	vst v6;
	v0 =	vmul.f32 v9, v0  }
0x401: {  	s11 =	sadd.s32 $0xC, s1;
	s13 =	sadd.s32 $0x10, s1;
	s26 =	sadd.s32 $0x14, s1;
	v6 =	vmov s0;
	v34 =	vmov s3;
	v29 =	vmov s9;
	[tilespmem:s8+$0x180] =	vst v5  }
0x402: {  	s31 =	sadd.s32 $0x18, s1;
	v5 =	vmov s11;
	v35 =	vmov s13;
	v36 =	vmov s26;
	[tilespmem:s8+$0x190] =	vst v0  }
0x403: {  	v37 =	vmov s31;
	v0 =	vor.u32 $0x5, v6;
	v27 =	vor.u32 $0x1, v34;
	v38 =	vld.idx.msk [tilespmem:v4+s25+$0x0], $0xffff  }
0x404: {  	s19 =	sadd.s32 $0x8, s19;
	v28 =	vor.u32 $0x5, v5;
	v25 =	vor.u32 $0x1, v35;
	v24 =	vor.u32 $0x5, v36;
	v39 =	vld.idx.msk [tilespmem:v3+s25+$0x0], $0xffff  }
0x405: {  	v23 =	vor.u32 $0x1, v7;
	p0 =	slt.u32 s19, $0x48;
	v21 =	vor.u32 $0x6, v6;
	v26 =	vor.u32 $0x1, v37;
	v40 =	vld.idx.msk [tilespmem:v7+s25+$0x0], $0xffff  }
0x406: {  	v22 =	vor.u32 $0x2, v34;
	v20 =	vor.u32 $0x6, v5;
	v19 =	vor.u32 $0x2, v35;
	s8 =	sadd.s32 $0x480, s8;
	v41 =	vld.idx.msk [tilespmem:v29+s25+$0x0], $0xffff  }
0x407: {  	v18 =	vor.u32 $0x2, v7;
	v17 =	vor.u32 $0x6, v36;
	v16 =	vor.u32 $0x2, v37;
	v42 =	vld [tilespmem:s8+$0x1B0]  }
0x408: {  	v15 =	vor.u32 $0x7, v6;
	v14 =	vor.u32 $0x3, v34;
	v12 =	vor.u32 $0x7, v5;
	v43 =	vld [tilespmem:s8+$0x1C0]  }
0x409: {  	v13 =	vor.u32 $0x3, v35;
	v10 =	vor.u32 $0x7, v36;
	v9 =	vor.u32 $0x3, v37;
	v44 =	vld.idx.msk [tilespmem:v6+s25+$0x0], $0xffff  }
0x40a: {  	v11 =	vor.u32 $0x3, v7;
	v8 =	vor.u32 s0, v62;
	v7 =	vor.u32 s3, v61;
	v34 =	vld.idx.msk [tilespmem:v34+s25+$0x0], $0xffff  }
0x40b: {  	v46 =	vor.u32 $0x5, v29;
	v6 =	vor.u32 s11, v62;
	v45 =	vld.idx.msk [tilespmem:v5+s25+$0x0], $0xffff;
	v5 =	vor.u32 s13, v61  }
0x40c: {  	v4 =	vor.u32 s26, v62;
	v3 =	vor.u32 s31, v61;
	v35 =	vld.idx.msk [tilespmem:v35+s25+$0x0], $0xffff;
	v42 =	vmul.f32 v42, v41  }
0x40d: {  	v30 =	vnsel vm0, $0x0, v30;
	v2 =	vnsel vm0, $0x0, v2;
	v36 =	vld.idx.msk [tilespmem:v36+s25+$0x0], $0xffff;
	v41 =	vmul.f32 v43, v41  }
0x40e: {  	v31 =	vnsel vm0, $0x0, v31;
	v32 =	vnsel vm0, $0x0, v32;
	v38 =	vnsel vm0, $0x0, v38;
	v37 =	vld.idx.msk [tilespmem:v37+s25+$0x0], $0xffff;
	[tilespmem:s8+$0x1B0] =	vst v42  }
0x40f: {  	v33 =	vnsel vm0, $0x0, v33;
	v39 =	vnsel vm0, $0x0, v39;
	v42 =	vld [tilespmem:s8+$0xFFFFFDC0];
	[tilespmem:s8+$0x1C0] =	vst v41  }
0x410: {  	v41 =	vld.idx.msk [tilespmem:v46+s25+$0x0], $0xffff;
	[tilespmem:s10+$0xFFFFFED0] =	vst v30  }
0x411: {  	v30 =	vld [tilespmem:s8+$0x1D0];
	[tilespmem:s10+$0xFFFFFF60] =	vst v2  }
0x412: {  	v2 =	vld [tilespmem:s8+$0x1E0];
	[tilespmem:s10+$0xFFFFFFF0] =	vst v31  }
0x413: {  	v31 =	vld [tilespmem:s8+$0xFFFFFDD0];
	[tilespmem:s10+$0x80] =	vst v32  }
0x414: {  	v32 =	vmul.f32 v42, v40;
	v42 =	vld [tilespmem:s8+$0xFFFFFE50];
	[tilespmem:s10+$0x110] =	vst v38  }
0x415: {  	v43 =	vor.u32 $0x6, v29;
	v38 =	vld [tilespmem:s8+$0xFFFFFE60];
	[tilespmem:s10+$0x1A0] =	vst v39  }
0x416: {  	[tilespmem:s8+$0xFFFFFDC0] =	vst v32;
	v32 =	vld [tilespmem:s8+$0xFFFFFEE0];
	v30 =	vmul.f32 v30, v41  }
0x417: {  	v39 =	vld [tilespmem:s8+$0xFFFFFEF0];
	v2 =	vmul.f32 v2, v41;
	[tilespmem:s10+$0xFFFFFE40] =	vst v33;
	s10 =	smov.u32 s8  }
0x418: {  	v31 =	vmul.f32 v31, v40;
	v33 =	vld [tilespmem:s8+$0xFFFFFF70];
	[tilespmem:s8+$0x1D0] =	vst v30  }
0x419: {  	v30 =	vmul.f32 v42, v44;
	v40 =	vld [tilespmem:s8+$0xFFFFFF80];
	[tilespmem:s8+$0x1E0] =	vst v2  }
0x41a: {  	[tilespmem:s8+$0xFFFFFDD0] =	vst v31;
	v2 =	vmul.f32 v38, v44;
	v31 =	vld.idx.msk [tilespmem:v43+s25+$0x0], $0xffff  }
0x41b: {  	[tilespmem:s8+$0xFFFFFE50] =	vst v30;
	v30 =	vmul.f32 v32, v34;
	v32 =	vld [tilespmem:s8+$0x1F0]  }
0x41c: {  	[tilespmem:s8+$0xFFFFFE60] =	vst v2;
	v2 =	vmul.f32 v39, v34;
	v34 =	vld [tilespmem:s8+$0x200]  }
0x41d: {  	[tilespmem:s8+$0xFFFFFEE0] =	vst v30;
	v30 =	vmul.f32 v33, v45;
	v33 =	vld [tilespmem:s8+$0x0]  }
0x41e: {  	[tilespmem:s8+$0xFFFFFEF0] =	vst v2;
	v2 =	vmul.f32 v40, v45;
	v38 =	vld [tilespmem:s8+$0x10]  }
0x41f: {  	v29 =	vor.u32 $0x7, v29;
	[tilespmem:s8+$0xFFFFFF70] =	vst v30;
	v30 =	vld [tilespmem:s8+$0x90]  }
0x420: {  	[tilespmem:s8+$0xFFFFFF80] =	vst v2;
	v2 =	vld [tilespmem:s8+$0xA0];
	v32 =	vmul.f32 v32, v31  }
0x421: {  	v39 =	vld [tilespmem:s8+$0x120];
	v31 =	vmul.f32 v34, v31  }
0x422: {  	v33 =	vmul.f32 v33, v35;
	v34 =	vld [tilespmem:s8+$0x130];
	[tilespmem:s8+$0x1F0] =	vst v32  }
0x423: {  	v0 =	vld.idx.msk [tilespmem:v0+s25+$0x0], $0xffff;
	v32 =	vmul.f32 v38, v35;
	[tilespmem:s8+$0x200] =	vst v31  }
0x424: {  	[tilespmem:s8+$0x0] =	vst v33;
	v30 =	vmul.f32 v30, v36;
	v29 =	vld.idx.msk [tilespmem:v29+s25+$0x0], $0xffff  }
0x425: {  	[tilespmem:s8+$0x10] =	vst v32;
	v2 =	vmul.f32 v2, v36;
	v31 =	vld [tilespmem:s8+$0x210]  }
0x426: {  	[tilespmem:s8+$0x90] =	vst v30;
	v30 =	vmul.f32 v39, v37;
	v32 =	vld [tilespmem:s8+$0x220]  }
0x427: {  	v27 =	vld.idx.msk [tilespmem:v27+s25+$0x0], $0xffff;
	[tilespmem:s8+$0xA0] =	vst v2;
	v2 =	vmul.f32 v34, v37  }
0x428: {  	v28 =	vld.idx.msk [tilespmem:v28+s25+$0x0], $0xffff;
	[tilespmem:s8+$0x120] =	vst v30  }
0x429: {  	v25 =	vld.idx.msk [tilespmem:v25+s25+$0x0], $0xffff;
	[tilespmem:s8+$0x130] =	vst v2;
	v2 =	vor.u32 s9, v62  }
0x42a: {  	v24 =	vld.idx.msk [tilespmem:v24+s25+$0x0], $0xffff;
	v30 =	vmul.f32 v31, v29  }
0x42b: {  	v26 =	vld.idx.msk [tilespmem:v26+s25+$0x0], $0xffff;
	v29 =	vmul.f32 v32, v29  }
0x42c: {  	v23 =	vld.idx.msk [tilespmem:v23+s25+$0x0], $0xffff;
	[tilespmem:s8+$0x210] =	vst v30  }
0x42d: {  	v30 =	vld [tilespmem:s8+$0xFFFFFDE0];
	[tilespmem:s8+$0x220] =	vst v29  }
0x42e: {  	v2 =	vld.idx.msk [tilespmem:v2+s25+$0x0], $0xffff  }
0x42f: {  	v29 =	vld [tilespmem:s8+$0xFFFFFDF0]  }
0x430: {  	v31 =	vld [tilespmem:s8+$0xFFFFFE70]  }
0x431: {  	v32 =	vld [tilespmem:s8+$0xFFFFFE80]  }
0x432: {  	v30 =	vmul.f32 v30, v23;
	v33 =	vld [tilespmem:s8+$0xFFFFFF00]  }
0x433: {  	v34 =	vld [tilespmem:s8+$0xFFFFFF10]  }
0x434: {  	v2 =	vnsel vm0, $0x0, v2;
	[tilespmem:s8+$0xFFFFFDE0] =	vst v30;
	v23 =	vmul.f32 v29, v23;
	v29 =	vld [tilespmem:s8+$0xFFFFFF90]  }
0x435: {  	v30 =	vmul.f32 v31, v0;
	v31 =	vld [tilespmem:s8+$0xFFFFFFA0];
	[tilespmem:s8+$0x230] =	vst v2  }
0x436: {  	[tilespmem:s8+$0xFFFFFDF0] =	vst v23;
	v0 =	vmul.f32 v32, v0;
	v2 =	vld [tilespmem:s8+$0x20]  }
0x437: {  	[tilespmem:s8+$0xFFFFFE70] =	vst v30;
	v23 =	vmul.f32 v33, v27;
	v30 =	vld [tilespmem:s8+$0x30]  }
0x438: {  	[tilespmem:s8+$0xFFFFFE80] =	vst v0;
	v0 =	vmul.f32 v34, v27;
	v27 =	vld [tilespmem:s8+$0xB0]  }
0x439: {  	[tilespmem:s8+$0xFFFFFF00] =	vst v23;
	v23 =	vmul.f32 v29, v28;
	v29 =	vld [tilespmem:s8+$0xC0]  }
0x43a: {  	[tilespmem:s8+$0xFFFFFF10] =	vst v0;
	v0 =	vmul.f32 v31, v28;
	v28 =	vld [tilespmem:s8+$0x140]  }
0x43b: {  	[tilespmem:s8+$0xFFFFFF90] =	vst v23;
	v2 =	vmul.f32 v2, v25;
	v23 =	vld [tilespmem:s8+$0x150]  }
0x43c: {  	v21 =	vld.idx.msk [tilespmem:v21+s25+$0x0], $0xffff;
	[tilespmem:s8+$0xFFFFFFA0] =	vst v0;
	v0 =	vmul.f32 v30, v25  }
0x43d: {  	v22 =	vld.idx.msk [tilespmem:v22+s25+$0x0], $0xffff;
	[tilespmem:s8+$0x20] =	vst v2;
	v2 =	vmul.f32 v27, v24  }
0x43e: {  	v20 =	vld.idx.msk [tilespmem:v20+s25+$0x0], $0xffff;
	[tilespmem:s8+$0x30] =	vst v0;
	v0 =	vmul.f32 v29, v24  }
0x43f: {  	v19 =	vld.idx.msk [tilespmem:v19+s25+$0x0], $0xffff;
	[tilespmem:s8+$0xB0] =	vst v2;
	v2 =	vmul.f32 v28, v26  }
0x440: {  	v18 =	vld.idx.msk [tilespmem:v18+s25+$0x0], $0xffff;
	[tilespmem:s8+$0xC0] =	vst v0;
	v0 =	vmul.f32 v23, v26  }
0x441: {  	v17 =	vld.idx.msk [tilespmem:v17+s25+$0x0], $0xffff;
	[tilespmem:s8+$0x140] =	vst v2  }
0x442: {  	v2 =	vld [tilespmem:s8+$0xFFFFFE00];
	[tilespmem:s8+$0x150] =	vst v0  }
0x443: {  	v0 =	vld.idx.msk [tilespmem:v16+s25+$0x0], $0xffff  }
0x444: {  	v16 =	vld [tilespmem:s8+$0xFFFFFE10]  }
0x445: {  	v23 =	vld [tilespmem:s8+$0xFFFFFE90]  }
0x446: {  	v24 =	vld [tilespmem:s8+$0xFFFFFEA0]  }
0x447: {  	v2 =	vmul.f32 v2, v18;
	v25 =	vld [tilespmem:s8+$0xFFFFFF20]  }
0x448: {  	v26 =	vld [tilespmem:s8+$0xFFFFFF30]  }
0x449: {  	[tilespmem:s8+$0xFFFFFE00] =	vst v2;
	v2 =	vmul.f32 v16, v18;
	v16 =	vld [tilespmem:s8+$0xFFFFFFB0]  }
0x44a: {  	v18 =	vmul.f32 v23, v21;
	v23 =	vld [tilespmem:s8+$0xFFFFFFC0]  }
0x44b: {  	[tilespmem:s8+$0xFFFFFE10] =	vst v2;
	v2 =	vmul.f32 v24, v21;
	v21 =	vld [tilespmem:s8+$0x40]  }
0x44c: {  	[tilespmem:s8+$0xFFFFFE90] =	vst v18;
	v18 =	vmul.f32 v25, v22;
	v24 =	vld [tilespmem:s8+$0x50]  }
0x44d: {  	[tilespmem:s8+$0xFFFFFEA0] =	vst v2;
	v2 =	vmul.f32 v26, v22;
	v22 =	vld [tilespmem:s8+$0xD0]  }
0x44e: {  	[tilespmem:s8+$0xFFFFFF20] =	vst v18;
	v16 =	vmul.f32 v16, v20;
	v18 =	vld [tilespmem:s8+$0xE0]  }
0x44f: {  	[tilespmem:s8+$0xFFFFFF30] =	vst v2;
	v2 =	vmul.f32 v23, v20;
	v20 =	vld [tilespmem:s8+$0x160]  }
0x450: {  	[tilespmem:s8+$0xFFFFFFB0] =	vst v16;
	v16 =	vmul.f32 v21, v19;
	v21 =	vld [tilespmem:s8+$0x170]  }
0x451: {  	v15 =	vld.idx.msk [tilespmem:v15+s25+$0x0], $0xffff;
	[tilespmem:s8+$0xFFFFFFC0] =	vst v2;
	v2 =	vmul.f32 v24, v19  }
0x452: {  	v14 =	vld.idx.msk [tilespmem:v14+s25+$0x0], $0xffff;
	[tilespmem:s8+$0x40] =	vst v16;
	v16 =	vmul.f32 v22, v17  }
0x453: {  	v12 =	vld.idx.msk [tilespmem:v12+s25+$0x0], $0xffff;
	[tilespmem:s8+$0x50] =	vst v2;
	v2 =	vmul.f32 v18, v17  }
0x454: {  	v13 =	vld.idx.msk [tilespmem:v13+s25+$0x0], $0xffff;
	[tilespmem:s8+$0xD0] =	vst v16;
	v16 =	vmul.f32 v20, v0  }
0x455: {  	v11 =	vld.idx.msk [tilespmem:v11+s25+$0x0], $0xffff;
	[tilespmem:s8+$0xE0] =	vst v2;
	v0 =	vmul.f32 v21, v0  }
0x456: {  	v10 =	vld.idx.msk [tilespmem:v10+s25+$0x0], $0xffff;
	[tilespmem:s8+$0x160] =	vst v16  }
0x457: {  	v2 =	vld [tilespmem:s8+$0xFFFFFE20];
	[tilespmem:s8+$0x170] =	vst v0  }
0x458: {  	v0 =	vld.idx.msk [tilespmem:v9+s25+$0x0], $0xffff  }
0x459: {  	v9 =	vld [tilespmem:s8+$0xFFFFFE30]  }
0x45a: {  	v16 =	vld [tilespmem:s8+$0xFFFFFEB0]  }
0x45b: {  	v17 =	vld [tilespmem:s8+$0xFFFFFEC0]  }
0x45c: {  	v2 =	vmul.f32 v2, v11;
	v18 =	vld [tilespmem:s8+$0xFFFFFF40]  }
0x45d: {  	v19 =	vld [tilespmem:s8+$0xFFFFFF50]  }
0x45e: {  	[tilespmem:s8+$0xFFFFFE20] =	vst v2;
	v2 =	vmul.f32 v9, v11;
	v9 =	vld [tilespmem:s8+$0xFFFFFFD0]  }
0x45f: {  	v11 =	vmul.f32 v16, v15;
	v16 =	vld [tilespmem:s8+$0xFFFFFFE0]  }
0x460: {  	[tilespmem:s8+$0xFFFFFE30] =	vst v2;
	v2 =	vmul.f32 v17, v15;
	v15 =	vld [tilespmem:s8+$0x60]  }
0x461: {  	[tilespmem:s8+$0xFFFFFEB0] =	vst v11;
	v11 =	vmul.f32 v18, v14;
	v17 =	vld [tilespmem:s8+$0x70]  }
0x462: {  	[tilespmem:s8+$0xFFFFFEC0] =	vst v2;
	v2 =	vmul.f32 v19, v14;
	v14 =	vld [tilespmem:s8+$0xF0]  }
0x463: {  	[tilespmem:s8+$0xFFFFFF40] =	vst v11;
	v9 =	vmul.f32 v9, v12;
	v11 =	vld [tilespmem:s8+$0x100]  }
0x464: {  	[tilespmem:s8+$0xFFFFFF50] =	vst v2;
	v2 =	vmul.f32 v16, v12;
	v12 =	vld [tilespmem:s8+$0x180]  }
.Ltmp11:
0x465: {  	[tilespmem:s8+$0xFFFFFFD0] =	vst v9;
	v15 =	vmul.f32 v15, v13;
	v9 =	vld [tilespmem:s8+$0x190];
	(pc) =	sbr.rel @p0 .LBB2_21-.Ltmp11, $4  }
0x466: {  	v30 =	vld.idx.msk [tilespmem:v8+s25+$0x0], $0xffff;
	[tilespmem:s8+$0xFFFFFFE0] =	vst v2;
	v8 =	vmul.f32 v17, v13  }
0x467: {  	v2 =	vld.idx.msk [tilespmem:v7+s25+$0x0], $0xffff;
	[tilespmem:s8+$0x60] =	vst v15;
	v7 =	vmul.f32 v14, v10  }
0x468: {  	v31 =	vld.idx.msk [tilespmem:v6+s25+$0x0], $0xffff;
	[tilespmem:s8+$0x70] =	vst v8;
	v6 =	vmul.f32 v11, v10  }
0x469: {  	s1 =	sadd.s32 $0x20, s1;
	v32 =	vld.idx.msk [tilespmem:v5+s25+$0x0], $0xffff;
	[tilespmem:s8+$0xF0] =	vst v7;
	v5 =	vmul.f32 v12, v0  }
0x46a: {  	_ =	sdelay $0x1  }
0x46b: {  	[tilespmem:s8+$0x100] =	vst v6;
	v0 =	vmul.f32 v9, v0  }
0x46c: {  	[tilespmem:s8+$0x180] =	vst v5  }
0x46d: {  	[tilespmem:s8+$0x190] =	vst v0;
	v0 =	vld.idx.msk [tilespmem:v4+s25+$0x0], $0xffff  }
0x46e: {  	v45 =	vnsel vm0, $0x0, v30;
	v3 =	vld.idx.msk [tilespmem:v3+s25+$0x0], $0xffff  }
0x46f: {  	v46 =	vld.idx.msk [tilespmem:v63+s25+$0x0], $0xffff;
	v2 =	vnsel vm0, $0x0, v2;
	[tilespmem:s10+$0xFFFFFED0] =	vst v45  }
0x470: {  	v63 =	vnsel vm0, $0x0, v31;
	[tilespmem:s10+$0xFFFFFF60] =	vst v2  }
0x471: {  	p0 =	sgt.u32 s20, $0x7A;
	v2 =	vnsel vm0, $0x0, v32;
	[tilespmem:s10+$0xFFFFFFF0] =	vst v63  }
.Ltmp12:
0x472: {  	[tilespmem:s10+$0x80] =	vst v2;
	v0 =	vnsel vm0, $0x0, v0;
	(pc) =	sbr.rel @p0 .LBB2_28-.Ltmp12, $4  }
0x473: {  	v2 =	vnsel vm0, $0x0, v3;
	[tilespmem:s10+$0x110] =	vst v0  }
0x474: {  	v0 =	vnsel vm0, $0x0, v46;
	[tilespmem:s10+$0x1A0] =	vst v2  }
0x475: {  	s0 =	simm.s32 $0x6590;
	[tilespmem:s10+$0xFFFFFE40] =	vst v0  }
0x476: {  	[spmem:s2] =	stream.indirect.scatter.add.f32 [tilespmem:s17], [sflag:$0xC], $0x90, s0, s30, $0xb8;
	[tilespmem:$0x1FCA0] =	vst v63  }
0x477: {  	s1 =	sadd.s32 $0x2, s20  }
0x478: {  	s0 =	smul.u32 $0xAB, s1;
	_ =	sdelay $0x1  }
0x479: {  	s0 =	sshrl.u32 s0, $0x9  }
0x47a: {  	s0 =	sand.u32 $0x7F, s0  }
0x47b: {  	s0 =	smul.u32 $0x3, s0;
	_ =	sdelay $0x1  }
0x47c: {  	s0 =	ssub.s32 s1, s0  }
0x47d: {  	s3 =	sand.u32 $0xFF, s0  }
0x47e: {  	p0 =	seq.s32 s3, $0x2  }
.Ltmp13:
0x47f: {  	_ = 	snop;
	(pc) =	sbr.rel @p0 .LBB2_27-.Ltmp13, $1  }
0x480: {  	_ =	sdelay $0x3  }
0x481: {  	p0 =	seq.s32 s3, $0x1  }
.Ltmp14:
0x482: {  	_ = 	snop;
	(pc) =	sbr.rel @!p0 .LBB2_25-.Ltmp14, $1  }
0x483: {  	_ =	sdelay $0x3  }
0x484: {  	p0 =	seq.s32 s20, $0x0  }
0x485: {  	s0 =	sshll.u32 s1, $0x5;
	s1 =	simm.s32 @!p0 $0x8  }
0x486: {  	_ =	swait.ge @!p0 [sflag:s1], $0x2D00  }
0x487: {  	s0 =	sor.u32 s7, s0;
	[sflag:s1] =	ssyncset.done @!p0 $0x0  }
0x488: {  	s0 =	smul.u32 $0xA, s0;
	[sflag:s1] =	ssyncadd.s32 @!p0 $0xFFFFD300  }
0x489: {  	s19 =	simm.s32 $0x4E200;
	s1 =	rddreg [dreg:$0x1]  }
0x48a: {  	s3 =	simm.s32 $0x32A0;
	s26 =	simm.s32 $0x5;
	s0 =	sadd.s32 s1, s0  }
0x48b: {  	[tilespmem:s3], [sflag:$0x5] =	stream.strided.gather [hbm4b:s0+s30], $0xA0, s19, s30, $0x38;
	[tilespmem:$0x1FCA0] =	vst v63  }
0x48c: {  	_ =	swait.ge [sflag:s26], $0xA0  }
.Ltmp15:
0x48d: {  	[sflag:s26] =	ssyncset.done $0x0;
	(pc) =	sbr.rel .LBB2_28-.Ltmp15, $4  }
0x48e: {  	[sflag:s26] =	ssyncadd.s32 $0xFFFFFF60  }
0x48f: {  	[tilespmem:s12], [sflag:$0x6] =	stream.indirect.gather [hbm4b:s5+s30], $0x90, s3, s30, $0xb8;
	[tilespmem:$0x1FCA0] =	vst v63  }
0x490: {  	s31 =	simm.s32 $0x32F0  }
0x491: {  	[tilespmem:s14], [sflag:$0x7] =	stream.indirect.gather [hbm4b:s6+s30], $0x10, s31, s30, $0xb8;
	[tilespmem:$0x1FCA0] =	vst v63  }
.LBB2_6:
0x492: {  	_ =	swait.ge [sflag:s23], $0x2D00  }
0x493: {  	[sflag:s23] =	ssyncset.done $0x0  }
0x494: {  	[sflag:s23] =	ssyncadd.s32 $0xFFFFD300  }
0x495: {  	_ =	swait.ge [sflag:s18], $0x500  }
0x496: {  	v0 =	vld [tilespmem:$0x1FD20];
	_ =	sdelay $0x4  }
0x497: {  	[sflag:s18] =	ssyncset.done $0x0  }
0x498: {  	[sflag:s18] =	ssyncadd.s32 $0xFFFFFB00  }
0x499: {  	v2 =	vld.idx.msk [tilespmem:v47+s4+$0x0], $0xffff  }
0x49a: {  	v0 =	vld.idx.msk [tilespmem:v0+s28+$0x0], $0xffff;
	_ =	sdelay $0x4  }
0x49b: {  	v0 =	vadd.f32 v2, v0;
	_ =	sdelay $0x1  }
0x49c: {  	v2 =	vmul.f32 $2.000000030e-01, v0;
	_ =	sdelay $0x1  }
0x49d: {  	v0 =	vmax.f32 v0, v2  }
0x49e: {  	v0 =	vmul.f32 $1.442695020e+00, v0;
	_ =	sdelay $0x1  }
0x49f: {  	(erf) = vpow2.f32 v0;
	_ =	sdelay $0x8  }
0x4a0: {  	v2 =	vld [tilespmem:$0x1FD40];
	v0 =	vpop (erf)  }
0x4a1: {  	[tilespmem:v48+s25+$0x0] =	vst.idx.msk $0xffff, v0;
	v0 =	vld [tilespmem:$0x1FD30];
	_ =	sdelay $0x6  }
0x4a2: {  	v2 =	vld.idx.msk [tilespmem:v2+s4+$0x0], $0xffff  }
0x4a3: {  	v0 =	vld.idx.msk [tilespmem:v0+s28+$0x0], $0xffff;
	_ =	sdelay $0x4  }
0x4a4: {  	v0 =	vadd.f32 v2, v0;
	_ =	sdelay $0x1  }
0x4a5: {  	v2 =	vmul.f32 $2.000000030e-01, v0;
	_ =	sdelay $0x1  }
0x4a6: {  	v0 =	vmax.f32 v0, v2  }
0x4a7: {  	v0 =	vmul.f32 $1.442695020e+00, v0;
	_ =	sdelay $0x1  }
0x4a8: {  	(erf) = vpow2.f32 v0;
	_ =	sdelay $0x1  }
0x4a9: {  	v2 =	vld [tilespmem:$0x1FD50];
	_ =	sdelay $0x6  }
0x4aa: {  	v0 =	vpop (erf)  }
0x4ab: {  	[tilespmem:v2+s25+$0x0] =	vst.idx.msk $0xffff, v0;
	v0 =	vld [tilespmem:$0x1FD60]  }
0x4ac: {  	v2 =	vld [tilespmem:$0x1FD70];
	_ =	sdelay $0x6  }
0x4ad: {  	v0 =	vld.idx.msk [tilespmem:v0+s28+$0x0], $0xffff  }
0x4ae: {  	v2 =	vld.idx.msk [tilespmem:v2+s4+$0x0], $0xffff;
	_ =	sdelay $0x4  }
0x4af: {  	v0 =	vadd.f32 v2, v0;
	_ =	sdelay $0x1  }
0x4b0: {  	v2 =	vmul.f32 $2.000000030e-01, v0;
	_ =	sdelay $0x1  }
0x4b1: {  	v0 =	vmax.f32 v0, v2  }
0x4b2: {  	v0 =	vmul.f32 $1.442695020e+00, v0;
	_ =	sdelay $0x1  }
0x4b3: {  	(erf) = vpow2.f32 v0;
	_ =	sdelay $0x1  }
0x4b4: {  	v2 =	vld [tilespmem:$0x1FD80];
	_ =	sdelay $0x6  }
0x4b5: {  	v0 =	vpop (erf)  }
0x4b6: {  	[tilespmem:v2+s25+$0x0] =	vst.idx.msk $0xffff, v0;
	v0 =	vld [tilespmem:$0x1FD90]  }
0x4b7: {  	v2 =	vld [tilespmem:$0x1FDA0];
	_ =	sdelay $0x6  }
0x4b8: {  	v0 =	vld.idx.msk [tilespmem:v0+s28+$0x0], $0xffff  }
0x4b9: {  	v2 =	vld.idx.msk [tilespmem:v2+s4+$0x0], $0xffff;
	_ =	sdelay $0x4  }
0x4ba: {  	v0 =	vadd.f32 v2, v0;
	_ =	sdelay $0x1  }
0x4bb: {  	v2 =	vmul.f32 $2.000000030e-01, v0;
	_ =	sdelay $0x1  }
0x4bc: {  	v0 =	vmax.f32 v0, v2  }
0x4bd: {  	v0 =	vmul.f32 $1.442695020e+00, v0;
	_ =	sdelay $0x1  }
0x4be: {  	(erf) = vpow2.f32 v0;
	_ =	sdelay $0x1  }
0x4bf: {  	v2 =	vld [tilespmem:$0x1FDB0];
	_ =	sdelay $0x6  }
0x4c0: {  	v0 =	vpop (erf)  }
0x4c1: {  	[tilespmem:v2+s25+$0x0] =	vst.idx.msk $0xffff, v0;
	v0 =	vld [tilespmem:$0x1FDC0]  }
0x4c2: {  	v2 =	vld [tilespmem:$0x1FDD0];
	_ =	sdelay $0x6  }
0x4c3: {  	v0 =	vld.idx.msk [tilespmem:v0+s28+$0x0], $0xffff  }
0x4c4: {  	v2 =	vld.idx.msk [tilespmem:v2+s4+$0x0], $0xffff;
	_ =	sdelay $0x4  }
0x4c5: {  	v0 =	vadd.f32 v2, v0;
	_ =	sdelay $0x1  }
0x4c6: {  	v2 =	vmul.f32 $2.000000030e-01, v0;
	_ =	sdelay $0x1  }
0x4c7: {  	v0 =	vmax.f32 v0, v2  }
0x4c8: {  	v0 =	vmul.f32 $1.442695020e+00, v0;
	_ =	sdelay $0x1  }
0x4c9: {  	(erf) = vpow2.f32 v0;
	_ =	sdelay $0x1  }
0x4ca: {  	v2 =	vld [tilespmem:$0x1FDE0];
	_ =	sdelay $0x6  }
0x4cb: {  	v0 =	vpop (erf)  }
0x4cc: {  	[tilespmem:v2+s25+$0x0] =	vst.idx.msk $0xffff, v0;
	v0 =	vld [tilespmem:$0x1FDF0]  }
0x4cd: {  	v2 =	vld [tilespmem:$0x1FE00];
	_ =	sdelay $0x6  }
0x4ce: {  	v0 =	vld.idx.msk [tilespmem:v0+s28+$0x0], $0xffff  }
0x4cf: {  	v2 =	vld.idx.msk [tilespmem:v2+s4+$0x0], $0xffff;
	_ =	sdelay $0x4  }
0x4d0: {  	v0 =	vadd.f32 v2, v0;
	_ =	sdelay $0x1  }
0x4d1: {  	v2 =	vmul.f32 $2.000000030e-01, v0;
	_ =	sdelay $0x1  }
0x4d2: {  	v0 =	vmax.f32 v0, v2  }
0x4d3: {  	v0 =	vmul.f32 $1.442695020e+00, v0;
	_ =	sdelay $0x1  }
0x4d4: {  	(erf) = vpow2.f32 v0;
	_ =	sdelay $0x1  }
0x4d5: {  	v2 =	vld [tilespmem:$0x1FE10];
	_ =	sdelay $0x6  }
0x4d6: {  	v0 =	vpop (erf)  }
0x4d7: {  	[tilespmem:v2+s25+$0x0] =	vst.idx.msk $0xffff, v0;
	v0 =	vld [tilespmem:$0x1FE20];
	_ =	sdelay $0x6  }
0x4d8: {  	v2 =	vld.idx.msk [tilespmem:v56+s4+$0x0], $0xffff  }
0x4d9: {  	v0 =	vld.idx.msk [tilespmem:v0+s28+$0x0], $0xffff;
	_ =	sdelay $0x4  }
0x4da: {  	v0 =	vadd.f32 v2, v0;
	_ =	sdelay $0x1  }
0x4db: {  	v2 =	vmul.f32 $2.000000030e-01, v0;
	_ =	sdelay $0x1  }
0x4dc: {  	v0 =	vmax.f32 v0, v2  }
0x4dd: {  	v0 =	vmul.f32 $1.442695020e+00, v0;
	_ =	sdelay $0x1  }
0x4de: {  	(erf) = vpow2.f32 v0;
	_ =	sdelay $0x1  }
0x4df: {  	v2 =	vld [tilespmem:$0x1FE30];
	_ =	sdelay $0x6  }
0x4e0: {  	v0 =	vpop (erf)  }
0x4e1: {  	[tilespmem:v2+s25+$0x0] =	vst.idx.msk $0xffff, v0;
	v0 =	vld [tilespmem:$0x1FE40]  }
0x4e2: {  	v2 =	vld [tilespmem:$0x1FE50];
	_ =	sdelay $0x6  }
0x4e3: {  	v0 =	vld.idx.msk [tilespmem:v0+s28+$0x0], $0xffff  }
0x4e4: {  	v2 =	vld.idx.msk [tilespmem:v2+s4+$0x0], $0xffff;
	_ =	sdelay $0x4  }
0x4e5: {  	v0 =	vadd.f32 v2, v0;
	_ =	sdelay $0x1  }
0x4e6: {  	v2 =	vmul.f32 $2.000000030e-01, v0;
	_ =	sdelay $0x1  }
0x4e7: {  	v0 =	vmax.f32 v0, v2  }
0x4e8: {  	v0 =	vmul.f32 $1.442695020e+00, v0;
	_ =	sdelay $0x1  }
0x4e9: {  	(erf) = vpow2.f32 v0;
	_ =	sdelay $0x1  }
0x4ea: {  	v2 =	vld [tilespmem:$0x1FE60];
	_ =	sdelay $0x6  }
0x4eb: {  	v0 =	vpop (erf)  }
0x4ec: {  	[tilespmem:v2+s25+$0x0] =	vst.idx.msk $0xffff, v0;
	v0 =	vld [tilespmem:$0x1FE70]  }
0x4ed: {  	v2 =	vld [tilespmem:$0x1FE80];
	_ =	sdelay $0x6  }
0x4ee: {  	v0 =	vld.idx.msk [tilespmem:v0+s28+$0x0], $0xffff  }
0x4ef: {  	v2 =	vld.idx.msk [tilespmem:v2+s4+$0x0], $0xffff;
	_ =	sdelay $0x4  }
0x4f0: {  	v0 =	vadd.f32 v2, v0;
	_ =	sdelay $0x1  }
0x4f1: {  	v2 =	vmul.f32 $2.000000030e-01, v0;
	_ =	sdelay $0x1  }
0x4f2: {  	v0 =	vmax.f32 v0, v2  }
0x4f3: {  	v0 =	vmul.f32 $1.442695020e+00, v0;
	_ =	sdelay $0x1  }
0x4f4: {  	(erf) = vpow2.f32 v0;
	_ =	sdelay $0x1  }
0x4f5: {  	v2 =	vld [tilespmem:$0x1FE90];
	_ =	sdelay $0x6  }
0x4f6: {  	v0 =	vpop (erf)  }
0x4f7: {  	[tilespmem:v2+s25+$0x0] =	vst.idx.msk $0xffff, v0;
	v0 =	vld [tilespmem:$0x1FEA0]  }
0x4f8: {  	v2 =	vld [tilespmem:$0x1FEB0];
	_ =	sdelay $0x6  }
0x4f9: {  	v0 =	vld.idx.msk [tilespmem:v0+s28+$0x0], $0xffff  }
0x4fa: {  	v2 =	vld.idx.msk [tilespmem:v2+s4+$0x0], $0xffff;
	_ =	sdelay $0x4  }
0x4fb: {  	v0 =	vadd.f32 v2, v0;
	_ =	sdelay $0x1  }
0x4fc: {  	v2 =	vmul.f32 $2.000000030e-01, v0;
	_ =	sdelay $0x1  }
0x4fd: {  	v0 =	vmax.f32 v0, v2  }
0x4fe: {  	v0 =	vmul.f32 $1.442695020e+00, v0;
	_ =	sdelay $0x1  }
0x4ff: {  	(erf) = vpow2.f32 v0;
	_ =	sdelay $0x1  }
0x500: {  	v2 =	vld [tilespmem:$0x1FEC0];
	_ =	sdelay $0x6  }
0x501: {  	v0 =	vpop (erf)  }
0x502: {  	[tilespmem:v2+s25+$0x0] =	vst.idx.msk $0xffff, v0;
	v0 =	vld [tilespmem:$0x1FED0]  }
0x503: {  	v2 =	vld [tilespmem:$0x1FEE0];
	_ =	sdelay $0x6  }
0x504: {  	v0 =	vld.idx.msk [tilespmem:v0+s28+$0x0], $0xffff  }
0x505: {  	v2 =	vld.idx.msk [tilespmem:v2+s4+$0x0], $0xffff;
	_ =	sdelay $0x4  }
0x506: {  	v0 =	vadd.f32 v2, v0;
	_ =	sdelay $0x1  }
0x507: {  	v2 =	vmul.f32 $2.000000030e-01, v0;
	_ =	sdelay $0x1  }
0x508: {  	v0 =	vmax.f32 v0, v2  }
0x509: {  	v0 =	vmul.f32 $1.442695020e+00, v0;
	_ =	sdelay $0x1  }
0x50a: {  	(erf) = vpow2.f32 v0;
	_ =	sdelay $0x1  }
0x50b: {  	v2 =	vld [tilespmem:$0x1FEF0];
	_ =	sdelay $0x6  }
0x50c: {  	v0 =	vpop (erf)  }
0x50d: {  	[tilespmem:v2+s25+$0x0] =	vst.idx.msk $0xffff, v0;
	v0 =	vld [tilespmem:$0x1FF00]  }
0x50e: {  	v2 =	vld [tilespmem:$0x1FF10];
	_ =	sdelay $0x6  }
0x50f: {  	v0 =	vld.idx.msk [tilespmem:v0+s28+$0x0], $0xffff  }
0x510: {  	v2 =	vld.idx.msk [tilespmem:v2+s4+$0x0], $0xffff;
	_ =	sdelay $0x4  }
0x511: {  	v0 =	vadd.f32 v2, v0;
	_ =	sdelay $0x1  }
0x512: {  	v2 =	vmul.f32 $2.000000030e-01, v0;
	_ =	sdelay $0x1  }
0x513: {  	v0 =	vmax.f32 v0, v2  }
0x514: {  	v0 =	vmul.f32 $1.442695020e+00, v0;
	_ =	sdelay $0x1  }
0x515: {  	(erf) = vpow2.f32 v0;
	_ =	sdelay $0x1  }
0x516: {  	v2 =	vld [tilespmem:$0x1FF20];
	_ =	sdelay $0x6  }
0x517: {  	v0 =	vpop (erf)  }
0x518: {  	[tilespmem:v2+s25+$0x0] =	vst.idx.msk $0xffff, v0;
	v0 =	vld [tilespmem:$0x1FF30]  }
0x519: {  	v2 =	vld [tilespmem:$0x1FF40];
	_ =	sdelay $0x6  }
0x51a: {  	v0 =	vld.idx.msk [tilespmem:v0+s28+$0x0], $0xffff  }
0x51b: {  	v2 =	vld.idx.msk [tilespmem:v2+s4+$0x0], $0xffff;
	_ =	sdelay $0x4  }
0x51c: {  	v0 =	vadd.f32 v2, v0;
	_ =	sdelay $0x1  }
0x51d: {  	v2 =	vmul.f32 $2.000000030e-01, v0;
	_ =	sdelay $0x1  }
0x51e: {  	v0 =	vmax.f32 v0, v2  }
0x51f: {  	v0 =	vmul.f32 $1.442695020e+00, v0;
	_ =	sdelay $0x1  }
0x520: {  	(erf) = vpow2.f32 v0;
	_ =	sdelay $0x1  }
0x521: {  	v2 =	vld [tilespmem:$0x1FF50];
	_ =	sdelay $0x6  }
0x522: {  	v0 =	vpop (erf)  }
0x523: {  	[tilespmem:v2+s25+$0x0] =	vst.idx.msk $0xffff, v0;
	v0 =	vld [tilespmem:$0x1FF60]  }
0x524: {  	v2 =	vld [tilespmem:$0x1FF70];
	_ =	sdelay $0x6  }
0x525: {  	v0 =	vld.idx.msk [tilespmem:v0+s28+$0x0], $0xffff  }
0x526: {  	v2 =	vld.idx.msk [tilespmem:v2+s4+$0x0], $0xffff;
	_ =	sdelay $0x4  }
0x527: {  	v0 =	vadd.f32 v2, v0;
	_ =	sdelay $0x1  }
0x528: {  	v2 =	vmul.f32 $2.000000030e-01, v0;
	_ =	sdelay $0x1  }
0x529: {  	v0 =	vmax.f32 v0, v2  }
0x52a: {  	v0 =	vmul.f32 $1.442695020e+00, v0;
	_ =	sdelay $0x1  }
0x52b: {  	(erf) = vpow2.f32 v0;
	_ =	sdelay $0x1  }
0x52c: {  	v2 =	vld [tilespmem:$0x1FF80];
	_ =	sdelay $0x6  }
0x52d: {  	v0 =	vpop (erf)  }
0x52e: {  	[tilespmem:v2+s25+$0x0] =	vst.idx.msk $0xffff, v0;
	v0 =	vld [tilespmem:$0x1FF90]  }
0x52f: {  	v2 =	vld [tilespmem:$0x1FFA0];
	_ =	sdelay $0x6  }
0x530: {  	v0 =	vld.idx.msk [tilespmem:v0+s28+$0x0], $0xffff  }
0x531: {  	v2 =	vld.idx.msk [tilespmem:v2+s4+$0x0], $0xffff;
	_ =	sdelay $0x4  }
0x532: {  	v0 =	vadd.f32 v2, v0;
	_ =	sdelay $0x1  }
0x533: {  	v2 =	vmul.f32 $2.000000030e-01, v0;
	_ =	sdelay $0x1  }
0x534: {  	v0 =	vmax.f32 v0, v2  }
0x535: {  	v0 =	vmul.f32 $1.442695020e+00, v0;
	_ =	sdelay $0x1  }
0x536: {  	(erf) = vpow2.f32 v0;
	_ =	sdelay $0x1  }
0x537: {  	v2 =	vld [tilespmem:$0x1FFB0];
	_ =	sdelay $0x6  }
0x538: {  	v0 =	vpop (erf)  }
0x539: {  	[tilespmem:v2+s25+$0x0] =	vst.idx.msk $0xffff, v0;
	v0 =	vld [tilespmem:$0x1FFC0]  }
0x53a: {  	v2 =	vld [tilespmem:$0x1FFD0];
	_ =	sdelay $0x6  }
0x53b: {  	v0 =	vld.idx.msk [tilespmem:v0+s28+$0x0], $0xffff  }
0x53c: {  	v2 =	vld.idx.msk [tilespmem:v2+s4+$0x0], $0xffff;
	_ =	sdelay $0x4  }
0x53d: {  	v0 =	vadd.f32 v2, v0;
	_ =	sdelay $0x1  }
0x53e: {  	v2 =	vmul.f32 $2.000000030e-01, v0;
	_ =	sdelay $0x1  }
0x53f: {  	v0 =	vmax.f32 v0, v2  }
0x540: {  	v0 =	vmul.f32 $1.442695020e+00, v0;
	_ =	sdelay $0x1  }
0x541: {  	(erf) = vpow2.f32 v0;
	_ =	sdelay $0x1  }
0x542: {  	v2 =	vld [tilespmem:$0x1FFE0];
	_ =	sdelay $0x6  }
0x543: {  	v0 =	vpop (erf)  }
0x544: {  	[tilespmem:v2+s25+$0x0] =	vst.idx.msk $0xffff, v0;
	v0 =	vld [tilespmem:$0x1FFF0];
	_ =	sdelay $0x6  }
0x545: {  	v2 =	vld.idx.msk [tilespmem:v49+s4+$0x0], $0xffff  }
0x546: {  	v0 =	vld.idx.msk [tilespmem:v0+s28+$0x0], $0xffff;
	_ =	sdelay $0x4  }
0x547: {  	v0 =	vadd.f32 v2, v0;
	_ =	sdelay $0x1  }
0x548: {  	v2 =	vmul.f32 $2.000000030e-01, v0;
	_ =	sdelay $0x1  }
0x549: {  	v0 =	vmax.f32 v0, v2  }
0x54a: {  	v0 =	vmul.f32 $1.442695020e+00, v0;
	_ =	sdelay $0x1  }
0x54b: {  	(erf) = vpow2.f32 v0;
	_ =	sdelay $0x8  }
0x54c: {  	v0 =	vpop (erf)  }
0x54d: {  	[tilespmem:v54+s25+$0x0] =	vst.idx.msk $0xffff, v0  }
0x54e: {  	v0 =	vld.idx.msk [tilespmem:v50+s28+$0x0], $0xffff  }
0x54f: {  	v2 =	vld.idx.msk [tilespmem:v51+s4+$0x0], $0xffff;
	_ =	sdelay $0x4  }
0x550: {  	v0 =	vadd.f32 v2, v0;
	_ =	sdelay $0x1  }
0x551: {  	v2 =	vmul.f32 $2.000000030e-01, v0;
	_ =	sdelay $0x1  }
0x552: {  	v0 =	vmax.f32 v0, v2  }
0x553: {  	v0 =	vmul.f32 $1.442695020e+00, v0;
	_ =	sdelay $0x1  }
0x554: {  	(erf) = vpow2.f32 v0;
	_ =	sdelay $0x8  }
0x555: {  	v0 =	vpop (erf)  }
0x556: {  	[tilespmem:v52+s25+$0x0] =	vst.idx.msk $0xffff, v0  }
0x557: {  	v0 =	vld.idx.msk [tilespmem:v53+s28+$0x0], $0xffff  }
0x558: {  	v2 =	vld.idx.msk [tilespmem:v55+s4+$0x0], $0xffff;
	_ =	sdelay $0x4  }
0x559: {  	v0 =	vadd.f32 v2, v0;
	_ =	sdelay $0x1  }
0x55a: {  	v2 =	vmul.f32 $2.000000030e-01, v0;
	_ =	sdelay $0x1  }
0x55b: {  	v0 =	vmax.f32 v0, v2  }
0x55c: {  	v0 =	vmul.f32 $1.442695020e+00, v0;
	_ =	sdelay $0x1  }
0x55d: {  	(erf) = vpow2.f32 v0;
	_ =	sdelay $0x8  }
0x55e: {  	v0 =	vpop (erf)  }
0x55f: {  	[tilespmem:v57+s25+$0x0] =	vst.idx.msk $0xffff, v0  }
0x560: {  	v0 =	vld.idx.msk [tilespmem:v58+s28+$0x0], $0xffff  }
0x561: {  	v2 =	vld.idx.msk [tilespmem:v59+s4+$0x0], $0xffff;
	_ =	sdelay $0x4  }
0x562: {  	v0 =	vadd.f32 v2, v0;
	_ =	sdelay $0x1  }
0x563: {  	v2 =	vmul.f32 $2.000000030e-01, v0;
	_ =	sdelay $0x1  }
0x564: {  	v0 =	vmax.f32 v0, v2  }
0x565: {  	v0 =	vmul.f32 $1.442695020e+00, v0;
	_ =	sdelay $0x1  }
0x566: {  	(erf) = vpow2.f32 v0;
	_ =	sdelay $0x4  }
0x567: {  	s1 =	simm.s32 $0x0  }
0x568: {  	s3 =	simm.s32 $0x1C;
	v3 =	vmov s1  }
0x569: {  	v0 =	vmov s3;
	_ =	sdelay $0x1  }
0x56a: {  	s31 =	simm.s32 $0x4;
	v2 =	vpop (erf)  }
0x56b: {  	s13 =	simm.s32 $0x8;
	v9 =	vmov s31;
	[tilespmem:v60+s25+$0x0] =	vst.idx.msk $0xffff, v2  }
0x56c: {  	s9 =	simm.s32 $0xC;
	v6 =	vmov s13;
	v2 =	vld.idx.msk [tilespmem:v3+s25+$0x0], $0xffff  }
0x56d: {  	s8 =	simm.s32 $0x2E0;
	s19 =	simm.s32 $0x10;
	v8 =	vmov s9;
	v10 =	vld.idx.msk [tilespmem:v0+s25+$0x0], $0xffff  }
0x56e: {  	s10 =	simm.s32 $0x14;
	v7 =	vmov s19;
	v11 =	vld [tilespmem:s8+$0x1B0]  }
0x56f: {  	v5 =	vmov s10;
	v12 =	vld [tilespmem:s8+$0x1C0]  }
0x570: {  	v13 =	vld.idx.msk [tilespmem:v9+s25+$0x0], $0xffff  }
0x571: {  	v14 =	vld.idx.msk [tilespmem:v6+s25+$0x0], $0xffff  }
0x572: {  	v15 =	vld.idx.msk [tilespmem:v8+s25+$0x0], $0xffff  }
0x573: {  	v17 =	vld.idx.msk [tilespmem:v7+s25+$0x0], $0xffff  }
0x574: {  	v18 =	vld.idx.msk [tilespmem:v5+s25+$0x0], $0xffff  }
0x575: {  	v40 =	vld [tilespmem:s8+$0x1D0]  }
0x576: {  	v19 =	vld [tilespmem:s8+$0x1E0]  }
0x577: {  	v20 =	vld [tilespmem:s8+$0xFFFFFDD0]  }
0x578: {  	v21 =	vld [tilespmem:s8+$0xFFFFFE50]  }
0x579: {  	v22 =	vld [tilespmem:s8+$0xFFFFFE60]  }
0x57a: {  	v16 =	vor.u32 $0x5, v0;
	v24 =	vld [tilespmem:s8+$0xFFFFFEE0]  }
0x57b: {  	v25 =	vld [tilespmem:s8+$0xFFFFFEF0];
	v11 =	vmul.f32 v11, v10  }
0x57c: {  	v41 =	vld [tilespmem:s8+$0xFFFFFF70];
	v10 =	vmul.f32 v12, v10  }
0x57d: {  	v42 =	vld [tilespmem:s8+$0xFFFFFF80];
	[tilespmem:s8+$0x1B0] =	vst v11  }
0x57e: {  	v43 =	vld [tilespmem:s8+$0x1F0];
	[tilespmem:s8+$0x1C0] =	vst v10  }
0x57f: {  	v10 =	vld.idx.msk [tilespmem:v16+s25+$0x0], $0xffff  }
0x580: {  	v44 =	vld [tilespmem:s8+$0x200]  }
0x581: {  	v46 =	vld [tilespmem:s8+$0x0]  }
0x582: {  	v63 =	vld [tilespmem:s8+$0x10]  }
0x583: {  	v23 =	vor.u32 $0x6, v0;
	v11 =	vld [tilespmem:s8+$0xFFFFFDC0]  }
0x584: {  	v32 =	vld [tilespmem:s8+$0x90];
	v16 =	vmul.f32 v40, v10  }
0x585: {  	v33 =	vld [tilespmem:s8+$0xA0];
	v10 =	vmul.f32 v19, v10  }
0x586: {  	s26 =	simm.s32 $0x18;
	v34 =	vld [tilespmem:s8+$0x120];
	[tilespmem:s8+$0x1D0] =	vst v16  }
0x587: {  	v4 =	vmov s26;
	v36 =	vld [tilespmem:s8+$0x130];
	[tilespmem:s8+$0x1E0] =	vst v10  }
0x588: {  	v10 =	vmul.f32 v11, v2;
	v11 =	vld.idx.msk [tilespmem:v23+s25+$0x0], $0xffff  }
0x589: {  	v39 =	vld [tilespmem:s8+$0x210]  }
0x58a: {  	v26 =	vld [tilespmem:s8+$0xFFFFFF10]  }
0x58b: {  	v27 =	vld [tilespmem:s8+$0xFFFFFF90];
	v21 =	vmul.f32 v21, v13  }
0x58c: {  	v0 =	vor.u32 $0x7, v0;
	v12 =	vld.idx.msk [tilespmem:v4+s25+$0x0], $0xffff;
	v45 =	vmul.f32 v24, v14;
	v14 =	vmul.f32 v25, v14  }
0x58d: {  	v35 =	vor.u32 $0x1, v6;
	v24 =	vld [tilespmem:s8+$0xFFFFFE80];
	[tilespmem:s8+$0xFFFFFE50] =	vst v21;
	v23 =	vmul.f32 v43, v11  }
0x58e: {  	v25 =	vld [tilespmem:s8+$0xFFFFFF00];
	[tilespmem:s8+$0xFFFFFEF0] =	vst v14;
	v11 =	vmul.f32 v44, v11  }
0x58f: {  	v14 =	vmul.f32 v33, v18;
	v33 =	vld [tilespmem:s8+$0xFFFFFFA0];
	[tilespmem:s8+$0x1F0] =	vst v23  }
0x590: {  	v21 =	vmul.f32 v32, v18;
	v19 =	vmul.f32 v41, v15;
	v41 =	vld [tilespmem:s8+$0x220];
	[tilespmem:s8+$0x200] =	vst v11  }
0x591: {  	[tilespmem:s8+$0xFFFFFEE0] =	vst v45;
	v15 =	vmul.f32 v42, v15;
	v42 =	vor.u32 $0x1, v3;
	v0 =	vld.idx.msk [tilespmem:v0+s25+$0x0], $0xffff  }
0x592: {  	v38 =	vor.u32 $0x5, v5;
	[tilespmem:s8+$0x90] =	vst v21;
	v16 =	vld.idx.msk [tilespmem:v35+s25+$0x0], $0xffff;
	v2 =	vmul.f32 v20, v2  }
0x593: {  	[tilespmem:s8+$0xFFFFFDC0] =	vst v10;
	v10 =	vmul.f32 v22, v13;
	v22 =	vmul.f32 v46, v17;
	v46 =	vld [tilespmem:s8+$0xFFFFFDE0]  }
0x594: {  	v17 =	vmul.f32 v63, v17;
	[tilespmem:s8+$0xFFFFFDD0] =	vst v2;
	v63 =	vld [tilespmem:s8+$0xFFFFFE70]  }
0x595: {  	v13 =	vmul.f32 v34, v12;
	v12 =	vmul.f32 v36, v12;
	v36 =	vld [tilespmem:s8+$0x30];
	[tilespmem:s8+$0xFFFFFE60] =	vst v10;
	v10 =	vor.u32 $0x5, v9  }
0x596: {  	v37 =	vor.u32 $0x1, v7;
	[tilespmem:s8+$0xA0] =	vst v14;
	v45 =	vld.idx.msk [tilespmem:v42+s25+$0x0], $0xffff;
	v44 =	vmul.f32 v39, v0;
	v0 =	vmul.f32 v41, v0  }
0x597: {  	v40 =	vor.u32 $0x1, v4;
	[tilespmem:s8+$0x130] =	vst v12;
	v12 =	vld.idx.msk [tilespmem:v38+s25+$0x0], $0xffff  }
0x598: {  	[tilespmem:s8+$0x220] =	vst v0;
	v0 =	vld [tilespmem:s8+$0xFFFFFDF0]  }
0x599: {  	[tilespmem:s8+$0x0] =	vst v22;
	v38 =	vld [tilespmem:s8+$0xB0];
	v11 =	vor.u32 $0x5, v8  }
0x59a: {  	[tilespmem:s8+$0x10] =	vst v17;
	v10 =	vld.idx.msk [tilespmem:v10+s25+$0x0], $0xffff  }
0x59b: {  	[tilespmem:s8+$0x120] =	vst v13;
	v13 =	vld.idx.msk [tilespmem:v37+s25+$0x0], $0xffff  }
0x59c: {  	[tilespmem:s8+$0xFFFFFF70] =	vst v19;
	v2 =	vld.idx.msk [tilespmem:v40+s25+$0x0], $0xffff;
	v35 =	vmul.f32 v25, v16  }
0x59d: {  	[tilespmem:s8+$0xFFFFFF80] =	vst v15;
	v25 =	vld [tilespmem:s8+$0xFFFFFE90];
	v43 =	vor.u32 s3, v62;
	v0 =	vmul.f32 v0, v45  }
0x59e: {  	[tilespmem:s8+$0xFFFFFF00] =	vst v35;
	v11 =	vld.idx.msk [tilespmem:v11+s25+$0x0], $0xffff  }
0x59f: {  	v35 =	vld [tilespmem:s8+$0x40];
	[tilespmem:s8+$0xFFFFFDF0] =	vst v0;
	v0 =	vmul.f32 v24, v10  }
0x5a0: {  	v41 =	vld [tilespmem:s8+$0xC0];
	[tilespmem:s8+$0x210] =	vst v44  }
0x5a1: {  	v44 =	vld [tilespmem:s8+$0x150];
	[tilespmem:s8+$0xFFFFFE80] =	vst v0;
	v0 =	vmul.f32 v26, v16  }
0x5a2: {  	v32 =	vmul.f32 v63, v10;
	v14 =	vld.idx.msk [tilespmem:v43+s25+$0x0], $0xffff;
	v43 =	vor.u32 $0x2, v3  }
0x5a3: {  	v40 =	vmul.f32 v27, v11;
	[tilespmem:s8+$0xFFFFFF10] =	vst v0;
	v0 =	vmul.f32 v33, v11;
	v11 =	vld [tilespmem:s8+$0x140]  }
0x5a4: {  	v15 =	vmul.f32 v46, v45;
	[tilespmem:s8+$0xFFFFFE70] =	vst v32;
	v32 =	vld [tilespmem:s8+$0xFFFFFF30]  }
0x5a5: {  	v27 =	vld [tilespmem:s8+$0xFFFFFF20]  }
0x5a6: {  	[tilespmem:s8+$0xFFFFFDE0] =	vst v15;
	v10 =	vld [tilespmem:s8+$0x20]  }
0x5a7: {  	v34 =	vor.u32 $0x6, v9;
	v24 =	vld.idx.msk [tilespmem:v43+s25+$0x0], $0xffff  }
0x5a8: {  	v26 =	vld [tilespmem:s8+$0xFFFFFEA0];
	v11 =	vmul.f32 v11, v2  }
0x5a9: {  	[tilespmem:s8+$0xFFFFFF90] =	vst v40;
	v16 =	vmul.f32 v38, v12;
	v38 =	vld [tilespmem:s8+$0x160];
	v2 =	vmul.f32 v44, v2  }
0x5aa: {  	v37 =	vor.u32 $0x2, v6;
	[tilespmem:s8+$0x140] =	vst v11;
	v11 =	vld [tilespmem:s8+$0xFFFFFE00]  }
0x5ab: {  	v45 =	vor.u32 $0x6, v5;
	v12 =	vmul.f32 v41, v12;
	[tilespmem:s8+$0x150] =	vst v2;
	v2 =	vld [tilespmem:s8+$0xFFFFFE10]  }
0x5ac: {  	v39 =	vor.u32 $0x6, v8;
	v19 =	vld.idx.msk [tilespmem:v34+s25+$0x0], $0xffff;
	[tilespmem:s8+$0xB0] =	vst v16  }
0x5ad: {  	v34 =	vld [tilespmem:s8+$0xFFFFFFC0];
	[tilespmem:s8+$0xC0] =	vst v12;
	v10 =	vmul.f32 v10, v13  }
0x5ae: {  	v42 =	vor.u32 $0x2, v7;
	v33 =	vld [tilespmem:s8+$0xFFFFFFB0];
	[tilespmem:s8+$0xFFFFFFA0] =	vst v0;
	v0 =	vmul.f32 v36, v13  }
0x5af: {  	[tilespmem:s8+$0x20] =	vst v10;
	v10 =	vld.idx.msk [tilespmem:v37+s25+$0x0], $0xffff;
	v11 =	vmul.f32 v11, v24  }
0x5b0: {  	v12 =	vld.idx.msk [tilespmem:v45+s25+$0x0], $0xffff;
	[tilespmem:s8+$0x30] =	vst v0;
	v2 =	vmul.f32 v2, v24  }
0x5b1: {  	v46 =	vld.idx.msk [tilespmem:v39+s25+$0x0], $0xffff;
	v0 =	vor.u32 $0x2, v4;
	[tilespmem:s8+$0xFFFFFE00] =	vst v11;
	v11 =	vmul.f32 v25, v19  }
0x5b2: {  	v36 =	vld [tilespmem:s8+$0x50];
	[tilespmem:s8+$0xFFFFFE10] =	vst v2;
	v2 =	vmul.f32 v26, v19  }
0x5b3: {  	v63 =	vld.idx.msk [tilespmem:v42+s25+$0x0], $0xffff;
	[tilespmem:s8+$0xFFFFFE90] =	vst v11  }
0x5b4: {  	v11 =	vmul.f32 v27, v10;
	[tilespmem:s8+$0xFFFFFEA0] =	vst v2;
	v2 =	vor.u32 $0x3, v6;
	v6 =	vmul.f32 v32, v10;
	v10 =	vld [tilespmem:s8+$0xD0]  }
0x5b5: {  	v8 =	vor.u32 $0x7, v8;
	v37 =	vld [tilespmem:s8+$0xE0]  }
0x5b6: {  	v0 =	vld.idx.msk [tilespmem:v0+s25+$0x0], $0xffff;
	[tilespmem:s8+$0xFFFFFF30] =	vst v6;
	v6 =	vor.u32 $0x3, v7;
	v7 =	vmul.f32 v34, v46  }
0x5b7: {  	v3 =	vor.u32 $0x3, v3;
	v39 =	vld [tilespmem:s8+$0x170];
	[tilespmem:s8+$0xFFFFFF20] =	vst v11;
	v11 =	vmul.f32 v33, v46  }
0x5b8: {  	v9 =	vor.u32 $0x7, v9;
	v40 =	vld [tilespmem:s8+$0xFFFFFF40];
	[tilespmem:s8+$0xFFFFFFC0] =	vst v7;
	v7 =	vmul.f32 v36, v63  }
0x5b9: {  	v43 =	vld [tilespmem:s8+$0x70];
	[tilespmem:s8+$0xFFFFFFB0] =	vst v11;
	v10 =	vmul.f32 v10, v12  }
0x5ba: {  	v4 =	vor.u32 $0x3, v4;
	[tilespmem:s8+$0x50] =	vst v7;
	v7 =	vld.idx.msk [tilespmem:v8+s25+$0x0], $0xffff;
	v8 =	vmul.f32 v37, v12  }
0x5bb: {  	v42 =	vld [tilespmem:s8+$0xFFFFFF50];
	[tilespmem:s8+$0xD0] =	vst v10;
	v10 =	vmul.f32 v38, v0  }
0x5bc: {  	v3 =	vld.idx.msk [tilespmem:v3+s25+$0x0], $0xffff;
	v0 =	vmul.f32 v39, v0;
	[tilespmem:s8+$0xE0] =	vst v8  }
0x5bd: {  	v9 =	vld.idx.msk [tilespmem:v9+s25+$0x0], $0xffff;
	[tilespmem:s8+$0x160] =	vst v10  }
0x5be: {  	v8 =	vld [tilespmem:s8+$0xFFFFFE20];
	[tilespmem:s8+$0x170] =	vst v0  }
0x5bf: {  	v0 =	vld.idx.msk [tilespmem:v4+s25+$0x0], $0xffff  }
0x5c0: {  	v11 =	vmul.f32 v35, v63;
	v4 =	vld [tilespmem:s8+$0xFFFFFE30]  }
0x5c1: {  	v10 =	vld [tilespmem:s8+$0xFFFFFEB0]  }
0x5c2: {  	[tilespmem:s8+$0x40] =	vst v11;
	v11 =	vld [tilespmem:s8+$0xFFFFFEC0]  }
0x5c3: {  	v5 =	vor.u32 $0x7, v5;
	v2 =	vld.idx.msk [tilespmem:v2+s25+$0x0], $0xffff  }
0x5c4: {  	v41 =	vnsel vm0, $0x0, v14;
	v6 =	vld.idx.msk [tilespmem:v6+s25+$0x0], $0xffff;
	v8 =	vmul.f32 v8, v3  }
0x5c5: {  	[tilespmem:s8+$0x230] =	vst v41;
	v3 =	vmul.f32 v4, v3;
	v4 =	vld [tilespmem:s8+$0xFFFFFFD0]  }
0x5c6: {  	[tilespmem:s8+$0xFFFFFE20] =	vst v8;
	v8 =	vmul.f32 v10, v9;
	v10 =	vld [tilespmem:s8+$0xFFFFFFE0]  }
0x5c7: {  	[tilespmem:s8+$0xFFFFFE30] =	vst v3;
	v3 =	vmul.f32 v11, v9;
	v9 =	vld [tilespmem:s8+$0x60]  }
0x5c8: {  	v5 =	vld.idx.msk [tilespmem:v5+s25+$0x0], $0xffff;
	v11 =	vor.u32 s31, v62;
	[tilespmem:s8+$0xFFFFFEB0] =	vst v8;
	v8 =	vmul.f32 v40, v2  }
0x5c9: {  	v44 =	vor.u32 s13, v61;
	v2 =	vmul.f32 v42, v2;
	[tilespmem:s8+$0xFFFFFEC0] =	vst v3;
	v3 =	vld [tilespmem:s8+$0xF0]  }
0x5ca: {  	v45 =	vor.u32 s9, v62;
	[tilespmem:s8+$0xFFFFFF40] =	vst v8;
	v8 =	vld [tilespmem:s8+$0x100];
	v4 =	vmul.f32 v4, v7  }
0x5cb: {  	v46 =	vor.u32 s19, v61;
	[tilespmem:s8+$0xFFFFFF50] =	vst v2;
	v2 =	vmul.f32 v10, v7;
	v7 =	vld [tilespmem:s8+$0x180]  }
0x5cc: {  	v63 =	vor.u32 s1, v61;
	[tilespmem:s8+$0xFFFFFFD0] =	vst v4;
	v4 =	vmul.f32 v9, v6;
	v9 =	vld [tilespmem:s8+$0x190]  }
0x5cd: {  	[tilespmem:s8+$0xFFFFFFE0] =	vst v2;
	v6 =	vmul.f32 v43, v6;
	v30 =	vld.idx.msk [tilespmem:v11+s25+$0x0], $0xffff  }
0x5ce: {  	v2 =	vld.idx.msk [tilespmem:v44+s25+$0x0], $0xffff;
	[tilespmem:s8+$0x60] =	vst v4;
	v3 =	vmul.f32 v3, v5  }
0x5cf: {  	v31 =	vld.idx.msk [tilespmem:v45+s25+$0x0], $0xffff;
	[tilespmem:s8+$0x70] =	vst v6;
	v6 =	vmul.f32 v8, v5;
	v4 =	vor.u32 s10, v62  }
0x5d0: {  	s19 =	simm.s32 $0x0;
	s1 =	simm.s32 $0x20;
	s10 =	simm.s32 $0x2E0;
	v32 =	vld.idx.msk [tilespmem:v46+s25+$0x0], $0xffff;
	v5 =	vmul.f32 v7, v0;
	[tilespmem:s8+$0xF0] =	vst v3;
	v3 =	vor.u32 s26, v61  }
.LBB2_7:
0x5d1: {  	v7 =	vmov s1;
	s3 =	sadd.s32 $0x4, s1;
	s13 =	sadd.s32 $0x8, s1;
	s9 =	sadd.s32 $0x1C, s1;
	v33 =	vld.idx.msk [tilespmem:v63+s25+$0x0], $0xffff;
	v63 =	vor.u32 s1, v61;
	[tilespmem:s8+$0x100] =	vst v6;
	v0 =	vmul.f32 v9, v0  }
0x5d2: {  	s26 =	sadd.s32 $0xC, s1;
	s31 =	sadd.s32 $0x10, s1;
	s0 =	sadd.s32 $0x14, s1;
	v6 =	vmov s3;
	v34 =	vmov s13;
	v29 =	vmov s9;
	[tilespmem:s8+$0x180] =	vst v5  }
0x5d3: {  	s11 =	sadd.s32 $0x18, s1;
	v5 =	vmov s26;
	v35 =	vmov s31;
	v36 =	vmov s0;
	[tilespmem:s8+$0x190] =	vst v0  }
0x5d4: {  	v37 =	vmov s11;
	v0 =	vor.u32 $0x5, v6;
	v27 =	vor.u32 $0x1, v34;
	v38 =	vld.idx.msk [tilespmem:v4+s25+$0x0], $0xffff  }
0x5d5: {  	s19 =	sadd.s32 $0x8, s19;
	v28 =	vor.u32 $0x5, v5;
	v25 =	vor.u32 $0x1, v35;
	v24 =	vor.u32 $0x5, v36;
	v39 =	vld.idx.msk [tilespmem:v3+s25+$0x0], $0xffff  }
0x5d6: {  	v23 =	vor.u32 $0x1, v7;
	p0 =	slt.u32 s19, $0x48;
	v21 =	vor.u32 $0x6, v6;
	v26 =	vor.u32 $0x1, v37;
	v40 =	vld.idx.msk [tilespmem:v7+s25+$0x0], $0xffff  }
0x5d7: {  	v22 =	vor.u32 $0x2, v34;
	v20 =	vor.u32 $0x6, v5;
	v19 =	vor.u32 $0x2, v35;
	s8 =	sadd.s32 $0x480, s8;
	v41 =	vld.idx.msk [tilespmem:v29+s25+$0x0], $0xffff  }
0x5d8: {  	v18 =	vor.u32 $0x2, v7;
	v17 =	vor.u32 $0x6, v36;
	v16 =	vor.u32 $0x2, v37;
	v42 =	vld [tilespmem:s8+$0x1B0]  }
0x5d9: {  	v15 =	vor.u32 $0x7, v6;
	v14 =	vor.u32 $0x3, v34;
	v12 =	vor.u32 $0x7, v5;
	v43 =	vld [tilespmem:s8+$0x1C0]  }
0x5da: {  	v13 =	vor.u32 $0x3, v35;
	v10 =	vor.u32 $0x7, v36;
	v9 =	vor.u32 $0x3, v37;
	v44 =	vld.idx.msk [tilespmem:v6+s25+$0x0], $0xffff  }
0x5db: {  	v11 =	vor.u32 $0x3, v7;
	v8 =	vor.u32 s3, v62;
	v7 =	vor.u32 s13, v61;
	v34 =	vld.idx.msk [tilespmem:v34+s25+$0x0], $0xffff  }
0x5dc: {  	v46 =	vor.u32 $0x5, v29;
	v6 =	vor.u32 s26, v62;
	v45 =	vld.idx.msk [tilespmem:v5+s25+$0x0], $0xffff;
	v5 =	vor.u32 s31, v61  }
0x5dd: {  	v4 =	vor.u32 s0, v62;
	v3 =	vor.u32 s11, v61;
	v35 =	vld.idx.msk [tilespmem:v35+s25+$0x0], $0xffff;
	v42 =	vmul.f32 v42, v41  }
0x5de: {  	v30 =	vnsel vm0, $0x0, v30;
	v2 =	vnsel vm0, $0x0, v2;
	v36 =	vld.idx.msk [tilespmem:v36+s25+$0x0], $0xffff;
	v41 =	vmul.f32 v43, v41  }
0x5df: {  	v31 =	vnsel vm0, $0x0, v31;
	v32 =	vnsel vm0, $0x0, v32;
	v38 =	vnsel vm0, $0x0, v38;
	v37 =	vld.idx.msk [tilespmem:v37+s25+$0x0], $0xffff;
	[tilespmem:s8+$0x1B0] =	vst v42  }
0x5e0: {  	v33 =	vnsel vm0, $0x0, v33;
	v39 =	vnsel vm0, $0x0, v39;
	v42 =	vld [tilespmem:s8+$0xFFFFFDC0];
	[tilespmem:s8+$0x1C0] =	vst v41  }
0x5e1: {  	v41 =	vld.idx.msk [tilespmem:v46+s25+$0x0], $0xffff;
	[tilespmem:s10+$0xFFFFFED0] =	vst v30  }
0x5e2: {  	v30 =	vld [tilespmem:s8+$0x1D0];
	[tilespmem:s10+$0xFFFFFF60] =	vst v2  }
0x5e3: {  	v2 =	vld [tilespmem:s8+$0x1E0];
	[tilespmem:s10+$0xFFFFFFF0] =	vst v31  }
0x5e4: {  	v31 =	vld [tilespmem:s8+$0xFFFFFDD0];
	[tilespmem:s10+$0x80] =	vst v32  }
0x5e5: {  	v32 =	vmul.f32 v42, v40;
	v42 =	vld [tilespmem:s8+$0xFFFFFE50];
	[tilespmem:s10+$0x110] =	vst v38  }
0x5e6: {  	v43 =	vor.u32 $0x6, v29;
	v38 =	vld [tilespmem:s8+$0xFFFFFE60];
	[tilespmem:s10+$0x1A0] =	vst v39  }
0x5e7: {  	[tilespmem:s8+$0xFFFFFDC0] =	vst v32;
	v32 =	vld [tilespmem:s8+$0xFFFFFEE0];
	v30 =	vmul.f32 v30, v41  }
0x5e8: {  	v39 =	vld [tilespmem:s8+$0xFFFFFEF0];
	v2 =	vmul.f32 v2, v41;
	[tilespmem:s10+$0xFFFFFE40] =	vst v33;
	s10 =	smov.u32 s8  }
0x5e9: {  	v31 =	vmul.f32 v31, v40;
	v33 =	vld [tilespmem:s8+$0xFFFFFF70];
	[tilespmem:s8+$0x1D0] =	vst v30  }
0x5ea: {  	v30 =	vmul.f32 v42, v44;
	v40 =	vld [tilespmem:s8+$0xFFFFFF80];
	[tilespmem:s8+$0x1E0] =	vst v2  }
0x5eb: {  	[tilespmem:s8+$0xFFFFFDD0] =	vst v31;
	v2 =	vmul.f32 v38, v44;
	v31 =	vld.idx.msk [tilespmem:v43+s25+$0x0], $0xffff  }
0x5ec: {  	[tilespmem:s8+$0xFFFFFE50] =	vst v30;
	v30 =	vmul.f32 v32, v34;
	v32 =	vld [tilespmem:s8+$0x1F0]  }
0x5ed: {  	[tilespmem:s8+$0xFFFFFE60] =	vst v2;
	v2 =	vmul.f32 v39, v34;
	v34 =	vld [tilespmem:s8+$0x200]  }
0x5ee: {  	[tilespmem:s8+$0xFFFFFEE0] =	vst v30;
	v30 =	vmul.f32 v33, v45;
	v33 =	vld [tilespmem:s8+$0x0]  }
0x5ef: {  	[tilespmem:s8+$0xFFFFFEF0] =	vst v2;
	v2 =	vmul.f32 v40, v45;
	v38 =	vld [tilespmem:s8+$0x10]  }
0x5f0: {  	v29 =	vor.u32 $0x7, v29;
	[tilespmem:s8+$0xFFFFFF70] =	vst v30;
	v30 =	vld [tilespmem:s8+$0x90]  }
0x5f1: {  	[tilespmem:s8+$0xFFFFFF80] =	vst v2;
	v2 =	vld [tilespmem:s8+$0xA0];
	v32 =	vmul.f32 v32, v31  }
0x5f2: {  	v39 =	vld [tilespmem:s8+$0x120];
	v31 =	vmul.f32 v34, v31  }
0x5f3: {  	v33 =	vmul.f32 v33, v35;
	v34 =	vld [tilespmem:s8+$0x130];
	[tilespmem:s8+$0x1F0] =	vst v32  }
0x5f4: {  	v0 =	vld.idx.msk [tilespmem:v0+s25+$0x0], $0xffff;
	v32 =	vmul.f32 v38, v35;
	[tilespmem:s8+$0x200] =	vst v31  }
0x5f5: {  	[tilespmem:s8+$0x0] =	vst v33;
	v30 =	vmul.f32 v30, v36;
	v29 =	vld.idx.msk [tilespmem:v29+s25+$0x0], $0xffff  }
0x5f6: {  	[tilespmem:s8+$0x10] =	vst v32;
	v2 =	vmul.f32 v2, v36;
	v31 =	vld [tilespmem:s8+$0x210]  }
0x5f7: {  	[tilespmem:s8+$0x90] =	vst v30;
	v30 =	vmul.f32 v39, v37;
	v32 =	vld [tilespmem:s8+$0x220]  }
0x5f8: {  	v27 =	vld.idx.msk [tilespmem:v27+s25+$0x0], $0xffff;
	[tilespmem:s8+$0xA0] =	vst v2;
	v2 =	vmul.f32 v34, v37  }
0x5f9: {  	v28 =	vld.idx.msk [tilespmem:v28+s25+$0x0], $0xffff;
	[tilespmem:s8+$0x120] =	vst v30  }
0x5fa: {  	v25 =	vld.idx.msk [tilespmem:v25+s25+$0x0], $0xffff;
	[tilespmem:s8+$0x130] =	vst v2;
	v2 =	vor.u32 s9, v62  }
0x5fb: {  	v24 =	vld.idx.msk [tilespmem:v24+s25+$0x0], $0xffff;
	v30 =	vmul.f32 v31, v29  }
0x5fc: {  	v26 =	vld.idx.msk [tilespmem:v26+s25+$0x0], $0xffff;
	v29 =	vmul.f32 v32, v29  }
0x5fd: {  	v23 =	vld.idx.msk [tilespmem:v23+s25+$0x0], $0xffff;
	[tilespmem:s8+$0x210] =	vst v30  }
0x5fe: {  	v30 =	vld [tilespmem:s8+$0xFFFFFDE0];
	[tilespmem:s8+$0x220] =	vst v29  }
0x5ff: {  	v2 =	vld.idx.msk [tilespmem:v2+s25+$0x0], $0xffff  }
0x600: {  	v29 =	vld [tilespmem:s8+$0xFFFFFDF0]  }
0x601: {  	v31 =	vld [tilespmem:s8+$0xFFFFFE70]  }
0x602: {  	v32 =	vld [tilespmem:s8+$0xFFFFFE80]  }
0x603: {  	v30 =	vmul.f32 v30, v23;
	v33 =	vld [tilespmem:s8+$0xFFFFFF00]  }
0x604: {  	v34 =	vld [tilespmem:s8+$0xFFFFFF10]  }
0x605: {  	v2 =	vnsel vm0, $0x0, v2;
	[tilespmem:s8+$0xFFFFFDE0] =	vst v30;
	v23 =	vmul.f32 v29, v23;
	v29 =	vld [tilespmem:s8+$0xFFFFFF90]  }
0x606: {  	v30 =	vmul.f32 v31, v0;
	v31 =	vld [tilespmem:s8+$0xFFFFFFA0];
	[tilespmem:s8+$0x230] =	vst v2  }
0x607: {  	[tilespmem:s8+$0xFFFFFDF0] =	vst v23;
	v0 =	vmul.f32 v32, v0;
	v2 =	vld [tilespmem:s8+$0x20]  }
0x608: {  	[tilespmem:s8+$0xFFFFFE70] =	vst v30;
	v23 =	vmul.f32 v33, v27;
	v30 =	vld [tilespmem:s8+$0x30]  }
0x609: {  	[tilespmem:s8+$0xFFFFFE80] =	vst v0;
	v0 =	vmul.f32 v34, v27;
	v27 =	vld [tilespmem:s8+$0xB0]  }
0x60a: {  	[tilespmem:s8+$0xFFFFFF00] =	vst v23;
	v23 =	vmul.f32 v29, v28;
	v29 =	vld [tilespmem:s8+$0xC0]  }
0x60b: {  	[tilespmem:s8+$0xFFFFFF10] =	vst v0;
	v0 =	vmul.f32 v31, v28;
	v28 =	vld [tilespmem:s8+$0x140]  }
0x60c: {  	[tilespmem:s8+$0xFFFFFF90] =	vst v23;
	v2 =	vmul.f32 v2, v25;
	v23 =	vld [tilespmem:s8+$0x150]  }
0x60d: {  	v21 =	vld.idx.msk [tilespmem:v21+s25+$0x0], $0xffff;
	[tilespmem:s8+$0xFFFFFFA0] =	vst v0;
	v0 =	vmul.f32 v30, v25  }
0x60e: {  	v22 =	vld.idx.msk [tilespmem:v22+s25+$0x0], $0xffff;
	[tilespmem:s8+$0x20] =	vst v2;
	v2 =	vmul.f32 v27, v24  }
0x60f: {  	v20 =	vld.idx.msk [tilespmem:v20+s25+$0x0], $0xffff;
	[tilespmem:s8+$0x30] =	vst v0;
	v0 =	vmul.f32 v29, v24  }
0x610: {  	v19 =	vld.idx.msk [tilespmem:v19+s25+$0x0], $0xffff;
	[tilespmem:s8+$0xB0] =	vst v2;
	v2 =	vmul.f32 v28, v26  }
0x611: {  	v18 =	vld.idx.msk [tilespmem:v18+s25+$0x0], $0xffff;
	[tilespmem:s8+$0xC0] =	vst v0;
	v0 =	vmul.f32 v23, v26  }
0x612: {  	v17 =	vld.idx.msk [tilespmem:v17+s25+$0x0], $0xffff;
	[tilespmem:s8+$0x140] =	vst v2  }
0x613: {  	v2 =	vld [tilespmem:s8+$0xFFFFFE00];
	[tilespmem:s8+$0x150] =	vst v0  }
0x614: {  	v0 =	vld.idx.msk [tilespmem:v16+s25+$0x0], $0xffff  }
0x615: {  	v16 =	vld [tilespmem:s8+$0xFFFFFE10]  }
0x616: {  	v23 =	vld [tilespmem:s8+$0xFFFFFE90]  }
0x617: {  	v24 =	vld [tilespmem:s8+$0xFFFFFEA0]  }
0x618: {  	v2 =	vmul.f32 v2, v18;
	v25 =	vld [tilespmem:s8+$0xFFFFFF20]  }
0x619: {  	v26 =	vld [tilespmem:s8+$0xFFFFFF30]  }
0x61a: {  	[tilespmem:s8+$0xFFFFFE00] =	vst v2;
	v2 =	vmul.f32 v16, v18;
	v16 =	vld [tilespmem:s8+$0xFFFFFFB0]  }
0x61b: {  	v18 =	vmul.f32 v23, v21;
	v23 =	vld [tilespmem:s8+$0xFFFFFFC0]  }
0x61c: {  	[tilespmem:s8+$0xFFFFFE10] =	vst v2;
	v2 =	vmul.f32 v24, v21;
	v21 =	vld [tilespmem:s8+$0x40]  }
0x61d: {  	[tilespmem:s8+$0xFFFFFE90] =	vst v18;
	v18 =	vmul.f32 v25, v22;
	v24 =	vld [tilespmem:s8+$0x50]  }
0x61e: {  	[tilespmem:s8+$0xFFFFFEA0] =	vst v2;
	v2 =	vmul.f32 v26, v22;
	v22 =	vld [tilespmem:s8+$0xD0]  }
0x61f: {  	[tilespmem:s8+$0xFFFFFF20] =	vst v18;
	v16 =	vmul.f32 v16, v20;
	v18 =	vld [tilespmem:s8+$0xE0]  }
0x620: {  	[tilespmem:s8+$0xFFFFFF30] =	vst v2;
	v2 =	vmul.f32 v23, v20;
	v20 =	vld [tilespmem:s8+$0x160]  }
0x621: {  	[tilespmem:s8+$0xFFFFFFB0] =	vst v16;
	v16 =	vmul.f32 v21, v19;
	v21 =	vld [tilespmem:s8+$0x170]  }
0x622: {  	v15 =	vld.idx.msk [tilespmem:v15+s25+$0x0], $0xffff;
	[tilespmem:s8+$0xFFFFFFC0] =	vst v2;
	v2 =	vmul.f32 v24, v19  }
0x623: {  	v14 =	vld.idx.msk [tilespmem:v14+s25+$0x0], $0xffff;
	[tilespmem:s8+$0x40] =	vst v16;
	v16 =	vmul.f32 v22, v17  }
0x624: {  	v12 =	vld.idx.msk [tilespmem:v12+s25+$0x0], $0xffff;
	[tilespmem:s8+$0x50] =	vst v2;
	v2 =	vmul.f32 v18, v17  }
0x625: {  	v13 =	vld.idx.msk [tilespmem:v13+s25+$0x0], $0xffff;
	[tilespmem:s8+$0xD0] =	vst v16;
	v16 =	vmul.f32 v20, v0  }
0x626: {  	v11 =	vld.idx.msk [tilespmem:v11+s25+$0x0], $0xffff;
	[tilespmem:s8+$0xE0] =	vst v2;
	v0 =	vmul.f32 v21, v0  }
0x627: {  	v10 =	vld.idx.msk [tilespmem:v10+s25+$0x0], $0xffff;
	[tilespmem:s8+$0x160] =	vst v16  }
0x628: {  	v2 =	vld [tilespmem:s8+$0xFFFFFE20];
	[tilespmem:s8+$0x170] =	vst v0  }
0x629: {  	v0 =	vld.idx.msk [tilespmem:v9+s25+$0x0], $0xffff  }
0x62a: {  	v9 =	vld [tilespmem:s8+$0xFFFFFE30]  }
0x62b: {  	v16 =	vld [tilespmem:s8+$0xFFFFFEB0]  }
0x62c: {  	v17 =	vld [tilespmem:s8+$0xFFFFFEC0]  }
0x62d: {  	v2 =	vmul.f32 v2, v11;
	v18 =	vld [tilespmem:s8+$0xFFFFFF40]  }
0x62e: {  	v19 =	vld [tilespmem:s8+$0xFFFFFF50]  }
0x62f: {  	[tilespmem:s8+$0xFFFFFE20] =	vst v2;
	v2 =	vmul.f32 v9, v11;
	v9 =	vld [tilespmem:s8+$0xFFFFFFD0]  }
0x630: {  	v11 =	vmul.f32 v16, v15;
	v16 =	vld [tilespmem:s8+$0xFFFFFFE0]  }
0x631: {  	[tilespmem:s8+$0xFFFFFE30] =	vst v2;
	v2 =	vmul.f32 v17, v15;
	v15 =	vld [tilespmem:s8+$0x60]  }
0x632: {  	[tilespmem:s8+$0xFFFFFEB0] =	vst v11;
	v11 =	vmul.f32 v18, v14;
	v17 =	vld [tilespmem:s8+$0x70]  }
0x633: {  	[tilespmem:s8+$0xFFFFFEC0] =	vst v2;
	v2 =	vmul.f32 v19, v14;
	v14 =	vld [tilespmem:s8+$0xF0]  }
0x634: {  	[tilespmem:s8+$0xFFFFFF40] =	vst v11;
	v9 =	vmul.f32 v9, v12;
	v11 =	vld [tilespmem:s8+$0x100]  }
0x635: {  	[tilespmem:s8+$0xFFFFFF50] =	vst v2;
	v2 =	vmul.f32 v16, v12;
	v12 =	vld [tilespmem:s8+$0x180]  }
.Ltmp16:
0x636: {  	[tilespmem:s8+$0xFFFFFFD0] =	vst v9;
	v15 =	vmul.f32 v15, v13;
	v9 =	vld [tilespmem:s8+$0x190];
	(pc) =	sbr.rel @p0 .LBB2_7-.Ltmp16, $4  }
0x637: {  	v30 =	vld.idx.msk [tilespmem:v8+s25+$0x0], $0xffff;
	[tilespmem:s8+$0xFFFFFFE0] =	vst v2;
	v8 =	vmul.f32 v17, v13  }
0x638: {  	v2 =	vld.idx.msk [tilespmem:v7+s25+$0x0], $0xffff;
	[tilespmem:s8+$0x60] =	vst v15;
	v7 =	vmul.f32 v14, v10  }
0x639: {  	v31 =	vld.idx.msk [tilespmem:v6+s25+$0x0], $0xffff;
	[tilespmem:s8+$0x70] =	vst v8;
	v6 =	vmul.f32 v11, v10  }
0x63a: {  	s1 =	sadd.s32 $0x20, s1;
	v32 =	vld.idx.msk [tilespmem:v5+s25+$0x0], $0xffff;
	[tilespmem:s8+$0xF0] =	vst v7;
	v5 =	vmul.f32 v12, v0  }
0x63b: {  	_ =	sdelay $0x1  }
0x63c: {  	[tilespmem:s8+$0x100] =	vst v6;
	v0 =	vmul.f32 v9, v0  }
0x63d: {  	[tilespmem:s8+$0x180] =	vst v5  }
0x63e: {  	[tilespmem:s8+$0x190] =	vst v0;
	v0 =	vld.idx.msk [tilespmem:v4+s25+$0x0], $0xffff  }
0x63f: {  	v45 =	vnsel vm0, $0x0, v30;
	v3 =	vld.idx.msk [tilespmem:v3+s25+$0x0], $0xffff  }
0x640: {  	v46 =	vld.idx.msk [tilespmem:v63+s25+$0x0], $0xffff;
	v2 =	vnsel vm0, $0x0, v2;
	[tilespmem:s10+$0xFFFFFED0] =	vst v45  }
0x641: {  	v63 =	vnsel vm0, $0x0, v31;
	[tilespmem:s10+$0xFFFFFF60] =	vst v2  }
0x642: {  	p0 =	sgt.u32 s20, $0x7A;
	v2 =	vnsel vm0, $0x0, v32;
	[tilespmem:s10+$0xFFFFFFF0] =	vst v63  }
.Ltmp17:
0x643: {  	[tilespmem:s10+$0x80] =	vst v2;
	v0 =	vnsel vm0, $0x0, v0;
	(pc) =	sbr.rel @p0 .LBB2_28-.Ltmp17, $4  }
0x644: {  	v2 =	vnsel vm0, $0x0, v3;
	[tilespmem:s10+$0x110] =	vst v0  }
0x645: {  	v0 =	vnsel vm0, $0x0, v46;
	[tilespmem:s10+$0x1A0] =	vst v2  }
0x646: {  	[tilespmem:s10+$0xFFFFFE40] =	vst v0  }
0x647: {  	[spmem:s2] =	stream.indirect.scatter.add.f32 [tilespmem:s28], [sflag:$0x4], $0x90, s30, s30, $0xb8;
	[tilespmem:$0x1FCA0] =	vst v63  }
0x648: {  	s1 =	sadd.s32 $0x2, s20  }
0x649: {  	s0 =	smul.u32 $0xAB, s1;
	_ =	sdelay $0x1  }
0x64a: {  	s0 =	sshrl.u32 s0, $0x9  }
0x64b: {  	s0 =	sand.u32 $0x7F, s0  }
0x64c: {  	s0 =	smul.u32 $0x3, s0;
	_ =	sdelay $0x1  }
0x64d: {  	s0 =	ssub.s32 s1, s0  }
0x64e: {  	s3 =	sand.u32 $0xFF, s0  }
0x64f: {  	p1 =	seq.s32 s3, $0x2  }
.Ltmp18:
0x650: {  	_ = 	snop;
	(pc) =	sbr.rel @p1 .LBB2_13-.Ltmp18, $2  }
0x651: {  	_ =	sdelay $0x2  }
0x652: {  	p0 =	seq.s32 s20, $0x0;
	s0 =	sshll.u32 s1, $0x5  }
0x653: {  	p1 =	seq.s32 s3, $0x1  }
.Ltmp19:
0x654: {  	_ = 	snop;
	(pc) =	sbr.rel @!p1 .LBB2_11-.Ltmp19, $1  }
0x655: {  	_ =	sdelay $0x3  }
0x656: {  	s1 =	simm.s32 @!p0 $0x8  }
0x657: {  	_ =	swait.ge @!p0 [sflag:s1], $0x2D00  }
0x658: {  	s0 =	sor.u32 s7, s0;
	[sflag:s1] =	ssyncset.done @!p0 $0x0  }
0x659: {  	s0 =	smul.u32 $0xA, s0;
	[sflag:s1] =	ssyncadd.s32 @!p0 $0xFFFFD300  }
0x65a: {  	s19 =	simm.s32 $0x4E200;
	s1 =	rddreg [dreg:$0x1]  }
0x65b: {  	s3 =	simm.s32 $0x32A0;
	s26 =	simm.s32 $0x5;
	s0 =	sadd.s32 s1, s0  }
0x65c: {  	[tilespmem:s3], [sflag:$0x5] =	stream.strided.gather [hbm4b:s0+s30], $0xA0, s19, s30, $0x38;
	[tilespmem:$0x1FCA0] =	vst v63  }
0x65d: {  	_ =	swait.ge [sflag:s26], $0xA0  }
.Ltmp20:
0x65e: {  	[sflag:s26] =	ssyncset.done $0x0;
	(pc) =	sbr.rel .LBB2_28-.Ltmp20, $4  }
0x65f: {  	[sflag:s26] =	ssyncadd.s32 $0xFFFFFF60  }
0x660: {  	[tilespmem:s12], [sflag:$0x6] =	stream.indirect.gather [hbm4b:s5+s30], $0x90, s3, s30, $0xb8;
	[tilespmem:$0x1FCA0] =	vst v63  }
0x661: {  	s31 =	simm.s32 $0x32F0  }
0x662: {  	[tilespmem:s14], [sflag:$0x7] =	stream.indirect.gather [hbm4b:s6+s30], $0x10, s31, s30, $0xb8;
	[tilespmem:$0x1FCA0] =	vst v63  }
.LBB2_27:
0x663: {  	p0 =	seq.s32 s20, $0x0  }
0x664: {  	s0 =	sshll.u32 s1, $0x5;
	s1 =	simm.s32 @!p0 $0xC  }
0x665: {  	_ =	swait.ge @!p0 [sflag:s1], $0x2D00  }
0x666: {  	s0 =	sor.u32 s7, s0;
	[sflag:s1] =	ssyncset.done @!p0 $0x0  }
0x667: {  	s0 =	smul.u32 $0xA, s0;
	[sflag:s1] =	ssyncadd.s32 @!p0 $0xFFFFD300  }
0x668: {  	s19 =	simm.s32 $0x4E200;
	s1 =	rddreg [dreg:$0x1]  }
0x669: {  	s3 =	simm.s32 $0x6540;
	s26 =	simm.s32 $0x9;
	s0 =	sadd.s32 s1, s0  }
0x66a: {  	[tilespmem:s3], [sflag:$0x9] =	stream.strided.gather [hbm4b:s0+s30], $0xA0, s19, s30, $0x38;
	[tilespmem:$0x1FCA0] =	vst v63  }
0x66b: {  	_ =	swait.ge [sflag:s26], $0xA0  }
.Ltmp21:
0x66c: {  	[sflag:s26] =	ssyncset.done $0x0;
	(pc) =	sbr.rel .LBB2_28-.Ltmp21, $4  }
0x66d: {  	[sflag:s26] =	ssyncadd.s32 $0xFFFFFF60  }
0x66e: {  	[tilespmem:s17], [sflag:$0xA] =	stream.indirect.gather [hbm4b:s5+s30], $0x90, s3, s30, $0xb8;
	[tilespmem:$0x1FCA0] =	vst v63  }
0x66f: {  	s31 =	simm.s32 $0x6590  }
0x670: {  	[tilespmem:s24], [sflag:$0xB] =	stream.indirect.gather [hbm4b:s6+s30], $0x10, s31, s30, $0xb8;
	[tilespmem:$0x1FCA0] =	vst v63  }
.LBB2_25:
0x671: {  	p0 =	seq.s32 s20, $0x0  }
0x672: {  	s0 =	sshll.u32 s1, $0x5;
	s1 =	simm.s32 @!p0 $0x4  }
0x673: {  	_ =	swait.ge @!p0 [sflag:s1], $0x2D00  }
0x674: {  	s0 =	sor.u32 s7, s0;
	[sflag:s1] =	ssyncset.done @!p0 $0x0  }
0x675: {  	s0 =	smul.u32 $0xA, s0;
	[sflag:s1] =	ssyncadd.s32 @!p0 $0xFFFFD300  }
0x676: {  	s26 =	simm.s32 $0x0;
	s1 =	rddreg [dreg:$0x1]  }
0x677: {  	s3 =	simm.s32 $0x4E200;
	s31 =	simm.s32 $0x1;
	s0 =	sadd.s32 s1, s0  }
0x678: {  	[tilespmem:s26], [sflag:$0x1] =	stream.strided.gather [hbm4b:s0+s30], $0xA0, s3, s30, $0x38;
	[tilespmem:$0x1FCA0] =	vst v63  }
0x679: {  	_ =	swait.ge [sflag:s31], $0xA0  }
.Ltmp22:
0x67a: {  	[sflag:s31] =	ssyncset.done $0x0;
	(pc) =	sbr.rel .LBB2_28-.Ltmp22, $4  }
0x67b: {  	[sflag:s31] =	ssyncadd.s32 $0xFFFFFF60  }
0x67c: {  	[tilespmem:s28], [sflag:$0x2] =	stream.indirect.gather [hbm4b:s5+s30], $0x90, s26, s30, $0xb8;
	[tilespmem:$0x1FCA0] =	vst v63  }
0x67d: {  	_ = 	snop  }
0x67e: {  	[tilespmem:s4], [sflag:$0x3] =	stream.indirect.gather [hbm4b:s6+s30], $0x10, s30, s30, $0xb8;
	[tilespmem:$0x1FCA0] =	vst v63  }
.LBB2_13:
0x67f: {  	s1 =	simm.s32 @!p0 $0xC  }
0x680: {  	_ =	swait.ge @!p0 [sflag:s1], $0x2D00  }
0x681: {  	s0 =	sor.u32 s7, s0;
	[sflag:s1] =	ssyncset.done @!p0 $0x0  }
0x682: {  	s0 =	smul.u32 $0xA, s0;
	[sflag:s1] =	ssyncadd.s32 @!p0 $0xFFFFD300  }
0x683: {  	s19 =	simm.s32 $0x4E200;
	s1 =	rddreg [dreg:$0x1]  }
0x684: {  	s3 =	simm.s32 $0x6540;
	s26 =	simm.s32 $0x9;
	s0 =	sadd.s32 s1, s0  }
0x685: {  	[tilespmem:s3], [sflag:$0x9] =	stream.strided.gather [hbm4b:s0+s30], $0xA0, s19, s30, $0x38;
	[tilespmem:$0x1FCA0] =	vst v63  }
0x686: {  	_ =	swait.ge [sflag:s26], $0xA0  }
.Ltmp23:
0x687: {  	[sflag:s26] =	ssyncset.done $0x0;
	(pc) =	sbr.rel .LBB2_28-.Ltmp23, $4  }
0x688: {  	[sflag:s26] =	ssyncadd.s32 $0xFFFFFF60  }
0x689: {  	[tilespmem:s17], [sflag:$0xA] =	stream.indirect.gather [hbm4b:s5+s30], $0x90, s3, s30, $0xb8;
	[tilespmem:$0x1FCA0] =	vst v63  }
0x68a: {  	s31 =	simm.s32 $0x6590  }
0x68b: {  	[tilespmem:s24], [sflag:$0xB] =	stream.indirect.gather [hbm4b:s6+s30], $0x10, s31, s30, $0xb8;
	[tilespmem:$0x1FCA0] =	vst v63  }
.LBB2_11:
0x68c: {  	s1 =	simm.s32 @!p0 $0x4  }
0x68d: {  	_ =	swait.ge @!p0 [sflag:s1], $0x2D00  }
0x68e: {  	s0 =	sor.u32 s7, s0;
	[sflag:s1] =	ssyncset.done @!p0 $0x0  }
0x68f: {  	s0 =	smul.u32 $0xA, s0;
	[sflag:s1] =	ssyncadd.s32 @!p0 $0xFFFFD300  }
0x690: {  	s26 =	simm.s32 $0x0;
	s1 =	rddreg [dreg:$0x1]  }
0x691: {  	s3 =	simm.s32 $0x4E200;
	s31 =	simm.s32 $0x1;
	s0 =	sadd.s32 s1, s0  }
0x692: {  	[tilespmem:s26], [sflag:$0x1] =	stream.strided.gather [hbm4b:s0+s30], $0xA0, s3, s30, $0x38;
	[tilespmem:$0x1FCA0] =	vst v63  }
0x693: {  	_ =	swait.ge [sflag:s31], $0xA0  }
.Ltmp24:
0x694: {  	[sflag:s31] =	ssyncset.done $0x0;
	(pc) =	sbr.rel .LBB2_28-.Ltmp24, $4  }
0x695: {  	[sflag:s31] =	ssyncadd.s32 $0xFFFFFF60  }
0x696: {  	[tilespmem:s28], [sflag:$0x2] =	stream.indirect.gather [hbm4b:s5+s30], $0x90, s26, s30, $0xb8;
	[tilespmem:$0x1FCA0] =	vst v63  }
0x697: {  	_ = 	snop  }
0x698: {  	[tilespmem:s4], [sflag:$0x3] =	stream.indirect.gather [hbm4b:s6+s30], $0x10, s30, s30, $0xb8;
	[tilespmem:$0x1FCA0] =	vst v63  }
.LBB2_30:
0x699: {  	_ =	sfence.sel $0x180000  }
0x69a: {  	[bflag:$0x0] =	sbarrier.arrive $0xFFFF  }
0x69b: {  	_ =	strace $0x90000047  }
0x69c: {  	s0 =	stileid.u32;
	[bflag:$0x2] =	sbarrier.arrive $0xFFFF  }
0x69d: {  	p0 =	sne.s32 s0, $0x0;
	s0 =	rddreg [dreg:$0x3]  }
0x69e: {  	s0 =	sadd.s32 @!p0 $0x100000, s0  }
0x69f: {  	[sflag:s0] =	ssyncadd.tile.s32 @!p0 $0x1;
	_ =	shalt  }
.Lfunc_end2:
_tile_overlayer_lowered:
.L_overlay_start_2:
0x6a0: {  	(tag) =	ssettag $0x2  }
0x6a1: {  	s0 =	rddreg [dreg:$0x0];
	s2 =	stileid.u32  }
0x6a2: {  	s1 =	rddreg [dreg:$0x1];
	p0 =	sne.s32 s2, $0x0  }
0x6a3: {  	s3 =	rddreg [dreg:$0x2];
	[bflag:$0x3] =	sbarrier.arrive $0xFFFF;
	s2 =	simm.s32 @!p0 $0x1C0D  }
0x6a4: {  	[timem:s3], [sflag:s2] =	dma.local @!p0 [hbm:s0], s1  }
0x6a5: {  	s0 =	simm.s32 @!p0 $0xD  }
0x6a6: {  	_ =	swait.ge @!p0 [sflag:s0], s1  }
0x6a7: {  	s1 =	ssub.s32 @!p0 $0x0, s1;
	[sflag:s0] =	ssyncset.done @!p0 $0x0  }
0x6a8: {  	[sflag:s0] =	ssyncadd.s32 @!p0 s1  }
0x6a9: {  	[bflag:$0x3] =	sbarrier.arrive $0xFFFF  }
0x6aa: {  	_ =	shalt  }

</sc_bundles>
